<compile_context>
chip_gen: v7x
topology: tpu7x:2x2x1
jax: 0.10.2.dev20260603
libtpu: 0.0.44.dev20260713+nightly
codegen_flags: <defaults>
</compile_context>

<pallas_src>
import functools
import math

import jax
import jax.numpy as jnp
from jax import lax
from jax.experimental import pallas as pl
from jax.experimental.pallas import tpu as pltpu
from jax.experimental.pallas import tpu_sc as plsc

_NC = 2
_NS = 16
_NW = _NC * _NS
_L = 16

_INT_MAX = jnp.iinfo(jnp.int32).max
_LN2 = 0.6931471805599453


def _bisect(keys_ref, q, num_keys, steps):
    lo = jnp.zeros((_L,), jnp.int32)
    hi = jnp.full((_L,), num_keys, jnp.int32)
    for _ in range(steps):
        mid = lax.shift_right_arithmetic(lo + hi, 1)
        kv = plsc.load_gather(keys_ref, [mid])
        pred = kv < q
        lo = jnp.where(pred, mid + 1, lo)
        hi = jnp.where(pred, hi, mid)
    idxc = jnp.minimum(lo, num_keys - 1)
    kv = plsc.load_gather(keys_ref, [idxc])
    return idxc, kv == q


def _vlog(x):
    bits = plsc.bitcast(x, jnp.int32)
    e = (lax.shift_right_logical(bits, 23) & 0xFF) - 127
    m = plsc.bitcast((bits & 0x7FFFFF) | 0x3F800000, jnp.float32)
    big = m > (4.0 / 3.0)
    m = jnp.where(big, m * 0.5, m)
    e = jnp.where(big, e + 1, e)
    r = m - 1.0
    s = jnp.float32(-1.0 / 14.0)
    for kk in range(13, 0, -1):
        c = jnp.float32((1.0 if kk % 2 else -1.0) / kk)
        s = s * r + c
    s = s * r
    return e.astype(jnp.float32) * jnp.float32(_LN2) + s


_GC = 16


def _make_sc_stage(n, seq_len, vocab, c1, c2):
    chunk = n // _NW
    steps1 = max(1, math.ceil(math.log2(c1 + 1)))
    steps2 = max(1, math.ceil(math.log2(c2 + 1)))
    nt = (vocab + 127) // 128
    vp128 = nt * 128
    ntm = vocab // 128
    nvec = vp128 // _L
    nch = chunk // _GC
    mesh = plsc.VectorSubcoreMesh(
        core_axis_name="c", subcore_axis_name="s",
        num_cores=_NC, num_subcores=_NS)

    @functools.partial(
        pl.kernel,
        out_type=jax.ShapeDtypeStruct((n * nt, 128), jnp.float32),
        mesh=mesh,
        compiler_params=pltpu.CompilerParams(needs_layout_passes=False),
        scratch_types=[
            pltpu.VMEM((chunk + 8,), jnp.int32),
            pltpu.VMEM((c1 + _L,), jnp.int32),
            pltpu.VMEM((c2 + _L,), jnp.int32),
            pltpu.VMEM((chunk,), jnp.int32),
            pltpu.VMEM((chunk,), jnp.int32),
            pltpu.VMEM((chunk * nt,), jnp.int32),
            pltpu.VMEM((_GC * nt, 128), jnp.float32),
            pltpu.VMEM((_GC * nt, 128), jnp.float32),
            pltpu.VMEM((_GC * nt, 128), jnp.float32),
            pltpu.VMEM((vp128,), jnp.float32),
            pltpu.VMEM((nt * 8, 128), jnp.float32),
            pltpu.VMEM((nt * 8, 128), jnp.float32),
            pltpu.VMEM((nt, 128), jnp.float32),
            pltpu.VMEM((_L,), jnp.float32),
            pltpu.SemaphoreType.DMA,
            pltpu.SemaphoreType.DMA,
            pltpu.SemaphoreType.DMA,
            pltpu.SemaphoreType.DMA,
            pltpu.SemaphoreType.DMA,
            pltpu.SemaphoreType.DMA,
            pltpu.SemaphoreType.DMA,
        ],
    )
    def sc_stage(batch_hbm, k1_hbm, k2_hbm, t8_hbm, p0_hbm, p1_hbm, p2_hbm,
                 p1t_hbm, p2t_hbm, al_hbm, out_hbm,
                 qbuf, k1v, k2v, selv, encv, idxall, gbufa, gbufb, gbufc,
                 p0v, tb1, tb2, rowo, alv, gs0, gs1, gs2, ws0, ws1, ws2,
                 fsem):
        wid = lax.axis_index("s") * _NC + lax.axis_index("c")
        base = wid * chunk
        pltpu.sync_copy(k1_hbm, k1v.at[pl.ds(0, c1)])
        pltpu.sync_copy(k2_hbm, k2v.at[pl.ds(0, c2)])
        k1v[pl.ds(c1, _L)] = jnp.full((_L,), _INT_MAX, jnp.int32)
        k2v[pl.ds(c2, _L)] = jnp.full((_L,), _INT_MAX, jnp.int32)
        pltpu.sync_copy(al_hbm, alv)
        pltpu.sync_copy(p0_hbm, p0v.at[pl.ds(0, vocab)])
        pltpu.sync_copy(batch_hbm.at[pl.ds(base, chunk)],
                        qbuf.at[pl.ds(8, chunk)])
        @pl.when(wid > 0)
        def _():
            pltpu.sync_copy(batch_hbm.at[pl.ds(base - 8, 8)],
                            qbuf.at[pl.ds(0, 8)])

        iota = lax.iota(jnp.int32, _L)
        c1vec = jnp.full((_L,), c1, jnp.int32)

        def lookup_step(t, carry):
            off = t * _L
            j = lax.rem(base + off, seq_len) + iota
            idxs = off + 8 + iota
            q1 = plsc.load_gather(qbuf, [idxs - 1])
            t2 = plsc.load_gather(qbuf, [idxs - 2])
            i1, hit1 = _bisect(k1v, q1, c1, steps1)
            q2 = t2 * vocab + q1
            i2, hit2 = _bisect(k2v, q2, c2, steps2)
            f1 = hit1 & (j >= 1)
            f2 = hit2 & (j >= 2)
            selv[pl.ds(off, _L)] = jnp.where(f1 & ~f2, i1, c1vec)
            i1p = jnp.where(f1, i1 + 1, 0)
            enc = (lax.shift_left(i2, 12) | lax.shift_left(i1p, 1)
                   | jnp.where(f2, 1, 0))
            encv[pl.ds(off, _L)] = jnp.where(f2, enc, 0)
            lane_sub = iota & (nt - 1)
            lane_pos = lax.shift_right_logical(iota, 3)
            for g in range(nt):
                sv = plsc.load_gather(selv, [off + g * 2 + lane_pos])
                idxall[pl.ds(off * nt + g * _L, _L)] = sv * nt + lane_sub
            return carry

        lax.fori_loop(0, chunk // _L, lookup_step, 0)

        bufs = (gbufa, gbufb, gbufc)
        gsems = (gs0, gs1, gs2)
        wsems = (ws0, ws1, ws2)
        rows_per = _GC * nt
        nb = 3

        def start_gather(c):
            b = c % nb
            return pltpu.async_copy(
                t8_hbm.at[idxall.at[pl.ds(c * rows_per, rows_per)]],
                bufs[b], gsems[b])

        def start_write(c):
            b = c % nb
            return pltpu.async_copy(
                bufs[b],
                out_hbm.at[pl.ds(pl.multiple_of((base + c * _GC) * nt, 8),
                                 rows_per)],
                wsems[b])

        gh = [None] * nch
        wh = [None] * nch
        gh[0] = start_gather(0)
        gh[1] = start_gather(1)
        for c in range(nch):
            gh[c].wait()
            if c + 2 < nch:
                if c - 1 >= 0:
                    wh[c - 1].wait()
                gh[c + 2] = start_gather(c + 2)
            wh[c] = start_write(c)
        for c in range(max(0, nch - 3), nch):
            if wh[c] is not None and c >= nch - 3:
                pass
        wh[nch - 3].wait() if nch >= 3 else None
        wh[nch - 2].wait() if nch >= 2 else None
        wh[nch - 1].wait()

        av = alv[...]
        fzero = jnp.float32(0.0)
        a0 = jnp.max(jnp.where(iota == 0, av, fzero))
        a1 = jnp.max(jnp.where(iota == 1, av, fzero))
        a2 = jnp.max(jnp.where(iota == 2, av, fzero))
        uni = jnp.float32(1.0 / vocab)
        izero = jnp.zeros((_L,), jnp.int32)

        def fetch_band(src, tail_src, band, dst):
            band = pl.multiple_of(band, 8)
            hs = []
            for ct in range(ntm):
                hs.append(pltpu.async_copy(
                    src.at[pl.ds(band, 8), pl.ds(ct * 128, 128)],
                    dst.at[pl.ds(ct * 8, 8)], fsem))
            if ntm < nt:
                hs.append(pltpu.async_copy(
                    tail_src.at[pl.ds(band, 8)],
                    dst.at[pl.ds(ntm * 8, 8)], fsem))
            return hs

        def fix_group(g, carry):
            encg = encv[pl.ds(g * _L, _L)]

            @pl.when(jnp.max(encg) != 0)
            def _():
                def fix_lane(lane, carry2):
                    enc = jnp.max(jnp.where(iota == lane, encg, izero))

                    @pl.when(enc != 0)
                    def _():
                        i1p = lax.shift_right_logical(enc, 1) & 0x7FF
                        i2 = lax.shift_right_logical(enc, 12)
                        i1idx = jnp.maximum(i1p - 1, 0)
                        sub1 = lax.rem(i1idx, 8)
                        sub2 = lax.rem(i2, 8)
                        hs = fetch_band(p1_hbm, p1t_hbm, i1idx - sub1, tb1)
                        hs += fetch_band(p2_hbm, p2t_hbm, i2 - sub2, tb2)
                        for h in hs:
                            h.wait()
                        c1c = jnp.where(i1p > 0, a1, fzero)
                        missc = (a1 - c1c) * uni

                        def vec_step(v, carry3):
                            ct = lax.shift_right_logical(v, 3)
                            part = pl.ds((v & 7) * _L, _L)
                            r1 = tb1[ct * 8 + sub1, part]
                            r2 = tb2[ct * 8 + sub2, part]
                            x = (a0 * p0v[pl.ds(v * _L, _L)] + missc
                                 + c1c * r1 + a2 * r2)
                            rowo[ct, part] = _vlog(x)
                            return carry3

                        lax.fori_loop(0, nvec, vec_step, 0)
                        orow = pl.multiple_of(
                            (base + g * _L + lane) * nt, 8)
                        pltpu.sync_copy(rowo,
                                        out_hbm.at[pl.ds(orow, nt)])

                    return carry2

                lax.fori_loop(0, _L, fix_lane, 0)

            return carry

        lax.fori_loop(0, chunk // _L, fix_group, 0)

    return sc_stage


def _tail_body(in_ref, out_ref):
    out_ref[...] = in_ref[...]


def _make_tail_copy(rows, vocab):
    cb = vocab // 128
    br = 2000 if rows % 2000 == 0 else (rows if rows <= 4096 else 8)
    grid_spec = pl.GridSpec(
        grid=(rows // br,),
        in_specs=[pl.BlockSpec((br, 128), lambda i: (i, cb))],
        out_specs=pl.BlockSpec((br, 128), lambda i: (i, 0)),
    )
    return pl.pallas_call(
        _tail_body,
        grid_spec=grid_spec,
        out_shape=jax.ShapeDtypeStruct((rows, 128), jnp.float32),
        compiler_params=pltpu.CompilerParams(
            dimension_semantics=("arbitrary",)),
    )


_TR = 8


def _table_body(p0_ref, al_ref, rows_ref, out_ref, *, nsteps, uni):
    i = pl.program_id(0)
    a0 = al_ref[0]
    a1 = al_ref[1]
    a2 = al_ref[2]
    vp = p0_ref.shape[1]
    base = a0 * p0_ref[0, :] + a2 * uni

    @pl.when(i < nsteps - 1)
    def _():
        vals = jnp.log(base[None, :] + a1 * rows_ref[...])
        out_ref[...] = vals.reshape(_TR, vp // 128, 128).reshape(-1, 128)

    @pl.when(i == nsteps - 1)
    def _():
        row = jnp.log(base + a1 * uni)
        vals = jnp.broadcast_to(row[None, :], (_TR, vp))
        out_ref[...] = vals.reshape(_TR, vp // 128, 128).reshape(-1, 128)


def _make_tc_table(vp, c1, true_vocab):
    nt = vp // 128
    nblk = c1 // _TR
    nsteps = nblk + 1
    grid_spec = pl.GridSpec(
        grid=(nsteps,),
        in_specs=[
            pl.BlockSpec((1, vp), lambda i: (0, 0)),
            pl.BlockSpec(memory_space=pltpu.SMEM),
            pl.BlockSpec((_TR, vp), lambda i: (jnp.minimum(i, nblk - 1), 0)),
        ],
        out_specs=pl.BlockSpec((_TR * nt, 128), lambda i: (i, 0)),
    )
    return pl.pallas_call(
        functools.partial(_table_body, nsteps=nsteps, uni=1.0 / true_vocab),
        grid_spec=grid_spec,
        out_shape=jax.ShapeDtypeStruct(((c1 + _TR) * nt, 128), jnp.float32),
        compiler_params=pltpu.CompilerParams(
            dimension_semantics=("arbitrary",)),
    )


def kernel(batch, alphas, p0, ctx1_keys, ctx1_probs, ctx2_keys, ctx2_probs):
    b, s = batch.shape
    vocab = p0.shape[0]
    c1 = ctx1_keys.shape[0]
    c2 = ctx2_keys.shape[0]
    n = b * s
    flat = batch.reshape(n).astype(jnp.int32)
    al16 = jnp.concatenate([alphas, jnp.zeros((13,), jnp.float32)])

    nt = (vocab + 127) // 128
    vp128 = nt * 128
    padc = vp128 - vocab
    p0p = jnp.pad(p0.reshape(1, vocab), ((0, 0), (0, padc)),
                  constant_values=1.0)
    ctx1p = jnp.pad(ctx1_probs, ((0, 0), (0, padc)), constant_values=1.0)
    table8 = _make_tc_table(vp128, c1, vocab)(p0p, alphas, ctx1p)

    if vocab % 128:
        p1t = _make_tail_copy(c1, vocab)(ctx1_probs)
        p2t = _make_tail_copy(c2, vocab)(ctx2_probs)
    else:
        p1t = jnp.zeros((c1, 128), jnp.float32)
        p2t = jnp.zeros((c2, 128), jnp.float32)

    sc_stage = _make_sc_stage(n, s, vocab, c1, c2)
    out8 = sc_stage(flat, ctx1_keys, ctx2_keys, table8, p0,
                    ctx1_probs, ctx2_probs, p1t, p2t, al16)
    return out8.reshape(n, vp128)[:, :vocab].reshape(b, s, vocab)

# --- scband reference (transcript-rebuilt; emitter-appended) ---
"""Pipeline reference for scband-trigram-27049704030320 (READ-ONLY COPY).

The authoritative reference and input builder live on the scoring server;
editing this copy changes nothing except your own understanding.
"""

import jax, jax.numpy as jnp
import numpy as np

V = 1000
B, S = 64, 256
C1 = 800
C2 = 20000


def setup_inputs(seed: int = 0) -> dict:
    key = jax.random.key(seed)
    k1, k2, k3, k4 = jax.random.split(key, 4)
    batch = jax.random.randint(k1, (B, S), 0, V)
    rng = np.random.default_rng(0)
    ctx1_keys = jnp.asarray(np.sort(rng.choice(V, size=C1, replace=False)).astype(np.int32))
    ctx2_keys = jnp.asarray(np.sort(rng.choice(V * V, size=C2, replace=False)).astype(np.int32))
    p0 = jax.random.uniform(k2, (V,), dtype=jnp.float32) + 0.01
    p0 = p0 / jnp.sum(p0)
    ctx1_probs = jax.random.uniform(k3, (C1, V), dtype=jnp.float32) + 0.01
    ctx1_probs = ctx1_probs / jnp.sum(ctx1_probs, axis=1, keepdims=True)
    ctx2_probs = jax.random.uniform(k4, (C2, V), dtype=jnp.float32) + 0.01
    ctx2_probs = ctx2_probs / jnp.sum(ctx2_probs, axis=1, keepdims=True)
    alphas = jnp.array([0.1, 0.3, 0.6], dtype=jnp.float32)
    return {"batch": batch, "alphas": alphas, "p0": p0,
            "ctx1_keys": ctx1_keys, "ctx1_probs": ctx1_probs,
            "ctx2_keys": ctx2_keys, "ctx2_probs": ctx2_probs}


def _lookup(keys, probs, queries, valid):
    # dict lookup -> searchsorted on sorted context keys; miss -> uniform 1/V
    idx = jnp.searchsorted(keys, queries)
    idxc = jnp.clip(idx, 0, keys.shape[0] - 1)
    found = (keys[idxc] == queries) & valid
    gathered = jnp.take(probs, idxc, axis=0)  # [B, S, V]
    uniform = jnp.float32(1.0 / probs.shape[1])
    return jnp.where(found[..., None], gathered, uniform)


def reference(batch, alphas, p0, ctx1_keys, ctx1_probs, ctx2_keys, ctx2_probs):
    Bv, Sv = batch.shape
    Vv = p0.shape[0]
    j = jnp.arange(Sv)
    # n=0: key=() always present in trained cnts[0] -> unigram dist p0
    term0 = alphas[0] * p0[None, None, :]
    # n=1: key = (batch[i, j-1],) for j>=1, else () which misses -> uniform
    prev1 = jnp.roll(batch, 1, axis=1)
    valid1 = (j >= 1)[None, :]
    p1 = _lookup(ctx1_keys, ctx1_probs, prev1, valid1)
    # n=2: key = (batch[i, j-2], batch[i, j-1]) for j>=2, else shorter tuple misses -> uniform
    prev2 = jnp.roll(batch, 2, axis=1)
    q2 = prev2 * Vv + prev1
    valid2 = (j >= 2)[None, :]
    p2 = _lookup(ctx2_keys, ctx2_probs, q2, valid2)
    ret = term0 + alphas[1] * p1 + alphas[2] * p2
    return jnp.log(ret)

if __name__ == "__main__":
    import jax
    _d = setup_inputs()
    print(jax.jit(kernel)(*tuple(_d.values())))

</pallas_src>

<mosaic_0001>
#map = affine_map<(d0, d1) -> (0)>
#map1 = affine_map<(d0, d1) -> (0, 0)>
module attributes {stable_mosaic.version = 14 : i64} {
  func.func @sc_stage(%arg0: i32, %arg1: i32, %arg2: memref<16384xi32, #tpu.memory_space<hbm>>, %arg3: memref<800xi32, #tpu.memory_space<hbm>>, %arg4: memref<20000xi32, #tpu.memory_space<hbm>>, %arg5: memref<6464x128xf32, #tpu.memory_space<hbm>>, %arg6: memref<1000xf32, #tpu.memory_space<hbm>>, %arg7: memref<800x1000xf32, #tpu.memory_space<hbm>>, %arg8: memref<20000x1000xf32, #tpu.memory_space<hbm>>, %arg9: memref<800x128xf32, #tpu.memory_space<hbm>>, %arg10: memref<20000x128xf32, #tpu.memory_space<hbm>>, %arg11: memref<16xf32, #tpu.memory_space<hbm>>, %arg12: memref<131072x128xf32, #tpu.memory_space<hbm>>, %arg13: memref<520xi32, #tpu.memory_space<vmem>>, %arg14: memref<816xi32, #tpu.memory_space<vmem>>, %arg15: memref<20016xi32, #tpu.memory_space<vmem>>, %arg16: memref<512xi32, #tpu.memory_space<vmem>>, %arg17: memref<512xi32, #tpu.memory_space<vmem>>, %arg18: memref<4096xi32, #tpu.memory_space<vmem>>, %arg19: memref<128x128xf32, #tpu.memory_space<vmem>>, %arg20: memref<128x128xf32, #tpu.memory_space<vmem>>, %arg21: memref<128x128xf32, #tpu.memory_space<vmem>>, %arg22: memref<1024xf32, #tpu.memory_space<vmem>>, %arg23: memref<64x128xf32, #tpu.memory_space<vmem>>, %arg24: memref<64x128xf32, #tpu.memory_space<vmem>>, %arg25: memref<8x128xf32, #tpu.memory_space<vmem>>, %arg26: memref<16xf32, #tpu.memory_space<vmem>>, %arg27: memref<!tpu.dma_semaphore, #tpu.memory_space<semaphore_mem>>, %arg28: memref<!tpu.dma_semaphore, #tpu.memory_space<semaphore_mem>>, %arg29: memref<!tpu.dma_semaphore, #tpu.memory_space<semaphore_mem>>, %arg30: memref<!tpu.dma_semaphore, #tpu.memory_space<semaphore_mem>>, %arg31: memref<!tpu.dma_semaphore, #tpu.memory_space<semaphore_mem>>, %arg32: memref<!tpu.dma_semaphore, #tpu.memory_space<semaphore_mem>>, %arg33: memref<!tpu.dma_semaphore, #tpu.memory_space<semaphore_mem>>) attributes {dimension_semantics = [#tpu.dimension_semantics<core_parallel>, #tpu.dimension_semantics<subcore_parallel>], iteration_bounds = array<i64: 2, 16>, scalar_prefetch = 0 : i64, scratch_operands = 21 : i64, tpu.core_type = #tpu.core_type<sc_vector_subcore>, window_params = [{transform_indices = #map}, {transform_indices = #map}, {transform_indices = #map}, {transform_indices = #map1}, {transform_indices = #map}, {transform_indices = #map1}, {transform_indices = #map1}, {transform_indices = #map1}, {transform_indices = #map1}, {transform_indices = #map}, {transform_indices = #map1}]} {
    %mul3A = arith.constant 2 : i32
    %mul3A_0 = arith.muli %arg1, %mul3A : i32
    %add3A = arith.addi %mul3A_0, %arg0 : i32
    %mul3A_1 = arith.constant 512 : i32
    %mul3A_2 = arith.muli %add3A, %mul3A_1 : i32
    "tpu.region"() ({
      %run_scoped3A = tpu.sem_alloc : memref<!tpu.dma_semaphore, #tpu.memory_space<semaphore_mem>>
      %dma_start3A_788 = arith.constant 0 : i32
      %dma_start3A_789 = tpu.memref_slice %arg14[%dma_start3A_788] : memref<816xi32, #tpu.memory_space<vmem>> -> memref<800xi32, #tpu.memory_space<vmem>>
      %dma_start3A_790 = arith.constant 0 : i32
      %dma_start3A_791 = tpu.memref_slice %arg14[%dma_start3A_790] : memref<816xi32, #tpu.memory_space<vmem>> -> memref<800xi32, #tpu.memory_space<vmem>>
      tpu.enqueue_dma source(%arg3 : memref<800xi32, #tpu.memory_space<hbm>>) target(%dma_start3A_791 : memref<800xi32, #tpu.memory_space<vmem>>) target_semaphore(%run_scoped3A : memref<!tpu.dma_semaphore, #tpu.memory_space<semaphore_mem>>)
      %dma_wait3A_792 = arith.constant 0 : i32
      %dma_wait3A_793 = tpu.memref_slice %arg14[%dma_wait3A_792] : memref<816xi32, #tpu.memory_space<vmem>> -> memref<800xi32, #tpu.memory_space<vmem>>
      %dma_wait3A_794 = arith.constant 0 : i32
      %dma_wait3A_795 = tpu.memref_slice %arg14[%dma_wait3A_794] : memref<816xi32, #tpu.memory_space<vmem>> -> memref<800xi32, #tpu.memory_space<vmem>>
      tpu.wait_dma2 semaphore(%run_scoped3A : memref<!tpu.dma_semaphore, #tpu.memory_space<semaphore_mem>>) src(%arg3 : memref<800xi32, #tpu.memory_space<hbm>>) dst(%dma_wait3A_795 : memref<800xi32, #tpu.memory_space<vmem>>)
      tpu.yield
    }) : () -> ()
    "tpu.region"() ({
      %run_scoped3A = tpu.sem_alloc : memref<!tpu.dma_semaphore, #tpu.memory_space<semaphore_mem>>
      %dma_start3A_788 = arith.constant 0 : i32
      %dma_start3A_789 = tpu.memref_slice %arg15[%dma_start3A_788] : memref<20016xi32, #tpu.memory_space<vmem>> -> memref<20000xi32, #tpu.memory_space<vmem>>
      %dma_start3A_790 = arith.constant 0 : i32
      %dma_start3A_791 = tpu.memref_slice %arg15[%dma_start3A_790] : memref<20016xi32, #tpu.memory_space<vmem>> -> memref<20000xi32, #tpu.memory_space<vmem>>
      tpu.enqueue_dma source(%arg4 : memref<20000xi32, #tpu.memory_space<hbm>>) target(%dma_start3A_791 : memref<20000xi32, #tpu.memory_space<vmem>>) target_semaphore(%run_scoped3A : memref<!tpu.dma_semaphore, #tpu.memory_space<semaphore_mem>>)
      %dma_wait3A_792 = arith.constant 0 : i32
      %dma_wait3A_793 = tpu.memref_slice %arg15[%dma_wait3A_792] : memref<20016xi32, #tpu.memory_space<vmem>> -> memref<20000xi32, #tpu.memory_space<vmem>>
      %dma_wait3A_794 = arith.constant 0 : i32
      %dma_wait3A_795 = tpu.memref_slice %arg15[%dma_wait3A_794] : memref<20016xi32, #tpu.memory_space<vmem>> -> memref<20000xi32, #tpu.memory_space<vmem>>
      tpu.wait_dma2 semaphore(%run_scoped3A : memref<!tpu.dma_semaphore, #tpu.memory_space<semaphore_mem>>) src(%arg4 : memref<20000xi32, #tpu.memory_space<hbm>>) dst(%dma_wait3A_795 : memref<20000xi32, #tpu.memory_space<vmem>>)
      tpu.yield
    }) : () -> ()
    %broadcast_in_dim3A = arith.constant 2147483647 : i32
    %broadcast_in_dim3A_3 = vector.broadcast %broadcast_in_dim3A : i32 to vector<16xi32>
    %swap3A = arith.constant 800 : index
    %swap3A_4 = tpu.vector_load %arg14[%swap3A] {strides = array<i32>} : memref<816xi32, #tpu.memory_space<vmem>>, vector<16xi32>,
    tpu.vector_store %arg14[%swap3A], %broadcast_in_dim3A_3 {strides = array<i32>} : memref<816xi32, #tpu.memory_space<vmem>>, vector<16xi32>,
    %broadcast_in_dim3A_5 = arith.constant 2147483647 : i32
    %broadcast_in_dim3A_6 = vector.broadcast %broadcast_in_dim3A_5 : i32 to vector<16xi32>
    %swap3A_7 = arith.constant 20000 : index
    %swap3A_8 = tpu.vector_load %arg15[%swap3A_7] {strides = array<i32>} : memref<20016xi32, #tpu.memory_space<vmem>>, vector<16xi32>,
    tpu.vector_store %arg15[%swap3A_7], %broadcast_in_dim3A_6 {strides = array<i32>} : memref<20016xi32, #tpu.memory_space<vmem>>, vector<16xi32>,
    "tpu.region"() ({
      %run_scoped3A = tpu.sem_alloc : memref<!tpu.dma_semaphore, #tpu.memory_space<semaphore_mem>>
      tpu.enqueue_dma source(%arg11 : memref<16xf32, #tpu.memory_space<hbm>>) target(%arg26 : memref<16xf32, #tpu.memory_space<vmem>>) target_semaphore(%run_scoped3A : memref<!tpu.dma_semaphore, #tpu.memory_space<semaphore_mem>>)
      tpu.wait_dma2 semaphore(%run_scoped3A : memref<!tpu.dma_semaphore, #tpu.memory_space<semaphore_mem>>) src(%arg11 : memref<16xf32, #tpu.memory_space<hbm>>) dst(%arg26 : memref<16xf32, #tpu.memory_space<vmem>>)
      tpu.yield
    }) : () -> ()
    "tpu.region"() ({
      %run_scoped3A = tpu.sem_alloc : memref<!tpu.dma_semaphore, #tpu.memory_space<semaphore_mem>>
      %dma_start3A_788 = arith.constant 0 : i32
      %dma_start3A_789 = tpu.memref_slice %arg22[%dma_start3A_788] : memref<1024xf32, #tpu.memory_space<vmem>> -> memref<1000xf32, #tpu.memory_space<vmem>>
      %dma_start3A_790 = arith.constant 0 : i32
      %dma_start3A_791 = tpu.memref_slice %arg22[%dma_start3A_790] : memref<1024xf32, #tpu.memory_space<vmem>> -> memref<1000xf32, #tpu.memory_space<vmem>>
      tpu.enqueue_dma source(%arg6 : memref<1000xf32, #tpu.memory_space<hbm>>) target(%dma_start3A_791 : memref<1000xf32, #tpu.memory_space<vmem>>) target_semaphore(%run_scoped3A : memref<!tpu.dma_semaphore, #tpu.memory_space<semaphore_mem>>)
      %dma_wait3A_792 = arith.constant 0 : i32
      %dma_wait3A_793 = tpu.memref_slice %arg22[%dma_wait3A_792] : memref<1024xf32, #tpu.memory_space<vmem>> -> memref<1000xf32, #tpu.memory_space<vmem>>
      %dma_wait3A_794 = arith.constant 0 : i32
      %dma_wait3A_795 = tpu.memref_slice %arg22[%dma_wait3A_794] : memref<1024xf32, #tpu.memory_space<vmem>> -> memref<1000xf32, #tpu.memory_space<vmem>>
      tpu.wait_dma2 semaphore(%run_scoped3A : memref<!tpu.dma_semaphore, #tpu.memory_space<semaphore_mem>>) src(%arg6 : memref<1000xf32, #tpu.memory_space<hbm>>) dst(%dma_wait3A_795 : memref<1000xf32, #tpu.memory_space<vmem>>)
      tpu.yield
    }) : () -> ()
    "tpu.region"() ({
      %run_scoped3A = tpu.sem_alloc : memref<!tpu.dma_semaphore, #tpu.memory_space<semaphore_mem>>
      %dma_start3A_788 = arith.constant 8 : i32
      %dma_start3A_789 = tpu.memref_slice %arg13[%dma_start3A_788] : memref<520xi32, #tpu.memory_space<vmem>> -> memref<512xi32, #tpu.memory_space<vmem>>
      %dma_start3A_790 = tpu.memref_slice %arg2[%mul3A_2] : memref<16384xi32, #tpu.memory_space<hbm>> -> memref<512xi32, #tpu.memory_space<hbm>>
      %dma_start3A_791 = arith.constant 8 : i32
      %dma_start3A_792 = tpu.memref_slice %arg13[%dma_start3A_791] : memref<520xi32, #tpu.memory_space<vmem>> -> memref<512xi32, #tpu.memory_space<vmem>>
      %dma_start3A_793 = tpu.memref_slice %arg2[%mul3A_2] : memref<16384xi32, #tpu.memory_space<hbm>> -> memref<512xi32, #tpu.memory_space<hbm>>
      tpu.enqueue_dma source(%dma_start3A_793 : memref<512xi32, #tpu.memory_space<hbm>>) target(%dma_start3A_792 : memref<512xi32, #tpu.memory_space<vmem>>) target_semaphore(%run_scoped3A : memref<!tpu.dma_semaphore, #tpu.memory_space<semaphore_mem>>)
      %dma_wait3A_794 = arith.constant 8 : i32
      %dma_wait3A_795 = tpu.memref_slice %arg13[%dma_wait3A_794] : memref<520xi32, #tpu.memory_space<vmem>> -> memref<512xi32, #tpu.memory_space<vmem>>
      %dma_wait3A_796 = tpu.memref_slice %arg2[%mul3A_2] : memref<16384xi32, #tpu.memory_space<hbm>> -> memref<512xi32, #tpu.memory_space<hbm>>
      %dma_wait3A_797 = arith.constant 8 : i32
      %dma_wait3A_798 = tpu.memref_slice %arg13[%dma_wait3A_797] : memref<520xi32, #tpu.memory_space<vmem>> -> memref<512xi32, #tpu.memory_space<vmem>>
      %dma_wait3A_799 = tpu.memref_slice %arg2[%mul3A_2] : memref<16384xi32, #tpu.memory_space<hbm>> -> memref<512xi32, #tpu.memory_space<hbm>>
      tpu.wait_dma2 semaphore(%run_scoped3A : memref<!tpu.dma_semaphore, #tpu.memory_space<semaphore_mem>>) src(%dma_wait3A_799 : memref<512xi32, #tpu.memory_space<hbm>>) dst(%dma_wait3A_798 : memref<512xi32, #tpu.memory_space<vmem>>)
      tpu.yield
    }) : () -> ()
    %gt3A = arith.constant 0 : i32
    %gt3A_9 = arith.cmpi sgt, %add3A, %gt3A : i32
    %convert_element_type3A = arith.extui %gt3A_9 : i1 to i32
    %cond3A = arith.constant 0 : i32
    %cond3A_10 = arith.cmpi ne, %convert_element_type3A, %cond3A : i32
    scf.if %cond3A_10 {
      %sub3A = arith.constant 8 : i32
      %sub3A_788 = arith.subi %mul3A_2, %sub3A : i32
      "tpu.region"() ({
        %run_scoped3A = tpu.sem_alloc : memref<!tpu.dma_semaphore, #tpu.memory_space<semaphore_mem>>
        %dma_start3A_789 = arith.constant 0 : i32
        %dma_start3A_790 = tpu.memref_slice %arg13[%dma_start3A_789] : memref<520xi32, #tpu.memory_space<vmem>> -> memref<8xi32, #tpu.memory_space<vmem>>
        %dma_start3A_791 = tpu.memref_slice %arg2[%sub3A_788] : memref<16384xi32, #tpu.memory_space<hbm>> -> memref<8xi32, #tpu.memory_space<hbm>>
        %dma_start3A_792 = arith.constant 0 : i32
        %dma_start3A_793 = tpu.memref_slice %arg13[%dma_start3A_792] : memref<520xi32, #tpu.memory_space<vmem>> -> memref<8xi32, #tpu.memory_space<vmem>>
        %dma_start3A_794 = tpu.memref_slice %arg2[%sub3A_788] : memref<16384xi32, #tpu.memory_space<hbm>> -> memref<8xi32, #tpu.memory_space<hbm>>
        tpu.enqueue_dma source(%dma_start3A_794 : memref<8xi32, #tpu.memory_space<hbm>>) target(%dma_start3A_793 : memref<8xi32, #tpu.memory_space<vmem>>) target_semaphore(%run_scoped3A : memref<!tpu.dma_semaphore, #tpu.memory_space<semaphore_mem>>)
        %dma_wait3A_795 = arith.constant 0 : i32
        %dma_wait3A_796 = tpu.memref_slice %arg13[%dma_wait3A_795] : memref<520xi32, #tpu.memory_space<vmem>> -> memref<8xi32, #tpu.memory_space<vmem>>
        %dma_wait3A_797 = tpu.memref_slice %arg2[%sub3A_788] : memref<16384xi32, #tpu.memory_space<hbm>> -> memref<8xi32, #tpu.memory_space<hbm>>
        %dma_wait3A_798 = arith.constant 0 : i32
        %dma_wait3A_799 = tpu.memref_slice %arg13[%dma_wait3A_798] : memref<520xi32, #tpu.memory_space<vmem>> -> memref<8xi32, #tpu.memory_space<vmem>>
        %dma_wait3A_800 = tpu.memref_slice %arg2[%sub3A_788] : memref<16384xi32, #tpu.memory_space<hbm>> -> memref<8xi32, #tpu.memory_space<hbm>>
        tpu.wait_dma2 semaphore(%run_scoped3A : memref<!tpu.dma_semaphore, #tpu.memory_space<semaphore_mem>>) src(%dma_wait3A_800 : memref<8xi32, #tpu.memory_space<hbm>>) dst(%dma_wait3A_799 : memref<8xi32, #tpu.memory_space<vmem>>)
        tpu.yield
      }) : () -> ()
    } else {
    }
    %iota3A = tpu.iota {dimensions = array<i32: 0>} : vector<16xi32>
    %broadcast_in_dim3A_11 = arith.constant 800 : i32
    %broadcast_in_dim3A_12 = vector.broadcast %broadcast_in_dim3A_11 : i32 to vector<16xi32>
    %scan3A = arith.constant 0 : i32
    %scan3A_13 = arith.constant 0 : i32
    %scan3A_14 = arith.constant 32 : i32
    %scan3A_15 = arith.addi %scan3A_13, %scan3A_14 : i32
    %scan3A_16 = arith.constant 1 : i32
    scf.for %scan3A_788 = %scan3A_13 to %scan3A_15 step %scan3A_16  : i32 {
      %mul3A_789 = arith.constant 16 : i32
      %mul3A_790 = arith.muli %scan3A_788, %mul3A_789 : i32
      %add3A_791 = arith.addi %mul3A_2, %mul3A_790 : i32
      %rem3A = arith.constant 256 : i32
      %rem3A_792 = arith.remsi %add3A_791, %rem3A : i32
      %add3A_793 = vector.broadcast %rem3A_792 : i32 to vector<16xi32>
      %add3A_794 = arith.addi %add3A_793, %iota3A : vector<16xi32>
      %add3A_795 = arith.constant 8 : i32
      %add3A_796 = arith.addi %mul3A_790, %add3A_795 : i32
      %add3A_797 = vector.broadcast %add3A_796 : i32 to vector<16xi32>
      %add3A_798 = arith.addi %add3A_797, %iota3A : vector<16xi32>
      %sub3A = arith.constant 1 : i32
      %sub3A_799 = vector.broadcast %sub3A : i32 to vector<16xi32>
      %sub3A_800 = arith.subi %add3A_798, %sub3A_799 : vector<16xi32>
      %gather3A = tpu.vector_load_idx %arg13[%sub3A_800] : memref<520xi32, #tpu.memory_space<vmem>>[vector<16xi32>], vector<16xi32>,
      %sub3A_801 = arith.constant 2 : i32
      %sub3A_802 = vector.broadcast %sub3A_801 : i32 to vector<16xi32>
      %sub3A_803 = arith.subi %add3A_798, %sub3A_802 : vector<16xi32>
      %gather3A_804 = tpu.vector_load_idx %arg13[%sub3A_803] : memref<520xi32, #tpu.memory_space<vmem>>[vector<16xi32>], vector<16xi32>,
      %broadcast_in_dim3A_805 = arith.constant 0 : i32
      %broadcast_in_dim3A_806 = vector.broadcast %broadcast_in_dim3A_805 : i32 to vector<16xi32>
      %broadcast_in_dim3A_807 = arith.constant 800 : i32
      %broadcast_in_dim3A_808 = vector.broadcast %broadcast_in_dim3A_807 : i32 to vector<16xi32>
      %add3A_809 = arith.addi %broadcast_in_dim3A_806, %broadcast_in_dim3A_808 : vector<16xi32>
      %shift_right_arithmetic3A = arith.constant 1 : i32
      %shift_right_arithmetic3A_810 = vector.broadcast %shift_right_arithmetic3A : i32 to vector<16xi32>
      %shift_right_arithmetic3A_811 = arith.shrsi %add3A_809, %shift_right_arithmetic3A_810 : vector<16xi32>
      %gather3A_812 = tpu.vector_load_idx %arg14[%shift_right_arithmetic3A_811] : memref<816xi32, #tpu.memory_space<vmem>>[vector<16xi32>], vector<16xi32>,
      %lt3A = arith.cmpi slt, %gather3A_812, %gather3A : vector<16xi32>
      %add3A_813 = arith.constant 1 : i32
      %add3A_814 = vector.broadcast %add3A_813 : i32 to vector<16xi32>
      %add3A_815 = arith.addi %shift_right_arithmetic3A_811, %add3A_814 : vector<16xi32>
      %select_n3A_816 = arith.select %lt3A, %add3A_815, %broadcast_in_dim3A_806 : vector<16xi1>, vector<16xi32>
      %select_n3A_817 = arith.select %lt3A, %broadcast_in_dim3A_808, %shift_right_arithmetic3A_811 : vector<16xi1>, vector<16xi32>
      %add3A_818 = arith.addi %select_n3A_816, %select_n3A_817 : vector<16xi32>
      %shift_right_arithmetic3A_819 = arith.constant 1 : i32
      %shift_right_arithmetic3A_820 = vector.broadcast %shift_right_arithmetic3A_819 : i32 to vector<16xi32>
      %shift_right_arithmetic3A_821 = arith.shrsi %add3A_818, %shift_right_arithmetic3A_820 : vector<16xi32>
      %gather3A_822 = tpu.vector_load_idx %arg14[%shift_right_arithmetic3A_821] : memref<816xi32, #tpu.memory_space<vmem>>[vector<16xi32>], vector<16xi32>,
      %lt3A_823 = arith.cmpi slt, %gather3A_822, %gather3A : vector<16xi32>
      %add3A_824 = arith.constant 1 : i32
      %add3A_825 = vector.broadcast %add3A_824 : i32 to vector<16xi32>
      %add3A_826 = arith.addi %shift_right_arithmetic3A_821, %add3A_825 : vector<16xi32>
      %select_n3A_827 = arith.select %lt3A_823, %add3A_826, %select_n3A_816 : vector<16xi1>, vector<16xi32>
      %select_n3A_828 = arith.select %lt3A_823, %select_n3A_817, %shift_right_arithmetic3A_821 : vector<16xi1>, vector<16xi32>
      %add3A_829 = arith.addi %select_n3A_827, %select_n3A_828 : vector<16xi32>
      %shift_right_arithmetic3A_830 = arith.constant 1 : i32
      %shift_right_arithmetic3A_831 = vector.broadcast %shift_right_arithmetic3A_830 : i32 to vector<16xi32>
      %shift_right_arithmetic3A_832 = arith.shrsi %add3A_829, %shift_right_arithmetic3A_831 : vector<16xi32>
      %gather3A_833 = tpu.vector_load_idx %arg14[%shift_right_arithmetic3A_832] : memref<816xi32, #tpu.memory_space<vmem>>[vector<16xi32>], vector<16xi32>,
      %lt3A_834 = arith.cmpi slt, %gather3A_833, %gather3A : vector<16xi32>
      %add3A_835 = arith.constant 1 : i32
      %add3A_836 = vector.broadcast %add3A_835 : i32 to vector<16xi32>
      %add3A_837 = arith.addi %shift_right_arithmetic3A_832, %add3A_836 : vector<16xi32>
      %select_n3A_838 = arith.select %lt3A_834, %add3A_837, %select_n3A_827 : vector<16xi1>, vector<16xi32>
      %select_n3A_839 = arith.select %lt3A_834, %select_n3A_828, %shift_right_arithmetic3A_832 : vector<16xi1>, vector<16xi32>
      %add3A_840 = arith.addi %select_n3A_838, %select_n3A_839 : vector<16xi32>
      %shift_right_arithmetic3A_841 = arith.constant 1 : i32
      %shift_right_arithmetic3A_842 = vector.broadcast %shift_right_arithmetic3A_841 : i32 to vector<16xi32>
      %shift_right_arithmetic3A_843 = arith.shrsi %add3A_840, %shift_right_arithmetic3A_842 : vector<16xi32>
      %gather3A_844 = tpu.vector_load_idx %arg14[%shift_right_arithmetic3A_843] : memref<816xi32, #tpu.memory_space<vmem>>[vector<16xi32>], vector<16xi32>,
      %lt3A_845 = arith.cmpi slt, %gather3A_844, %gather3A : vector<16xi32>
      %add3A_846 = arith.constant 1 : i32
      %add3A_847 = vector.broadcast %add3A_846 : i32 to vector<16xi32>
      %add3A_848 = arith.addi %shift_right_arithmetic3A_843, %add3A_847 : vector<16xi32>
      %select_n3A_849 = arith.select %lt3A_845, %add3A_848, %select_n3A_838 : vector<16xi1>, vector<16xi32>
      %select_n3A_850 = arith.select %lt3A_845, %select_n3A_839, %shift_right_arithmetic3A_843 : vector<16xi1>, vector<16xi32>
      %add3A_851 = arith.addi %select_n3A_849, %select_n3A_850 : vector<16xi32>
      %shift_right_arithmetic3A_852 = arith.constant 1 : i32
      %shift_right_arithmetic3A_853 = vector.broadcast %shift_right_arithmetic3A_852 : i32 to vector<16xi32>
      %shift_right_arithmetic3A_854 = arith.shrsi %add3A_851, %shift_right_arithmetic3A_853 : vector<16xi32>
      %gather3A_855 = tpu.vector_load_idx %arg14[%shift_right_arithmetic3A_854] : memref<816xi32, #tpu.memory_space<vmem>>[vector<16xi32>], vector<16xi32>,
      %lt3A_856 = arith.cmpi slt, %gather3A_855, %gather3A : vector<16xi32>
      %add3A_857 = arith.constant 1 : i32
      %add3A_858 = vector.broadcast %add3A_857 : i32 to vector<16xi32>
      %add3A_859 = arith.addi %shift_right_arithmetic3A_854, %add3A_858 : vector<16xi32>
      %select_n3A_860 = arith.select %lt3A_856, %add3A_859, %select_n3A_849 : vector<16xi1>, vector<16xi32>
      %select_n3A_861 = arith.select %lt3A_856, %select_n3A_850, %shift_right_arithmetic3A_854 : vector<16xi1>, vector<16xi32>
      %add3A_862 = arith.addi %select_n3A_860, %select_n3A_861 : vector<16xi32>
      %shift_right_arithmetic3A_863 = arith.constant 1 : i32
      %shift_right_arithmetic3A_864 = vector.broadcast %shift_right_arithmetic3A_863 : i32 to vector<16xi32>
      %shift_right_arithmetic3A_865 = arith.shrsi %add3A_862, %shift_right_arithmetic3A_864 : vector<16xi32>
      %gather3A_866 = tpu.vector_load_idx %arg14[%shift_right_arithmetic3A_865] : memref<816xi32, #tpu.memory_space<vmem>>[vector<16xi32>], vector<16xi32>,
      %lt3A_867 = arith.cmpi slt, %gather3A_866, %gather3A : vector<16xi32>
      %add3A_868 = arith.constant 1 : i32
      %add3A_869 = vector.broadcast %add3A_868 : i32 to vector<16xi32>
      %add3A_870 = arith.addi %shift_right_arithmetic3A_865, %add3A_869 : vector<16xi32>
      %select_n3A_871 = arith.select %lt3A_867, %add3A_870, %select_n3A_860 : vector<16xi1>, vector<16xi32>
      %select_n3A_872 = arith.select %lt3A_867, %select_n3A_861, %shift_right_arithmetic3A_865 : vector<16xi1>, vector<16xi32>
      %add3A_873 = arith.addi %select_n3A_871, %select_n3A_872 : vector<16xi32>
      %shift_right_arithmetic3A_874 = arith.constant 1 : i32
      %shift_right_arithmetic3A_875 = vector.broadcast %shift_right_arithmetic3A_874 : i32 to vector<16xi32>
      %shift_right_arithmetic3A_876 = arith.shrsi %add3A_873, %shift_right_arithmetic3A_875 : vector<16xi32>
      %gather3A_877 = tpu.vector_load_idx %arg14[%shift_right_arithmetic3A_876] : memref<816xi32, #tpu.memory_space<vmem>>[vector<16xi32>], vector<16xi32>,
      %lt3A_878 = arith.cmpi slt, %gather3A_877, %gather3A : vector<16xi32>
      %add3A_879 = arith.constant 1 : i32
      %add3A_880 = vector.broadcast %add3A_879 : i32 to vector<16xi32>
      %add3A_881 = arith.addi %shift_right_arithmetic3A_876, %add3A_880 : vector<16xi32>
      %select_n3A_882 = arith.select %lt3A_878, %add3A_881, %select_n3A_871 : vector<16xi1>, vector<16xi32>
      %select_n3A_883 = arith.select %lt3A_878, %select_n3A_872, %shift_right_arithmetic3A_876 : vector<16xi1>, vector<16xi32>
      %add3A_884 = arith.addi %select_n3A_882, %select_n3A_883 : vector<16xi32>
      %shift_right_arithmetic3A_885 = arith.constant 1 : i32
      %shift_right_arithmetic3A_886 = vector.broadcast %shift_right_arithmetic3A_885 : i32 to vector<16xi32>
      %shift_right_arithmetic3A_887 = arith.shrsi %add3A_884, %shift_right_arithmetic3A_886 : vector<16xi32>
      %gather3A_888 = tpu.vector_load_idx %arg14[%shift_right_arithmetic3A_887] : memref<816xi32, #tpu.memory_space<vmem>>[vector<16xi32>], vector<16xi32>,
      %lt3A_889 = arith.cmpi slt, %gather3A_888, %gather3A : vector<16xi32>
      %add3A_890 = arith.constant 1 : i32
      %add3A_891 = vector.broadcast %add3A_890 : i32 to vector<16xi32>
      %add3A_892 = arith.addi %shift_right_arithmetic3A_887, %add3A_891 : vector<16xi32>
      %select_n3A_893 = arith.select %lt3A_889, %add3A_892, %select_n3A_882 : vector<16xi1>, vector<16xi32>
      %select_n3A_894 = arith.select %lt3A_889, %select_n3A_883, %shift_right_arithmetic3A_887 : vector<16xi1>, vector<16xi32>
      %add3A_895 = arith.addi %select_n3A_893, %select_n3A_894 : vector<16xi32>
      %shift_right_arithmetic3A_896 = arith.constant 1 : i32
      %shift_right_arithmetic3A_897 = vector.broadcast %shift_right_arithmetic3A_896 : i32 to vector<16xi32>
      %shift_right_arithmetic3A_898 = arith.shrsi %add3A_895, %shift_right_arithmetic3A_897 : vector<16xi32>
      %gather3A_899 = tpu.vector_load_idx %arg14[%shift_right_arithmetic3A_898] : memref<816xi32, #tpu.memory_space<vmem>>[vector<16xi32>], vector<16xi32>,
      %lt3A_900 = arith.cmpi slt, %gather3A_899, %gather3A : vector<16xi32>
      %add3A_901 = arith.constant 1 : i32
      %add3A_902 = vector.broadcast %add3A_901 : i32 to vector<16xi32>
      %add3A_903 = arith.addi %shift_right_arithmetic3A_898, %add3A_902 : vector<16xi32>
      %select_n3A_904 = arith.select %lt3A_900, %add3A_903, %select_n3A_893 : vector<16xi1>, vector<16xi32>
      %select_n3A_905 = arith.select %lt3A_900, %select_n3A_894, %shift_right_arithmetic3A_898 : vector<16xi1>, vector<16xi32>
      %add3A_906 = arith.addi %select_n3A_904, %select_n3A_905 : vector<16xi32>
      %shift_right_arithmetic3A_907 = arith.constant 1 : i32
      %shift_right_arithmetic3A_908 = vector.broadcast %shift_right_arithmetic3A_907 : i32 to vector<16xi32>
      %shift_right_arithmetic3A_909 = arith.shrsi %add3A_906, %shift_right_arithmetic3A_908 : vector<16xi32>
      %gather3A_910 = tpu.vector_load_idx %arg14[%shift_right_arithmetic3A_909] : memref<816xi32, #tpu.memory_space<vmem>>[vector<16xi32>], vector<16xi32>,
      %lt3A_911 = arith.cmpi slt, %gather3A_910, %gather3A : vector<16xi32>
      %add3A_912 = arith.constant 1 : i32
      %add3A_913 = vector.broadcast %add3A_912 : i32 to vector<16xi32>
      %add3A_914 = arith.addi %shift_right_arithmetic3A_909, %add3A_913 : vector<16xi32>
      %select_n3A_915 = arith.select %lt3A_911, %add3A_914, %select_n3A_904 : vector<16xi1>, vector<16xi32>
      %select_n3A_916 = arith.select %lt3A_911, %select_n3A_905, %shift_right_arithmetic3A_909 : vector<16xi1>, vector<16xi32>
      %min3A = arith.constant 799 : i32
      %min3A_917 = vector.broadcast %min3A : i32 to vector<16xi32>
      %min3A_918 = arith.minsi %select_n3A_915, %min3A_917 : vector<16xi32>
      %gather3A_919 = tpu.vector_load_idx %arg14[%min3A_918] : memref<816xi32, #tpu.memory_space<vmem>>[vector<16xi32>], vector<16xi32>,
      %eq3A_920 = arith.cmpi eq, %gather3A_919, %gather3A : vector<16xi32>
      %mul3A_921 = arith.constant 1000 : i32
      %mul3A_922 = vector.broadcast %mul3A_921 : i32 to vector<16xi32>
      %mul3A_923 = arith.muli %gather3A_804, %mul3A_922 : vector<16xi32>
      %add3A_924 = arith.addi %mul3A_923, %gather3A : vector<16xi32>
      %broadcast_in_dim3A_925 = arith.constant 0 : i32
      %broadcast_in_dim3A_926 = vector.broadcast %broadcast_in_dim3A_925 : i32 to vector<16xi32>
      %broadcast_in_dim3A_927 = arith.constant 20000 : i32
      %broadcast_in_dim3A_928 = vector.broadcast %broadcast_in_dim3A_927 : i32 to vector<16xi32>
      %add3A_929 = arith.addi %broadcast_in_dim3A_926, %broadcast_in_dim3A_928 : vector<16xi32>
      %shift_right_arithmetic3A_930 = arith.constant 1 : i32
      %shift_right_arithmetic3A_931 = vector.broadcast %shift_right_arithmetic3A_930 : i32 to vector<16xi32>
      %shift_right_arithmetic3A_932 = arith.shrsi %add3A_929, %shift_right_arithmetic3A_931 : vector<16xi32>
      %gather3A_933 = tpu.vector_load_idx %arg15[%shift_right_arithmetic3A_932] : memref<20016xi32, #tpu.memory_space<vmem>>[vector<16xi32>], vector<16xi32>,
      %lt3A_934 = arith.cmpi slt, %gather3A_933, %add3A_924 : vector<16xi32>
      %add3A_935 = arith.constant 1 : i32
      %add3A_936 = vector.broadcast %add3A_935 : i32 to vector<16xi32>
      %add3A_937 = arith.addi %shift_right_arithmetic3A_932, %add3A_936 : vector<16xi32>
      %select_n3A_938 = arith.select %lt3A_934, %add3A_937, %broadcast_in_dim3A_926 : vector<16xi1>, vector<16xi32>
      %select_n3A_939 = arith.select %lt3A_934, %broadcast_in_dim3A_928, %shift_right_arithmetic3A_932 : vector<16xi1>, vector<16xi32>
      %add3A_940 = arith.addi %select_n3A_938, %select_n3A_939 : vector<16xi32>
      %shift_right_arithmetic3A_941 = arith.constant 1 : i32
      %shift_right_arithmetic3A_942 = vector.broadcast %shift_right_arithmetic3A_941 : i32 to vector<16xi32>
      %shift_right_arithmetic3A_943 = arith.shrsi %add3A_940, %shift_right_arithmetic3A_942 : vector<16xi32>
      %gather3A_944 = tpu.vector_load_idx %arg15[%shift_right_arithmetic3A_943] : memref<20016xi32, #tpu.memory_space<vmem>>[vector<16xi32>], vector<16xi32>,
      %lt3A_945 = arith.cmpi slt, %gather3A_944, %add3A_924 : vector<16xi32>
      %add3A_946 = arith.constant 1 : i32
      %add3A_947 = vector.broadcast %add3A_946 : i32 to vector<16xi32>
      %add3A_948 = arith.addi %shift_right_arithmetic3A_943, %add3A_947 : vector<16xi32>
      %select_n3A_949 = arith.select %lt3A_945, %add3A_948, %select_n3A_938 : vector<16xi1>, vector<16xi32>
      %select_n3A_950 = arith.select %lt3A_945, %select_n3A_939, %shift_right_arithmetic3A_943 : vector<16xi1>, vector<16xi32>
      %add3A_951 = arith.addi %select_n3A_949, %select_n3A_950 : vector<16xi32>
      %shift_right_arithmetic3A_952 = arith.constant 1 : i32
      %shift_right_arithmetic3A_953 = vector.broadcast %shift_right_arithmetic3A_952 : i32 to vector<16xi32>
      %shift_right_arithmetic3A_954 = arith.shrsi %add3A_951, %shift_right_arithmetic3A_953 : vector<16xi32>
      %gather3A_955 = tpu.vector_load_idx %arg15[%shift_right_arithmetic3A_954] : memref<20016xi32, #tpu.memory_space<vmem>>[vector<16xi32>], vector<16xi32>,
      %lt3A_956 = arith.cmpi slt, %gather3A_955, %add3A_924 : vector<16xi32>
      %add3A_957 = arith.constant 1 : i32
      %add3A_958 = vector.broadcast %add3A_957 : i32 to vector<16xi32>
      %add3A_959 = arith.addi %shift_right_arithmetic3A_954, %add3A_958 : vector<16xi32>
      %select_n3A_960 = arith.select %lt3A_956, %add3A_959, %select_n3A_949 : vector<16xi1>, vector<16xi32>
      %select_n3A_961 = arith.select %lt3A_956, %select_n3A_950, %shift_right_arithmetic3A_954 : vector<16xi1>, vector<16xi32>
      %add3A_962 = arith.addi %select_n3A_960, %select_n3A_961 : vector<16xi32>
      %shift_right_arithmetic3A_963 = arith.constant 1 : i32
      %shift_right_arithmetic3A_964 = vector.broadcast %shift_right_arithmetic3A_963 : i32 to vector<16xi32>
      %shift_right_arithmetic3A_965 = arith.shrsi %add3A_962, %shift_right_arithmetic3A_964 : vector<16xi32>
      %gather3A_966 = tpu.vector_load_idx %arg15[%shift_right_arithmetic3A_965] : memref<20016xi32, #tpu.memory_space<vmem>>[vector<16xi32>], vector<16xi32>,
      %lt3A_967 = arith.cmpi slt, %gather3A_966, %add3A_924 : vector<16xi32>
      %add3A_968 = arith.constant 1 : i32
      %add3A_969 = vector.broadcast %add3A_968 : i32 to vector<16xi32>
      %add3A_970 = arith.addi %shift_right_arithmetic3A_965, %add3A_969 : vector<16xi32>
      %select_n3A_971 = arith.select %lt3A_967, %add3A_970, %select_n3A_960 : vector<16xi1>, vector<16xi32>
      %select_n3A_972 = arith.select %lt3A_967, %select_n3A_961, %shift_right_arithmetic3A_965 : vector<16xi1>, vector<16xi32>
      %add3A_973 = arith.addi %select_n3A_971, %select_n3A_972 : vector<16xi32>
      %shift_right_arithmetic3A_974 = arith.constant 1 : i32
      %shift_right_arithmetic3A_975 = vector.broadcast %shift_right_arithmetic3A_974 : i32 to vector<16xi32>
      %shift_right_arithmetic3A_976 = arith.shrsi %add3A_973, %shift_right_arithmetic3A_975 : vector<16xi32>
      %gather3A_977 = tpu.vector_load_idx %arg15[%shift_right_arithmetic3A_976] : memref<20016xi32, #tpu.memory_space<vmem>>[vector<16xi32>], vector<16xi32>,
      %lt3A_978 = arith.cmpi slt, %gather3A_977, %add3A_924 : vector<16xi32>
      %add3A_979 = arith.constant 1 : i32
      %add3A_980 = vector.broadcast %add3A_979 : i32 to vector<16xi32>
      %add3A_981 = arith.addi %shift_right_arithmetic3A_976, %add3A_980 : vector<16xi32>
      %select_n3A_982 = arith.select %lt3A_978, %add3A_981, %select_n3A_971 : vector<16xi1>, vector<16xi32>
      %select_n3A_983 = arith.select %lt3A_978, %select_n3A_972, %shift_right_arithmetic3A_976 : vector<16xi1>, vector<16xi32>
      %add3A_984 = arith.addi %select_n3A_982, %select_n3A_983 : vector<16xi32>
      %shift_right_arithmetic3A_985 = arith.constant 1 : i32
      %shift_right_arithmetic3A_986 = vector.broadcast %shift_right_arithmetic3A_985 : i32 to vector<16xi32>
      %shift_right_arithmetic3A_987 = arith.shrsi %add3A_984, %shift_right_arithmetic3A_986 : vector<16xi32>
      %gather3A_988 = tpu.vector_load_idx %arg15[%shift_right_arithmetic3A_987] : memref<20016xi32, #tpu.memory_space<vmem>>[vector<16xi32>], vector<16xi32>,
      %lt3A_989 = arith.cmpi slt, %gather3A_988, %add3A_924 : vector<16xi32>
      %add3A_990 = arith.constant 1 : i32
      %add3A_991 = vector.broadcast %add3A_990 : i32 to vector<16xi32>
      %add3A_992 = arith.addi %shift_right_arithmetic3A_987, %add3A_991 : vector<16xi32>
      %select_n3A_993 = arith.select %lt3A_989, %add3A_992, %select_n3A_982 : vector<16xi1>, vector<16xi32>
      %select_n3A_994 = arith.select %lt3A_989, %select_n3A_983, %shift_right_arithmetic3A_987 : vector<16xi1>, vector<16xi32>
      %add3A_995 = arith.addi %select_n3A_993, %select_n3A_994 : vector<16xi32>
      %shift_right_arithmetic3A_996 = arith.constant 1 : i32
      %shift_right_arithmetic3A_997 = vector.broadcast %shift_right_arithmetic3A_996 : i32 to vector<16xi32>
      %shift_right_arithmetic3A_998 = arith.shrsi %add3A_995, %shift_right_arithmetic3A_997 : vector<16xi32>
      %gather3A_999 = tpu.vector_load_idx %arg15[%shift_right_arithmetic3A_998] : memref<20016xi32, #tpu.memory_space<vmem>>[vector<16xi32>], vector<16xi32>,
      %lt3A_1000 = arith.cmpi slt, %gather3A_999, %add3A_924 : vector<16xi32>
      %add3A_1001 = arith.constant 1 : i32
      %add3A_1002 = vector.broadcast %add3A_1001 : i32 to vector<16xi32>
      %add3A_1003 = arith.addi %shift_right_arithmetic3A_998, %add3A_1002 : vector<16xi32>
      %select_n3A_1004 = arith.select %lt3A_1000, %add3A_1003, %select_n3A_993 : vector<16xi1>, vector<16xi32>
      %select_n3A_1005 = arith.select %lt3A_1000, %select_n3A_994, %shift_right_arithmetic3A_998 : vector<16xi1>, vector<16xi32>
      %add3A_1006 = arith.addi %select_n3A_1004, %select_n3A_1005 : vector<16xi32>
      %shift_right_arithmetic3A_1007 = arith.constant 1 : i32
      %shift_right_arithmetic3A_1008 = vector.broadcast %shift_right_arithmetic3A_1007 : i32 to vector<16xi32>
      %shift_right_arithmetic3A_1009 = arith.shrsi %add3A_1006, %shift_right_arithmetic3A_1008 : vector<16xi32>
      %gather3A_1010 = tpu.vector_load_idx %arg15[%shift_right_arithmetic3A_1009] : memref<20016xi32, #tpu.memory_space<vmem>>[vector<16xi32>], vector<16xi32>,
      %lt3A_1011 = arith.cmpi slt, %gather3A_1010, %add3A_924 : vector<16xi32>
      %add3A_1012 = arith.constant 1 : i32
      %add3A_1013 = vector.broadcast %add3A_1012 : i32 to vector<16xi32>
      %add3A_1014 = arith.addi %shift_right_arithmetic3A_1009, %add3A_1013 : vector<16xi32>
      %select_n3A_1015 = arith.select %lt3A_1011, %add3A_1014, %select_n3A_1004 : vector<16xi1>, vector<16xi32>
      %select_n3A_1016 = arith.select %lt3A_1011, %select_n3A_1005, %shift_right_arithmetic3A_1009 : vector<16xi1>, vector<16xi32>
      %add3A_1017 = arith.addi %select_n3A_1015, %select_n3A_1016 : vector<16xi32>
      %shift_right_arithmetic3A_1018 = arith.constant 1 : i32
      %shift_right_arithmetic3A_1019 = vector.broadcast %shift_right_arithmetic3A_1018 : i32 to vector<16xi32>
      %shift_right_arithmetic3A_1020 = arith.shrsi %add3A_1017, %shift_right_arithmetic3A_1019 : vector<16xi32>
      %gather3A_1021 = tpu.vector_load_idx %arg15[%shift_right_arithmetic3A_1020] : memref<20016xi32, #tpu.memory_space<vmem>>[vector<16xi32>], vector<16xi32>,
      %lt3A_1022 = arith.cmpi slt, %gather3A_1021, %add3A_924 : vector<16xi32>
      %add3A_1023 = arith.constant 1 : i32
      %add3A_1024 = vector.broadcast %add3A_1023 : i32 to vector<16xi32>
      %add3A_1025 = arith.addi %shift_right_arithmetic3A_1020, %add3A_1024 : vector<16xi32>
      %select_n3A_1026 = arith.select %lt3A_1022, %add3A_1025, %select_n3A_1015 : vector<16xi1>, vector<16xi32>
      %select_n3A_1027 = arith.select %lt3A_1022, %select_n3A_1016, %shift_right_arithmetic3A_1020 : vector<16xi1>, vector<16xi32>
      %add3A_1028 = arith.addi %select_n3A_1026, %select_n3A_1027 : vector<16xi32>
      %shift_right_arithmetic3A_1029 = arith.constant 1 : i32
      %shift_right_arithmetic3A_1030 = vector.broadcast %shift_right_arithmetic3A_1029 : i32 to vector<16xi32>
      %shift_right_arithmetic3A_1031 = arith.shrsi %add3A_1028, %shift_right_arithmetic3A_1030 : vector<16xi32>
      %gather3A_1032 = tpu.vector_load_idx %arg15[%shift_right_arithmetic3A_1031] : memref<20016xi32, #tpu.memory_space<vmem>>[vector<16xi32>], vector<16xi32>,
      %lt3A_1033 = arith.cmpi slt, %gather3A_1032, %add3A_924 : vector<16xi32>
      %add3A_1034 = arith.constant 1 : i32
      %add3A_1035 = vector.broadcast %add3A_1034 : i32 to vector<16xi32>
      %add3A_1036 = arith.addi %shift_right_arithmetic3A_1031, %add3A_1035 : vector<16xi32>
      %select_n3A_1037 = arith.select %lt3A_1033, %add3A_1036, %select_n3A_1026 : vector<16xi1>, vector<16xi32>
      %select_n3A_1038 = arith.select %lt3A_1033, %select_n3A_1027, %shift_right_arithmetic3A_1031 : vector<16xi1>, vector<16xi32>
      %add3A_1039 = arith.addi %select_n3A_1037, %select_n3A_1038 : vector<16xi32>
      %shift_right_arithmetic3A_1040 = arith.constant 1 : i32
      %shift_right_arithmetic3A_1041 = vector.broadcast %shift_right_arithmetic3A_1040 : i32 to vector<16xi32>
      %shift_right_arithmetic3A_1042 = arith.shrsi %add3A_1039, %shift_right_arithmetic3A_1041 : vector<16xi32>
      %gather3A_1043 = tpu.vector_load_idx %arg15[%shift_right_arithmetic3A_1042] : memref<20016xi32, #tpu.memory_space<vmem>>[vector<16xi32>], vector<16xi32>,
      %lt3A_1044 = arith.cmpi slt, %gather3A_1043, %add3A_924 : vector<16xi32>
      %add3A_1045 = arith.constant 1 : i32
      %add3A_1046 = vector.broadcast %add3A_1045 : i32 to vector<16xi32>
      %add3A_1047 = arith.addi %shift_right_arithmetic3A_1042, %add3A_1046 : vector<16xi32>
      %select_n3A_1048 = arith.select %lt3A_1044, %add3A_1047, %select_n3A_1037 : vector<16xi1>, vector<16xi32>
      %select_n3A_1049 = arith.select %lt3A_1044, %select_n3A_1038, %shift_right_arithmetic3A_1042 : vector<16xi1>, vector<16xi32>
      %add3A_1050 = arith.addi %select_n3A_1048, %select_n3A_1049 : vector<16xi32>
      %shift_right_arithmetic3A_1051 = arith.constant 1 : i32
      %shift_right_arithmetic3A_1052 = vector.broadcast %shift_right_arithmetic3A_1051 : i32 to vector<16xi32>
      %shift_right_arithmetic3A_1053 = arith.shrsi %add3A_1050, %shift_right_arithmetic3A_1052 : vector<16xi32>
      %gather3A_1054 = tpu.vector_load_idx %arg15[%shift_right_arithmetic3A_1053] : memref<20016xi32, #tpu.memory_space<vmem>>[vector<16xi32>], vector<16xi32>,
      %lt3A_1055 = arith.cmpi slt, %gather3A_1054, %add3A_924 : vector<16xi32>
      %add3A_1056 = arith.constant 1 : i32
      %add3A_1057 = vector.broadcast %add3A_1056 : i32 to vector<16xi32>
      %add3A_1058 = arith.addi %shift_right_arithmetic3A_1053, %add3A_1057 : vector<16xi32>
      %select_n3A_1059 = arith.select %lt3A_1055, %add3A_1058, %select_n3A_1048 : vector<16xi1>, vector<16xi32>
      %select_n3A_1060 = arith.select %lt3A_1055, %select_n3A_1049, %shift_right_arithmetic3A_1053 : vector<16xi1>, vector<16xi32>
      %add3A_1061 = arith.addi %select_n3A_1059, %select_n3A_1060 : vector<16xi32>
      %shift_right_arithmetic3A_1062 = arith.constant 1 : i32
      %shift_right_arithmetic3A_1063 = vector.broadcast %shift_right_arithmetic3A_1062 : i32 to vector<16xi32>
      %shift_right_arithmetic3A_1064 = arith.shrsi %add3A_1061, %shift_right_arithmetic3A_1063 : vector<16xi32>
      %gather3A_1065 = tpu.vector_load_idx %arg15[%shift_right_arithmetic3A_1064] : memref<20016xi32, #tpu.memory_space<vmem>>[vector<16xi32>], vector<16xi32>,
      %lt3A_1066 = arith.cmpi slt, %gather3A_1065, %add3A_924 : vector<16xi32>
      %add3A_1067 = arith.constant 1 : i32
      %add3A_1068 = vector.broadcast %add3A_1067 : i32 to vector<16xi32>
      %add3A_1069 = arith.addi %shift_right_arithmetic3A_1064, %add3A_1068 : vector<16xi32>
      %select_n3A_1070 = arith.select %lt3A_1066, %add3A_1069, %select_n3A_1059 : vector<16xi1>, vector<16xi32>
      %select_n3A_1071 = arith.select %lt3A_1066, %select_n3A_1060, %shift_right_arithmetic3A_1064 : vector<16xi1>, vector<16xi32>
      %add3A_1072 = arith.addi %select_n3A_1070, %select_n3A_1071 : vector<16xi32>
      %shift_right_arithmetic3A_1073 = arith.constant 1 : i32
      %shift_right_arithmetic3A_1074 = vector.broadcast %shift_right_arithmetic3A_1073 : i32 to vector<16xi32>
      %shift_right_arithmetic3A_1075 = arith.shrsi %add3A_1072, %shift_right_arithmetic3A_1074 : vector<16xi32>
      %gather3A_1076 = tpu.vector_load_idx %arg15[%shift_right_arithmetic3A_1075] : memref<20016xi32, #tpu.memory_space<vmem>>[vector<16xi32>], vector<16xi32>,
      %lt3A_1077 = arith.cmpi slt, %gather3A_1076, %add3A_924 : vector<16xi32>
      %add3A_1078 = arith.constant 1 : i32
      %add3A_1079 = vector.broadcast %add3A_1078 : i32 to vector<16xi32>
      %add3A_1080 = arith.addi %shift_right_arithmetic3A_1075, %add3A_1079 : vector<16xi32>
      %select_n3A_1081 = arith.select %lt3A_1077, %add3A_1080, %select_n3A_1070 : vector<16xi1>, vector<16xi32>
      %select_n3A_1082 = arith.select %lt3A_1077, %select_n3A_1071, %shift_right_arithmetic3A_1075 : vector<16xi1>, vector<16xi32>
      %add3A_1083 = arith.addi %select_n3A_1081, %select_n3A_1082 : vector<16xi32>
      %shift_right_arithmetic3A_1084 = arith.constant 1 : i32
      %shift_right_arithmetic3A_1085 = vector.broadcast %shift_right_arithmetic3A_1084 : i32 to vector<16xi32>
      %shift_right_arithmetic3A_1086 = arith.shrsi %add3A_1083, %shift_right_arithmetic3A_1085 : vector<16xi32>
      %gather3A_1087 = tpu.vector_load_idx %arg15[%shift_right_arithmetic3A_1086] : memref<20016xi32, #tpu.memory_space<vmem>>[vector<16xi32>], vector<16xi32>,
      %lt3A_1088 = arith.cmpi slt, %gather3A_1087, %add3A_924 : vector<16xi32>
      %add3A_1089 = arith.constant 1 : i32
      %add3A_1090 = vector.broadcast %add3A_1089 : i32 to vector<16xi32>
      %add3A_1091 = arith.addi %shift_right_arithmetic3A_1086, %add3A_1090 : vector<16xi32>
      %select_n3A_1092 = arith.select %lt3A_1088, %add3A_1091, %select_n3A_1081 : vector<16xi1>, vector<16xi32>
      %select_n3A_1093 = arith.select %lt3A_1088, %select_n3A_1082, %shift_right_arithmetic3A_1086 : vector<16xi1>, vector<16xi32>
      %min3A_1094 = arith.constant 19999 : i32
      %min3A_1095 = vector.broadcast %min3A_1094 : i32 to vector<16xi32>
      %min3A_1096 = arith.minsi %select_n3A_1092, %min3A_1095 : vector<16xi32>
      %gather3A_1097 = tpu.vector_load_idx %arg15[%min3A_1096] : memref<20016xi32, #tpu.memory_space<vmem>>[vector<16xi32>], vector<16xi32>,
      %eq3A_1098 = arith.cmpi eq, %gather3A_1097, %add3A_924 : vector<16xi32>
      %ge3A = arith.constant 1 : i32
      %ge3A_1099 = vector.broadcast %ge3A : i32 to vector<16xi32>
      %ge3A_1100 = arith.cmpi sge, %add3A_794, %ge3A_1099 : vector<16xi32>
      %and3A = arith.andi %eq3A_920, %ge3A_1100 : vector<16xi1>
      %ge3A_1101 = arith.constant 2 : i32
      %ge3A_1102 = vector.broadcast %ge3A_1101 : i32 to vector<16xi32>
      %ge3A_1103 = arith.cmpi sge, %add3A_794, %ge3A_1102 : vector<16xi32>
      %and3A_1104 = arith.andi %eq3A_1098, %ge3A_1103 : vector<16xi1>
      %not3A = arith.constant dense<true> : vector<16xi1>
      %not3A_1105 = arith.xori %and3A_1104, %not3A : vector<16xi1>
      %and3A_1106 = arith.andi %and3A, %not3A_1105 : vector<16xi1>
      %select_n3A_1107 = arith.select %and3A_1106, %min3A_918, %broadcast_in_dim3A_12 : vector<16xi1>, vector<16xi32>
      %swap3A_1108 = arith.index_cast %mul3A_790 : i32 to index
      %swap3A_1109 = tpu.vector_load %arg16[%swap3A_1108] {strides = array<i32>} : memref<512xi32, #tpu.memory_space<vmem>>, vector<16xi32>,
      tpu.vector_store %arg16[%swap3A_1108], %select_n3A_1107 {strides = array<i32>} : memref<512xi32, #tpu.memory_space<vmem>>, vector<16xi32>,
      %add3A_1110 = arith.constant 1 : i32
      %add3A_1111 = vector.broadcast %add3A_1110 : i32 to vector<16xi32>
      %add3A_1112 = arith.addi %min3A_918, %add3A_1111 : vector<16xi32>
      %jit3A_1113 = arith.constant 0 : i32
      %broadcast_in_dim3A_1114 = vector.broadcast %jit3A_1113 : i32 to vector<16xi32>
      %select_n3A_1115 = arith.select %and3A, %add3A_1112, %broadcast_in_dim3A_1114 : vector<16xi1>, vector<16xi32>
      %shift_left3A = arith.constant 12 : i32
      %shift_left3A_1116 = vector.broadcast %shift_left3A : i32 to vector<16xi32>
      %shift_left3A_1117 = arith.shli %min3A_1096, %shift_left3A_1116 : vector<16xi32>
      %shift_left3A_1118 = arith.constant 1 : i32
      %shift_left3A_1119 = vector.broadcast %shift_left3A_1118 : i32 to vector<16xi32>
      %shift_left3A_1120 = arith.shli %select_n3A_1115, %shift_left3A_1119 : vector<16xi32>
      %or3A = arith.ori %shift_left3A_1117, %shift_left3A_1120 : vector<16xi32>
      %jit3A_1121 = arith.constant 1 : i32
      %jit3A_1122 = arith.constant 0 : i32
      %broadcast_in_dim3A_1123 = vector.broadcast %jit3A_1121 : i32 to vector<16xi32>
      %broadcast_in_dim3A_1124 = vector.broadcast %jit3A_1122 : i32 to vector<16xi32>
      %select_n3A_1125 = arith.select %and3A_1104, %broadcast_in_dim3A_1123, %broadcast_in_dim3A_1124 : vector<16xi1>, vector<16xi32>
      %or3A_1126 = arith.ori %or3A, %select_n3A_1125 : vector<16xi32>
      %jit3A_1127 = arith.constant 0 : i32
      %broadcast_in_dim3A_1128 = vector.broadcast %jit3A_1127 : i32 to vector<16xi32>
      %select_n3A_1129 = arith.select %and3A_1104, %or3A_1126, %broadcast_in_dim3A_1128 : vector<16xi1>, vector<16xi32>
      %swap3A_1130 = arith.index_cast %mul3A_790 : i32 to index
      %swap3A_1131 = tpu.vector_load %arg17[%swap3A_1130] {strides = array<i32>} : memref<512xi32, #tpu.memory_space<vmem>>, vector<16xi32>,
      tpu.vector_store %arg17[%swap3A_1130], %select_n3A_1129 {strides = array<i32>} : memref<512xi32, #tpu.memory_space<vmem>>, vector<16xi32>,
      %and3A_1132 = arith.constant 7 : i32
      %and3A_1133 = vector.broadcast %and3A_1132 : i32 to vector<16xi32>
      %and3A_1134 = arith.andi %iota3A, %and3A_1133 : vector<16xi32>
      %shift_right_logical3A = arith.constant 3 : i32
      %shift_right_logical3A_1135 = vector.broadcast %shift_right_logical3A : i32 to vector<16xi32>
      %shift_right_logical3A_1136 = arith.shrui %iota3A, %shift_right_logical3A_1135 : vector<16xi32>
      %add3A_1137 = arith.constant 0 : i32
      %add3A_1138 = arith.addi %mul3A_790, %add3A_1137 : i32
      %add3A_1139 = vector.broadcast %add3A_1138 : i32 to vector<16xi32>
      %add3A_1140 = arith.addi %add3A_1139, %shift_right_logical3A_1136 : vector<16xi32>
      %gather3A_1141 = tpu.vector_load_idx %arg16[%add3A_1140] : memref<512xi32, #tpu.memory_space<vmem>>[vector<16xi32>], vector<16xi32>,
      %mul3A_1142 = arith.constant 8 : i32
      %mul3A_1143 = vector.broadcast %mul3A_1142 : i32 to vector<16xi32>
      %mul3A_1144 = arith.muli %gather3A_1141, %mul3A_1143 : vector<16xi32>
      %add3A_1145 = arith.addi %mul3A_1144, %and3A_1134 : vector<16xi32>
      %mul3A_1146 = arith.constant 8 : i32
      %mul3A_1147 = arith.muli %mul3A_790, %mul3A_1146 : i32
      %add3A_1148 = arith.constant 0 : i32
      %add3A_1149 = arith.addi %mul3A_1147, %add3A_1148 : i32
      %swap3A_1150 = arith.index_cast %add3A_1149 : i32 to index
      %swap3A_1151 = tpu.vector_load %arg18[%swap3A_1150] {strides = array<i32>} : memref<4096xi32, #tpu.memory_space<vmem>>, vector<16xi32>,
      tpu.vector_store %arg18[%swap3A_1150], %add3A_1145 {strides = array<i32>} : memref<4096xi32, #tpu.memory_space<vmem>>, vector<16xi32>,
      %add3A_1152 = arith.constant 2 : i32
      %add3A_1153 = arith.addi %mul3A_790, %add3A_1152 : i32
      %add3A_1154 = vector.broadcast %add3A_1153 : i32 to vector<16xi32>
      %add3A_1155 = arith.addi %add3A_1154, %shift_right_logical3A_1136 : vector<16xi32>
      %gather3A_1156 = tpu.vector_load_idx %arg16[%add3A_1155] : memref<512xi32, #tpu.memory_space<vmem>>[vector<16xi32>], vector<16xi32>,
      %mul3A_1157 = arith.constant 8 : i32
      %mul3A_1158 = vector.broadcast %mul3A_1157 : i32 to vector<16xi32>
      %mul3A_1159 = arith.muli %gather3A_1156, %mul3A_1158 : vector<16xi32>
      %add3A_1160 = arith.addi %mul3A_1159, %and3A_1134 : vector<16xi32>
      %mul3A_1161 = arith.constant 8 : i32
      %mul3A_1162 = arith.muli %mul3A_790, %mul3A_1161 : i32
      %add3A_1163 = arith.constant 16 : i32
      %add3A_1164 = arith.addi %mul3A_1162, %add3A_1163 : i32
      %swap3A_1165 = arith.index_cast %add3A_1164 : i32 to index
      %swap3A_1166 = tpu.vector_load %arg18[%swap3A_1165] {strides = array<i32>} : memref<4096xi32, #tpu.memory_space<vmem>>, vector<16xi32>,
      tpu.vector_store %arg18[%swap3A_1165], %add3A_1160 {strides = array<i32>} : memref<4096xi32, #tpu.memory_space<vmem>>, vector<16xi32>,
      %add3A_1167 = arith.constant 4 : i32
      %add3A_1168 = arith.addi %mul3A_790, %add3A_1167 : i32
      %add3A_1169 = vector.broadcast %add3A_1168 : i32 to vector<16xi32>
      %add3A_1170 = arith.addi %add3A_1169, %shift_right_logical3A_1136 : vector<16xi32>
      %gather3A_1171 = tpu.vector_load_idx %arg16[%add3A_1170] : memref<512xi32, #tpu.memory_space<vmem>>[vector<16xi32>], vector<16xi32>,
      %mul3A_1172 = arith.constant 8 : i32
      %mul3A_1173 = vector.broadcast %mul3A_1172 : i32 to vector<16xi32>
      %mul3A_1174 = arith.muli %gather3A_1171, %mul3A_1173 : vector<16xi32>
      %add3A_1175 = arith.addi %mul3A_1174, %and3A_1134 : vector<16xi32>
      %mul3A_1176 = arith.constant 8 : i32
      %mul3A_1177 = arith.muli %mul3A_790, %mul3A_1176 : i32
      %add3A_1178 = arith.constant 32 : i32
      %add3A_1179 = arith.addi %mul3A_1177, %add3A_1178 : i32
      %swap3A_1180 = arith.index_cast %add3A_1179 : i32 to index
      %swap3A_1181 = tpu.vector_load %arg18[%swap3A_1180] {strides = array<i32>} : memref<4096xi32, #tpu.memory_space<vmem>>, vector<16xi32>,
      tpu.vector_store %arg18[%swap3A_1180], %add3A_1175 {strides = array<i32>} : memref<4096xi32, #tpu.memory_space<vmem>>, vector<16xi32>,
      %add3A_1182 = arith.constant 6 : i32
      %add3A_1183 = arith.addi %mul3A_790, %add3A_1182 : i32
      %add3A_1184 = vector.broadcast %add3A_1183 : i32 to vector<16xi32>
      %add3A_1185 = arith.addi %add3A_1184, %shift_right_logical3A_1136 : vector<16xi32>
      %gather3A_1186 = tpu.vector_load_idx %arg16[%add3A_1185] : memref<512xi32, #tpu.memory_space<vmem>>[vector<16xi32>], vector<16xi32>,
      %mul3A_1187 = arith.constant 8 : i32
      %mul3A_1188 = vector.broadcast %mul3A_1187 : i32 to vector<16xi32>
      %mul3A_1189 = arith.muli %gather3A_1186, %mul3A_1188 : vector<16xi32>
      %add3A_1190 = arith.addi %mul3A_1189, %and3A_1134 : vector<16xi32>
      %mul3A_1191 = arith.constant 8 : i32
      %mul3A_1192 = arith.muli %mul3A_790, %mul3A_1191 : i32
      %add3A_1193 = arith.constant 48 : i32
      %add3A_1194 = arith.addi %mul3A_1192, %add3A_1193 : i32
      %swap3A_1195 = arith.index_cast %add3A_1194 : i32 to index
      %swap3A_1196 = tpu.vector_load %arg18[%swap3A_1195] {strides = array<i32>} : memref<4096xi32, #tpu.memory_space<vmem>>, vector<16xi32>,
      tpu.vector_store %arg18[%swap3A_1195], %add3A_1190 {strides = array<i32>} : memref<4096xi32, #tpu.memory_space<vmem>>, vector<16xi32>,
      %add3A_1197 = arith.constant 8 : i32
      %add3A_1198 = arith.addi %mul3A_790, %add3A_1197 : i32
      %add3A_1199 = vector.broadcast %add3A_1198 : i32 to vector<16xi32>
      %add3A_1200 = arith.addi %add3A_1199, %shift_right_logical3A_1136 : vector<16xi32>
      %gather3A_1201 = tpu.vector_load_idx %arg16[%add3A_1200] : memref<512xi32, #tpu.memory_space<vmem>>[vector<16xi32>], vector<16xi32>,
      %mul3A_1202 = arith.constant 8 : i32
      %mul3A_1203 = vector.broadcast %mul3A_1202 : i32 to vector<16xi32>
      %mul3A_1204 = arith.muli %gather3A_1201, %mul3A_1203 : vector<16xi32>
      %add3A_1205 = arith.addi %mul3A_1204, %and3A_1134 : vector<16xi32>
      %mul3A_1206 = arith.constant 8 : i32
      %mul3A_1207 = arith.muli %mul3A_790, %mul3A_1206 : i32
      %add3A_1208 = arith.constant 64 : i32
      %add3A_1209 = arith.addi %mul3A_1207, %add3A_1208 : i32
      %swap3A_1210 = arith.index_cast %add3A_1209 : i32 to index
      %swap3A_1211 = tpu.vector_load %arg18[%swap3A_1210] {strides = array<i32>} : memref<4096xi32, #tpu.memory_space<vmem>>, vector<16xi32>,
      tpu.vector_store %arg18[%swap3A_1210], %add3A_1205 {strides = array<i32>} : memref<4096xi32, #tpu.memory_space<vmem>>, vector<16xi32>,
      %add3A_1212 = arith.constant 10 : i32
      %add3A_1213 = arith.addi %mul3A_790, %add3A_1212 : i32
      %add3A_1214 = vector.broadcast %add3A_1213 : i32 to vector<16xi32>
      %add3A_1215 = arith.addi %add3A_1214, %shift_right_logical3A_1136 : vector<16xi32>
      %gather3A_1216 = tpu.vector_load_idx %arg16[%add3A_1215] : memref<512xi32, #tpu.memory_space<vmem>>[vector<16xi32>], vector<16xi32>,
      %mul3A_1217 = arith.constant 8 : i32
      %mul3A_1218 = vector.broadcast %mul3A_1217 : i32 to vector<16xi32>
      %mul3A_1219 = arith.muli %gather3A_1216, %mul3A_1218 : vector<16xi32>
      %add3A_1220 = arith.addi %mul3A_1219, %and3A_1134 : vector<16xi32>
      %mul3A_1221 = arith.constant 8 : i32
      %mul3A_1222 = arith.muli %mul3A_790, %mul3A_1221 : i32
      %add3A_1223 = arith.constant 80 : i32
      %add3A_1224 = arith.addi %mul3A_1222, %add3A_1223 : i32
      %swap3A_1225 = arith.index_cast %add3A_1224 : i32 to index
      %swap3A_1226 = tpu.vector_load %arg18[%swap3A_1225] {strides = array<i32>} : memref<4096xi32, #tpu.memory_space<vmem>>, vector<16xi32>,
      tpu.vector_store %arg18[%swap3A_1225], %add3A_1220 {strides = array<i32>} : memref<4096xi32, #tpu.memory_space<vmem>>, vector<16xi32>,
      %add3A_1227 = arith.constant 12 : i32
      %add3A_1228 = arith.addi %mul3A_790, %add3A_1227 : i32
      %add3A_1229 = vector.broadcast %add3A_1228 : i32 to vector<16xi32>
      %add3A_1230 = arith.addi %add3A_1229, %shift_right_logical3A_1136 : vector<16xi32>
      %gather3A_1231 = tpu.vector_load_idx %arg16[%add3A_1230] : memref<512xi32, #tpu.memory_space<vmem>>[vector<16xi32>], vector<16xi32>,
      %mul3A_1232 = arith.constant 8 : i32
      %mul3A_1233 = vector.broadcast %mul3A_1232 : i32 to vector<16xi32>
      %mul3A_1234 = arith.muli %gather3A_1231, %mul3A_1233 : vector<16xi32>
      %add3A_1235 = arith.addi %mul3A_1234, %and3A_1134 : vector<16xi32>
      %mul3A_1236 = arith.constant 8 : i32
      %mul3A_1237 = arith.muli %mul3A_790, %mul3A_1236 : i32
      %add3A_1238 = arith.constant 96 : i32
      %add3A_1239 = arith.addi %mul3A_1237, %add3A_1238 : i32
      %swap3A_1240 = arith.index_cast %add3A_1239 : i32 to index
      %swap3A_1241 = tpu.vector_load %arg18[%swap3A_1240] {strides = array<i32>} : memref<4096xi32, #tpu.memory_space<vmem>>, vector<16xi32>,
      tpu.vector_store %arg18[%swap3A_1240], %add3A_1235 {strides = array<i32>} : memref<4096xi32, #tpu.memory_space<vmem>>, vector<16xi32>,
      %add3A_1242 = arith.constant 14 : i32
      %add3A_1243 = arith.addi %mul3A_790, %add3A_1242 : i32
      %add3A_1244 = vector.broadcast %add3A_1243 : i32 to vector<16xi32>
      %add3A_1245 = arith.addi %add3A_1244, %shift_right_logical3A_1136 : vector<16xi32>
      %gather3A_1246 = tpu.vector_load_idx %arg16[%add3A_1245] : memref<512xi32, #tpu.memory_space<vmem>>[vector<16xi32>], vector<16xi32>,
      %mul3A_1247 = arith.constant 8 : i32
      %mul3A_1248 = vector.broadcast %mul3A_1247 : i32 to vector<16xi32>
      %mul3A_1249 = arith.muli %gather3A_1246, %mul3A_1248 : vector<16xi32>
      %add3A_1250 = arith.addi %mul3A_1249, %and3A_1134 : vector<16xi32>
      %mul3A_1251 = arith.constant 8 : i32
      %mul3A_1252 = arith.muli %mul3A_790, %mul3A_1251 : i32
      %add3A_1253 = arith.constant 112 : i32
      %add3A_1254 = arith.addi %mul3A_1252, %add3A_1253 : i32
      %swap3A_1255 = arith.index_cast %add3A_1254 : i32 to index
      %swap3A_1256 = tpu.vector_load %arg18[%swap3A_1255] {strides = array<i32>} : memref<4096xi32, #tpu.memory_space<vmem>>, vector<16xi32>,
      tpu.vector_store %arg18[%swap3A_1255], %add3A_1250 {strides = array<i32>} : memref<4096xi32, #tpu.memory_space<vmem>>, vector<16xi32>,
    }
    %scan3A_17 = arith.constant 32 : i32
    %dma_start3A = arith.constant 0 : i32
    %dma_start3A_18 = tpu.memref_slice %arg18[%dma_start3A] : memref<4096xi32, #tpu.memory_space<vmem>> -> memref<128xi32, #tpu.memory_space<vmem>>
    %dma_start3A_19 = arith.constant 0 : i32
    %dma_start3A_20 = arith.constant 0 : i32
    %dma_start3A_21 = tpu.memref_slice %arg5[%dma_start3A_19, %dma_start3A_20] : memref<6464x128xf32, #tpu.memory_space<hbm>> -> memref<6464x128xf32, #tpu.memory_space<hbm>>
    tpu.enqueue_indirect_dma source(%dma_start3A_21 : memref<6464x128xf32, #tpu.memory_space<hbm>>) target(%arg19 : memref<128x128xf32, #tpu.memory_space<vmem>>) offsets(%dma_start3A_18 : memref<128xi32, #tpu.memory_space<vmem>>) semaphore(%arg27 : memref<!tpu.dma_semaphore, #tpu.memory_space<semaphore_mem>>)
    %dma_start3A_22 = arith.constant 128 : i32
    %dma_start3A_23 = tpu.memref_slice %arg18[%dma_start3A_22] : memref<4096xi32, #tpu.memory_space<vmem>> -> memref<128xi32, #tpu.memory_space<vmem>>
    %dma_start3A_24 = arith.constant 0 : i32
    %dma_start3A_25 = arith.constant 0 : i32
    %dma_start3A_26 = tpu.memref_slice %arg5[%dma_start3A_24, %dma_start3A_25] : memref<6464x128xf32, #tpu.memory_space<hbm>> -> memref<6464x128xf32, #tpu.memory_space<hbm>>
    tpu.enqueue_indirect_dma source(%dma_start3A_26 : memref<6464x128xf32, #tpu.memory_space<hbm>>) target(%arg20 : memref<128x128xf32, #tpu.memory_space<vmem>>) offsets(%dma_start3A_23 : memref<128xi32, #tpu.memory_space<vmem>>) semaphore(%arg28 : memref<!tpu.dma_semaphore, #tpu.memory_space<semaphore_mem>>)
    %dma_wait3A = arith.constant 0 : i32
    %dma_wait3A_27 = tpu.memref_slice %arg18[%dma_wait3A] : memref<4096xi32, #tpu.memory_space<vmem>> -> memref<128xi32, #tpu.memory_space<vmem>>
    %dma_wait3A_28 = arith.constant 0 : i32
    %dma_wait3A_29 = arith.constant 0 : i32
    %dma_wait3A_30 = tpu.memref_slice %arg5[%dma_wait3A_28, %dma_wait3A_29] : memref<6464x128xf32, #tpu.memory_space<hbm>> -> memref<6464x128xf32, #tpu.memory_space<hbm>>
    tpu.wait_indirect_dma semaphore(%arg27 : memref<!tpu.dma_semaphore, #tpu.memory_space<semaphore_mem>>) src(%dma_wait3A_30 : memref<6464x128xf32, #tpu.memory_space<hbm>>) dst(%arg19 : memref<128x128xf32, #tpu.memory_space<vmem>>)
    %dma_start3A_31 = arith.constant 256 : i32
    %dma_start3A_32 = tpu.memref_slice %arg18[%dma_start3A_31] : memref<4096xi32, #tpu.memory_space<vmem>> -> memref<128xi32, #tpu.memory_space<vmem>>
    %dma_start3A_33 = arith.constant 0 : i32
    %dma_start3A_34 = arith.constant 0 : i32
    %dma_start3A_35 = tpu.memref_slice %arg5[%dma_start3A_33, %dma_start3A_34] : memref<6464x128xf32, #tpu.memory_space<hbm>> -> memref<6464x128xf32, #tpu.memory_space<hbm>>
    tpu.enqueue_indirect_dma source(%dma_start3A_35 : memref<6464x128xf32, #tpu.memory_space<hbm>>) target(%arg21 : memref<128x128xf32, #tpu.memory_space<vmem>>) offsets(%dma_start3A_32 : memref<128xi32, #tpu.memory_space<vmem>>) semaphore(%arg29 : memref<!tpu.dma_semaphore, #tpu.memory_space<semaphore_mem>>)
    %add3A_36 = arith.constant 0 : i32
    %add3A_37 = arith.addi %mul3A_2, %add3A_36 : i32
    %mul3A_38 = arith.constant 8 : i32
    %mul3A_39 = arith.muli %add3A_37, %mul3A_38 : i32
    %multiple_of3A = tpu.assume_multiple %mul3A_39, 8 : i32
    %dma_start3A_40 = arith.constant 0 : i32
    %dma_start3A_41 = tpu.memref_slice %arg12[%multiple_of3A, %dma_start3A_40] : memref<131072x128xf32, #tpu.memory_space<hbm>> -> memref<128x128xf32, #tpu.memory_space<hbm>>
    %dma_start3A_42 = arith.constant 0 : i32
    %dma_start3A_43 = tpu.memref_slice %arg12[%multiple_of3A, %dma_start3A_42] : memref<131072x128xf32, #tpu.memory_space<hbm>> -> memref<128x128xf32, #tpu.memory_space<hbm>>
    tpu.enqueue_dma source(%arg19 : memref<128x128xf32, #tpu.memory_space<vmem>>) target(%dma_start3A_43 : memref<128x128xf32, #tpu.memory_space<hbm>>) target_semaphore(%arg30 : memref<!tpu.dma_semaphore, #tpu.memory_space<semaphore_mem>>)
    %dma_wait3A_44 = arith.constant 128 : i32
    %dma_wait3A_45 = tpu.memref_slice %arg18[%dma_wait3A_44] : memref<4096xi32, #tpu.memory_space<vmem>> -> memref<128xi32, #tpu.memory_space<vmem>>
    %dma_wait3A_46 = arith.constant 0 : i32
    %dma_wait3A_47 = arith.constant 0 : i32
    %dma_wait3A_48 = tpu.memref_slice %arg5[%dma_wait3A_46, %dma_wait3A_47] : memref<6464x128xf32, #tpu.memory_space<hbm>> -> memref<6464x128xf32, #tpu.memory_space<hbm>>
    tpu.wait_indirect_dma semaphore(%arg28 : memref<!tpu.dma_semaphore, #tpu.memory_space<semaphore_mem>>) src(%dma_wait3A_48 : memref<6464x128xf32, #tpu.memory_space<hbm>>) dst(%arg20 : memref<128x128xf32, #tpu.memory_space<vmem>>)
    %dma_wait3A_49 = arith.constant 0 : i32
    %dma_wait3A_50 = tpu.memref_slice %arg12[%multiple_of3A, %dma_wait3A_49] : memref<131072x128xf32, #tpu.memory_space<hbm>> -> memref<128x128xf32, #tpu.memory_space<hbm>>
    %dma_wait3A_51 = arith.constant 0 : i32
    %dma_wait3A_52 = tpu.memref_slice %arg12[%multiple_of3A, %dma_wait3A_51] : memref<131072x128xf32, #tpu.memory_space<hbm>> -> memref<128x128xf32, #tpu.memory_space<hbm>>
    tpu.wait_dma2 semaphore(%arg30 : memref<!tpu.dma_semaphore, #tpu.memory_space<semaphore_mem>>) src(%arg19 : memref<128x128xf32, #tpu.memory_space<vmem>>) dst(%dma_wait3A_52 : memref<128x128xf32, #tpu.memory_space<hbm>>)
    %dma_start3A_53 = arith.constant 384 : i32
    %dma_start3A_54 = tpu.memref_slice %arg18[%dma_start3A_53] : memref<4096xi32, #tpu.memory_space<vmem>> -> memref<128xi32, #tpu.memory_space<vmem>>
    %dma_start3A_55 = arith.constant 0 : i32
    %dma_start3A_56 = arith.constant 0 : i32
    %dma_start3A_57 = tpu.memref_slice %arg5[%dma_start3A_55, %dma_start3A_56] : memref<6464x128xf32, #tpu.memory_space<hbm>> -> memref<6464x128xf32, #tpu.memory_space<hbm>>
    tpu.enqueue_indirect_dma source(%dma_start3A_57 : memref<6464x128xf32, #tpu.memory_space<hbm>>) target(%arg19 : memref<128x128xf32, #tpu.memory_space<vmem>>) offsets(%dma_start3A_54 : memref<128xi32, #tpu.memory_space<vmem>>) semaphore(%arg27 : memref<!tpu.dma_semaphore, #tpu.memory_space<semaphore_mem>>)
    %add3A_58 = arith.constant 16 : i32
    %add3A_59 = arith.addi %mul3A_2, %add3A_58 : i32
    %mul3A_60 = arith.constant 8 : i32
    %mul3A_61 = arith.muli %add3A_59, %mul3A_60 : i32
    %multiple_of3A_62 = tpu.assume_multiple %mul3A_61, 8 : i32
    %dma_start3A_63 = arith.constant 0 : i32
    %dma_start3A_64 = tpu.memref_slice %arg12[%multiple_of3A_62, %dma_start3A_63] : memref<131072x128xf32, #tpu.memory_space<hbm>> -> memref<128x128xf32, #tpu.memory_space<hbm>>
    %dma_start3A_65 = arith.constant 0 : i32
    %dma_start3A_66 = tpu.memref_slice %arg12[%multiple_of3A_62, %dma_start3A_65] : memref<131072x128xf32, #tpu.memory_space<hbm>> -> memref<128x128xf32, #tpu.memory_space<hbm>>
    tpu.enqueue_dma source(%arg20 : memref<128x128xf32, #tpu.memory_space<vmem>>) target(%dma_start3A_66 : memref<128x128xf32, #tpu.memory_space<hbm>>) target_semaphore(%arg31 : memref<!tpu.dma_semaphore, #tpu.memory_space<semaphore_mem>>)
    %dma_wait3A_67 = arith.constant 256 : i32
    %dma_wait3A_68 = tpu.memref_slice %arg18[%dma_wait3A_67] : memref<4096xi32, #tpu.memory_space<vmem>> -> memref<128xi32, #tpu.memory_space<vmem>>
    %dma_wait3A_69 = arith.constant 0 : i32
    %dma_wait3A_70 = arith.constant 0 : i32
    %dma_wait3A_71 = tpu.memref_slice %arg5[%dma_wait3A_69, %dma_wait3A_70] : memref<6464x128xf32, #tpu.memory_space<hbm>> -> memref<6464x128xf32, #tpu.memory_space<hbm>>
    tpu.wait_indirect_dma semaphore(%arg29 : memref<!tpu.dma_semaphore, #tpu.memory_space<semaphore_mem>>) src(%dma_wait3A_71 : memref<6464x128xf32, #tpu.memory_space<hbm>>) dst(%arg21 : memref<128x128xf32, #tpu.memory_space<vmem>>)
    %dma_wait3A_72 = arith.constant 0 : i32
    %dma_wait3A_73 = tpu.memref_slice %arg12[%multiple_of3A_62, %dma_wait3A_72] : memref<131072x128xf32, #tpu.memory_space<hbm>> -> memref<128x128xf32, #tpu.memory_space<hbm>>
    %dma_wait3A_74 = arith.constant 0 : i32
    %dma_wait3A_75 = tpu.memref_slice %arg12[%multiple_of3A_62, %dma_wait3A_74] : memref<131072x128xf32, #tpu.memory_space<hbm>> -> memref<128x128xf32, #tpu.memory_space<hbm>>
    tpu.wait_dma2 semaphore(%arg31 : memref<!tpu.dma_semaphore, #tpu.memory_space<semaphore_mem>>) src(%arg20 : memref<128x128xf32, #tpu.memory_space<vmem>>) dst(%dma_wait3A_75 : memref<128x128xf32, #tpu.memory_space<hbm>>)
    %dma_start3A_76 = arith.constant 512 : i32
    %dma_start3A_77 = tpu.memref_slice %arg18[%dma_start3A_76] : memref<4096xi32, #tpu.memory_space<vmem>> -> memref<128xi32, #tpu.memory_space<vmem>>
    %dma_start3A_78 = arith.constant 0 : i32
    %dma_start3A_79 = arith.constant 0 : i32
    %dma_start3A_80 = tpu.memref_slice %arg5[%dma_start3A_78, %dma_start3A_79] : memref<6464x128xf32, #tpu.memory_space<hbm>> -> memref<6464x128xf32, #tpu.memory_space<hbm>>
    tpu.enqueue_indirect_dma source(%dma_start3A_80 : memref<6464x128xf32, #tpu.memory_space<hbm>>) target(%arg20 : memref<128x128xf32, #tpu.memory_space<vmem>>) offsets(%dma_start3A_77 : memref<128xi32, #tpu.memory_space<vmem>>) semaphore(%arg28 : memref<!tpu.dma_semaphore, #tpu.memory_space<semaphore_mem>>)
    %add3A_81 = arith.constant 32 : i32
    %add3A_82 = arith.addi %mul3A_2, %add3A_81 : i32
    %mul3A_83 = arith.constant 8 : i32
    %mul3A_84 = arith.muli %add3A_82, %mul3A_83 : i32
    %multiple_of3A_85 = tpu.assume_multiple %mul3A_84, 8 : i32
    %dma_start3A_86 = arith.constant 0 : i32
    %dma_start3A_87 = tpu.memref_slice %arg12[%multiple_of3A_85, %dma_start3A_86] : memref<131072x128xf32, #tpu.memory_space<hbm>> -> memref<128x128xf32, #tpu.memory_space<hbm>>
    %dma_start3A_88 = arith.constant 0 : i32
    %dma_start3A_89 = tpu.memref_slice %arg12[%multiple_of3A_85, %dma_start3A_88] : memref<131072x128xf32, #tpu.memory_space<hbm>> -> memref<128x128xf32, #tpu.memory_space<hbm>>
    tpu.enqueue_dma source(%arg21 : memref<128x128xf32, #tpu.memory_space<vmem>>) target(%dma_start3A_89 : memref<128x128xf32, #tpu.memory_space<hbm>>) target_semaphore(%arg32 : memref<!tpu.dma_semaphore, #tpu.memory_space<semaphore_mem>>)
    %dma_wait3A_90 = arith.constant 384 : i32
    %dma_wait3A_91 = tpu.memref_slice %arg18[%dma_wait3A_90] : memref<4096xi32, #tpu.memory_space<vmem>> -> memref<128xi32, #tpu.memory_space<vmem>>
    %dma_wait3A_92 = arith.constant 0 : i32
    %dma_wait3A_93 = arith.constant 0 : i32
    %dma_wait3A_94 = tpu.memref_slice %arg5[%dma_wait3A_92, %dma_wait3A_93] : memref<6464x128xf32, #tpu.memory_space<hbm>> -> memref<6464x128xf32, #tpu.memory_space<hbm>>
    tpu.wait_indirect_dma semaphore(%arg27 : memref<!tpu.dma_semaphore, #tpu.memory_space<semaphore_mem>>) src(%dma_wait3A_94 : memref<6464x128xf32, #tpu.memory_space<hbm>>) dst(%arg19 : memref<128x128xf32, #tpu.memory_space<vmem>>)
    %dma_wait3A_95 = arith.constant 0 : i32
    %dma_wait3A_96 = tpu.memref_slice %arg12[%multiple_of3A_85, %dma_wait3A_95] : memref<131072x128xf32, #tpu.memory_space<hbm>> -> memref<128x128xf32, #tpu.memory_space<hbm>>
    %dma_wait3A_97 = arith.constant 0 : i32
    %dma_wait3A_98 = tpu.memref_slice %arg12[%multiple_of3A_85, %dma_wait3A_97] : memref<131072x128xf32, #tpu.memory_space<hbm>> -> memref<128x128xf32, #tpu.memory_space<hbm>>
    tpu.wait_dma2 semaphore(%arg32 : memref<!tpu.dma_semaphore, #tpu.memory_space<semaphore_mem>>) src(%arg21 : memref<128x128xf32, #tpu.memory_space<vmem>>) dst(%dma_wait3A_98 : memref<128x128xf32, #tpu.memory_space<hbm>>)
    %dma_start3A_99 = arith.constant 640 : i32
    %dma_start3A_100 = tpu.memref_slice %arg18[%dma_start3A_99] : memref<4096xi32, #tpu.memory_space<vmem>> -> memref<128xi32, #tpu.memory_space<vmem>>
    %dma_start3A_101 = arith.constant 0 : i32
    %dma_start3A_102 = arith.constant 0 : i32
    %dma_start3A_103 = tpu.memref_slice %arg5[%dma_start3A_101, %dma_start3A_102] : memref<6464x128xf32, #tpu.memory_space<hbm>> -> memref<6464x128xf32, #tpu.memory_space<hbm>>
    tpu.enqueue_indirect_dma source(%dma_start3A_103 : memref<6464x128xf32, #tpu.memory_space<hbm>>) target(%arg21 : memref<128x128xf32, #tpu.memory_space<vmem>>) offsets(%dma_start3A_100 : memref<128xi32, #tpu.memory_space<vmem>>) semaphore(%arg29 : memref<!tpu.dma_semaphore, #tpu.memory_space<semaphore_mem>>)
    %add3A_104 = arith.constant 48 : i32
    %add3A_105 = arith.addi %mul3A_2, %add3A_104 : i32
    %mul3A_106 = arith.constant 8 : i32
    %mul3A_107 = arith.muli %add3A_105, %mul3A_106 : i32
    %multiple_of3A_108 = tpu.assume_multiple %mul3A_107, 8 : i32
    %dma_start3A_109 = arith.constant 0 : i32
    %dma_start3A_110 = tpu.memref_slice %arg12[%multiple_of3A_108, %dma_start3A_109] : memref<131072x128xf32, #tpu.memory_space<hbm>> -> memref<128x128xf32, #tpu.memory_space<hbm>>
    %dma_start3A_111 = arith.constant 0 : i32
    %dma_start3A_112 = tpu.memref_slice %arg12[%multiple_of3A_108, %dma_start3A_111] : memref<131072x128xf32, #tpu.memory_space<hbm>> -> memref<128x128xf32, #tpu.memory_space<hbm>>
    tpu.enqueue_dma source(%arg19 : memref<128x128xf32, #tpu.memory_space<vmem>>) target(%dma_start3A_112 : memref<128x128xf32, #tpu.memory_space<hbm>>) target_semaphore(%arg30 : memref<!tpu.dma_semaphore, #tpu.memory_space<semaphore_mem>>)
    %dma_wait3A_113 = arith.constant 512 : i32
    %dma_wait3A_114 = tpu.memref_slice %arg18[%dma_wait3A_113] : memref<4096xi32, #tpu.memory_space<vmem>> -> memref<128xi32, #tpu.memory_space<vmem>>
    %dma_wait3A_115 = arith.constant 0 : i32
    %dma_wait3A_116 = arith.constant 0 : i32
    %dma_wait3A_117 = tpu.memref_slice %arg5[%dma_wait3A_115, %dma_wait3A_116] : memref<6464x128xf32, #tpu.memory_space<hbm>> -> memref<6464x128xf32, #tpu.memory_space<hbm>>
    tpu.wait_indirect_dma semaphore(%arg28 : memref<!tpu.dma_semaphore, #tpu.memory_space<semaphore_mem>>) src(%dma_wait3A_117 : memref<6464x128xf32, #tpu.memory_space<hbm>>) dst(%arg20 : memref<128x128xf32, #tpu.memory_space<vmem>>)
    %dma_wait3A_118 = arith.constant 0 : i32
    %dma_wait3A_119 = tpu.memref_slice %arg12[%multiple_of3A_108, %dma_wait3A_118] : memref<131072x128xf32, #tpu.memory_space<hbm>> -> memref<128x128xf32, #tpu.memory_space<hbm>>
    %dma_wait3A_120 = arith.constant 0 : i32
    %dma_wait3A_121 = tpu.memref_slice %arg12[%multiple_of3A_108, %dma_wait3A_120] : memref<131072x128xf32, #tpu.memory_space<hbm>> -> memref<128x128xf32, #tpu.memory_space<hbm>>
    tpu.wait_dma2 semaphore(%arg30 : memref<!tpu.dma_semaphore, #tpu.memory_space<semaphore_mem>>) src(%arg19 : memref<128x128xf32, #tpu.memory_space<vmem>>) dst(%dma_wait3A_121 : memref<128x128xf32, #tpu.memory_space<hbm>>)
    %dma_start3A_122 = arith.constant 768 : i32
    %dma_start3A_123 = tpu.memref_slice %arg18[%dma_start3A_122] : memref<4096xi32, #tpu.memory_space<vmem>> -> memref<128xi32, #tpu.memory_space<vmem>>
    %dma_start3A_124 = arith.constant 0 : i32
    %dma_start3A_125 = arith.constant 0 : i32
    %dma_start3A_126 = tpu.memref_slice %arg5[%dma_start3A_124, %dma_start3A_125] : memref<6464x128xf32, #tpu.memory_space<hbm>> -> memref<6464x128xf32, #tpu.memory_space<hbm>>
    tpu.enqueue_indirect_dma source(%dma_start3A_126 : memref<6464x128xf32, #tpu.memory_space<hbm>>) target(%arg19 : memref<128x128xf32, #tpu.memory_space<vmem>>) offsets(%dma_start3A_123 : memref<128xi32, #tpu.memory_space<vmem>>) semaphore(%arg27 : memref<!tpu.dma_semaphore, #tpu.memory_space<semaphore_mem>>)
    %add3A_127 = arith.constant 64 : i32
    %add3A_128 = arith.addi %mul3A_2, %add3A_127 : i32
    %mul3A_129 = arith.constant 8 : i32
    %mul3A_130 = arith.muli %add3A_128, %mul3A_129 : i32
    %multiple_of3A_131 = tpu.assume_multiple %mul3A_130, 8 : i32
    %dma_start3A_132 = arith.constant 0 : i32
    %dma_start3A_133 = tpu.memref_slice %arg12[%multiple_of3A_131, %dma_start3A_132] : memref<131072x128xf32, #tpu.memory_space<hbm>> -> memref<128x128xf32, #tpu.memory_space<hbm>>
    %dma_start3A_134 = arith.constant 0 : i32
    %dma_start3A_135 = tpu.memref_slice %arg12[%multiple_of3A_131, %dma_start3A_134] : memref<131072x128xf32, #tpu.memory_space<hbm>> -> memref<128x128xf32, #tpu.memory_space<hbm>>
    tpu.enqueue_dma source(%arg20 : memref<128x128xf32, #tpu.memory_space<vmem>>) target(%dma_start3A_135 : memref<128x128xf32, #tpu.memory_space<hbm>>) target_semaphore(%arg31 : memref<!tpu.dma_semaphore, #tpu.memory_space<semaphore_mem>>)
    %dma_wait3A_136 = arith.constant 640 : i32
    %dma_wait3A_137 = tpu.memref_slice %arg18[%dma_wait3A_136] : memref<4096xi32, #tpu.memory_space<vmem>> -> memref<128xi32, #tpu.memory_space<vmem>>
    %dma_wait3A_138 = arith.constant 0 : i32
    %dma_wait3A_139 = arith.constant 0 : i32
    %dma_wait3A_140 = tpu.memref_slice %arg5[%dma_wait3A_138, %dma_wait3A_139] : memref<6464x128xf32, #tpu.memory_space<hbm>> -> memref<6464x128xf32, #tpu.memory_space<hbm>>
    tpu.wait_indirect_dma semaphore(%arg29 : memref<!tpu.dma_semaphore, #tpu.memory_space<semaphore_mem>>) src(%dma_wait3A_140 : memref<6464x128xf32, #tpu.memory_space<hbm>>) dst(%arg21 : memref<128x128xf32, #tpu.memory_space<vmem>>)
    %dma_wait3A_141 = arith.constant 0 : i32
    %dma_wait3A_142 = tpu.memref_slice %arg12[%multiple_of3A_131, %dma_wait3A_141] : memref<131072x128xf32, #tpu.memory_space<hbm>> -> memref<128x128xf32, #tpu.memory_space<hbm>>
    %dma_wait3A_143 = arith.constant 0 : i32
    %dma_wait3A_144 = tpu.memref_slice %arg12[%multiple_of3A_131, %dma_wait3A_143] : memref<131072x128xf32, #tpu.memory_space<hbm>> -> memref<128x128xf32, #tpu.memory_space<hbm>>
    tpu.wait_dma2 semaphore(%arg31 : memref<!tpu.dma_semaphore, #tpu.memory_space<semaphore_mem>>) src(%arg20 : memref<128x128xf32, #tpu.memory_space<vmem>>) dst(%dma_wait3A_144 : memref<128x128xf32, #tpu.memory_space<hbm>>)
    %dma_start3A_145 = arith.constant 896 : i32
    %dma_start3A_146 = tpu.memref_slice %arg18[%dma_start3A_145] : memref<4096xi32, #tpu.memory_space<vmem>> -> memref<128xi32, #tpu.memory_space<vmem>>
    %dma_start3A_147 = arith.constant 0 : i32
    %dma_start3A_148 = arith.constant 0 : i32
    %dma_start3A_149 = tpu.memref_slice %arg5[%dma_start3A_147, %dma_start3A_148] : memref<6464x128xf32, #tpu.memory_space<hbm>> -> memref<6464x128xf32, #tpu.memory_space<hbm>>
    tpu.enqueue_indirect_dma source(%dma_start3A_149 : memref<6464x128xf32, #tpu.memory_space<hbm>>) target(%arg20 : memref<128x128xf32, #tpu.memory_space<vmem>>) offsets(%dma_start3A_146 : memref<128xi32, #tpu.memory_space<vmem>>) semaphore(%arg28 : memref<!tpu.dma_semaphore, #tpu.memory_space<semaphore_mem>>)
    %add3A_150 = arith.constant 80 : i32
    %add3A_151 = arith.addi %mul3A_2, %add3A_150 : i32
    %mul3A_152 = arith.constant 8 : i32
    %mul3A_153 = arith.muli %add3A_151, %mul3A_152 : i32
    %multiple_of3A_154 = tpu.assume_multiple %mul3A_153, 8 : i32
    %dma_start3A_155 = arith.constant 0 : i32
    %dma_start3A_156 = tpu.memref_slice %arg12[%multiple_of3A_154, %dma_start3A_155] : memref<131072x128xf32, #tpu.memory_space<hbm>> -> memref<128x128xf32, #tpu.memory_space<hbm>>
    %dma_start3A_157 = arith.constant 0 : i32
    %dma_start3A_158 = tpu.memref_slice %arg12[%multiple_of3A_154, %dma_start3A_157] : memref<131072x128xf32, #tpu.memory_space<hbm>> -> memref<128x128xf32, #tpu.memory_space<hbm>>
    tpu.enqueue_dma source(%arg21 : memref<128x128xf32, #tpu.memory_space<vmem>>) target(%dma_start3A_158 : memref<128x128xf32, #tpu.memory_space<hbm>>) target_semaphore(%arg32 : memref<!tpu.dma_semaphore, #tpu.memory_space<semaphore_mem>>)
    %dma_wait3A_159 = arith.constant 768 : i32
    %dma_wait3A_160 = tpu.memref_slice %arg18[%dma_wait3A_159] : memref<4096xi32, #tpu.memory_space<vmem>> -> memref<128xi32, #tpu.memory_space<vmem>>
    %dma_wait3A_161 = arith.constant 0 : i32
    %dma_wait3A_162 = arith.constant 0 : i32
    %dma_wait3A_163 = tpu.memref_slice %arg5[%dma_wait3A_161, %dma_wait3A_162] : memref<6464x128xf32, #tpu.memory_space<hbm>> -> memref<6464x128xf32, #tpu.memory_space<hbm>>
    tpu.wait_indirect_dma semaphore(%arg27 : memref<!tpu.dma_semaphore, #tpu.memory_space<semaphore_mem>>) src(%dma_wait3A_163 : memref<6464x128xf32, #tpu.memory_space<hbm>>) dst(%arg19 : memref<128x128xf32, #tpu.memory_space<vmem>>)
    %dma_wait3A_164 = arith.constant 0 : i32
    %dma_wait3A_165 = tpu.memref_slice %arg12[%multiple_of3A_154, %dma_wait3A_164] : memref<131072x128xf32, #tpu.memory_space<hbm>> -> memref<128x128xf32, #tpu.memory_space<hbm>>
    %dma_wait3A_166 = arith.constant 0 : i32
    %dma_wait3A_167 = tpu.memref_slice %arg12[%multiple_of3A_154, %dma_wait3A_166] : memref<131072x128xf32, #tpu.memory_space<hbm>> -> memref<128x128xf32, #tpu.memory_space<hbm>>
    tpu.wait_dma2 semaphore(%arg32 : memref<!tpu.dma_semaphore, #tpu.memory_space<semaphore_mem>>) src(%arg21 : memref<128x128xf32, #tpu.memory_space<vmem>>) dst(%dma_wait3A_167 : memref<128x128xf32, #tpu.memory_space<hbm>>)
    %dma_start3A_168 = arith.constant 1024 : i32
    %dma_start3A_169 = tpu.memref_slice %arg18[%dma_start3A_168] : memref<4096xi32, #tpu.memory_space<vmem>> -> memref<128xi32, #tpu.memory_space<vmem>>
    %dma_start3A_170 = arith.constant 0 : i32
    %dma_start3A_171 = arith.constant 0 : i32
    %dma_start3A_172 = tpu.memref_slice %arg5[%dma_start3A_170, %dma_start3A_171] : memref<6464x128xf32, #tpu.memory_space<hbm>> -> memref<6464x128xf32, #tpu.memory_space<hbm>>
    tpu.enqueue_indirect_dma source(%dma_start3A_172 : memref<6464x128xf32, #tpu.memory_space<hbm>>) target(%arg21 : memref<128x128xf32, #tpu.memory_space<vmem>>) offsets(%dma_start3A_169 : memref<128xi32, #tpu.memory_space<vmem>>) semaphore(%arg29 : memref<!tpu.dma_semaphore, #tpu.memory_space<semaphore_mem>>)
    %add3A_173 = arith.constant 96 : i32
    %add3A_174 = arith.addi %mul3A_2, %add3A_173 : i32
    %mul3A_175 = arith.constant 8 : i32
    %mul3A_176 = arith.muli %add3A_174, %mul3A_175 : i32
    %multiple_of3A_177 = tpu.assume_multiple %mul3A_176, 8 : i32
    %dma_start3A_178 = arith.constant 0 : i32
    %dma_start3A_179 = tpu.memref_slice %arg12[%multiple_of3A_177, %dma_start3A_178] : memref<131072x128xf32, #tpu.memory_space<hbm>> -> memref<128x128xf32, #tpu.memory_space<hbm>>
    %dma_start3A_180 = arith.constant 0 : i32
    %dma_start3A_181 = tpu.memref_slice %arg12[%multiple_of3A_177, %dma_start3A_180] : memref<131072x128xf32, #tpu.memory_space<hbm>> -> memref<128x128xf32, #tpu.memory_space<hbm>>
    tpu.enqueue_dma source(%arg19 : memref<128x128xf32, #tpu.memory_space<vmem>>) target(%dma_start3A_181 : memref<128x128xf32, #tpu.memory_space<hbm>>) target_semaphore(%arg30 : memref<!tpu.dma_semaphore, #tpu.memory_space<semaphore_mem>>)
    %dma_wait3A_182 = arith.constant 896 : i32
    %dma_wait3A_183 = tpu.memref_slice %arg18[%dma_wait3A_182] : memref<4096xi32, #tpu.memory_space<vmem>> -> memref<128xi32, #tpu.memory_space<vmem>>
    %dma_wait3A_184 = arith.constant 0 : i32
    %dma_wait3A_185 = arith.constant 0 : i32
    %dma_wait3A_186 = tpu.memref_slice %arg5[%dma_wait3A_184, %dma_wait3A_185] : memref<6464x128xf32, #tpu.memory_space<hbm>> -> memref<6464x128xf32, #tpu.memory_space<hbm>>
    tpu.wait_indirect_dma semaphore(%arg28 : memref<!tpu.dma_semaphore, #tpu.memory_space<semaphore_mem>>) src(%dma_wait3A_186 : memref<6464x128xf32, #tpu.memory_space<hbm>>) dst(%arg20 : memref<128x128xf32, #tpu.memory_space<vmem>>)
    %dma_wait3A_187 = arith.constant 0 : i32
    %dma_wait3A_188 = tpu.memref_slice %arg12[%multiple_of3A_177, %dma_wait3A_187] : memref<131072x128xf32, #tpu.memory_space<hbm>> -> memref<128x128xf32, #tpu.memory_space<hbm>>
    %dma_wait3A_189 = arith.constant 0 : i32
    %dma_wait3A_190 = tpu.memref_slice %arg12[%multiple_of3A_177, %dma_wait3A_189] : memref<131072x128xf32, #tpu.memory_space<hbm>> -> memref<128x128xf32, #tpu.memory_space<hbm>>
    tpu.wait_dma2 semaphore(%arg30 : memref<!tpu.dma_semaphore, #tpu.memory_space<semaphore_mem>>) src(%arg19 : memref<128x128xf32, #tpu.memory_space<vmem>>) dst(%dma_wait3A_190 : memref<128x128xf32, #tpu.memory_space<hbm>>)
    %dma_start3A_191 = arith.constant 1152 : i32
    %dma_start3A_192 = tpu.memref_slice %arg18[%dma_start3A_191] : memref<4096xi32, #tpu.memory_space<vmem>> -> memref<128xi32, #tpu.memory_space<vmem>>
    %dma_start3A_193 = arith.constant 0 : i32
    %dma_start3A_194 = arith.constant 0 : i32
    %dma_start3A_195 = tpu.memref_slice %arg5[%dma_start3A_193, %dma_start3A_194] : memref<6464x128xf32, #tpu.memory_space<hbm>> -> memref<6464x128xf32, #tpu.memory_space<hbm>>
    tpu.enqueue_indirect_dma source(%dma_start3A_195 : memref<6464x128xf32, #tpu.memory_space<hbm>>) target(%arg19 : memref<128x128xf32, #tpu.memory_space<vmem>>) offsets(%dma_start3A_192 : memref<128xi32, #tpu.memory_space<vmem>>) semaphore(%arg27 : memref<!tpu.dma_semaphore, #tpu.memory_space<semaphore_mem>>)
    %add3A_196 = arith.constant 112 : i32
    %add3A_197 = arith.addi %mul3A_2, %add3A_196 : i32
    %mul3A_198 = arith.constant 8 : i32
    %mul3A_199 = arith.muli %add3A_197, %mul3A_198 : i32
    %multiple_of3A_200 = tpu.assume_multiple %mul3A_199, 8 : i32
    %dma_start3A_201 = arith.constant 0 : i32
    %dma_start3A_202 = tpu.memref_slice %arg12[%multiple_of3A_200, %dma_start3A_201] : memref<131072x128xf32, #tpu.memory_space<hbm>> -> memref<128x128xf32, #tpu.memory_space<hbm>>
    %dma_start3A_203 = arith.constant 0 : i32
    %dma_start3A_204 = tpu.memref_slice %arg12[%multiple_of3A_200, %dma_start3A_203] : memref<131072x128xf32, #tpu.memory_space<hbm>> -> memref<128x128xf32, #tpu.memory_space<hbm>>
    tpu.enqueue_dma source(%arg20 : memref<128x128xf32, #tpu.memory_space<vmem>>) target(%dma_start3A_204 : memref<128x128xf32, #tpu.memory_space<hbm>>) target_semaphore(%arg31 : memref<!tpu.dma_semaphore, #tpu.memory_space<semaphore_mem>>)
    %dma_wait3A_205 = arith.constant 1024 : i32
    %dma_wait3A_206 = tpu.memref_slice %arg18[%dma_wait3A_205] : memref<4096xi32, #tpu.memory_space<vmem>> -> memref<128xi32, #tpu.memory_space<vmem>>
    %dma_wait3A_207 = arith.constant 0 : i32
    %dma_wait3A_208 = arith.constant 0 : i32
    %dma_wait3A_209 = tpu.memref_slice %arg5[%dma_wait3A_207, %dma_wait3A_208] : memref<6464x128xf32, #tpu.memory_space<hbm>> -> memref<6464x128xf32, #tpu.memory_space<hbm>>
    tpu.wait_indirect_dma semaphore(%arg29 : memref<!tpu.dma_semaphore, #tpu.memory_space<semaphore_mem>>) src(%dma_wait3A_209 : memref<6464x128xf32, #tpu.memory_space<hbm>>) dst(%arg21 : memref<128x128xf32, #tpu.memory_space<vmem>>)
    %dma_wait3A_210 = arith.constant 0 : i32
    %dma_wait3A_211 = tpu.memref_slice %arg12[%multiple_of3A_200, %dma_wait3A_210] : memref<131072x128xf32, #tpu.memory_space<hbm>> -> memref<128x128xf32, #tpu.memory_space<hbm>>
    %dma_wait3A_212 = arith.constant 0 : i32
    %dma_wait3A_213 = tpu.memref_slice %arg12[%multiple_of3A_200, %dma_wait3A_212] : memref<131072x128xf32, #tpu.memory_space<hbm>> -> memref<128x128xf32, #tpu.memory_space<hbm>>
    tpu.wait_dma2 semaphore(%arg31 : memref<!tpu.dma_semaphore, #tpu.memory_space<semaphore_mem>>) src(%arg20 : memref<128x128xf32, #tpu.memory_space<vmem>>) dst(%dma_wait3A_213 : memref<128x128xf32, #tpu.memory_space<hbm>>)
    %dma_start3A_214 = arith.constant 1280 : i32
    %dma_start3A_215 = tpu.memref_slice %arg18[%dma_start3A_214] : memref<4096xi32, #tpu.memory_space<vmem>> -> memref<128xi32, #tpu.memory_space<vmem>>
    %dma_start3A_216 = arith.constant 0 : i32
    %dma_start3A_217 = arith.constant 0 : i32
    %dma_start3A_218 = tpu.memref_slice %arg5[%dma_start3A_216, %dma_start3A_217] : memref<6464x128xf32, #tpu.memory_space<hbm>> -> memref<6464x128xf32, #tpu.memory_space<hbm>>
    tpu.enqueue_indirect_dma source(%dma_start3A_218 : memref<6464x128xf32, #tpu.memory_space<hbm>>) target(%arg20 : memref<128x128xf32, #tpu.memory_space<vmem>>) offsets(%dma_start3A_215 : memref<128xi32, #tpu.memory_space<vmem>>) semaphore(%arg28 : memref<!tpu.dma_semaphore, #tpu.memory_space<semaphore_mem>>)
    %add3A_219 = arith.constant 128 : i32
    %add3A_220 = arith.addi %mul3A_2, %add3A_219 : i32
    %mul3A_221 = arith.constant 8 : i32
    %mul3A_222 = arith.muli %add3A_220, %mul3A_221 : i32
    %multiple_of3A_223 = tpu.assume_multiple %mul3A_222, 8 : i32
    %dma_start3A_224 = arith.constant 0 : i32
    %dma_start3A_225 = tpu.memref_slice %arg12[%multiple_of3A_223, %dma_start3A_224] : memref<131072x128xf32, #tpu.memory_space<hbm>> -> memref<128x128xf32, #tpu.memory_space<hbm>>
    %dma_start3A_226 = arith.constant 0 : i32
    %dma_start3A_227 = tpu.memref_slice %arg12[%multiple_of3A_223, %dma_start3A_226] : memref<131072x128xf32, #tpu.memory_space<hbm>> -> memref<128x128xf32, #tpu.memory_space<hbm>>
    tpu.enqueue_dma source(%arg21 : memref<128x128xf32, #tpu.memory_space<vmem>>) target(%dma_start3A_227 : memref<128x128xf32, #tpu.memory_space<hbm>>) target_semaphore(%arg32 : memref<!tpu.dma_semaphore, #tpu.memory_space<semaphore_mem>>)
    %dma_wait3A_228 = arith.constant 1152 : i32
    %dma_wait3A_229 = tpu.memref_slice %arg18[%dma_wait3A_228] : memref<4096xi32, #tpu.memory_space<vmem>> -> memref<128xi32, #tpu.memory_space<vmem>>
    %dma_wait3A_230 = arith.constant 0 : i32
    %dma_wait3A_231 = arith.constant 0 : i32
    %dma_wait3A_232 = tpu.memref_slice %arg5[%dma_wait3A_230, %dma_wait3A_231] : memref<6464x128xf32, #tpu.memory_space<hbm>> -> memref<6464x128xf32, #tpu.memory_space<hbm>>
    tpu.wait_indirect_dma semaphore(%arg27 : memref<!tpu.dma_semaphore, #tpu.memory_space<semaphore_mem>>) src(%dma_wait3A_232 : memref<6464x128xf32, #tpu.memory_space<hbm>>) dst(%arg19 : memref<128x128xf32, #tpu.memory_space<vmem>>)
    %dma_wait3A_233 = arith.constant 0 : i32
    %dma_wait3A_234 = tpu.memref_slice %arg12[%multiple_of3A_223, %dma_wait3A_233] : memref<131072x128xf32, #tpu.memory_space<hbm>> -> memref<128x128xf32, #tpu.memory_space<hbm>>
    %dma_wait3A_235 = arith.constant 0 : i32
    %dma_wait3A_236 = tpu.memref_slice %arg12[%multiple_of3A_223, %dma_wait3A_235] : memref<131072x128xf32, #tpu.memory_space<hbm>> -> memref<128x128xf32, #tpu.memory_space<hbm>>
    tpu.wait_dma2 semaphore(%arg32 : memref<!tpu.dma_semaphore, #tpu.memory_space<semaphore_mem>>) src(%arg21 : memref<128x128xf32, #tpu.memory_space<vmem>>) dst(%dma_wait3A_236 : memref<128x128xf32, #tpu.memory_space<hbm>>)
    %dma_start3A_237 = arith.constant 1408 : i32
    %dma_start3A_238 = tpu.memref_slice %arg18[%dma_start3A_237] : memref<4096xi32, #tpu.memory_space<vmem>> -> memref<128xi32, #tpu.memory_space<vmem>>
    %dma_start3A_239 = arith.constant 0 : i32
    %dma_start3A_240 = arith.constant 0 : i32
    %dma_start3A_241 = tpu.memref_slice %arg5[%dma_start3A_239, %dma_start3A_240] : memref<6464x128xf32, #tpu.memory_space<hbm>> -> memref<6464x128xf32, #tpu.memory_space<hbm>>
    tpu.enqueue_indirect_dma source(%dma_start3A_241 : memref<6464x128xf32, #tpu.memory_space<hbm>>) target(%arg21 : memref<128x128xf32, #tpu.memory_space<vmem>>) offsets(%dma_start3A_238 : memref<128xi32, #tpu.memory_space<vmem>>) semaphore(%arg29 : memref<!tpu.dma_semaphore, #tpu.memory_space<semaphore_mem>>)
    %add3A_242 = arith.constant 144 : i32
    %add3A_243 = arith.addi %mul3A_2, %add3A_242 : i32
    %mul3A_244 = arith.constant 8 : i32
    %mul3A_245 = arith.muli %add3A_243, %mul3A_244 : i32
    %multiple_of3A_246 = tpu.assume_multiple %mul3A_245, 8 : i32
    %dma_start3A_247 = arith.constant 0 : i32
    %dma_start3A_248 = tpu.memref_slice %arg12[%multiple_of3A_246, %dma_start3A_247] : memref<131072x128xf32, #tpu.memory_space<hbm>> -> memref<128x128xf32, #tpu.memory_space<hbm>>
    %dma_start3A_249 = arith.constant 0 : i32
    %dma_start3A_250 = tpu.memref_slice %arg12[%multiple_of3A_246, %dma_start3A_249] : memref<131072x128xf32, #tpu.memory_space<hbm>> -> memref<128x128xf32, #tpu.memory_space<hbm>>
    tpu.enqueue_dma source(%arg19 : memref<128x128xf32, #tpu.memory_space<vmem>>) target(%dma_start3A_250 : memref<128x128xf32, #tpu.memory_space<hbm>>) target_semaphore(%arg30 : memref<!tpu.dma_semaphore, #tpu.memory_space<semaphore_mem>>)
    %dma_wait3A_251 = arith.constant 1280 : i32
    %dma_wait3A_252 = tpu.memref_slice %arg18[%dma_wait3A_251] : memref<4096xi32, #tpu.memory_space<vmem>> -> memref<128xi32, #tpu.memory_space<vmem>>
    %dma_wait3A_253 = arith.constant 0 : i32
    %dma_wait3A_254 = arith.constant 0 : i32
    %dma_wait3A_255 = tpu.memref_slice %arg5[%dma_wait3A_253, %dma_wait3A_254] : memref<6464x128xf32, #tpu.memory_space<hbm>> -> memref<6464x128xf32, #tpu.memory_space<hbm>>
    tpu.wait_indirect_dma semaphore(%arg28 : memref<!tpu.dma_semaphore, #tpu.memory_space<semaphore_mem>>) src(%dma_wait3A_255 : memref<6464x128xf32, #tpu.memory_space<hbm>>) dst(%arg20 : memref<128x128xf32, #tpu.memory_space<vmem>>)
    %dma_wait3A_256 = arith.constant 0 : i32
    %dma_wait3A_257 = tpu.memref_slice %arg12[%multiple_of3A_246, %dma_wait3A_256] : memref<131072x128xf32, #tpu.memory_space<hbm>> -> memref<128x128xf32, #tpu.memory_space<hbm>>
    %dma_wait3A_258 = arith.constant 0 : i32
    %dma_wait3A_259 = tpu.memref_slice %arg12[%multiple_of3A_246, %dma_wait3A_258] : memref<131072x128xf32, #tpu.memory_space<hbm>> -> memref<128x128xf32, #tpu.memory_space<hbm>>
    tpu.wait_dma2 semaphore(%arg30 : memref<!tpu.dma_semaphore, #tpu.memory_space<semaphore_mem>>) src(%arg19 : memref<128x128xf32, #tpu.memory_space<vmem>>) dst(%dma_wait3A_259 : memref<128x128xf32, #tpu.memory_space<hbm>>)
    %dma_start3A_260 = arith.constant 1536 : i32
    %dma_start3A_261 = tpu.memref_slice %arg18[%dma_start3A_260] : memref<4096xi32, #tpu.memory_space<vmem>> -> memref<128xi32, #tpu.memory_space<vmem>>
    %dma_start3A_262 = arith.constant 0 : i32
    %dma_start3A_263 = arith.constant 0 : i32
    %dma_start3A_264 = tpu.memref_slice %arg5[%dma_start3A_262, %dma_start3A_263] : memref<6464x128xf32, #tpu.memory_space<hbm>> -> memref<6464x128xf32, #tpu.memory_space<hbm>>
    tpu.enqueue_indirect_dma source(%dma_start3A_264 : memref<6464x128xf32, #tpu.memory_space<hbm>>) target(%arg19 : memref<128x128xf32, #tpu.memory_space<vmem>>) offsets(%dma_start3A_261 : memref<128xi32, #tpu.memory_space<vmem>>) semaphore(%arg27 : memref<!tpu.dma_semaphore, #tpu.memory_space<semaphore_mem>>)
    %add3A_265 = arith.constant 160 : i32
    %add3A_266 = arith.addi %mul3A_2, %add3A_265 : i32
    %mul3A_267 = arith.constant 8 : i32
    %mul3A_268 = arith.muli %add3A_266, %mul3A_267 : i32
    %multiple_of3A_269 = tpu.assume_multiple %mul3A_268, 8 : i32
    %dma_start3A_270 = arith.constant 0 : i32
    %dma_start3A_271 = tpu.memref_slice %arg12[%multiple_of3A_269, %dma_start3A_270] : memref<131072x128xf32, #tpu.memory_space<hbm>> -> memref<128x128xf32, #tpu.memory_space<hbm>>
    %dma_start3A_272 = arith.constant 0 : i32
    %dma_start3A_273 = tpu.memref_slice %arg12[%multiple_of3A_269, %dma_start3A_272] : memref<131072x128xf32, #tpu.memory_space<hbm>> -> memref<128x128xf32, #tpu.memory_space<hbm>>
    tpu.enqueue_dma source(%arg20 : memref<128x128xf32, #tpu.memory_space<vmem>>) target(%dma_start3A_273 : memref<128x128xf32, #tpu.memory_space<hbm>>) target_semaphore(%arg31 : memref<!tpu.dma_semaphore, #tpu.memory_space<semaphore_mem>>)
    %dma_wait3A_274 = arith.constant 1408 : i32
    %dma_wait3A_275 = tpu.memref_slice %arg18[%dma_wait3A_274] : memref<4096xi32, #tpu.memory_space<vmem>> -> memref<128xi32, #tpu.memory_space<vmem>>
    %dma_wait3A_276 = arith.constant 0 : i32
    %dma_wait3A_277 = arith.constant 0 : i32
    %dma_wait3A_278 = tpu.memref_slice %arg5[%dma_wait3A_276, %dma_wait3A_277] : memref<6464x128xf32, #tpu.memory_space<hbm>> -> memref<6464x128xf32, #tpu.memory_space<hbm>>
    tpu.wait_indirect_dma semaphore(%arg29 : memref<!tpu.dma_semaphore, #tpu.memory_space<semaphore_mem>>) src(%dma_wait3A_278 : memref<6464x128xf32, #tpu.memory_space<hbm>>) dst(%arg21 : memref<128x128xf32, #tpu.memory_space<vmem>>)
    %dma_wait3A_279 = arith.constant 0 : i32
    %dma_wait3A_280 = tpu.memref_slice %arg12[%multiple_of3A_269, %dma_wait3A_279] : memref<131072x128xf32, #tpu.memory_space<hbm>> -> memref<128x128xf32, #tpu.memory_space<hbm>>
    %dma_wait3A_281 = arith.constant 0 : i32
    %dma_wait3A_282 = tpu.memref_slice %arg12[%multiple_of3A_269, %dma_wait3A_281] : memref<131072x128xf32, #tpu.memory_space<hbm>> -> memref<128x128xf32, #tpu.memory_space<hbm>>
    tpu.wait_dma2 semaphore(%arg31 : memref<!tpu.dma_semaphore, #tpu.memory_space<semaphore_mem>>) src(%arg20 : memref<128x128xf32, #tpu.memory_space<vmem>>) dst(%dma_wait3A_282 : memref<128x128xf32, #tpu.memory_space<hbm>>)
    %dma_start3A_283 = arith.constant 1664 : i32
    %dma_start3A_284 = tpu.memref_slice %arg18[%dma_start3A_283] : memref<4096xi32, #tpu.memory_space<vmem>> -> memref<128xi32, #tpu.memory_space<vmem>>
    %dma_start3A_285 = arith.constant 0 : i32
    %dma_start3A_286 = arith.constant 0 : i32
    %dma_start3A_287 = tpu.memref_slice %arg5[%dma_start3A_285, %dma_start3A_286] : memref<6464x128xf32, #tpu.memory_space<hbm>> -> memref<6464x128xf32, #tpu.memory_space<hbm>>
    tpu.enqueue_indirect_dma source(%dma_start3A_287 : memref<6464x128xf32, #tpu.memory_space<hbm>>) target(%arg20 : memref<128x128xf32, #tpu.memory_space<vmem>>) offsets(%dma_start3A_284 : memref<128xi32, #tpu.memory_space<vmem>>) semaphore(%arg28 : memref<!tpu.dma_semaphore, #tpu.memory_space<semaphore_mem>>)
    %add3A_288 = arith.constant 176 : i32
    %add3A_289 = arith.addi %mul3A_2, %add3A_288 : i32
    %mul3A_290 = arith.constant 8 : i32
    %mul3A_291 = arith.muli %add3A_289, %mul3A_290 : i32
    %multiple_of3A_292 = tpu.assume_multiple %mul3A_291, 8 : i32
    %dma_start3A_293 = arith.constant 0 : i32
    %dma_start3A_294 = tpu.memref_slice %arg12[%multiple_of3A_292, %dma_start3A_293] : memref<131072x128xf32, #tpu.memory_space<hbm>> -> memref<128x128xf32, #tpu.memory_space<hbm>>
    %dma_start3A_295 = arith.constant 0 : i32
    %dma_start3A_296 = tpu.memref_slice %arg12[%multiple_of3A_292, %dma_start3A_295] : memref<131072x128xf32, #tpu.memory_space<hbm>> -> memref<128x128xf32, #tpu.memory_space<hbm>>
    tpu.enqueue_dma source(%arg21 : memref<128x128xf32, #tpu.memory_space<vmem>>) target(%dma_start3A_296 : memref<128x128xf32, #tpu.memory_space<hbm>>) target_semaphore(%arg32 : memref<!tpu.dma_semaphore, #tpu.memory_space<semaphore_mem>>)
    %dma_wait3A_297 = arith.constant 1536 : i32
    %dma_wait3A_298 = tpu.memref_slice %arg18[%dma_wait3A_297] : memref<4096xi32, #tpu.memory_space<vmem>> -> memref<128xi32, #tpu.memory_space<vmem>>
    %dma_wait3A_299 = arith.constant 0 : i32
    %dma_wait3A_300 = arith.constant 0 : i32
    %dma_wait3A_301 = tpu.memref_slice %arg5[%dma_wait3A_299, %dma_wait3A_300] : memref<6464x128xf32, #tpu.memory_space<hbm>> -> memref<6464x128xf32, #tpu.memory_space<hbm>>
    tpu.wait_indirect_dma semaphore(%arg27 : memref<!tpu.dma_semaphore, #tpu.memory_space<semaphore_mem>>) src(%dma_wait3A_301 : memref<6464x128xf32, #tpu.memory_space<hbm>>) dst(%arg19 : memref<128x128xf32, #tpu.memory_space<vmem>>)
    %dma_wait3A_302 = arith.constant 0 : i32
    %dma_wait3A_303 = tpu.memref_slice %arg12[%multiple_of3A_292, %dma_wait3A_302] : memref<131072x128xf32, #tpu.memory_space<hbm>> -> memref<128x128xf32, #tpu.memory_space<hbm>>
    %dma_wait3A_304 = arith.constant 0 : i32
    %dma_wait3A_305 = tpu.memref_slice %arg12[%multiple_of3A_292, %dma_wait3A_304] : memref<131072x128xf32, #tpu.memory_space<hbm>> -> memref<128x128xf32, #tpu.memory_space<hbm>>
    tpu.wait_dma2 semaphore(%arg32 : memref<!tpu.dma_semaphore, #tpu.memory_space<semaphore_mem>>) src(%arg21 : memref<128x128xf32, #tpu.memory_space<vmem>>) dst(%dma_wait3A_305 : memref<128x128xf32, #tpu.memory_space<hbm>>)
    %dma_start3A_306 = arith.constant 1792 : i32
    %dma_start3A_307 = tpu.memref_slice %arg18[%dma_start3A_306] : memref<4096xi32, #tpu.memory_space<vmem>> -> memref<128xi32, #tpu.memory_space<vmem>>
    %dma_start3A_308 = arith.constant 0 : i32
    %dma_start3A_309 = arith.constant 0 : i32
    %dma_start3A_310 = tpu.memref_slice %arg5[%dma_start3A_308, %dma_start3A_309] : memref<6464x128xf32, #tpu.memory_space<hbm>> -> memref<6464x128xf32, #tpu.memory_space<hbm>>
    tpu.enqueue_indirect_dma source(%dma_start3A_310 : memref<6464x128xf32, #tpu.memory_space<hbm>>) target(%arg21 : memref<128x128xf32, #tpu.memory_space<vmem>>) offsets(%dma_start3A_307 : memref<128xi32, #tpu.memory_space<vmem>>) semaphore(%arg29 : memref<!tpu.dma_semaphore, #tpu.memory_space<semaphore_mem>>)
    %add3A_311 = arith.constant 192 : i32
    %add3A_312 = arith.addi %mul3A_2, %add3A_311 : i32
    %mul3A_313 = arith.constant 8 : i32
    %mul3A_314 = arith.muli %add3A_312, %mul3A_313 : i32
    %multiple_of3A_315 = tpu.assume_multiple %mul3A_314, 8 : i32
    %dma_start3A_316 = arith.constant 0 : i32
    %dma_start3A_317 = tpu.memref_slice %arg12[%multiple_of3A_315, %dma_start3A_316] : memref<131072x128xf32, #tpu.memory_space<hbm>> -> memref<128x128xf32, #tpu.memory_space<hbm>>
    %dma_start3A_318 = arith.constant 0 : i32
    %dma_start3A_319 = tpu.memref_slice %arg12[%multiple_of3A_315, %dma_start3A_318] : memref<131072x128xf32, #tpu.memory_space<hbm>> -> memref<128x128xf32, #tpu.memory_space<hbm>>
    tpu.enqueue_dma source(%arg19 : memref<128x128xf32, #tpu.memory_space<vmem>>) target(%dma_start3A_319 : memref<128x128xf32, #tpu.memory_space<hbm>>) target_semaphore(%arg30 : memref<!tpu.dma_semaphore, #tpu.memory_space<semaphore_mem>>)
    %dma_wait3A_320 = arith.constant 1664 : i32
    %dma_wait3A_321 = tpu.memref_slice %arg18[%dma_wait3A_320] : memref<4096xi32, #tpu.memory_space<vmem>> -> memref<128xi32, #tpu.memory_space<vmem>>
    %dma_wait3A_322 = arith.constant 0 : i32
    %dma_wait3A_323 = arith.constant 0 : i32
    %dma_wait3A_324 = tpu.memref_slice %arg5[%dma_wait3A_322, %dma_wait3A_323] : memref<6464x128xf32, #tpu.memory_space<hbm>> -> memref<6464x128xf32, #tpu.memory_space<hbm>>
    tpu.wait_indirect_dma semaphore(%arg28 : memref<!tpu.dma_semaphore, #tpu.memory_space<semaphore_mem>>) src(%dma_wait3A_324 : memref<6464x128xf32, #tpu.memory_space<hbm>>) dst(%arg20 : memref<128x128xf32, #tpu.memory_space<vmem>>)
    %dma_wait3A_325 = arith.constant 0 : i32
    %dma_wait3A_326 = tpu.memref_slice %arg12[%multiple_of3A_315, %dma_wait3A_325] : memref<131072x128xf32, #tpu.memory_space<hbm>> -> memref<128x128xf32, #tpu.memory_space<hbm>>
    %dma_wait3A_327 = arith.constant 0 : i32
    %dma_wait3A_328 = tpu.memref_slice %arg12[%multiple_of3A_315, %dma_wait3A_327] : memref<131072x128xf32, #tpu.memory_space<hbm>> -> memref<128x128xf32, #tpu.memory_space<hbm>>
    tpu.wait_dma2 semaphore(%arg30 : memref<!tpu.dma_semaphore, #tpu.memory_space<semaphore_mem>>) src(%arg19 : memref<128x128xf32, #tpu.memory_space<vmem>>) dst(%dma_wait3A_328 : memref<128x128xf32, #tpu.memory_space<hbm>>)
    %dma_start3A_329 = arith.constant 1920 : i32
    %dma_start3A_330 = tpu.memref_slice %arg18[%dma_start3A_329] : memref<4096xi32, #tpu.memory_space<vmem>> -> memref<128xi32, #tpu.memory_space<vmem>>
    %dma_start3A_331 = arith.constant 0 : i32
    %dma_start3A_332 = arith.constant 0 : i32
    %dma_start3A_333 = tpu.memref_slice %arg5[%dma_start3A_331, %dma_start3A_332] : memref<6464x128xf32, #tpu.memory_space<hbm>> -> memref<6464x128xf32, #tpu.memory_space<hbm>>
    tpu.enqueue_indirect_dma source(%dma_start3A_333 : memref<6464x128xf32, #tpu.memory_space<hbm>>) target(%arg19 : memref<128x128xf32, #tpu.memory_space<vmem>>) offsets(%dma_start3A_330 : memref<128xi32, #tpu.memory_space<vmem>>) semaphore(%arg27 : memref<!tpu.dma_semaphore, #tpu.memory_space<semaphore_mem>>)
    %add3A_334 = arith.constant 208 : i32
    %add3A_335 = arith.addi %mul3A_2, %add3A_334 : i32
    %mul3A_336 = arith.constant 8 : i32
    %mul3A_337 = arith.muli %add3A_335, %mul3A_336 : i32
    %multiple_of3A_338 = tpu.assume_multiple %mul3A_337, 8 : i32
    %dma_start3A_339 = arith.constant 0 : i32
    %dma_start3A_340 = tpu.memref_slice %arg12[%multiple_of3A_338, %dma_start3A_339] : memref<131072x128xf32, #tpu.memory_space<hbm>> -> memref<128x128xf32, #tpu.memory_space<hbm>>
    %dma_start3A_341 = arith.constant 0 : i32
    %dma_start3A_342 = tpu.memref_slice %arg12[%multiple_of3A_338, %dma_start3A_341] : memref<131072x128xf32, #tpu.memory_space<hbm>> -> memref<128x128xf32, #tpu.memory_space<hbm>>
    tpu.enqueue_dma source(%arg20 : memref<128x128xf32, #tpu.memory_space<vmem>>) target(%dma_start3A_342 : memref<128x128xf32, #tpu.memory_space<hbm>>) target_semaphore(%arg31 : memref<!tpu.dma_semaphore, #tpu.memory_space<semaphore_mem>>)
    %dma_wait3A_343 = arith.constant 1792 : i32
    %dma_wait3A_344 = tpu.memref_slice %arg18[%dma_wait3A_343] : memref<4096xi32, #tpu.memory_space<vmem>> -> memref<128xi32, #tpu.memory_space<vmem>>
    %dma_wait3A_345 = arith.constant 0 : i32
    %dma_wait3A_346 = arith.constant 0 : i32
    %dma_wait3A_347 = tpu.memref_slice %arg5[%dma_wait3A_345, %dma_wait3A_346] : memref<6464x128xf32, #tpu.memory_space<hbm>> -> memref<6464x128xf32, #tpu.memory_space<hbm>>
    tpu.wait_indirect_dma semaphore(%arg29 : memref<!tpu.dma_semaphore, #tpu.memory_space<semaphore_mem>>) src(%dma_wait3A_347 : memref<6464x128xf32, #tpu.memory_space<hbm>>) dst(%arg21 : memref<128x128xf32, #tpu.memory_space<vmem>>)
    %dma_wait3A_348 = arith.constant 0 : i32
    %dma_wait3A_349 = tpu.memref_slice %arg12[%multiple_of3A_338, %dma_wait3A_348] : memref<131072x128xf32, #tpu.memory_space<hbm>> -> memref<128x128xf32, #tpu.memory_space<hbm>>
    %dma_wait3A_350 = arith.constant 0 : i32
    %dma_wait3A_351 = tpu.memref_slice %arg12[%multiple_of3A_338, %dma_wait3A_350] : memref<131072x128xf32, #tpu.memory_space<hbm>> -> memref<128x128xf32, #tpu.memory_space<hbm>>
    tpu.wait_dma2 semaphore(%arg31 : memref<!tpu.dma_semaphore, #tpu.memory_space<semaphore_mem>>) src(%arg20 : memref<128x128xf32, #tpu.memory_space<vmem>>) dst(%dma_wait3A_351 : memref<128x128xf32, #tpu.memory_space<hbm>>)
    %dma_start3A_352 = arith.constant 2048 : i32
    %dma_start3A_353 = tpu.memref_slice %arg18[%dma_start3A_352] : memref<4096xi32, #tpu.memory_space<vmem>> -> memref<128xi32, #tpu.memory_space<vmem>>
    %dma_start3A_354 = arith.constant 0 : i32
    %dma_start3A_355 = arith.constant 0 : i32
    %dma_start3A_356 = tpu.memref_slice %arg5[%dma_start3A_354, %dma_start3A_355] : memref<6464x128xf32, #tpu.memory_space<hbm>> -> memref<6464x128xf32, #tpu.memory_space<hbm>>
    tpu.enqueue_indirect_dma source(%dma_start3A_356 : memref<6464x128xf32, #tpu.memory_space<hbm>>) target(%arg20 : memref<128x128xf32, #tpu.memory_space<vmem>>) offsets(%dma_start3A_353 : memref<128xi32, #tpu.memory_space<vmem>>) semaphore(%arg28 : memref<!tpu.dma_semaphore, #tpu.memory_space<semaphore_mem>>)
    %add3A_357 = arith.constant 224 : i32
    %add3A_358 = arith.addi %mul3A_2, %add3A_357 : i32
    %mul3A_359 = arith.constant 8 : i32
    %mul3A_360 = arith.muli %add3A_358, %mul3A_359 : i32
    %multiple_of3A_361 = tpu.assume_multiple %mul3A_360, 8 : i32
    %dma_start3A_362 = arith.constant 0 : i32
    %dma_start3A_363 = tpu.memref_slice %arg12[%multiple_of3A_361, %dma_start3A_362] : memref<131072x128xf32, #tpu.memory_space<hbm>> -> memref<128x128xf32, #tpu.memory_space<hbm>>
    %dma_start3A_364 = arith.constant 0 : i32
    %dma_start3A_365 = tpu.memref_slice %arg12[%multiple_of3A_361, %dma_start3A_364] : memref<131072x128xf32, #tpu.memory_space<hbm>> -> memref<128x128xf32, #tpu.memory_space<hbm>>
    tpu.enqueue_dma source(%arg21 : memref<128x128xf32, #tpu.memory_space<vmem>>) target(%dma_start3A_365 : memref<128x128xf32, #tpu.memory_space<hbm>>) target_semaphore(%arg32 : memref<!tpu.dma_semaphore, #tpu.memory_space<semaphore_mem>>)
    %dma_wait3A_366 = arith.constant 1920 : i32
    %dma_wait3A_367 = tpu.memref_slice %arg18[%dma_wait3A_366] : memref<4096xi32, #tpu.memory_space<vmem>> -> memref<128xi32, #tpu.memory_space<vmem>>
    %dma_wait3A_368 = arith.constant 0 : i32
    %dma_wait3A_369 = arith.constant 0 : i32
    %dma_wait3A_370 = tpu.memref_slice %arg5[%dma_wait3A_368, %dma_wait3A_369] : memref<6464x128xf32, #tpu.memory_space<hbm>> -> memref<6464x128xf32, #tpu.memory_space<hbm>>
    tpu.wait_indirect_dma semaphore(%arg27 : memref<!tpu.dma_semaphore, #tpu.memory_space<semaphore_mem>>) src(%dma_wait3A_370 : memref<6464x128xf32, #tpu.memory_space<hbm>>) dst(%arg19 : memref<128x128xf32, #tpu.memory_space<vmem>>)
    %dma_wait3A_371 = arith.constant 0 : i32
    %dma_wait3A_372 = tpu.memref_slice %arg12[%multiple_of3A_361, %dma_wait3A_371] : memref<131072x128xf32, #tpu.memory_space<hbm>> -> memref<128x128xf32, #tpu.memory_space<hbm>>
    %dma_wait3A_373 = arith.constant 0 : i32
    %dma_wait3A_374 = tpu.memref_slice %arg12[%multiple_of3A_361, %dma_wait3A_373] : memref<131072x128xf32, #tpu.memory_space<hbm>> -> memref<128x128xf32, #tpu.memory_space<hbm>>
    tpu.wait_dma2 semaphore(%arg32 : memref<!tpu.dma_semaphore, #tpu.memory_space<semaphore_mem>>) src(%arg21 : memref<128x128xf32, #tpu.memory_space<vmem>>) dst(%dma_wait3A_374 : memref<128x128xf32, #tpu.memory_space<hbm>>)
    %dma_start3A_375 = arith.constant 2176 : i32
    %dma_start3A_376 = tpu.memref_slice %arg18[%dma_start3A_375] : memref<4096xi32, #tpu.memory_space<vmem>> -> memref<128xi32, #tpu.memory_space<vmem>>
    %dma_start3A_377 = arith.constant 0 : i32
    %dma_start3A_378 = arith.constant 0 : i32
    %dma_start3A_379 = tpu.memref_slice %arg5[%dma_start3A_377, %dma_start3A_378] : memref<6464x128xf32, #tpu.memory_space<hbm>> -> memref<6464x128xf32, #tpu.memory_space<hbm>>
    tpu.enqueue_indirect_dma source(%dma_start3A_379 : memref<6464x128xf32, #tpu.memory_space<hbm>>) target(%arg21 : memref<128x128xf32, #tpu.memory_space<vmem>>) offsets(%dma_start3A_376 : memref<128xi32, #tpu.memory_space<vmem>>) semaphore(%arg29 : memref<!tpu.dma_semaphore, #tpu.memory_space<semaphore_mem>>)
    %add3A_380 = arith.constant 240 : i32
    %add3A_381 = arith.addi %mul3A_2, %add3A_380 : i32
    %mul3A_382 = arith.constant 8 : i32
    %mul3A_383 = arith.muli %add3A_381, %mul3A_382 : i32
    %multiple_of3A_384 = tpu.assume_multiple %mul3A_383, 8 : i32
    %dma_start3A_385 = arith.constant 0 : i32
    %dma_start3A_386 = tpu.memref_slice %arg12[%multiple_of3A_384, %dma_start3A_385] : memref<131072x128xf32, #tpu.memory_space<hbm>> -> memref<128x128xf32, #tpu.memory_space<hbm>>
    %dma_start3A_387 = arith.constant 0 : i32
    %dma_start3A_388 = tpu.memref_slice %arg12[%multiple_of3A_384, %dma_start3A_387] : memref<131072x128xf32, #tpu.memory_space<hbm>> -> memref<128x128xf32, #tpu.memory_space<hbm>>
    tpu.enqueue_dma source(%arg19 : memref<128x128xf32, #tpu.memory_space<vmem>>) target(%dma_start3A_388 : memref<128x128xf32, #tpu.memory_space<hbm>>) target_semaphore(%arg30 : memref<!tpu.dma_semaphore, #tpu.memory_space<semaphore_mem>>)
    %dma_wait3A_389 = arith.constant 2048 : i32
    %dma_wait3A_390 = tpu.memref_slice %arg18[%dma_wait3A_389] : memref<4096xi32, #tpu.memory_space<vmem>> -> memref<128xi32, #tpu.memory_space<vmem>>
    %dma_wait3A_391 = arith.constant 0 : i32
    %dma_wait3A_392 = arith.constant 0 : i32
    %dma_wait3A_393 = tpu.memref_slice %arg5[%dma_wait3A_391, %dma_wait3A_392] : memref<6464x128xf32, #tpu.memory_space<hbm>> -> memref<6464x128xf32, #tpu.memory_space<hbm>>
    tpu.wait_indirect_dma semaphore(%arg28 : memref<!tpu.dma_semaphore, #tpu.memory_space<semaphore_mem>>) src(%dma_wait3A_393 : memref<6464x128xf32, #tpu.memory_space<hbm>>) dst(%arg20 : memref<128x128xf32, #tpu.memory_space<vmem>>)
    %dma_wait3A_394 = arith.constant 0 : i32
    %dma_wait3A_395 = tpu.memref_slice %arg12[%multiple_of3A_384, %dma_wait3A_394] : memref<131072x128xf32, #tpu.memory_space<hbm>> -> memref<128x128xf32, #tpu.memory_space<hbm>>
    %dma_wait3A_396 = arith.constant 0 : i32
    %dma_wait3A_397 = tpu.memref_slice %arg12[%multiple_of3A_384, %dma_wait3A_396] : memref<131072x128xf32, #tpu.memory_space<hbm>> -> memref<128x128xf32, #tpu.memory_space<hbm>>
    tpu.wait_dma2 semaphore(%arg30 : memref<!tpu.dma_semaphore, #tpu.memory_space<semaphore_mem>>) src(%arg19 : memref<128x128xf32, #tpu.memory_space<vmem>>) dst(%dma_wait3A_397 : memref<128x128xf32, #tpu.memory_space<hbm>>)
    %dma_start3A_398 = arith.constant 2304 : i32
    %dma_start3A_399 = tpu.memref_slice %arg18[%dma_start3A_398] : memref<4096xi32, #tpu.memory_space<vmem>> -> memref<128xi32, #tpu.memory_space<vmem>>
    %dma_start3A_400 = arith.constant 0 : i32
    %dma_start3A_401 = arith.constant 0 : i32
    %dma_start3A_402 = tpu.memref_slice %arg5[%dma_start3A_400, %dma_start3A_401] : memref<6464x128xf32, #tpu.memory_space<hbm>> -> memref<6464x128xf32, #tpu.memory_space<hbm>>
    tpu.enqueue_indirect_dma source(%dma_start3A_402 : memref<6464x128xf32, #tpu.memory_space<hbm>>) target(%arg19 : memref<128x128xf32, #tpu.memory_space<vmem>>) offsets(%dma_start3A_399 : memref<128xi32, #tpu.memory_space<vmem>>) semaphore(%arg27 : memref<!tpu.dma_semaphore, #tpu.memory_space<semaphore_mem>>)
    %add3A_403 = arith.constant 256 : i32
    %add3A_404 = arith.addi %mul3A_2, %add3A_403 : i32
    %mul3A_405 = arith.constant 8 : i32
    %mul3A_406 = arith.muli %add3A_404, %mul3A_405 : i32
    %multiple_of3A_407 = tpu.assume_multiple %mul3A_406, 8 : i32
    %dma_start3A_408 = arith.constant 0 : i32
    %dma_start3A_409 = tpu.memref_slice %arg12[%multiple_of3A_407, %dma_start3A_408] : memref<131072x128xf32, #tpu.memory_space<hbm>> -> memref<128x128xf32, #tpu.memory_space<hbm>>
    %dma_start3A_410 = arith.constant 0 : i32
    %dma_start3A_411 = tpu.memref_slice %arg12[%multiple_of3A_407, %dma_start3A_410] : memref<131072x128xf32, #tpu.memory_space<hbm>> -> memref<128x128xf32, #tpu.memory_space<hbm>>
    tpu.enqueue_dma source(%arg20 : memref<128x128xf32, #tpu.memory_space<vmem>>) target(%dma_start3A_411 : memref<128x128xf32, #tpu.memory_space<hbm>>) target_semaphore(%arg31 : memref<!tpu.dma_semaphore, #tpu.memory_space<semaphore_mem>>)
    %dma_wait3A_412 = arith.constant 2176 : i32
    %dma_wait3A_413 = tpu.memref_slice %arg18[%dma_wait3A_412] : memref<4096xi32, #tpu.memory_space<vmem>> -> memref<128xi32, #tpu.memory_space<vmem>>
    %dma_wait3A_414 = arith.constant 0 : i32
    %dma_wait3A_415 = arith.constant 0 : i32
    %dma_wait3A_416 = tpu.memref_slice %arg5[%dma_wait3A_414, %dma_wait3A_415] : memref<6464x128xf32, #tpu.memory_space<hbm>> -> memref<6464x128xf32, #tpu.memory_space<hbm>>
    tpu.wait_indirect_dma semaphore(%arg29 : memref<!tpu.dma_semaphore, #tpu.memory_space<semaphore_mem>>) src(%dma_wait3A_416 : memref<6464x128xf32, #tpu.memory_space<hbm>>) dst(%arg21 : memref<128x128xf32, #tpu.memory_space<vmem>>)
    %dma_wait3A_417 = arith.constant 0 : i32
    %dma_wait3A_418 = tpu.memref_slice %arg12[%multiple_of3A_407, %dma_wait3A_417] : memref<131072x128xf32, #tpu.memory_space<hbm>> -> memref<128x128xf32, #tpu.memory_space<hbm>>
    %dma_wait3A_419 = arith.constant 0 : i32
    %dma_wait3A_420 = tpu.memref_slice %arg12[%multiple_of3A_407, %dma_wait3A_419] : memref<131072x128xf32, #tpu.memory_space<hbm>> -> memref<128x128xf32, #tpu.memory_space<hbm>>
    tpu.wait_dma2 semaphore(%arg31 : memref<!tpu.dma_semaphore, #tpu.memory_space<semaphore_mem>>) src(%arg20 : memref<128x128xf32, #tpu.memory_space<vmem>>) dst(%dma_wait3A_420 : memref<128x128xf32, #tpu.memory_space<hbm>>)
    %dma_start3A_421 = arith.constant 2432 : i32
    %dma_start3A_422 = tpu.memref_slice %arg18[%dma_start3A_421] : memref<4096xi32, #tpu.memory_space<vmem>> -> memref<128xi32, #tpu.memory_space<vmem>>
    %dma_start3A_423 = arith.constant 0 : i32
    %dma_start3A_424 = arith.constant 0 : i32
    %dma_start3A_425 = tpu.memref_slice %arg5[%dma_start3A_423, %dma_start3A_424] : memref<6464x128xf32, #tpu.memory_space<hbm>> -> memref<6464x128xf32, #tpu.memory_space<hbm>>
    tpu.enqueue_indirect_dma source(%dma_start3A_425 : memref<6464x128xf32, #tpu.memory_space<hbm>>) target(%arg20 : memref<128x128xf32, #tpu.memory_space<vmem>>) offsets(%dma_start3A_422 : memref<128xi32, #tpu.memory_space<vmem>>) semaphore(%arg28 : memref<!tpu.dma_semaphore, #tpu.memory_space<semaphore_mem>>)
    %add3A_426 = arith.constant 272 : i32
    %add3A_427 = arith.addi %mul3A_2, %add3A_426 : i32
    %mul3A_428 = arith.constant 8 : i32
    %mul3A_429 = arith.muli %add3A_427, %mul3A_428 : i32
    %multiple_of3A_430 = tpu.assume_multiple %mul3A_429, 8 : i32
    %dma_start3A_431 = arith.constant 0 : i32
    %dma_start3A_432 = tpu.memref_slice %arg12[%multiple_of3A_430, %dma_start3A_431] : memref<131072x128xf32, #tpu.memory_space<hbm>> -> memref<128x128xf32, #tpu.memory_space<hbm>>
    %dma_start3A_433 = arith.constant 0 : i32
    %dma_start3A_434 = tpu.memref_slice %arg12[%multiple_of3A_430, %dma_start3A_433] : memref<131072x128xf32, #tpu.memory_space<hbm>> -> memref<128x128xf32, #tpu.memory_space<hbm>>
    tpu.enqueue_dma source(%arg21 : memref<128x128xf32, #tpu.memory_space<vmem>>) target(%dma_start3A_434 : memref<128x128xf32, #tpu.memory_space<hbm>>) target_semaphore(%arg32 : memref<!tpu.dma_semaphore, #tpu.memory_space<semaphore_mem>>)
    %dma_wait3A_435 = arith.constant 2304 : i32
    %dma_wait3A_436 = tpu.memref_slice %arg18[%dma_wait3A_435] : memref<4096xi32, #tpu.memory_space<vmem>> -> memref<128xi32, #tpu.memory_space<vmem>>
    %dma_wait3A_437 = arith.constant 0 : i32
    %dma_wait3A_438 = arith.constant 0 : i32
    %dma_wait3A_439 = tpu.memref_slice %arg5[%dma_wait3A_437, %dma_wait3A_438] : memref<6464x128xf32, #tpu.memory_space<hbm>> -> memref<6464x128xf32, #tpu.memory_space<hbm>>
    tpu.wait_indirect_dma semaphore(%arg27 : memref<!tpu.dma_semaphore, #tpu.memory_space<semaphore_mem>>) src(%dma_wait3A_439 : memref<6464x128xf32, #tpu.memory_space<hbm>>) dst(%arg19 : memref<128x128xf32, #tpu.memory_space<vmem>>)
    %dma_wait3A_440 = arith.constant 0 : i32
    %dma_wait3A_441 = tpu.memref_slice %arg12[%multiple_of3A_430, %dma_wait3A_440] : memref<131072x128xf32, #tpu.memory_space<hbm>> -> memref<128x128xf32, #tpu.memory_space<hbm>>
    %dma_wait3A_442 = arith.constant 0 : i32
    %dma_wait3A_443 = tpu.memref_slice %arg12[%multiple_of3A_430, %dma_wait3A_442] : memref<131072x128xf32, #tpu.memory_space<hbm>> -> memref<128x128xf32, #tpu.memory_space<hbm>>
    tpu.wait_dma2 semaphore(%arg32 : memref<!tpu.dma_semaphore, #tpu.memory_space<semaphore_mem>>) src(%arg21 : memref<128x128xf32, #tpu.memory_space<vmem>>) dst(%dma_wait3A_443 : memref<128x128xf32, #tpu.memory_space<hbm>>)
    %dma_start3A_444 = arith.constant 2560 : i32
    %dma_start3A_445 = tpu.memref_slice %arg18[%dma_start3A_444] : memref<4096xi32, #tpu.memory_space<vmem>> -> memref<128xi32, #tpu.memory_space<vmem>>
    %dma_start3A_446 = arith.constant 0 : i32
    %dma_start3A_447 = arith.constant 0 : i32
    %dma_start3A_448 = tpu.memref_slice %arg5[%dma_start3A_446, %dma_start3A_447] : memref<6464x128xf32, #tpu.memory_space<hbm>> -> memref<6464x128xf32, #tpu.memory_space<hbm>>
    tpu.enqueue_indirect_dma source(%dma_start3A_448 : memref<6464x128xf32, #tpu.memory_space<hbm>>) target(%arg21 : memref<128x128xf32, #tpu.memory_space<vmem>>) offsets(%dma_start3A_445 : memref<128xi32, #tpu.memory_space<vmem>>) semaphore(%arg29 : memref<!tpu.dma_semaphore, #tpu.memory_space<semaphore_mem>>)
    %add3A_449 = arith.constant 288 : i32
    %add3A_450 = arith.addi %mul3A_2, %add3A_449 : i32
    %mul3A_451 = arith.constant 8 : i32
    %mul3A_452 = arith.muli %add3A_450, %mul3A_451 : i32
    %multiple_of3A_453 = tpu.assume_multiple %mul3A_452, 8 : i32
    %dma_start3A_454 = arith.constant 0 : i32
    %dma_start3A_455 = tpu.memref_slice %arg12[%multiple_of3A_453, %dma_start3A_454] : memref<131072x128xf32, #tpu.memory_space<hbm>> -> memref<128x128xf32, #tpu.memory_space<hbm>>
    %dma_start3A_456 = arith.constant 0 : i32
    %dma_start3A_457 = tpu.memref_slice %arg12[%multiple_of3A_453, %dma_start3A_456] : memref<131072x128xf32, #tpu.memory_space<hbm>> -> memref<128x128xf32, #tpu.memory_space<hbm>>
    tpu.enqueue_dma source(%arg19 : memref<128x128xf32, #tpu.memory_space<vmem>>) target(%dma_start3A_457 : memref<128x128xf32, #tpu.memory_space<hbm>>) target_semaphore(%arg30 : memref<!tpu.dma_semaphore, #tpu.memory_space<semaphore_mem>>)
    %dma_wait3A_458 = arith.constant 2432 : i32
    %dma_wait3A_459 = tpu.memref_slice %arg18[%dma_wait3A_458] : memref<4096xi32, #tpu.memory_space<vmem>> -> memref<128xi32, #tpu.memory_space<vmem>>
    %dma_wait3A_460 = arith.constant 0 : i32
    %dma_wait3A_461 = arith.constant 0 : i32
    %dma_wait3A_462 = tpu.memref_slice %arg5[%dma_wait3A_460, %dma_wait3A_461] : memref<6464x128xf32, #tpu.memory_space<hbm>> -> memref<6464x128xf32, #tpu.memory_space<hbm>>
    tpu.wait_indirect_dma semaphore(%arg28 : memref<!tpu.dma_semaphore, #tpu.memory_space<semaphore_mem>>) src(%dma_wait3A_462 : memref<6464x128xf32, #tpu.memory_space<hbm>>) dst(%arg20 : memref<128x128xf32, #tpu.memory_space<vmem>>)
    %dma_wait3A_463 = arith.constant 0 : i32
    %dma_wait3A_464 = tpu.memref_slice %arg12[%multiple_of3A_453, %dma_wait3A_463] : memref<131072x128xf32, #tpu.memory_space<hbm>> -> memref<128x128xf32, #tpu.memory_space<hbm>>
    %dma_wait3A_465 = arith.constant 0 : i32
    %dma_wait3A_466 = tpu.memref_slice %arg12[%multiple_of3A_453, %dma_wait3A_465] : memref<131072x128xf32, #tpu.memory_space<hbm>> -> memref<128x128xf32, #tpu.memory_space<hbm>>
    tpu.wait_dma2 semaphore(%arg30 : memref<!tpu.dma_semaphore, #tpu.memory_space<semaphore_mem>>) src(%arg19 : memref<128x128xf32, #tpu.memory_space<vmem>>) dst(%dma_wait3A_466 : memref<128x128xf32, #tpu.memory_space<hbm>>)
    %dma_start3A_467 = arith.constant 2688 : i32
    %dma_start3A_468 = tpu.memref_slice %arg18[%dma_start3A_467] : memref<4096xi32, #tpu.memory_space<vmem>> -> memref<128xi32, #tpu.memory_space<vmem>>
    %dma_start3A_469 = arith.constant 0 : i32
    %dma_start3A_470 = arith.constant 0 : i32
    %dma_start3A_471 = tpu.memref_slice %arg5[%dma_start3A_469, %dma_start3A_470] : memref<6464x128xf32, #tpu.memory_space<hbm>> -> memref<6464x128xf32, #tpu.memory_space<hbm>>
    tpu.enqueue_indirect_dma source(%dma_start3A_471 : memref<6464x128xf32, #tpu.memory_space<hbm>>) target(%arg19 : memref<128x128xf32, #tpu.memory_space<vmem>>) offsets(%dma_start3A_468 : memref<128xi32, #tpu.memory_space<vmem>>) semaphore(%arg27 : memref<!tpu.dma_semaphore, #tpu.memory_space<semaphore_mem>>)
    %add3A_472 = arith.constant 304 : i32
    %add3A_473 = arith.addi %mul3A_2, %add3A_472 : i32
    %mul3A_474 = arith.constant 8 : i32
    %mul3A_475 = arith.muli %add3A_473, %mul3A_474 : i32
    %multiple_of3A_476 = tpu.assume_multiple %mul3A_475, 8 : i32
    %dma_start3A_477 = arith.constant 0 : i32
    %dma_start3A_478 = tpu.memref_slice %arg12[%multiple_of3A_476, %dma_start3A_477] : memref<131072x128xf32, #tpu.memory_space<hbm>> -> memref<128x128xf32, #tpu.memory_space<hbm>>
    %dma_start3A_479 = arith.constant 0 : i32
    %dma_start3A_480 = tpu.memref_slice %arg12[%multiple_of3A_476, %dma_start3A_479] : memref<131072x128xf32, #tpu.memory_space<hbm>> -> memref<128x128xf32, #tpu.memory_space<hbm>>
    tpu.enqueue_dma source(%arg20 : memref<128x128xf32, #tpu.memory_space<vmem>>) target(%dma_start3A_480 : memref<128x128xf32, #tpu.memory_space<hbm>>) target_semaphore(%arg31 : memref<!tpu.dma_semaphore, #tpu.memory_space<semaphore_mem>>)
    %dma_wait3A_481 = arith.constant 2560 : i32
    %dma_wait3A_482 = tpu.memref_slice %arg18[%dma_wait3A_481] : memref<4096xi32, #tpu.memory_space<vmem>> -> memref<128xi32, #tpu.memory_space<vmem>>
    %dma_wait3A_483 = arith.constant 0 : i32
    %dma_wait3A_484 = arith.constant 0 : i32
    %dma_wait3A_485 = tpu.memref_slice %arg5[%dma_wait3A_483, %dma_wait3A_484] : memref<6464x128xf32, #tpu.memory_space<hbm>> -> memref<6464x128xf32, #tpu.memory_space<hbm>>
    tpu.wait_indirect_dma semaphore(%arg29 : memref<!tpu.dma_semaphore, #tpu.memory_space<semaphore_mem>>) src(%dma_wait3A_485 : memref<6464x128xf32, #tpu.memory_space<hbm>>) dst(%arg21 : memref<128x128xf32, #tpu.memory_space<vmem>>)
    %dma_wait3A_486 = arith.constant 0 : i32
    %dma_wait3A_487 = tpu.memref_slice %arg12[%multiple_of3A_476, %dma_wait3A_486] : memref<131072x128xf32, #tpu.memory_space<hbm>> -> memref<128x128xf32, #tpu.memory_space<hbm>>
    %dma_wait3A_488 = arith.constant 0 : i32
    %dma_wait3A_489 = tpu.memref_slice %arg12[%multiple_of3A_476, %dma_wait3A_488] : memref<131072x128xf32, #tpu.memory_space<hbm>> -> memref<128x128xf32, #tpu.memory_space<hbm>>
    tpu.wait_dma2 semaphore(%arg31 : memref<!tpu.dma_semaphore, #tpu.memory_space<semaphore_mem>>) src(%arg20 : memref<128x128xf32, #tpu.memory_space<vmem>>) dst(%dma_wait3A_489 : memref<128x128xf32, #tpu.memory_space<hbm>>)
    %dma_start3A_490 = arith.constant 2816 : i32
    %dma_start3A_491 = tpu.memref_slice %arg18[%dma_start3A_490] : memref<4096xi32, #tpu.memory_space<vmem>> -> memref<128xi32, #tpu.memory_space<vmem>>
    %dma_start3A_492 = arith.constant 0 : i32
    %dma_start3A_493 = arith.constant 0 : i32
    %dma_start3A_494 = tpu.memref_slice %arg5[%dma_start3A_492, %dma_start3A_493] : memref<6464x128xf32, #tpu.memory_space<hbm>> -> memref<6464x128xf32, #tpu.memory_space<hbm>>
    tpu.enqueue_indirect_dma source(%dma_start3A_494 : memref<6464x128xf32, #tpu.memory_space<hbm>>) target(%arg20 : memref<128x128xf32, #tpu.memory_space<vmem>>) offsets(%dma_start3A_491 : memref<128xi32, #tpu.memory_space<vmem>>) semaphore(%arg28 : memref<!tpu.dma_semaphore, #tpu.memory_space<semaphore_mem>>)
    %add3A_495 = arith.constant 320 : i32
    %add3A_496 = arith.addi %mul3A_2, %add3A_495 : i32
    %mul3A_497 = arith.constant 8 : i32
    %mul3A_498 = arith.muli %add3A_496, %mul3A_497 : i32
    %multiple_of3A_499 = tpu.assume_multiple %mul3A_498, 8 : i32
    %dma_start3A_500 = arith.constant 0 : i32
    %dma_start3A_501 = tpu.memref_slice %arg12[%multiple_of3A_499, %dma_start3A_500] : memref<131072x128xf32, #tpu.memory_space<hbm>> -> memref<128x128xf32, #tpu.memory_space<hbm>>
    %dma_start3A_502 = arith.constant 0 : i32
    %dma_start3A_503 = tpu.memref_slice %arg12[%multiple_of3A_499, %dma_start3A_502] : memref<131072x128xf32, #tpu.memory_space<hbm>> -> memref<128x128xf32, #tpu.memory_space<hbm>>
    tpu.enqueue_dma source(%arg21 : memref<128x128xf32, #tpu.memory_space<vmem>>) target(%dma_start3A_503 : memref<128x128xf32, #tpu.memory_space<hbm>>) target_semaphore(%arg32 : memref<!tpu.dma_semaphore, #tpu.memory_space<semaphore_mem>>)
    %dma_wait3A_504 = arith.constant 2688 : i32
    %dma_wait3A_505 = tpu.memref_slice %arg18[%dma_wait3A_504] : memref<4096xi32, #tpu.memory_space<vmem>> -> memref<128xi32, #tpu.memory_space<vmem>>
    %dma_wait3A_506 = arith.constant 0 : i32
    %dma_wait3A_507 = arith.constant 0 : i32
    %dma_wait3A_508 = tpu.memref_slice %arg5[%dma_wait3A_506, %dma_wait3A_507] : memref<6464x128xf32, #tpu.memory_space<hbm>> -> memref<6464x128xf32, #tpu.memory_space<hbm>>
    tpu.wait_indirect_dma semaphore(%arg27 : memref<!tpu.dma_semaphore, #tpu.memory_space<semaphore_mem>>) src(%dma_wait3A_508 : memref<6464x128xf32, #tpu.memory_space<hbm>>) dst(%arg19 : memref<128x128xf32, #tpu.memory_space<vmem>>)
    %dma_wait3A_509 = arith.constant 0 : i32
    %dma_wait3A_510 = tpu.memref_slice %arg12[%multiple_of3A_499, %dma_wait3A_509] : memref<131072x128xf32, #tpu.memory_space<hbm>> -> memref<128x128xf32, #tpu.memory_space<hbm>>
    %dma_wait3A_511 = arith.constant 0 : i32
    %dma_wait3A_512 = tpu.memref_slice %arg12[%multiple_of3A_499, %dma_wait3A_511] : memref<131072x128xf32, #tpu.memory_space<hbm>> -> memref<128x128xf32, #tpu.memory_space<hbm>>
    tpu.wait_dma2 semaphore(%arg32 : memref<!tpu.dma_semaphore, #tpu.memory_space<semaphore_mem>>) src(%arg21 : memref<128x128xf32, #tpu.memory_space<vmem>>) dst(%dma_wait3A_512 : memref<128x128xf32, #tpu.memory_space<hbm>>)
    %dma_start3A_513 = arith.constant 2944 : i32
    %dma_start3A_514 = tpu.memref_slice %arg18[%dma_start3A_513] : memref<4096xi32, #tpu.memory_space<vmem>> -> memref<128xi32, #tpu.memory_space<vmem>>
    %dma_start3A_515 = arith.constant 0 : i32
    %dma_start3A_516 = arith.constant 0 : i32
    %dma_start3A_517 = tpu.memref_slice %arg5[%dma_start3A_515, %dma_start3A_516] : memref<6464x128xf32, #tpu.memory_space<hbm>> -> memref<6464x128xf32, #tpu.memory_space<hbm>>
    tpu.enqueue_indirect_dma source(%dma_start3A_517 : memref<6464x128xf32, #tpu.memory_space<hbm>>) target(%arg21 : memref<128x128xf32, #tpu.memory_space<vmem>>) offsets(%dma_start3A_514 : memref<128xi32, #tpu.memory_space<vmem>>) semaphore(%arg29 : memref<!tpu.dma_semaphore, #tpu.memory_space<semaphore_mem>>)
    %add3A_518 = arith.constant 336 : i32
    %add3A_519 = arith.addi %mul3A_2, %add3A_518 : i32
    %mul3A_520 = arith.constant 8 : i32
    %mul3A_521 = arith.muli %add3A_519, %mul3A_520 : i32
    %multiple_of3A_522 = tpu.assume_multiple %mul3A_521, 8 : i32
    %dma_start3A_523 = arith.constant 0 : i32
    %dma_start3A_524 = tpu.memref_slice %arg12[%multiple_of3A_522, %dma_start3A_523] : memref<131072x128xf32, #tpu.memory_space<hbm>> -> memref<128x128xf32, #tpu.memory_space<hbm>>
    %dma_start3A_525 = arith.constant 0 : i32
    %dma_start3A_526 = tpu.memref_slice %arg12[%multiple_of3A_522, %dma_start3A_525] : memref<131072x128xf32, #tpu.memory_space<hbm>> -> memref<128x128xf32, #tpu.memory_space<hbm>>
    tpu.enqueue_dma source(%arg19 : memref<128x128xf32, #tpu.memory_space<vmem>>) target(%dma_start3A_526 : memref<128x128xf32, #tpu.memory_space<hbm>>) target_semaphore(%arg30 : memref<!tpu.dma_semaphore, #tpu.memory_space<semaphore_mem>>)
    %dma_wait3A_527 = arith.constant 2816 : i32
    %dma_wait3A_528 = tpu.memref_slice %arg18[%dma_wait3A_527] : memref<4096xi32, #tpu.memory_space<vmem>> -> memref<128xi32, #tpu.memory_space<vmem>>
    %dma_wait3A_529 = arith.constant 0 : i32
    %dma_wait3A_530 = arith.constant 0 : i32
    %dma_wait3A_531 = tpu.memref_slice %arg5[%dma_wait3A_529, %dma_wait3A_530] : memref<6464x128xf32, #tpu.memory_space<hbm>> -> memref<6464x128xf32, #tpu.memory_space<hbm>>
    tpu.wait_indirect_dma semaphore(%arg28 : memref<!tpu.dma_semaphore, #tpu.memory_space<semaphore_mem>>) src(%dma_wait3A_531 : memref<6464x128xf32, #tpu.memory_space<hbm>>) dst(%arg20 : memref<128x128xf32, #tpu.memory_space<vmem>>)
    %dma_wait3A_532 = arith.constant 0 : i32
    %dma_wait3A_533 = tpu.memref_slice %arg12[%multiple_of3A_522, %dma_wait3A_532] : memref<131072x128xf32, #tpu.memory_space<hbm>> -> memref<128x128xf32, #tpu.memory_space<hbm>>
    %dma_wait3A_534 = arith.constant 0 : i32
    %dma_wait3A_535 = tpu.memref_slice %arg12[%multiple_of3A_522, %dma_wait3A_534] : memref<131072x128xf32, #tpu.memory_space<hbm>> -> memref<128x128xf32, #tpu.memory_space<hbm>>
    tpu.wait_dma2 semaphore(%arg30 : memref<!tpu.dma_semaphore, #tpu.memory_space<semaphore_mem>>) src(%arg19 : memref<128x128xf32, #tpu.memory_space<vmem>>) dst(%dma_wait3A_535 : memref<128x128xf32, #tpu.memory_space<hbm>>)
    %dma_start3A_536 = arith.constant 3072 : i32
    %dma_start3A_537 = tpu.memref_slice %arg18[%dma_start3A_536] : memref<4096xi32, #tpu.memory_space<vmem>> -> memref<128xi32, #tpu.memory_space<vmem>>
    %dma_start3A_538 = arith.constant 0 : i32
    %dma_start3A_539 = arith.constant 0 : i32
    %dma_start3A_540 = tpu.memref_slice %arg5[%dma_start3A_538, %dma_start3A_539] : memref<6464x128xf32, #tpu.memory_space<hbm>> -> memref<6464x128xf32, #tpu.memory_space<hbm>>
    tpu.enqueue_indirect_dma source(%dma_start3A_540 : memref<6464x128xf32, #tpu.memory_space<hbm>>) target(%arg19 : memref<128x128xf32, #tpu.memory_space<vmem>>) offsets(%dma_start3A_537 : memref<128xi32, #tpu.memory_space<vmem>>) semaphore(%arg27 : memref<!tpu.dma_semaphore, #tpu.memory_space<semaphore_mem>>)
    %add3A_541 = arith.constant 352 : i32
    %add3A_542 = arith.addi %mul3A_2, %add3A_541 : i32
    %mul3A_543 = arith.constant 8 : i32
    %mul3A_544 = arith.muli %add3A_542, %mul3A_543 : i32
    %multiple_of3A_545 = tpu.assume_multiple %mul3A_544, 8 : i32
    %dma_start3A_546 = arith.constant 0 : i32
    %dma_start3A_547 = tpu.memref_slice %arg12[%multiple_of3A_545, %dma_start3A_546] : memref<131072x128xf32, #tpu.memory_space<hbm>> -> memref<128x128xf32, #tpu.memory_space<hbm>>
    %dma_start3A_548 = arith.constant 0 : i32
    %dma_start3A_549 = tpu.memref_slice %arg12[%multiple_of3A_545, %dma_start3A_548] : memref<131072x128xf32, #tpu.memory_space<hbm>> -> memref<128x128xf32, #tpu.memory_space<hbm>>
    tpu.enqueue_dma source(%arg20 : memref<128x128xf32, #tpu.memory_space<vmem>>) target(%dma_start3A_549 : memref<128x128xf32, #tpu.memory_space<hbm>>) target_semaphore(%arg31 : memref<!tpu.dma_semaphore, #tpu.memory_space<semaphore_mem>>)
    %dma_wait3A_550 = arith.constant 2944 : i32
    %dma_wait3A_551 = tpu.memref_slice %arg18[%dma_wait3A_550] : memref<4096xi32, #tpu.memory_space<vmem>> -> memref<128xi32, #tpu.memory_space<vmem>>
    %dma_wait3A_552 = arith.constant 0 : i32
    %dma_wait3A_553 = arith.constant 0 : i32
    %dma_wait3A_554 = tpu.memref_slice %arg5[%dma_wait3A_552, %dma_wait3A_553] : memref<6464x128xf32, #tpu.memory_space<hbm>> -> memref<6464x128xf32, #tpu.memory_space<hbm>>
    tpu.wait_indirect_dma semaphore(%arg29 : memref<!tpu.dma_semaphore, #tpu.memory_space<semaphore_mem>>) src(%dma_wait3A_554 : memref<6464x128xf32, #tpu.memory_space<hbm>>) dst(%arg21 : memref<128x128xf32, #tpu.memory_space<vmem>>)
    %dma_wait3A_555 = arith.constant 0 : i32
    %dma_wait3A_556 = tpu.memref_slice %arg12[%multiple_of3A_545, %dma_wait3A_555] : memref<131072x128xf32, #tpu.memory_space<hbm>> -> memref<128x128xf32, #tpu.memory_space<hbm>>
    %dma_wait3A_557 = arith.constant 0 : i32
    %dma_wait3A_558 = tpu.memref_slice %arg12[%multiple_of3A_545, %dma_wait3A_557] : memref<131072x128xf32, #tpu.memory_space<hbm>> -> memref<128x128xf32, #tpu.memory_space<hbm>>
    tpu.wait_dma2 semaphore(%arg31 : memref<!tpu.dma_semaphore, #tpu.memory_space<semaphore_mem>>) src(%arg20 : memref<128x128xf32, #tpu.memory_space<vmem>>) dst(%dma_wait3A_558 : memref<128x128xf32, #tpu.memory_space<hbm>>)
    %dma_start3A_559 = arith.constant 3200 : i32
    %dma_start3A_560 = tpu.memref_slice %arg18[%dma_start3A_559] : memref<4096xi32, #tpu.memory_space<vmem>> -> memref<128xi32, #tpu.memory_space<vmem>>
    %dma_start3A_561 = arith.constant 0 : i32
    %dma_start3A_562 = arith.constant 0 : i32
    %dma_start3A_563 = tpu.memref_slice %arg5[%dma_start3A_561, %dma_start3A_562] : memref<6464x128xf32, #tpu.memory_space<hbm>> -> memref<6464x128xf32, #tpu.memory_space<hbm>>
    tpu.enqueue_indirect_dma source(%dma_start3A_563 : memref<6464x128xf32, #tpu.memory_space<hbm>>) target(%arg20 : memref<128x128xf32, #tpu.memory_space<vmem>>) offsets(%dma_start3A_560 : memref<128xi32, #tpu.memory_space<vmem>>) semaphore(%arg28 : memref<!tpu.dma_semaphore, #tpu.memory_space<semaphore_mem>>)
    %add3A_564 = arith.constant 368 : i32
    %add3A_565 = arith.addi %mul3A_2, %add3A_564 : i32
    %mul3A_566 = arith.constant 8 : i32
    %mul3A_567 = arith.muli %add3A_565, %mul3A_566 : i32
    %multiple_of3A_568 = tpu.assume_multiple %mul3A_567, 8 : i32
    %dma_start3A_569 = arith.constant 0 : i32
    %dma_start3A_570 = tpu.memref_slice %arg12[%multiple_of3A_568, %dma_start3A_569] : memref<131072x128xf32, #tpu.memory_space<hbm>> -> memref<128x128xf32, #tpu.memory_space<hbm>>
    %dma_start3A_571 = arith.constant 0 : i32
    %dma_start3A_572 = tpu.memref_slice %arg12[%multiple_of3A_568, %dma_start3A_571] : memref<131072x128xf32, #tpu.memory_space<hbm>> -> memref<128x128xf32, #tpu.memory_space<hbm>>
    tpu.enqueue_dma source(%arg21 : memref<128x128xf32, #tpu.memory_space<vmem>>) target(%dma_start3A_572 : memref<128x128xf32, #tpu.memory_space<hbm>>) target_semaphore(%arg32 : memref<!tpu.dma_semaphore, #tpu.memory_space<semaphore_mem>>)
    %dma_wait3A_573 = arith.constant 3072 : i32
    %dma_wait3A_574 = tpu.memref_slice %arg18[%dma_wait3A_573] : memref<4096xi32, #tpu.memory_space<vmem>> -> memref<128xi32, #tpu.memory_space<vmem>>
    %dma_wait3A_575 = arith.constant 0 : i32
    %dma_wait3A_576 = arith.constant 0 : i32
    %dma_wait3A_577 = tpu.memref_slice %arg5[%dma_wait3A_575, %dma_wait3A_576] : memref<6464x128xf32, #tpu.memory_space<hbm>> -> memref<6464x128xf32, #tpu.memory_space<hbm>>
    tpu.wait_indirect_dma semaphore(%arg27 : memref<!tpu.dma_semaphore, #tpu.memory_space<semaphore_mem>>) src(%dma_wait3A_577 : memref<6464x128xf32, #tpu.memory_space<hbm>>) dst(%arg19 : memref<128x128xf32, #tpu.memory_space<vmem>>)
    %dma_wait3A_578 = arith.constant 0 : i32
    %dma_wait3A_579 = tpu.memref_slice %arg12[%multiple_of3A_568, %dma_wait3A_578] : memref<131072x128xf32, #tpu.memory_space<hbm>> -> memref<128x128xf32, #tpu.memory_space<hbm>>
    %dma_wait3A_580 = arith.constant 0 : i32
    %dma_wait3A_581 = tpu.memref_slice %arg12[%multiple_of3A_568, %dma_wait3A_580] : memref<131072x128xf32, #tpu.memory_space<hbm>> -> memref<128x128xf32, #tpu.memory_space<hbm>>
    tpu.wait_dma2 semaphore(%arg32 : memref<!tpu.dma_semaphore, #tpu.memory_space<semaphore_mem>>) src(%arg21 : memref<128x128xf32, #tpu.memory_space<vmem>>) dst(%dma_wait3A_581 : memref<128x128xf32, #tpu.memory_space<hbm>>)
    %dma_start3A_582 = arith.constant 3328 : i32
    %dma_start3A_583 = tpu.memref_slice %arg18[%dma_start3A_582] : memref<4096xi32, #tpu.memory_space<vmem>> -> memref<128xi32, #tpu.memory_space<vmem>>
    %dma_start3A_584 = arith.constant 0 : i32
    %dma_start3A_585 = arith.constant 0 : i32
    %dma_start3A_586 = tpu.memref_slice %arg5[%dma_start3A_584, %dma_start3A_585] : memref<6464x128xf32, #tpu.memory_space<hbm>> -> memref<6464x128xf32, #tpu.memory_space<hbm>>
    tpu.enqueue_indirect_dma source(%dma_start3A_586 : memref<6464x128xf32, #tpu.memory_space<hbm>>) target(%arg21 : memref<128x128xf32, #tpu.memory_space<vmem>>) offsets(%dma_start3A_583 : memref<128xi32, #tpu.memory_space<vmem>>) semaphore(%arg29 : memref<!tpu.dma_semaphore, #tpu.memory_space<semaphore_mem>>)
    %add3A_587 = arith.constant 384 : i32
    %add3A_588 = arith.addi %mul3A_2, %add3A_587 : i32
    %mul3A_589 = arith.constant 8 : i32
    %mul3A_590 = arith.muli %add3A_588, %mul3A_589 : i32
    %multiple_of3A_591 = tpu.assume_multiple %mul3A_590, 8 : i32
    %dma_start3A_592 = arith.constant 0 : i32
    %dma_start3A_593 = tpu.memref_slice %arg12[%multiple_of3A_591, %dma_start3A_592] : memref<131072x128xf32, #tpu.memory_space<hbm>> -> memref<128x128xf32, #tpu.memory_space<hbm>>
    %dma_start3A_594 = arith.constant 0 : i32
    %dma_start3A_595 = tpu.memref_slice %arg12[%multiple_of3A_591, %dma_start3A_594] : memref<131072x128xf32, #tpu.memory_space<hbm>> -> memref<128x128xf32, #tpu.memory_space<hbm>>
    tpu.enqueue_dma source(%arg19 : memref<128x128xf32, #tpu.memory_space<vmem>>) target(%dma_start3A_595 : memref<128x128xf32, #tpu.memory_space<hbm>>) target_semaphore(%arg30 : memref<!tpu.dma_semaphore, #tpu.memory_space<semaphore_mem>>)
    %dma_wait3A_596 = arith.constant 3200 : i32
    %dma_wait3A_597 = tpu.memref_slice %arg18[%dma_wait3A_596] : memref<4096xi32, #tpu.memory_space<vmem>> -> memref<128xi32, #tpu.memory_space<vmem>>
    %dma_wait3A_598 = arith.constant 0 : i32
    %dma_wait3A_599 = arith.constant 0 : i32
    %dma_wait3A_600 = tpu.memref_slice %arg5[%dma_wait3A_598, %dma_wait3A_599] : memref<6464x128xf32, #tpu.memory_space<hbm>> -> memref<6464x128xf32, #tpu.memory_space<hbm>>
    tpu.wait_indirect_dma semaphore(%arg28 : memref<!tpu.dma_semaphore, #tpu.memory_space<semaphore_mem>>) src(%dma_wait3A_600 : memref<6464x128xf32, #tpu.memory_space<hbm>>) dst(%arg20 : memref<128x128xf32, #tpu.memory_space<vmem>>)
    %dma_wait3A_601 = arith.constant 0 : i32
    %dma_wait3A_602 = tpu.memref_slice %arg12[%multiple_of3A_591, %dma_wait3A_601] : memref<131072x128xf32, #tpu.memory_space<hbm>> -> memref<128x128xf32, #tpu.memory_space<hbm>>
    %dma_wait3A_603 = arith.constant 0 : i32
    %dma_wait3A_604 = tpu.memref_slice %arg12[%multiple_of3A_591, %dma_wait3A_603] : memref<131072x128xf32, #tpu.memory_space<hbm>> -> memref<128x128xf32, #tpu.memory_space<hbm>>
    tpu.wait_dma2 semaphore(%arg30 : memref<!tpu.dma_semaphore, #tpu.memory_space<semaphore_mem>>) src(%arg19 : memref<128x128xf32, #tpu.memory_space<vmem>>) dst(%dma_wait3A_604 : memref<128x128xf32, #tpu.memory_space<hbm>>)
    %dma_start3A_605 = arith.constant 3456 : i32
    %dma_start3A_606 = tpu.memref_slice %arg18[%dma_start3A_605] : memref<4096xi32, #tpu.memory_space<vmem>> -> memref<128xi32, #tpu.memory_space<vmem>>
    %dma_start3A_607 = arith.constant 0 : i32
    %dma_start3A_608 = arith.constant 0 : i32
    %dma_start3A_609 = tpu.memref_slice %arg5[%dma_start3A_607, %dma_start3A_608] : memref<6464x128xf32, #tpu.memory_space<hbm>> -> memref<6464x128xf32, #tpu.memory_space<hbm>>
    tpu.enqueue_indirect_dma source(%dma_start3A_609 : memref<6464x128xf32, #tpu.memory_space<hbm>>) target(%arg19 : memref<128x128xf32, #tpu.memory_space<vmem>>) offsets(%dma_start3A_606 : memref<128xi32, #tpu.memory_space<vmem>>) semaphore(%arg27 : memref<!tpu.dma_semaphore, #tpu.memory_space<semaphore_mem>>)
    %add3A_610 = arith.constant 400 : i32
    %add3A_611 = arith.addi %mul3A_2, %add3A_610 : i32
    %mul3A_612 = arith.constant 8 : i32
    %mul3A_613 = arith.muli %add3A_611, %mul3A_612 : i32
    %multiple_of3A_614 = tpu.assume_multiple %mul3A_613, 8 : i32
    %dma_start3A_615 = arith.constant 0 : i32
    %dma_start3A_616 = tpu.memref_slice %arg12[%multiple_of3A_614, %dma_start3A_615] : memref<131072x128xf32, #tpu.memory_space<hbm>> -> memref<128x128xf32, #tpu.memory_space<hbm>>
    %dma_start3A_617 = arith.constant 0 : i32
    %dma_start3A_618 = tpu.memref_slice %arg12[%multiple_of3A_614, %dma_start3A_617] : memref<131072x128xf32, #tpu.memory_space<hbm>> -> memref<128x128xf32, #tpu.memory_space<hbm>>
    tpu.enqueue_dma source(%arg20 : memref<128x128xf32, #tpu.memory_space<vmem>>) target(%dma_start3A_618 : memref<128x128xf32, #tpu.memory_space<hbm>>) target_semaphore(%arg31 : memref<!tpu.dma_semaphore, #tpu.memory_space<semaphore_mem>>)
    %dma_wait3A_619 = arith.constant 3328 : i32
    %dma_wait3A_620 = tpu.memref_slice %arg18[%dma_wait3A_619] : memref<4096xi32, #tpu.memory_space<vmem>> -> memref<128xi32, #tpu.memory_space<vmem>>
    %dma_wait3A_621 = arith.constant 0 : i32
    %dma_wait3A_622 = arith.constant 0 : i32
    %dma_wait3A_623 = tpu.memref_slice %arg5[%dma_wait3A_621, %dma_wait3A_622] : memref<6464x128xf32, #tpu.memory_space<hbm>> -> memref<6464x128xf32, #tpu.memory_space<hbm>>
    tpu.wait_indirect_dma semaphore(%arg29 : memref<!tpu.dma_semaphore, #tpu.memory_space<semaphore_mem>>) src(%dma_wait3A_623 : memref<6464x128xf32, #tpu.memory_space<hbm>>) dst(%arg21 : memref<128x128xf32, #tpu.memory_space<vmem>>)
    %dma_wait3A_624 = arith.constant 0 : i32
    %dma_wait3A_625 = tpu.memref_slice %arg12[%multiple_of3A_614, %dma_wait3A_624] : memref<131072x128xf32, #tpu.memory_space<hbm>> -> memref<128x128xf32, #tpu.memory_space<hbm>>
    %dma_wait3A_626 = arith.constant 0 : i32
    %dma_wait3A_627 = tpu.memref_slice %arg12[%multiple_of3A_614, %dma_wait3A_626] : memref<131072x128xf32, #tpu.memory_space<hbm>> -> memref<128x128xf32, #tpu.memory_space<hbm>>
    tpu.wait_dma2 semaphore(%arg31 : memref<!tpu.dma_semaphore, #tpu.memory_space<semaphore_mem>>) src(%arg20 : memref<128x128xf32, #tpu.memory_space<vmem>>) dst(%dma_wait3A_627 : memref<128x128xf32, #tpu.memory_space<hbm>>)
    %dma_start3A_628 = arith.constant 3584 : i32
    %dma_start3A_629 = tpu.memref_slice %arg18[%dma_start3A_628] : memref<4096xi32, #tpu.memory_space<vmem>> -> memref<128xi32, #tpu.memory_space<vmem>>
    %dma_start3A_630 = arith.constant 0 : i32
    %dma_start3A_631 = arith.constant 0 : i32
    %dma_start3A_632 = tpu.memref_slice %arg5[%dma_start3A_630, %dma_start3A_631] : memref<6464x128xf32, #tpu.memory_space<hbm>> -> memref<6464x128xf32, #tpu.memory_space<hbm>>
    tpu.enqueue_indirect_dma source(%dma_start3A_632 : memref<6464x128xf32, #tpu.memory_space<hbm>>) target(%arg20 : memref<128x128xf32, #tpu.memory_space<vmem>>) offsets(%dma_start3A_629 : memref<128xi32, #tpu.memory_space<vmem>>) semaphore(%arg28 : memref<!tpu.dma_semaphore, #tpu.memory_space<semaphore_mem>>)
    %add3A_633 = arith.constant 416 : i32
    %add3A_634 = arith.addi %mul3A_2, %add3A_633 : i32
    %mul3A_635 = arith.constant 8 : i32
    %mul3A_636 = arith.muli %add3A_634, %mul3A_635 : i32
    %multiple_of3A_637 = tpu.assume_multiple %mul3A_636, 8 : i32
    %dma_start3A_638 = arith.constant 0 : i32
    %dma_start3A_639 = tpu.memref_slice %arg12[%multiple_of3A_637, %dma_start3A_638] : memref<131072x128xf32, #tpu.memory_space<hbm>> -> memref<128x128xf32, #tpu.memory_space<hbm>>
    %dma_start3A_640 = arith.constant 0 : i32
    %dma_start3A_641 = tpu.memref_slice %arg12[%multiple_of3A_637, %dma_start3A_640] : memref<131072x128xf32, #tpu.memory_space<hbm>> -> memref<128x128xf32, #tpu.memory_space<hbm>>
    tpu.enqueue_dma source(%arg21 : memref<128x128xf32, #tpu.memory_space<vmem>>) target(%dma_start3A_641 : memref<128x128xf32, #tpu.memory_space<hbm>>) target_semaphore(%arg32 : memref<!tpu.dma_semaphore, #tpu.memory_space<semaphore_mem>>)
    %dma_wait3A_642 = arith.constant 3456 : i32
    %dma_wait3A_643 = tpu.memref_slice %arg18[%dma_wait3A_642] : memref<4096xi32, #tpu.memory_space<vmem>> -> memref<128xi32, #tpu.memory_space<vmem>>
    %dma_wait3A_644 = arith.constant 0 : i32
    %dma_wait3A_645 = arith.constant 0 : i32
    %dma_wait3A_646 = tpu.memref_slice %arg5[%dma_wait3A_644, %dma_wait3A_645] : memref<6464x128xf32, #tpu.memory_space<hbm>> -> memref<6464x128xf32, #tpu.memory_space<hbm>>
    tpu.wait_indirect_dma semaphore(%arg27 : memref<!tpu.dma_semaphore, #tpu.memory_space<semaphore_mem>>) src(%dma_wait3A_646 : memref<6464x128xf32, #tpu.memory_space<hbm>>) dst(%arg19 : memref<128x128xf32, #tpu.memory_space<vmem>>)
    %dma_wait3A_647 = arith.constant 0 : i32
    %dma_wait3A_648 = tpu.memref_slice %arg12[%multiple_of3A_637, %dma_wait3A_647] : memref<131072x128xf32, #tpu.memory_space<hbm>> -> memref<128x128xf32, #tpu.memory_space<hbm>>
    %dma_wait3A_649 = arith.constant 0 : i32
    %dma_wait3A_650 = tpu.memref_slice %arg12[%multiple_of3A_637, %dma_wait3A_649] : memref<131072x128xf32, #tpu.memory_space<hbm>> -> memref<128x128xf32, #tpu.memory_space<hbm>>
    tpu.wait_dma2 semaphore(%arg32 : memref<!tpu.dma_semaphore, #tpu.memory_space<semaphore_mem>>) src(%arg21 : memref<128x128xf32, #tpu.memory_space<vmem>>) dst(%dma_wait3A_650 : memref<128x128xf32, #tpu.memory_space<hbm>>)
    %dma_start3A_651 = arith.constant 3712 : i32
    %dma_start3A_652 = tpu.memref_slice %arg18[%dma_start3A_651] : memref<4096xi32, #tpu.memory_space<vmem>> -> memref<128xi32, #tpu.memory_space<vmem>>
    %dma_start3A_653 = arith.constant 0 : i32
    %dma_start3A_654 = arith.constant 0 : i32
    %dma_start3A_655 = tpu.memref_slice %arg5[%dma_start3A_653, %dma_start3A_654] : memref<6464x128xf32, #tpu.memory_space<hbm>> -> memref<6464x128xf32, #tpu.memory_space<hbm>>
    tpu.enqueue_indirect_dma source(%dma_start3A_655 : memref<6464x128xf32, #tpu.memory_space<hbm>>) target(%arg21 : memref<128x128xf32, #tpu.memory_space<vmem>>) offsets(%dma_start3A_652 : memref<128xi32, #tpu.memory_space<vmem>>) semaphore(%arg29 : memref<!tpu.dma_semaphore, #tpu.memory_space<semaphore_mem>>)
    %add3A_656 = arith.constant 432 : i32
    %add3A_657 = arith.addi %mul3A_2, %add3A_656 : i32
    %mul3A_658 = arith.constant 8 : i32
    %mul3A_659 = arith.muli %add3A_657, %mul3A_658 : i32
    %multiple_of3A_660 = tpu.assume_multiple %mul3A_659, 8 : i32
    %dma_start3A_661 = arith.constant 0 : i32
    %dma_start3A_662 = tpu.memref_slice %arg12[%multiple_of3A_660, %dma_start3A_661] : memref<131072x128xf32, #tpu.memory_space<hbm>> -> memref<128x128xf32, #tpu.memory_space<hbm>>
    %dma_start3A_663 = arith.constant 0 : i32
    %dma_start3A_664 = tpu.memref_slice %arg12[%multiple_of3A_660, %dma_start3A_663] : memref<131072x128xf32, #tpu.memory_space<hbm>> -> memref<128x128xf32, #tpu.memory_space<hbm>>
    tpu.enqueue_dma source(%arg19 : memref<128x128xf32, #tpu.memory_space<vmem>>) target(%dma_start3A_664 : memref<128x128xf32, #tpu.memory_space<hbm>>) target_semaphore(%arg30 : memref<!tpu.dma_semaphore, #tpu.memory_space<semaphore_mem>>)
    %dma_wait3A_665 = arith.constant 3584 : i32
    %dma_wait3A_666 = tpu.memref_slice %arg18[%dma_wait3A_665] : memref<4096xi32, #tpu.memory_space<vmem>> -> memref<128xi32, #tpu.memory_space<vmem>>
    %dma_wait3A_667 = arith.constant 0 : i32
    %dma_wait3A_668 = arith.constant 0 : i32
    %dma_wait3A_669 = tpu.memref_slice %arg5[%dma_wait3A_667, %dma_wait3A_668] : memref<6464x128xf32, #tpu.memory_space<hbm>> -> memref<6464x128xf32, #tpu.memory_space<hbm>>
    tpu.wait_indirect_dma semaphore(%arg28 : memref<!tpu.dma_semaphore, #tpu.memory_space<semaphore_mem>>) src(%dma_wait3A_669 : memref<6464x128xf32, #tpu.memory_space<hbm>>) dst(%arg20 : memref<128x128xf32, #tpu.memory_space<vmem>>)
    %dma_wait3A_670 = arith.constant 0 : i32
    %dma_wait3A_671 = tpu.memref_slice %arg12[%multiple_of3A_660, %dma_wait3A_670] : memref<131072x128xf32, #tpu.memory_space<hbm>> -> memref<128x128xf32, #tpu.memory_space<hbm>>
    %dma_wait3A_672 = arith.constant 0 : i32
    %dma_wait3A_673 = tpu.memref_slice %arg12[%multiple_of3A_660, %dma_wait3A_672] : memref<131072x128xf32, #tpu.memory_space<hbm>> -> memref<128x128xf32, #tpu.memory_space<hbm>>
    tpu.wait_dma2 semaphore(%arg30 : memref<!tpu.dma_semaphore, #tpu.memory_space<semaphore_mem>>) src(%arg19 : memref<128x128xf32, #tpu.memory_space<vmem>>) dst(%dma_wait3A_673 : memref<128x128xf32, #tpu.memory_space<hbm>>)
    %dma_start3A_674 = arith.constant 3840 : i32
    %dma_start3A_675 = tpu.memref_slice %arg18[%dma_start3A_674] : memref<4096xi32, #tpu.memory_space<vmem>> -> memref<128xi32, #tpu.memory_space<vmem>>
    %dma_start3A_676 = arith.constant 0 : i32
    %dma_start3A_677 = arith.constant 0 : i32
    %dma_start3A_678 = tpu.memref_slice %arg5[%dma_start3A_676, %dma_start3A_677] : memref<6464x128xf32, #tpu.memory_space<hbm>> -> memref<6464x128xf32, #tpu.memory_space<hbm>>
    tpu.enqueue_indirect_dma source(%dma_start3A_678 : memref<6464x128xf32, #tpu.memory_space<hbm>>) target(%arg19 : memref<128x128xf32, #tpu.memory_space<vmem>>) offsets(%dma_start3A_675 : memref<128xi32, #tpu.memory_space<vmem>>) semaphore(%arg27 : memref<!tpu.dma_semaphore, #tpu.memory_space<semaphore_mem>>)
    %add3A_679 = arith.constant 448 : i32
    %add3A_680 = arith.addi %mul3A_2, %add3A_679 : i32
    %mul3A_681 = arith.constant 8 : i32
    %mul3A_682 = arith.muli %add3A_680, %mul3A_681 : i32
    %multiple_of3A_683 = tpu.assume_multiple %mul3A_682, 8 : i32
    %dma_start3A_684 = arith.constant 0 : i32
    %dma_start3A_685 = tpu.memref_slice %arg12[%multiple_of3A_683, %dma_start3A_684] : memref<131072x128xf32, #tpu.memory_space<hbm>> -> memref<128x128xf32, #tpu.memory_space<hbm>>
    %dma_start3A_686 = arith.constant 0 : i32
    %dma_start3A_687 = tpu.memref_slice %arg12[%multiple_of3A_683, %dma_start3A_686] : memref<131072x128xf32, #tpu.memory_space<hbm>> -> memref<128x128xf32, #tpu.memory_space<hbm>>
    tpu.enqueue_dma source(%arg20 : memref<128x128xf32, #tpu.memory_space<vmem>>) target(%dma_start3A_687 : memref<128x128xf32, #tpu.memory_space<hbm>>) target_semaphore(%arg31 : memref<!tpu.dma_semaphore, #tpu.memory_space<semaphore_mem>>)
    %dma_wait3A_688 = arith.constant 3712 : i32
    %dma_wait3A_689 = tpu.memref_slice %arg18[%dma_wait3A_688] : memref<4096xi32, #tpu.memory_space<vmem>> -> memref<128xi32, #tpu.memory_space<vmem>>
    %dma_wait3A_690 = arith.constant 0 : i32
    %dma_wait3A_691 = arith.constant 0 : i32
    %dma_wait3A_692 = tpu.memref_slice %arg5[%dma_wait3A_690, %dma_wait3A_691] : memref<6464x128xf32, #tpu.memory_space<hbm>> -> memref<6464x128xf32, #tpu.memory_space<hbm>>
    tpu.wait_indirect_dma semaphore(%arg29 : memref<!tpu.dma_semaphore, #tpu.memory_space<semaphore_mem>>) src(%dma_wait3A_692 : memref<6464x128xf32, #tpu.memory_space<hbm>>) dst(%arg21 : memref<128x128xf32, #tpu.memory_space<vmem>>)
    %dma_wait3A_693 = arith.constant 0 : i32
    %dma_wait3A_694 = tpu.memref_slice %arg12[%multiple_of3A_683, %dma_wait3A_693] : memref<131072x128xf32, #tpu.memory_space<hbm>> -> memref<128x128xf32, #tpu.memory_space<hbm>>
    %dma_wait3A_695 = arith.constant 0 : i32
    %dma_wait3A_696 = tpu.memref_slice %arg12[%multiple_of3A_683, %dma_wait3A_695] : memref<131072x128xf32, #tpu.memory_space<hbm>> -> memref<128x128xf32, #tpu.memory_space<hbm>>
    tpu.wait_dma2 semaphore(%arg31 : memref<!tpu.dma_semaphore, #tpu.memory_space<semaphore_mem>>) src(%arg20 : memref<128x128xf32, #tpu.memory_space<vmem>>) dst(%dma_wait3A_696 : memref<128x128xf32, #tpu.memory_space<hbm>>)
    %dma_start3A_697 = arith.constant 3968 : i32
    %dma_start3A_698 = tpu.memref_slice %arg18[%dma_start3A_697] : memref<4096xi32, #tpu.memory_space<vmem>> -> memref<128xi32, #tpu.memory_space<vmem>>
    %dma_start3A_699 = arith.constant 0 : i32
    %dma_start3A_700 = arith.constant 0 : i32
    %dma_start3A_701 = tpu.memref_slice %arg5[%dma_start3A_699, %dma_start3A_700] : memref<6464x128xf32, #tpu.memory_space<hbm>> -> memref<6464x128xf32, #tpu.memory_space<hbm>>
    tpu.enqueue_indirect_dma source(%dma_start3A_701 : memref<6464x128xf32, #tpu.memory_space<hbm>>) target(%arg20 : memref<128x128xf32, #tpu.memory_space<vmem>>) offsets(%dma_start3A_698 : memref<128xi32, #tpu.memory_space<vmem>>) semaphore(%arg28 : memref<!tpu.dma_semaphore, #tpu.memory_space<semaphore_mem>>)
    %add3A_702 = arith.constant 464 : i32
    %add3A_703 = arith.addi %mul3A_2, %add3A_702 : i32
    %mul3A_704 = arith.constant 8 : i32
    %mul3A_705 = arith.muli %add3A_703, %mul3A_704 : i32
    %multiple_of3A_706 = tpu.assume_multiple %mul3A_705, 8 : i32
    %dma_start3A_707 = arith.constant 0 : i32
    %dma_start3A_708 = tpu.memref_slice %arg12[%multiple_of3A_706, %dma_start3A_707] : memref<131072x128xf32, #tpu.memory_space<hbm>> -> memref<128x128xf32, #tpu.memory_space<hbm>>
    %dma_start3A_709 = arith.constant 0 : i32
    %dma_start3A_710 = tpu.memref_slice %arg12[%multiple_of3A_706, %dma_start3A_709] : memref<131072x128xf32, #tpu.memory_space<hbm>> -> memref<128x128xf32, #tpu.memory_space<hbm>>
    tpu.enqueue_dma source(%arg21 : memref<128x128xf32, #tpu.memory_space<vmem>>) target(%dma_start3A_710 : memref<128x128xf32, #tpu.memory_space<hbm>>) target_semaphore(%arg32 : memref<!tpu.dma_semaphore, #tpu.memory_space<semaphore_mem>>)
    %dma_wait3A_711 = arith.constant 3840 : i32
    %dma_wait3A_712 = tpu.memref_slice %arg18[%dma_wait3A_711] : memref<4096xi32, #tpu.memory_space<vmem>> -> memref<128xi32, #tpu.memory_space<vmem>>
    %dma_wait3A_713 = arith.constant 0 : i32
    %dma_wait3A_714 = arith.constant 0 : i32
    %dma_wait3A_715 = tpu.memref_slice %arg5[%dma_wait3A_713, %dma_wait3A_714] : memref<6464x128xf32, #tpu.memory_space<hbm>> -> memref<6464x128xf32, #tpu.memory_space<hbm>>
    tpu.wait_indirect_dma semaphore(%arg27 : memref<!tpu.dma_semaphore, #tpu.memory_space<semaphore_mem>>) src(%dma_wait3A_715 : memref<6464x128xf32, #tpu.memory_space<hbm>>) dst(%arg19 : memref<128x128xf32, #tpu.memory_space<vmem>>)
    %add3A_716 = arith.constant 480 : i32
    %add3A_717 = arith.addi %mul3A_2, %add3A_716 : i32
    %mul3A_718 = arith.constant 8 : i32
    %mul3A_719 = arith.muli %add3A_717, %mul3A_718 : i32
    %multiple_of3A_720 = tpu.assume_multiple %mul3A_719, 8 : i32
    %dma_start3A_721 = arith.constant 0 : i32
    %dma_start3A_722 = tpu.memref_slice %arg12[%multiple_of3A_720, %dma_start3A_721] : memref<131072x128xf32, #tpu.memory_space<hbm>> -> memref<128x128xf32, #tpu.memory_space<hbm>>
    %dma_start3A_723 = arith.constant 0 : i32
    %dma_start3A_724 = tpu.memref_slice %arg12[%multiple_of3A_720, %dma_start3A_723] : memref<131072x128xf32, #tpu.memory_space<hbm>> -> memref<128x128xf32, #tpu.memory_space<hbm>>
    tpu.enqueue_dma source(%arg19 : memref<128x128xf32, #tpu.memory_space<vmem>>) target(%dma_start3A_724 : memref<128x128xf32, #tpu.memory_space<hbm>>) target_semaphore(%arg30 : memref<!tpu.dma_semaphore, #tpu.memory_space<semaphore_mem>>)
    %dma_wait3A_725 = arith.constant 3968 : i32
    %dma_wait3A_726 = tpu.memref_slice %arg18[%dma_wait3A_725] : memref<4096xi32, #tpu.memory_space<vmem>> -> memref<128xi32, #tpu.memory_space<vmem>>
    %dma_wait3A_727 = arith.constant 0 : i32
    %dma_wait3A_728 = arith.constant 0 : i32
    %dma_wait3A_729 = tpu.memref_slice %arg5[%dma_wait3A_727, %dma_wait3A_728] : memref<6464x128xf32, #tpu.memory_space<hbm>> -> memref<6464x128xf32, #tpu.memory_space<hbm>>
    tpu.wait_indirect_dma semaphore(%arg28 : memref<!tpu.dma_semaphore, #tpu.memory_space<semaphore_mem>>) src(%dma_wait3A_729 : memref<6464x128xf32, #tpu.memory_space<hbm>>) dst(%arg20 : memref<128x128xf32, #tpu.memory_space<vmem>>)
    %add3A_730 = arith.constant 496 : i32
    %add3A_731 = arith.addi %mul3A_2, %add3A_730 : i32
    %mul3A_732 = arith.constant 8 : i32
    %mul3A_733 = arith.muli %add3A_731, %mul3A_732 : i32
    %multiple_of3A_734 = tpu.assume_multiple %mul3A_733, 8 : i32
    %dma_start3A_735 = arith.constant 0 : i32
    %dma_start3A_736 = tpu.memref_slice %arg12[%multiple_of3A_734, %dma_start3A_735] : memref<131072x128xf32, #tpu.memory_space<hbm>> -> memref<128x128xf32, #tpu.memory_space<hbm>>
    %dma_start3A_737 = arith.constant 0 : i32
    %dma_start3A_738 = tpu.memref_slice %arg12[%multiple_of3A_734, %dma_start3A_737] : memref<131072x128xf32, #tpu.memory_space<hbm>> -> memref<128x128xf32, #tpu.memory_space<hbm>>
    tpu.enqueue_dma source(%arg20 : memref<128x128xf32, #tpu.memory_space<vmem>>) target(%dma_start3A_738 : memref<128x128xf32, #tpu.memory_space<hbm>>) target_semaphore(%arg31 : memref<!tpu.dma_semaphore, #tpu.memory_space<semaphore_mem>>)
    %dma_wait3A_739 = arith.constant 0 : i32
    %dma_wait3A_740 = tpu.memref_slice %arg12[%multiple_of3A_706, %dma_wait3A_739] : memref<131072x128xf32, #tpu.memory_space<hbm>> -> memref<128x128xf32, #tpu.memory_space<hbm>>
    %dma_wait3A_741 = arith.constant 0 : i32
    %dma_wait3A_742 = tpu.memref_slice %arg12[%multiple_of3A_706, %dma_wait3A_741] : memref<131072x128xf32, #tpu.memory_space<hbm>> -> memref<128x128xf32, #tpu.memory_space<hbm>>
    tpu.wait_dma2 semaphore(%arg32 : memref<!tpu.dma_semaphore, #tpu.memory_space<semaphore_mem>>) src(%arg21 : memref<128x128xf32, #tpu.memory_space<vmem>>) dst(%dma_wait3A_742 : memref<128x128xf32, #tpu.memory_space<hbm>>)
    %dma_wait3A_743 = arith.constant 0 : i32
    %dma_wait3A_744 = tpu.memref_slice %arg12[%multiple_of3A_720, %dma_wait3A_743] : memref<131072x128xf32, #tpu.memory_space<hbm>> -> memref<128x128xf32, #tpu.memory_space<hbm>>
    %dma_wait3A_745 = arith.constant 0 : i32
    %dma_wait3A_746 = tpu.memref_slice %arg12[%multiple_of3A_720, %dma_wait3A_745] : memref<131072x128xf32, #tpu.memory_space<hbm>> -> memref<128x128xf32, #tpu.memory_space<hbm>>
    tpu.wait_dma2 semaphore(%arg30 : memref<!tpu.dma_semaphore, #tpu.memory_space<semaphore_mem>>) src(%arg19 : memref<128x128xf32, #tpu.memory_space<vmem>>) dst(%dma_wait3A_746 : memref<128x128xf32, #tpu.memory_space<hbm>>)
    %dma_wait3A_747 = arith.constant 0 : i32
    %dma_wait3A_748 = tpu.memref_slice %arg12[%multiple_of3A_734, %dma_wait3A_747] : memref<131072x128xf32, #tpu.memory_space<hbm>> -> memref<128x128xf32, #tpu.memory_space<hbm>>
    %dma_wait3A_749 = arith.constant 0 : i32
    %dma_wait3A_750 = tpu.memref_slice %arg12[%multiple_of3A_734, %dma_wait3A_749] : memref<131072x128xf32, #tpu.memory_space<hbm>> -> memref<128x128xf32, #tpu.memory_space<hbm>>
    tpu.wait_dma2 semaphore(%arg31 : memref<!tpu.dma_semaphore, #tpu.memory_space<semaphore_mem>>) src(%arg20 : memref<128x128xf32, #tpu.memory_space<vmem>>) dst(%dma_wait3A_750 : memref<128x128xf32, #tpu.memory_space<hbm>>)
    %get3A = arith.constant 0 : index
    %get3A_751 = tpu.vector_load %arg26[%get3A] {strides = array<i32>} : memref<16xf32, #tpu.memory_space<vmem>>, vector<16xf32>,
    %eq3A = arith.constant 0 : i32
    %eq3A_752 = vector.broadcast %eq3A : i32 to vector<16xi32>
    %eq3A_753 = arith.cmpi eq, %iota3A, %eq3A_752 : vector<16xi32>
    %jit3A = arith.constant 0.000000e+00 : f32
    %broadcast_in_dim3A_754 = vector.broadcast %jit3A : f32 to vector<16xf32>
    %select_n3A = arith.select %eq3A_753, %get3A_751, %broadcast_in_dim3A_754 : vector<16xi1>, vector<16xf32>
    %reduce_max3A = arith.constant true
    %reduce_max3A_755 = vector.broadcast %reduce_max3A : i1 to vector<16xi1>
    %reduce_max3A_756 = tpu.scan <max>, %select_n3A masked %reduce_max3A_755 : vector<16xf32>, vector<16xi1> -> vector<16xf32>
    %reduce_max3A_757 = vector.extract %reduce_max3A_756[15] : f32 from vector<16xf32>
    %eq3A_758 = arith.constant 1 : i32
    %eq3A_759 = vector.broadcast %eq3A_758 : i32 to vector<16xi32>
    %eq3A_760 = arith.cmpi eq, %iota3A, %eq3A_759 : vector<16xi32>
    %jit3A_761 = arith.constant 0.000000e+00 : f32
    %broadcast_in_dim3A_762 = vector.broadcast %jit3A_761 : f32 to vector<16xf32>
    %select_n3A_763 = arith.select %eq3A_760, %get3A_751, %broadcast_in_dim3A_762 : vector<16xi1>, vector<16xf32>
    %reduce_max3A_764 = arith.constant true
    %reduce_max3A_765 = vector.broadcast %reduce_max3A_764 : i1 to vector<16xi1>
    %reduce_max3A_766 = tpu.scan <max>, %select_n3A_763 masked %reduce_max3A_765 : vector<16xf32>, vector<16xi1> -> vector<16xf32>
    %reduce_max3A_767 = vector.extract %reduce_max3A_766[15] : f32 from vector<16xf32>
    %eq3A_768 = arith.constant 2 : i32
    %eq3A_769 = vector.broadcast %eq3A_768 : i32 to vector<16xi32>
    %eq3A_770 = arith.cmpi eq, %iota3A, %eq3A_769 : vector<16xi32>
    %jit3A_771 = arith.constant 0.000000e+00 : f32
    %broadcast_in_dim3A_772 = vector.broadcast %jit3A_771 : f32 to vector<16xf32>
    %select_n3A_773 = arith.select %eq3A_770, %get3A_751, %broadcast_in_dim3A_772 : vector<16xi1>, vector<16xf32>
    %reduce_max3A_774 = arith.constant true
    %reduce_max3A_775 = vector.broadcast %reduce_max3A_774 : i1 to vector<16xi1>
    %reduce_max3A_776 = tpu.scan <max>, %select_n3A_773 masked %reduce_max3A_775 : vector<16xf32>, vector<16xi1> -> vector<16xf32>
    %reduce_max3A_777 = vector.extract %reduce_max3A_776[15] : f32 from vector<16xf32>
    %broadcast_in_dim3A_778 = arith.constant 0 : i32
    %broadcast_in_dim3A_779 = vector.broadcast %broadcast_in_dim3A_778 : i32 to vector<16xi32>
    %scan3A_780 = arith.constant 0 : i32
    %scan3A_781 = arith.constant 0.000000e+00 : f32
    %scan3A_782 = arith.constant 1.000000e-03 : f32
    %scan3A_783 = arith.constant 0 : i32
    %scan3A_784 = arith.constant 32 : i32
    %scan3A_785 = arith.addi %scan3A_783, %scan3A_784 : i32
    %scan3A_786 = arith.constant 1 : i32
    scf.for %scan3A_788 = %scan3A_783 to %scan3A_785 step %scan3A_786  : i32 {
      %mul3A_789 = arith.constant 16 : i32
      %mul3A_790 = arith.muli %scan3A_788, %mul3A_789 : i32
      %get3A_791 = arith.index_cast %mul3A_790 : i32 to index
      %get3A_792 = tpu.vector_load %arg17[%get3A_791] {strides = array<i32>} : memref<512xi32, #tpu.memory_space<vmem>>, vector<16xi32>,
      %reduce_max3A_793 = arith.constant true
      %reduce_max3A_794 = vector.broadcast %reduce_max3A_793 : i1 to vector<16xi1>
      %reduce_max3A_795 = arith.constant -2147483648 : i32
      %reduce_max3A_796 = vector.broadcast %reduce_max3A_795 : i32 to vector<16xi32>
      %reduce_max3A_797 = arith.xori %get3A_792, %reduce_max3A_796 : vector<16xi32>
      %reduce_max3A_798 = tpu.scan <max>, %reduce_max3A_797 masked %reduce_max3A_794 : vector<16xi32>, vector<16xi1> -> vector<16xi32>
      %reduce_max3A_799 = arith.xori %reduce_max3A_798, %reduce_max3A_796 : vector<16xi32>
      %reduce_max3A_800 = vector.extract %reduce_max3A_799[15] : i32 from vector<16xi32>
      %ne3A = arith.constant 0 : i32
      %ne3A_801 = arith.cmpi ne, %reduce_max3A_800, %ne3A : i32
      %convert_element_type3A_802 = arith.extui %ne3A_801 : i1 to i32
      %cond3A_803 = arith.constant 0 : i32
      %cond3A_804 = arith.cmpi ne, %convert_element_type3A_802, %cond3A_803 : i32
      scf.if %cond3A_804 {
        %scan3A_805 = arith.constant 0 : i32
        %scan3A_806 = arith.constant 0 : i32
        %scan3A_807 = arith.constant 16 : i32
        %scan3A_808 = arith.addi %scan3A_806, %scan3A_807 : i32
        %scan3A_809 = arith.constant 1 : i32
        scf.for %scan3A_811 = %scan3A_806 to %scan3A_808 step %scan3A_809  : i32 {
          %eq3A_812 = vector.broadcast %scan3A_811 : i32 to vector<16xi32>
          %eq3A_813 = arith.cmpi eq, %iota3A, %eq3A_812 : vector<16xi32>
          %select_n3A_814 = arith.select %eq3A_813, %get3A_792, %broadcast_in_dim3A_779 : vector<16xi1>, vector<16xi32>
          %reduce_max3A_815 = arith.constant true
          %reduce_max3A_816 = vector.broadcast %reduce_max3A_815 : i1 to vector<16xi1>
          %reduce_max3A_817 = arith.constant -2147483648 : i32
          %reduce_max3A_818 = vector.broadcast %reduce_max3A_817 : i32 to vector<16xi32>
          %reduce_max3A_819 = arith.xori %select_n3A_814, %reduce_max3A_818 : vector<16xi32>
          %reduce_max3A_820 = tpu.scan <max>, %reduce_max3A_819 masked %reduce_max3A_816 : vector<16xi32>, vector<16xi1> -> vector<16xi32>
          %reduce_max3A_821 = arith.xori %reduce_max3A_820, %reduce_max3A_818 : vector<16xi32>
          %reduce_max3A_822 = vector.extract %reduce_max3A_821[15] : i32 from vector<16xi32>
          %ne3A_823 = arith.constant 0 : i32
          %ne3A_824 = arith.cmpi ne, %reduce_max3A_822, %ne3A_823 : i32
          %convert_element_type3A_825 = arith.extui %ne3A_824 : i1 to i32
          %cond3A_826 = arith.constant 0 : i32
          %cond3A_827 = arith.cmpi ne, %convert_element_type3A_825, %cond3A_826 : i32
          scf.if %cond3A_827 {
            %shift_right_logical3A = arith.constant 1 : i32
            %shift_right_logical3A_828 = arith.shrui %reduce_max3A_822, %shift_right_logical3A : i32
            %and3A = arith.constant 2047 : i32
            %and3A_829 = arith.andi %shift_right_logical3A_828, %and3A : i32
            %shift_right_logical3A_830 = arith.constant 12 : i32
            %shift_right_logical3A_831 = arith.shrui %reduce_max3A_822, %shift_right_logical3A_830 : i32
            %sub3A = arith.constant 1 : i32
            %sub3A_832 = arith.subi %and3A_829, %sub3A : i32
            %max3A = arith.constant 0 : i32
            %max3A_833 = arith.maxsi %sub3A_832, %max3A : i32
            %rem3A = arith.constant 8 : i32
            %rem3A_834 = arith.remsi %max3A_833, %rem3A : i32
            %rem3A_835 = arith.constant 8 : i32
            %rem3A_836 = arith.remsi %shift_right_logical3A_831, %rem3A_835 : i32
            %sub3A_837 = arith.subi %max3A_833, %rem3A_834 : i32
            %multiple_of3A_838 = tpu.assume_multiple %sub3A_837, 8 : i32
            %dma_start3A_839 = arith.constant 0 : i32
            %dma_start3A_840 = arith.constant 0 : i32
            %dma_start3A_841 = tpu.memref_slice %arg23[%dma_start3A_839, %dma_start3A_840] : memref<64x128xf32, #tpu.memory_space<vmem>> -> memref<8x128xf32, #tpu.memory_space<vmem>>
            %dma_start3A_842 = arith.constant 0 : i32
            %dma_start3A_843 = tpu.memref_slice %arg7[%multiple_of3A_838, %dma_start3A_842] : memref<800x1000xf32, #tpu.memory_space<hbm>> -> memref<8x128xf32, #tpu.memory_space<hbm>>
            %dma_start3A_844 = arith.constant 0 : i32
            %dma_start3A_845 = arith.constant 0 : i32
            %dma_start3A_846 = tpu.memref_slice %arg23[%dma_start3A_844, %dma_start3A_845] : memref<64x128xf32, #tpu.memory_space<vmem>> -> memref<8x128xf32, #tpu.memory_space<vmem>>
            %dma_start3A_847 = arith.constant 0 : i32
            %dma_start3A_848 = tpu.memref_slice %arg7[%multiple_of3A_838, %dma_start3A_847] : memref<800x1000xf32, #tpu.memory_space<hbm>> -> memref<8x128xf32, #tpu.memory_space<hbm>>
            tpu.enqueue_dma source(%dma_start3A_848 : memref<8x128xf32, #tpu.memory_space<hbm>>) target(%dma_start3A_846 : memref<8x128xf32, #tpu.memory_space<vmem>>) target_semaphore(%arg33 : memref<!tpu.dma_semaphore, #tpu.memory_space<semaphore_mem>>)
            %dma_start3A_849 = arith.constant 8 : i32
            %dma_start3A_850 = arith.constant 0 : i32
            %dma_start3A_851 = tpu.memref_slice %arg23[%dma_start3A_849, %dma_start3A_850] : memref<64x128xf32, #tpu.memory_space<vmem>> -> memref<8x128xf32, #tpu.memory_space<vmem>>
            %dma_start3A_852 = arith.constant 128 : i32
            %dma_start3A_853 = tpu.memref_slice %arg7[%multiple_of3A_838, %dma_start3A_852] : memref<800x1000xf32, #tpu.memory_space<hbm>> -> memref<8x128xf32, #tpu.memory_space<hbm>>
            %dma_start3A_854 = arith.constant 8 : i32
            %dma_start3A_855 = arith.constant 0 : i32
            %dma_start3A_856 = tpu.memref_slice %arg23[%dma_start3A_854, %dma_start3A_855] : memref<64x128xf32, #tpu.memory_space<vmem>> -> memref<8x128xf32, #tpu.memory_space<vmem>>
            %dma_start3A_857 = arith.constant 128 : i32
            %dma_start3A_858 = tpu.memref_slice %arg7[%multiple_of3A_838, %dma_start3A_857] : memref<800x1000xf32, #tpu.memory_space<hbm>> -> memref<8x128xf32, #tpu.memory_space<hbm>>
            tpu.enqueue_dma source(%dma_start3A_858 : memref<8x128xf32, #tpu.memory_space<hbm>>) target(%dma_start3A_856 : memref<8x128xf32, #tpu.memory_space<vmem>>) target_semaphore(%arg33 : memref<!tpu.dma_semaphore, #tpu.memory_space<semaphore_mem>>)
            %dma_start3A_859 = arith.constant 16 : i32
            %dma_start3A_860 = arith.constant 0 : i32
            %dma_start3A_861 = tpu.memref_slice %arg23[%dma_start3A_859, %dma_start3A_860] : memref<64x128xf32, #tpu.memory_space<vmem>> -> memref<8x128xf32, #tpu.memory_space<vmem>>
            %dma_start3A_862 = arith.constant 256 : i32
            %dma_start3A_863 = tpu.memref_slice %arg7[%multiple_of3A_838, %dma_start3A_862] : memref<800x1000xf32, #tpu.memory_space<hbm>> -> memref<8x128xf32, #tpu.memory_space<hbm>>
            %dma_start3A_864 = arith.constant 16 : i32
            %dma_start3A_865 = arith.constant 0 : i32
            %dma_start3A_866 = tpu.memref_slice %arg23[%dma_start3A_864, %dma_start3A_865] : memref<64x128xf32, #tpu.memory_space<vmem>> -> memref<8x128xf32, #tpu.memory_space<vmem>>
            %dma_start3A_867 = arith.constant 256 : i32
            %dma_start3A_868 = tpu.memref_slice %arg7[%multiple_of3A_838, %dma_start3A_867] : memref<800x1000xf32, #tpu.memory_space<hbm>> -> memref<8x128xf32, #tpu.memory_space<hbm>>
            tpu.enqueue_dma source(%dma_start3A_868 : memref<8x128xf32, #tpu.memory_space<hbm>>) target(%dma_start3A_866 : memref<8x128xf32, #tpu.memory_space<vmem>>) target_semaphore(%arg33 : memref<!tpu.dma_semaphore, #tpu.memory_space<semaphore_mem>>)
            %dma_start3A_869 = arith.constant 24 : i32
            %dma_start3A_870 = arith.constant 0 : i32
            %dma_start3A_871 = tpu.memref_slice %arg23[%dma_start3A_869, %dma_start3A_870] : memref<64x128xf32, #tpu.memory_space<vmem>> -> memref<8x128xf32, #tpu.memory_space<vmem>>
            %dma_start3A_872 = arith.constant 384 : i32
            %dma_start3A_873 = tpu.memref_slice %arg7[%multiple_of3A_838, %dma_start3A_872] : memref<800x1000xf32, #tpu.memory_space<hbm>> -> memref<8x128xf32, #tpu.memory_space<hbm>>
            %dma_start3A_874 = arith.constant 24 : i32
            %dma_start3A_875 = arith.constant 0 : i32
            %dma_start3A_876 = tpu.memref_slice %arg23[%dma_start3A_874, %dma_start3A_875] : memref<64x128xf32, #tpu.memory_space<vmem>> -> memref<8x128xf32, #tpu.memory_space<vmem>>
            %dma_start3A_877 = arith.constant 384 : i32
            %dma_start3A_878 = tpu.memref_slice %arg7[%multiple_of3A_838, %dma_start3A_877] : memref<800x1000xf32, #tpu.memory_space<hbm>> -> memref<8x128xf32, #tpu.memory_space<hbm>>
            tpu.enqueue_dma source(%dma_start3A_878 : memref<8x128xf32, #tpu.memory_space<hbm>>) target(%dma_start3A_876 : memref<8x128xf32, #tpu.memory_space<vmem>>) target_semaphore(%arg33 : memref<!tpu.dma_semaphore, #tpu.memory_space<semaphore_mem>>)
            %dma_start3A_879 = arith.constant 32 : i32
            %dma_start3A_880 = arith.constant 0 : i32
            %dma_start3A_881 = tpu.memref_slice %arg23[%dma_start3A_879, %dma_start3A_880] : memref<64x128xf32, #tpu.memory_space<vmem>> -> memref<8x128xf32, #tpu.memory_space<vmem>>
            %dma_start3A_882 = arith.constant 512 : i32
            %dma_start3A_883 = tpu.memref_slice %arg7[%multiple_of3A_838, %dma_start3A_882] : memref<800x1000xf32, #tpu.memory_space<hbm>> -> memref<8x128xf32, #tpu.memory_space<hbm>>
            %dma_start3A_884 = arith.constant 32 : i32
            %dma_start3A_885 = arith.constant 0 : i32
            %dma_start3A_886 = tpu.memref_slice %arg23[%dma_start3A_884, %dma_start3A_885] : memref<64x128xf32, #tpu.memory_space<vmem>> -> memref<8x128xf32, #tpu.memory_space<vmem>>
            %dma_start3A_887 = arith.constant 512 : i32
            %dma_start3A_888 = tpu.memref_slice %arg7[%multiple_of3A_838, %dma_start3A_887] : memref<800x1000xf32, #tpu.memory_space<hbm>> -> memref<8x128xf32, #tpu.memory_space<hbm>>
            tpu.enqueue_dma source(%dma_start3A_888 : memref<8x128xf32, #tpu.memory_space<hbm>>) target(%dma_start3A_886 : memref<8x128xf32, #tpu.memory_space<vmem>>) target_semaphore(%arg33 : memref<!tpu.dma_semaphore, #tpu.memory_space<semaphore_mem>>)
            %dma_start3A_889 = arith.constant 40 : i32
            %dma_start3A_890 = arith.constant 0 : i32
            %dma_start3A_891 = tpu.memref_slice %arg23[%dma_start3A_889, %dma_start3A_890] : memref<64x128xf32, #tpu.memory_space<vmem>> -> memref<8x128xf32, #tpu.memory_space<vmem>>
            %dma_start3A_892 = arith.constant 640 : i32
            %dma_start3A_893 = tpu.memref_slice %arg7[%multiple_of3A_838, %dma_start3A_892] : memref<800x1000xf32, #tpu.memory_space<hbm>> -> memref<8x128xf32, #tpu.memory_space<hbm>>
            %dma_start3A_894 = arith.constant 40 : i32
            %dma_start3A_895 = arith.constant 0 : i32
            %dma_start3A_896 = tpu.memref_slice %arg23[%dma_start3A_894, %dma_start3A_895] : memref<64x128xf32, #tpu.memory_space<vmem>> -> memref<8x128xf32, #tpu.memory_space<vmem>>
            %dma_start3A_897 = arith.constant 640 : i32
            %dma_start3A_898 = tpu.memref_slice %arg7[%multiple_of3A_838, %dma_start3A_897] : memref<800x1000xf32, #tpu.memory_space<hbm>> -> memref<8x128xf32, #tpu.memory_space<hbm>>
            tpu.enqueue_dma source(%dma_start3A_898 : memref<8x128xf32, #tpu.memory_space<hbm>>) target(%dma_start3A_896 : memref<8x128xf32, #tpu.memory_space<vmem>>) target_semaphore(%arg33 : memref<!tpu.dma_semaphore, #tpu.memory_space<semaphore_mem>>)
            %dma_start3A_899 = arith.constant 48 : i32
            %dma_start3A_900 = arith.constant 0 : i32
            %dma_start3A_901 = tpu.memref_slice %arg23[%dma_start3A_899, %dma_start3A_900] : memref<64x128xf32, #tpu.memory_space<vmem>> -> memref<8x128xf32, #tpu.memory_space<vmem>>
            %dma_start3A_902 = arith.constant 768 : i32
            %dma_start3A_903 = tpu.memref_slice %arg7[%multiple_of3A_838, %dma_start3A_902] : memref<800x1000xf32, #tpu.memory_space<hbm>> -> memref<8x128xf32, #tpu.memory_space<hbm>>
            %dma_start3A_904 = arith.constant 48 : i32
            %dma_start3A_905 = arith.constant 0 : i32
            %dma_start3A_906 = tpu.memref_slice %arg23[%dma_start3A_904, %dma_start3A_905] : memref<64x128xf32, #tpu.memory_space<vmem>> -> memref<8x128xf32, #tpu.memory_space<vmem>>
            %dma_start3A_907 = arith.constant 768 : i32
            %dma_start3A_908 = tpu.memref_slice %arg7[%multiple_of3A_838, %dma_start3A_907] : memref<800x1000xf32, #tpu.memory_space<hbm>> -> memref<8x128xf32, #tpu.memory_space<hbm>>
            tpu.enqueue_dma source(%dma_start3A_908 : memref<8x128xf32, #tpu.memory_space<hbm>>) target(%dma_start3A_906 : memref<8x128xf32, #tpu.memory_space<vmem>>) target_semaphore(%arg33 : memref<!tpu.dma_semaphore, #tpu.memory_space<semaphore_mem>>)
            %dma_start3A_909 = arith.constant 56 : i32
            %dma_start3A_910 = arith.constant 0 : i32
            %dma_start3A_911 = tpu.memref_slice %arg23[%dma_start3A_909, %dma_start3A_910] : memref<64x128xf32, #tpu.memory_space<vmem>> -> memref<8x128xf32, #tpu.memory_space<vmem>>
            %dma_start3A_912 = arith.constant 0 : i32
            %dma_start3A_913 = tpu.memref_slice %arg9[%multiple_of3A_838, %dma_start3A_912] : memref<800x128xf32, #tpu.memory_space<hbm>> -> memref<8x128xf32, #tpu.memory_space<hbm>>
            %dma_start3A_914 = arith.constant 56 : i32
            %dma_start3A_915 = arith.constant 0 : i32
            %dma_start3A_916 = tpu.memref_slice %arg23[%dma_start3A_914, %dma_start3A_915] : memref<64x128xf32, #tpu.memory_space<vmem>> -> memref<8x128xf32, #tpu.memory_space<vmem>>
            %dma_start3A_917 = arith.constant 0 : i32
            %dma_start3A_918 = tpu.memref_slice %arg9[%multiple_of3A_838, %dma_start3A_917] : memref<800x128xf32, #tpu.memory_space<hbm>> -> memref<8x128xf32, #tpu.memory_space<hbm>>
            tpu.enqueue_dma source(%dma_start3A_918 : memref<8x128xf32, #tpu.memory_space<hbm>>) target(%dma_start3A_916 : memref<8x128xf32, #tpu.memory_space<vmem>>) target_semaphore(%arg33 : memref<!tpu.dma_semaphore, #tpu.memory_space<semaphore_mem>>)
            %sub3A_919 = arith.subi %shift_right_logical3A_831, %rem3A_836 : i32
            %multiple_of3A_920 = tpu.assume_multiple %sub3A_919, 8 : i32
            %dma_start3A_921 = arith.constant 0 : i32
            %dma_start3A_922 = arith.constant 0 : i32
            %dma_start3A_923 = tpu.memref_slice %arg24[%dma_start3A_921, %dma_start3A_922] : memref<64x128xf32, #tpu.memory_space<vmem>> -> memref<8x128xf32, #tpu.memory_space<vmem>>
            %dma_start3A_924 = arith.constant 0 : i32
            %dma_start3A_925 = tpu.memref_slice %arg8[%multiple_of3A_920, %dma_start3A_924] : memref<20000x1000xf32, #tpu.memory_space<hbm>> -> memref<8x128xf32, #tpu.memory_space<hbm>>
            %dma_start3A_926 = arith.constant 0 : i32
            %dma_start3A_927 = arith.constant 0 : i32
            %dma_start3A_928 = tpu.memref_slice %arg24[%dma_start3A_926, %dma_start3A_927] : memref<64x128xf32, #tpu.memory_space<vmem>> -> memref<8x128xf32, #tpu.memory_space<vmem>>
            %dma_start3A_929 = arith.constant 0 : i32
            %dma_start3A_930 = tpu.memref_slice %arg8[%multiple_of3A_920, %dma_start3A_929] : memref<20000x1000xf32, #tpu.memory_space<hbm>> -> memref<8x128xf32, #tpu.memory_space<hbm>>
            tpu.enqueue_dma source(%dma_start3A_930 : memref<8x128xf32, #tpu.memory_space<hbm>>) target(%dma_start3A_928 : memref<8x128xf32, #tpu.memory_space<vmem>>) target_semaphore(%arg33 : memref<!tpu.dma_semaphore, #tpu.memory_space<semaphore_mem>>)
            %dma_start3A_931 = arith.constant 8 : i32
            %dma_start3A_932 = arith.constant 0 : i32
            %dma_start3A_933 = tpu.memref_slice %arg24[%dma_start3A_931, %dma_start3A_932] : memref<64x128xf32, #tpu.memory_space<vmem>> -> memref<8x128xf32, #tpu.memory_space<vmem>>
            %dma_start3A_934 = arith.constant 128 : i32
            %dma_start3A_935 = tpu.memref_slice %arg8[%multiple_of3A_920, %dma_start3A_934] : memref<20000x1000xf32, #tpu.memory_space<hbm>> -> memref<8x128xf32, #tpu.memory_space<hbm>>
            %dma_start3A_936 = arith.constant 8 : i32
            %dma_start3A_937 = arith.constant 0 : i32
            %dma_start3A_938 = tpu.memref_slice %arg24[%dma_start3A_936, %dma_start3A_937] : memref<64x128xf32, #tpu.memory_space<vmem>> -> memref<8x128xf32, #tpu.memory_space<vmem>>
            %dma_start3A_939 = arith.constant 128 : i32
            %dma_start3A_940 = tpu.memref_slice %arg8[%multiple_of3A_920, %dma_start3A_939] : memref<20000x1000xf32, #tpu.memory_space<hbm>> -> memref<8x128xf32, #tpu.memory_space<hbm>>
            tpu.enqueue_dma source(%dma_start3A_940 : memref<8x128xf32, #tpu.memory_space<hbm>>) target(%dma_start3A_938 : memref<8x128xf32, #tpu.memory_space<vmem>>) target_semaphore(%arg33 : memref<!tpu.dma_semaphore, #tpu.memory_space<semaphore_mem>>)
            %dma_start3A_941 = arith.constant 16 : i32
            %dma_start3A_942 = arith.constant 0 : i32
            %dma_start3A_943 = tpu.memref_slice %arg24[%dma_start3A_941, %dma_start3A_942] : memref<64x128xf32, #tpu.memory_space<vmem>> -> memref<8x128xf32, #tpu.memory_space<vmem>>
            %dma_start3A_944 = arith.constant 256 : i32
            %dma_start3A_945 = tpu.memref_slice %arg8[%multiple_of3A_920, %dma_start3A_944] : memref<20000x1000xf32, #tpu.memory_space<hbm>> -> memref<8x128xf32, #tpu.memory_space<hbm>>
            %dma_start3A_946 = arith.constant 16 : i32
            %dma_start3A_947 = arith.constant 0 : i32
            %dma_start3A_948 = tpu.memref_slice %arg24[%dma_start3A_946, %dma_start3A_947] : memref<64x128xf32, #tpu.memory_space<vmem>> -> memref<8x128xf32, #tpu.memory_space<vmem>>
            %dma_start3A_949 = arith.constant 256 : i32
            %dma_start3A_950 = tpu.memref_slice %arg8[%multiple_of3A_920, %dma_start3A_949] : memref<20000x1000xf32, #tpu.memory_space<hbm>> -> memref<8x128xf32, #tpu.memory_space<hbm>>
            tpu.enqueue_dma source(%dma_start3A_950 : memref<8x128xf32, #tpu.memory_space<hbm>>) target(%dma_start3A_948 : memref<8x128xf32, #tpu.memory_space<vmem>>) target_semaphore(%arg33 : memref<!tpu.dma_semaphore, #tpu.memory_space<semaphore_mem>>)
            %dma_start3A_951 = arith.constant 24 : i32
            %dma_start3A_952 = arith.constant 0 : i32
            %dma_start3A_953 = tpu.memref_slice %arg24[%dma_start3A_951, %dma_start3A_952] : memref<64x128xf32, #tpu.memory_space<vmem>> -> memref<8x128xf32, #tpu.memory_space<vmem>>
            %dma_start3A_954 = arith.constant 384 : i32
            %dma_start3A_955 = tpu.memref_slice %arg8[%multiple_of3A_920, %dma_start3A_954] : memref<20000x1000xf32, #tpu.memory_space<hbm>> -> memref<8x128xf32, #tpu.memory_space<hbm>>
            %dma_start3A_956 = arith.constant 24 : i32
            %dma_start3A_957 = arith.constant 0 : i32
            %dma_start3A_958 = tpu.memref_slice %arg24[%dma_start3A_956, %dma_start3A_957] : memref<64x128xf32, #tpu.memory_space<vmem>> -> memref<8x128xf32, #tpu.memory_space<vmem>>
            %dma_start3A_959 = arith.constant 384 : i32
            %dma_start3A_960 = tpu.memref_slice %arg8[%multiple_of3A_920, %dma_start3A_959] : memref<20000x1000xf32, #tpu.memory_space<hbm>> -> memref<8x128xf32, #tpu.memory_space<hbm>>
            tpu.enqueue_dma source(%dma_start3A_960 : memref<8x128xf32, #tpu.memory_space<hbm>>) target(%dma_start3A_958 : memref<8x128xf32, #tpu.memory_space<vmem>>) target_semaphore(%arg33 : memref<!tpu.dma_semaphore, #tpu.memory_space<semaphore_mem>>)
            %dma_start3A_961 = arith.constant 32 : i32
            %dma_start3A_962 = arith.constant 0 : i32
            %dma_start3A_963 = tpu.memref_slice %arg24[%dma_start3A_961, %dma_start3A_962] : memref<64x128xf32, #tpu.memory_space<vmem>> -> memref<8x128xf32, #tpu.memory_space<vmem>>
            %dma_start3A_964 = arith.constant 512 : i32
            %dma_start3A_965 = tpu.memref_slice %arg8[%multiple_of3A_920, %dma_start3A_964] : memref<20000x1000xf32, #tpu.memory_space<hbm>> -> memref<8x128xf32, #tpu.memory_space<hbm>>
            %dma_start3A_966 = arith.constant 32 : i32
            %dma_start3A_967 = arith.constant 0 : i32
            %dma_start3A_968 = tpu.memref_slice %arg24[%dma_start3A_966, %dma_start3A_967] : memref<64x128xf32, #tpu.memory_space<vmem>> -> memref<8x128xf32, #tpu.memory_space<vmem>>
            %dma_start3A_969 = arith.constant 512 : i32
            %dma_start3A_970 = tpu.memref_slice %arg8[%multiple_of3A_920, %dma_start3A_969] : memref<20000x1000xf32, #tpu.memory_space<hbm>> -> memref<8x128xf32, #tpu.memory_space<hbm>>
            tpu.enqueue_dma source(%dma_start3A_970 : memref<8x128xf32, #tpu.memory_space<hbm>>) target(%dma_start3A_968 : memref<8x128xf32, #tpu.memory_space<vmem>>) target_semaphore(%arg33 : memref<!tpu.dma_semaphore, #tpu.memory_space<semaphore_mem>>)
            %dma_start3A_971 = arith.constant 40 : i32
            %dma_start3A_972 = arith.constant 0 : i32
            %dma_start3A_973 = tpu.memref_slice %arg24[%dma_start3A_971, %dma_start3A_972] : memref<64x128xf32, #tpu.memory_space<vmem>> -> memref<8x128xf32, #tpu.memory_space<vmem>>
            %dma_start3A_974 = arith.constant 640 : i32
            %dma_start3A_975 = tpu.memref_slice %arg8[%multiple_of3A_920, %dma_start3A_974] : memref<20000x1000xf32, #tpu.memory_space<hbm>> -> memref<8x128xf32, #tpu.memory_space<hbm>>
            %dma_start3A_976 = arith.constant 40 : i32
            %dma_start3A_977 = arith.constant 0 : i32
            %dma_start3A_978 = tpu.memref_slice %arg24[%dma_start3A_976, %dma_start3A_977] : memref<64x128xf32, #tpu.memory_space<vmem>> -> memref<8x128xf32, #tpu.memory_space<vmem>>
            %dma_start3A_979 = arith.constant 640 : i32
            %dma_start3A_980 = tpu.memref_slice %arg8[%multiple_of3A_920, %dma_start3A_979] : memref<20000x1000xf32, #tpu.memory_space<hbm>> -> memref<8x128xf32, #tpu.memory_space<hbm>>
            tpu.enqueue_dma source(%dma_start3A_980 : memref<8x128xf32, #tpu.memory_space<hbm>>) target(%dma_start3A_978 : memref<8x128xf32, #tpu.memory_space<vmem>>) target_semaphore(%arg33 : memref<!tpu.dma_semaphore, #tpu.memory_space<semaphore_mem>>)
            %dma_start3A_981 = arith.constant 48 : i32
            %dma_start3A_982 = arith.constant 0 : i32
            %dma_start3A_983 = tpu.memref_slice %arg24[%dma_start3A_981, %dma_start3A_982] : memref<64x128xf32, #tpu.memory_space<vmem>> -> memref<8x128xf32, #tpu.memory_space<vmem>>
            %dma_start3A_984 = arith.constant 768 : i32
            %dma_start3A_985 = tpu.memref_slice %arg8[%multiple_of3A_920, %dma_start3A_984] : memref<20000x1000xf32, #tpu.memory_space<hbm>> -> memref<8x128xf32, #tpu.memory_space<hbm>>
            %dma_start3A_986 = arith.constant 48 : i32
            %dma_start3A_987 = arith.constant 0 : i32
            %dma_start3A_988 = tpu.memref_slice %arg24[%dma_start3A_986, %dma_start3A_987] : memref<64x128xf32, #tpu.memory_space<vmem>> -> memref<8x128xf32, #tpu.memory_space<vmem>>
            %dma_start3A_989 = arith.constant 768 : i32
            %dma_start3A_990 = tpu.memref_slice %arg8[%multiple_of3A_920, %dma_start3A_989] : memref<20000x1000xf32, #tpu.memory_space<hbm>> -> memref<8x128xf32, #tpu.memory_space<hbm>>
            tpu.enqueue_dma source(%dma_start3A_990 : memref<8x128xf32, #tpu.memory_space<hbm>>) target(%dma_start3A_988 : memref<8x128xf32, #tpu.memory_space<vmem>>) target_semaphore(%arg33 : memref<!tpu.dma_semaphore, #tpu.memory_space<semaphore_mem>>)
            %dma_start3A_991 = arith.constant 56 : i32
            %dma_start3A_992 = arith.constant 0 : i32
            %dma_start3A_993 = tpu.memref_slice %arg24[%dma_start3A_991, %dma_start3A_992] : memref<64x128xf32, #tpu.memory_space<vmem>> -> memref<8x128xf32, #tpu.memory_space<vmem>>
            %dma_start3A_994 = arith.constant 0 : i32
            %dma_start3A_995 = tpu.memref_slice %arg10[%multiple_of3A_920, %dma_start3A_994] : memref<20000x128xf32, #tpu.memory_space<hbm>> -> memref<8x128xf32, #tpu.memory_space<hbm>>
            %dma_start3A_996 = arith.constant 56 : i32
            %dma_start3A_997 = arith.constant 0 : i32
            %dma_start3A_998 = tpu.memref_slice %arg24[%dma_start3A_996, %dma_start3A_997] : memref<64x128xf32, #tpu.memory_space<vmem>> -> memref<8x128xf32, #tpu.memory_space<vmem>>
            %dma_start3A_999 = arith.constant 0 : i32
            %dma_start3A_1000 = tpu.memref_slice %arg10[%multiple_of3A_920, %dma_start3A_999] : memref<20000x128xf32, #tpu.memory_space<hbm>> -> memref<8x128xf32, #tpu.memory_space<hbm>>
            tpu.enqueue_dma source(%dma_start3A_1000 : memref<8x128xf32, #tpu.memory_space<hbm>>) target(%dma_start3A_998 : memref<8x128xf32, #tpu.memory_space<vmem>>) target_semaphore(%arg33 : memref<!tpu.dma_semaphore, #tpu.memory_space<semaphore_mem>>)
            %dma_wait3A_1001 = arith.constant 0 : i32
            %dma_wait3A_1002 = arith.constant 0 : i32
            %dma_wait3A_1003 = tpu.memref_slice %arg23[%dma_wait3A_1001, %dma_wait3A_1002] : memref<64x128xf32, #tpu.memory_space<vmem>> -> memref<8x128xf32, #tpu.memory_space<vmem>>
            %dma_wait3A_1004 = arith.constant 0 : i32
            %dma_wait3A_1005 = tpu.memref_slice %arg7[%multiple_of3A_838, %dma_wait3A_1004] : memref<800x1000xf32, #tpu.memory_space<hbm>> -> memref<8x128xf32, #tpu.memory_space<hbm>>
            %dma_wait3A_1006 = arith.constant 0 : i32
            %dma_wait3A_1007 = arith.constant 0 : i32
            %dma_wait3A_1008 = tpu.memref_slice %arg23[%dma_wait3A_1006, %dma_wait3A_1007] : memref<64x128xf32, #tpu.memory_space<vmem>> -> memref<8x128xf32, #tpu.memory_space<vmem>>
            %dma_wait3A_1009 = arith.constant 0 : i32
            %dma_wait3A_1010 = tpu.memref_slice %arg7[%multiple_of3A_838, %dma_wait3A_1009] : memref<800x1000xf32, #tpu.memory_space<hbm>> -> memref<8x128xf32, #tpu.memory_space<hbm>>
            tpu.wait_dma2 semaphore(%arg33 : memref<!tpu.dma_semaphore, #tpu.memory_space<semaphore_mem>>) src(%dma_wait3A_1010 : memref<8x128xf32, #tpu.memory_space<hbm>>) dst(%dma_wait3A_1008 : memref<8x128xf32, #tpu.memory_space<vmem>>)
            %dma_wait3A_1011 = arith.constant 8 : i32
            %dma_wait3A_1012 = arith.constant 0 : i32
            %dma_wait3A_1013 = tpu.memref_slice %arg23[%dma_wait3A_1011, %dma_wait3A_1012] : memref<64x128xf32, #tpu.memory_space<vmem>> -> memref<8x128xf32, #tpu.memory_space<vmem>>
            %dma_wait3A_1014 = arith.constant 128 : i32
            %dma_wait3A_1015 = tpu.memref_slice %arg7[%multiple_of3A_838, %dma_wait3A_1014] : memref<800x1000xf32, #tpu.memory_space<hbm>> -> memref<8x128xf32, #tpu.memory_space<hbm>>
            %dma_wait3A_1016 = arith.constant 8 : i32
            %dma_wait3A_1017 = arith.constant 0 : i32
            %dma_wait3A_1018 = tpu.memref_slice %arg23[%dma_wait3A_1016, %dma_wait3A_1017] : memref<64x128xf32, #tpu.memory_space<vmem>> -> memref<8x128xf32, #tpu.memory_space<vmem>>
            %dma_wait3A_1019 = arith.constant 128 : i32
            %dma_wait3A_1020 = tpu.memref_slice %arg7[%multiple_of3A_838, %dma_wait3A_1019] : memref<800x1000xf32, #tpu.memory_space<hbm>> -> memref<8x128xf32, #tpu.memory_space<hbm>>
            tpu.wait_dma2 semaphore(%arg33 : memref<!tpu.dma_semaphore, #tpu.memory_space<semaphore_mem>>) src(%dma_wait3A_1020 : memref<8x128xf32, #tpu.memory_space<hbm>>) dst(%dma_wait3A_1018 : memref<8x128xf32, #tpu.memory_space<vmem>>)
            %dma_wait3A_1021 = arith.constant 16 : i32
            %dma_wait3A_1022 = arith.constant 0 : i32
            %dma_wait3A_1023 = tpu.memref_slice %arg23[%dma_wait3A_1021, %dma_wait3A_1022] : memref<64x128xf32, #tpu.memory_space<vmem>> -> memref<8x128xf32, #tpu.memory_space<vmem>>
            %dma_wait3A_1024 = arith.constant 256 : i32
            %dma_wait3A_1025 = tpu.memref_slice %arg7[%multiple_of3A_838, %dma_wait3A_1024] : memref<800x1000xf32, #tpu.memory_space<hbm>> -> memref<8x128xf32, #tpu.memory_space<hbm>>
            %dma_wait3A_1026 = arith.constant 16 : i32
            %dma_wait3A_1027 = arith.constant 0 : i32
            %dma_wait3A_1028 = tpu.memref_slice %arg23[%dma_wait3A_1026, %dma_wait3A_1027] : memref<64x128xf32, #tpu.memory_space<vmem>> -> memref<8x128xf32, #tpu.memory_space<vmem>>
            %dma_wait3A_1029 = arith.constant 256 : i32
            %dma_wait3A_1030 = tpu.memref_slice %arg7[%multiple_of3A_838, %dma_wait3A_1029] : memref<800x1000xf32, #tpu.memory_space<hbm>> -> memref<8x128xf32, #tpu.memory_space<hbm>>
            tpu.wait_dma2 semaphore(%arg33 : memref<!tpu.dma_semaphore, #tpu.memory_space<semaphore_mem>>) src(%dma_wait3A_1030 : memref<8x128xf32, #tpu.memory_space<hbm>>) dst(%dma_wait3A_1028 : memref<8x128xf32, #tpu.memory_space<vmem>>)
            %dma_wait3A_1031 = arith.constant 24 : i32
            %dma_wait3A_1032 = arith.constant 0 : i32
            %dma_wait3A_1033 = tpu.memref_slice %arg23[%dma_wait3A_1031, %dma_wait3A_1032] : memref<64x128xf32, #tpu.memory_space<vmem>> -> memref<8x128xf32, #tpu.memory_space<vmem>>
            %dma_wait3A_1034 = arith.constant 384 : i32
            %dma_wait3A_1035 = tpu.memref_slice %arg7[%multiple_of3A_838, %dma_wait3A_1034] : memref<800x1000xf32, #tpu.memory_space<hbm>> -> memref<8x128xf32, #tpu.memory_space<hbm>>
            %dma_wait3A_1036 = arith.constant 24 : i32
            %dma_wait3A_1037 = arith.constant 0 : i32
            %dma_wait3A_1038 = tpu.memref_slice %arg23[%dma_wait3A_1036, %dma_wait3A_1037] : memref<64x128xf32, #tpu.memory_space<vmem>> -> memref<8x128xf32, #tpu.memory_space<vmem>>
            %dma_wait3A_1039 = arith.constant 384 : i32
            %dma_wait3A_1040 = tpu.memref_slice %arg7[%multiple_of3A_838, %dma_wait3A_1039] : memref<800x1000xf32, #tpu.memory_space<hbm>> -> memref<8x128xf32, #tpu.memory_space<hbm>>
            tpu.wait_dma2 semaphore(%arg33 : memref<!tpu.dma_semaphore, #tpu.memory_space<semaphore_mem>>) src(%dma_wait3A_1040 : memref<8x128xf32, #tpu.memory_space<hbm>>) dst(%dma_wait3A_1038 : memref<8x128xf32, #tpu.memory_space<vmem>>)
            %dma_wait3A_1041 = arith.constant 32 : i32
            %dma_wait3A_1042 = arith.constant 0 : i32
            %dma_wait3A_1043 = tpu.memref_slice %arg23[%dma_wait3A_1041, %dma_wait3A_1042] : memref<64x128xf32, #tpu.memory_space<vmem>> -> memref<8x128xf32, #tpu.memory_space<vmem>>
            %dma_wait3A_1044 = arith.constant 512 : i32
            %dma_wait3A_1045 = tpu.memref_slice %arg7[%multiple_of3A_838, %dma_wait3A_1044] : memref<800x1000xf32, #tpu.memory_space<hbm>> -> memref<8x128xf32, #tpu.memory_space<hbm>>
            %dma_wait3A_1046 = arith.constant 32 : i32
            %dma_wait3A_1047 = arith.constant 0 : i32
            %dma_wait3A_1048 = tpu.memref_slice %arg23[%dma_wait3A_1046, %dma_wait3A_1047] : memref<64x128xf32, #tpu.memory_space<vmem>> -> memref<8x128xf32, #tpu.memory_space<vmem>>
            %dma_wait3A_1049 = arith.constant 512 : i32
            %dma_wait3A_1050 = tpu.memref_slice %arg7[%multiple_of3A_838, %dma_wait3A_1049] : memref<800x1000xf32, #tpu.memory_space<hbm>> -> memref<8x128xf32, #tpu.memory_space<hbm>>
            tpu.wait_dma2 semaphore(%arg33 : memref<!tpu.dma_semaphore, #tpu.memory_space<semaphore_mem>>) src(%dma_wait3A_1050 : memref<8x128xf32, #tpu.memory_space<hbm>>) dst(%dma_wait3A_1048 : memref<8x128xf32, #tpu.memory_space<vmem>>)
            %dma_wait3A_1051 = arith.constant 40 : i32
            %dma_wait3A_1052 = arith.constant 0 : i32
            %dma_wait3A_1053 = tpu.memref_slice %arg23[%dma_wait3A_1051, %dma_wait3A_1052] : memref<64x128xf32, #tpu.memory_space<vmem>> -> memref<8x128xf32, #tpu.memory_space<vmem>>
            %dma_wait3A_1054 = arith.constant 640 : i32
            %dma_wait3A_1055 = tpu.memref_slice %arg7[%multiple_of3A_838, %dma_wait3A_1054] : memref<800x1000xf32, #tpu.memory_space<hbm>> -> memref<8x128xf32, #tpu.memory_space<hbm>>
            %dma_wait3A_1056 = arith.constant 40 : i32
            %dma_wait3A_1057 = arith.constant 0 : i32
            %dma_wait3A_1058 = tpu.memref_slice %arg23[%dma_wait3A_1056, %dma_wait3A_1057] : memref<64x128xf32, #tpu.memory_space<vmem>> -> memref<8x128xf32, #tpu.memory_space<vmem>>
            %dma_wait3A_1059 = arith.constant 640 : i32
            %dma_wait3A_1060 = tpu.memref_slice %arg7[%multiple_of3A_838, %dma_wait3A_1059] : memref<800x1000xf32, #tpu.memory_space<hbm>> -> memref<8x128xf32, #tpu.memory_space<hbm>>
            tpu.wait_dma2 semaphore(%arg33 : memref<!tpu.dma_semaphore, #tpu.memory_space<semaphore_mem>>) src(%dma_wait3A_1060 : memref<8x128xf32, #tpu.memory_space<hbm>>) dst(%dma_wait3A_1058 : memref<8x128xf32, #tpu.memory_space<vmem>>)
            %dma_wait3A_1061 = arith.constant 48 : i32
            %dma_wait3A_1062 = arith.constant 0 : i32
            %dma_wait3A_1063 = tpu.memref_slice %arg23[%dma_wait3A_1061, %dma_wait3A_1062] : memref<64x128xf32, #tpu.memory_space<vmem>> -> memref<8x128xf32, #tpu.memory_space<vmem>>
            %dma_wait3A_1064 = arith.constant 768 : i32
            %dma_wait3A_1065 = tpu.memref_slice %arg7[%multiple_of3A_838, %dma_wait3A_1064] : memref<800x1000xf32, #tpu.memory_space<hbm>> -> memref<8x128xf32, #tpu.memory_space<hbm>>
            %dma_wait3A_1066 = arith.constant 48 : i32
            %dma_wait3A_1067 = arith.constant 0 : i32
            %dma_wait3A_1068 = tpu.memref_slice %arg23[%dma_wait3A_1066, %dma_wait3A_1067] : memref<64x128xf32, #tpu.memory_space<vmem>> -> memref<8x128xf32, #tpu.memory_space<vmem>>
            %dma_wait3A_1069 = arith.constant 768 : i32
            %dma_wait3A_1070 = tpu.memref_slice %arg7[%multiple_of3A_838, %dma_wait3A_1069] : memref<800x1000xf32, #tpu.memory_space<hbm>> -> memref<8x128xf32, #tpu.memory_space<hbm>>
            tpu.wait_dma2 semaphore(%arg33 : memref<!tpu.dma_semaphore, #tpu.memory_space<semaphore_mem>>) src(%dma_wait3A_1070 : memref<8x128xf32, #tpu.memory_space<hbm>>) dst(%dma_wait3A_1068 : memref<8x128xf32, #tpu.memory_space<vmem>>)
            %dma_wait3A_1071 = arith.constant 56 : i32
            %dma_wait3A_1072 = arith.constant 0 : i32
            %dma_wait3A_1073 = tpu.memref_slice %arg23[%dma_wait3A_1071, %dma_wait3A_1072] : memref<64x128xf32, #tpu.memory_space<vmem>> -> memref<8x128xf32, #tpu.memory_space<vmem>>
            %dma_wait3A_1074 = arith.constant 0 : i32
            %dma_wait3A_1075 = tpu.memref_slice %arg9[%multiple_of3A_838, %dma_wait3A_1074] : memref<800x128xf32, #tpu.memory_space<hbm>> -> memref<8x128xf32, #tpu.memory_space<hbm>>
            %dma_wait3A_1076 = arith.constant 56 : i32
            %dma_wait3A_1077 = arith.constant 0 : i32
            %dma_wait3A_1078 = tpu.memref_slice %arg23[%dma_wait3A_1076, %dma_wait3A_1077] : memref<64x128xf32, #tpu.memory_space<vmem>> -> memref<8x128xf32, #tpu.memory_space<vmem>>
            %dma_wait3A_1079 = arith.constant 0 : i32
            %dma_wait3A_1080 = tpu.memref_slice %arg9[%multiple_of3A_838, %dma_wait3A_1079] : memref<800x128xf32, #tpu.memory_space<hbm>> -> memref<8x128xf32, #tpu.memory_space<hbm>>
            tpu.wait_dma2 semaphore(%arg33 : memref<!tpu.dma_semaphore, #tpu.memory_space<semaphore_mem>>) src(%dma_wait3A_1080 : memref<8x128xf32, #tpu.memory_space<hbm>>) dst(%dma_wait3A_1078 : memref<8x128xf32, #tpu.memory_space<vmem>>)
            %dma_wait3A_1081 = arith.constant 0 : i32
            %dma_wait3A_1082 = arith.constant 0 : i32
            %dma_wait3A_1083 = tpu.memref_slice %arg24[%dma_wait3A_1081, %dma_wait3A_1082] : memref<64x128xf32, #tpu.memory_space<vmem>> -> memref<8x128xf32, #tpu.memory_space<vmem>>
            %dma_wait3A_1084 = arith.constant 0 : i32
            %dma_wait3A_1085 = tpu.memref_slice %arg8[%multiple_of3A_920, %dma_wait3A_1084] : memref<20000x1000xf32, #tpu.memory_space<hbm>> -> memref<8x128xf32, #tpu.memory_space<hbm>>
            %dma_wait3A_1086 = arith.constant 0 : i32
            %dma_wait3A_1087 = arith.constant 0 : i32
            %dma_wait3A_1088 = tpu.memref_slice %arg24[%dma_wait3A_1086, %dma_wait3A_1087] : memref<64x128xf32, #tpu.memory_space<vmem>> -> memref<8x128xf32, #tpu.memory_space<vmem>>
            %dma_wait3A_1089 = arith.constant 0 : i32
            %dma_wait3A_1090 = tpu.memref_slice %arg8[%multiple_of3A_920, %dma_wait3A_1089] : memref<20000x1000xf32, #tpu.memory_space<hbm>> -> memref<8x128xf32, #tpu.memory_space<hbm>>
            tpu.wait_dma2 semaphore(%arg33 : memref<!tpu.dma_semaphore, #tpu.memory_space<semaphore_mem>>) src(%dma_wait3A_1090 : memref<8x128xf32, #tpu.memory_space<hbm>>) dst(%dma_wait3A_1088 : memref<8x128xf32, #tpu.memory_space<vmem>>)
            %dma_wait3A_1091 = arith.constant 8 : i32
            %dma_wait3A_1092 = arith.constant 0 : i32
            %dma_wait3A_1093 = tpu.memref_slice %arg24[%dma_wait3A_1091, %dma_wait3A_1092] : memref<64x128xf32, #tpu.memory_space<vmem>> -> memref<8x128xf32, #tpu.memory_space<vmem>>
            %dma_wait3A_1094 = arith.constant 128 : i32
            %dma_wait3A_1095 = tpu.memref_slice %arg8[%multiple_of3A_920, %dma_wait3A_1094] : memref<20000x1000xf32, #tpu.memory_space<hbm>> -> memref<8x128xf32, #tpu.memory_space<hbm>>
            %dma_wait3A_1096 = arith.constant 8 : i32
            %dma_wait3A_1097 = arith.constant 0 : i32
            %dma_wait3A_1098 = tpu.memref_slice %arg24[%dma_wait3A_1096, %dma_wait3A_1097] : memref<64x128xf32, #tpu.memory_space<vmem>> -> memref<8x128xf32, #tpu.memory_space<vmem>>
            %dma_wait3A_1099 = arith.constant 128 : i32
            %dma_wait3A_1100 = tpu.memref_slice %arg8[%multiple_of3A_920, %dma_wait3A_1099] : memref<20000x1000xf32, #tpu.memory_space<hbm>> -> memref<8x128xf32, #tpu.memory_space<hbm>>
            tpu.wait_dma2 semaphore(%arg33 : memref<!tpu.dma_semaphore, #tpu.memory_space<semaphore_mem>>) src(%dma_wait3A_1100 : memref<8x128xf32, #tpu.memory_space<hbm>>) dst(%dma_wait3A_1098 : memref<8x128xf32, #tpu.memory_space<vmem>>)
            %dma_wait3A_1101 = arith.constant 16 : i32
            %dma_wait3A_1102 = arith.constant 0 : i32
            %dma_wait3A_1103 = tpu.memref_slice %arg24[%dma_wait3A_1101, %dma_wait3A_1102] : memref<64x128xf32, #tpu.memory_space<vmem>> -> memref<8x128xf32, #tpu.memory_space<vmem>>
            %dma_wait3A_1104 = arith.constant 256 : i32
            %dma_wait3A_1105 = tpu.memref_slice %arg8[%multiple_of3A_920, %dma_wait3A_1104] : memref<20000x1000xf32, #tpu.memory_space<hbm>> -> memref<8x128xf32, #tpu.memory_space<hbm>>
            %dma_wait3A_1106 = arith.constant 16 : i32
            %dma_wait3A_1107 = arith.constant 0 : i32
            %dma_wait3A_1108 = tpu.memref_slice %arg24[%dma_wait3A_1106, %dma_wait3A_1107] : memref<64x128xf32, #tpu.memory_space<vmem>> -> memref<8x128xf32, #tpu.memory_space<vmem>>
            %dma_wait3A_1109 = arith.constant 256 : i32
            %dma_wait3A_1110 = tpu.memref_slice %arg8[%multiple_of3A_920, %dma_wait3A_1109] : memref<20000x1000xf32, #tpu.memory_space<hbm>> -> memref<8x128xf32, #tpu.memory_space<hbm>>
            tpu.wait_dma2 semaphore(%arg33 : memref<!tpu.dma_semaphore, #tpu.memory_space<semaphore_mem>>) src(%dma_wait3A_1110 : memref<8x128xf32, #tpu.memory_space<hbm>>) dst(%dma_wait3A_1108 : memref<8x128xf32, #tpu.memory_space<vmem>>)
            %dma_wait3A_1111 = arith.constant 24 : i32
            %dma_wait3A_1112 = arith.constant 0 : i32
            %dma_wait3A_1113 = tpu.memref_slice %arg24[%dma_wait3A_1111, %dma_wait3A_1112] : memref<64x128xf32, #tpu.memory_space<vmem>> -> memref<8x128xf32, #tpu.memory_space<vmem>>
            %dma_wait3A_1114 = arith.constant 384 : i32
            %dma_wait3A_1115 = tpu.memref_slice %arg8[%multiple_of3A_920, %dma_wait3A_1114] : memref<20000x1000xf32, #tpu.memory_space<hbm>> -> memref<8x128xf32, #tpu.memory_space<hbm>>
            %dma_wait3A_1116 = arith.constant 24 : i32
            %dma_wait3A_1117 = arith.constant 0 : i32
            %dma_wait3A_1118 = tpu.memref_slice %arg24[%dma_wait3A_1116, %dma_wait3A_1117] : memref<64x128xf32, #tpu.memory_space<vmem>> -> memref<8x128xf32, #tpu.memory_space<vmem>>
            %dma_wait3A_1119 = arith.constant 384 : i32
            %dma_wait3A_1120 = tpu.memref_slice %arg8[%multiple_of3A_920, %dma_wait3A_1119] : memref<20000x1000xf32, #tpu.memory_space<hbm>> -> memref<8x128xf32, #tpu.memory_space<hbm>>
            tpu.wait_dma2 semaphore(%arg33 : memref<!tpu.dma_semaphore, #tpu.memory_space<semaphore_mem>>) src(%dma_wait3A_1120 : memref<8x128xf32, #tpu.memory_space<hbm>>) dst(%dma_wait3A_1118 : memref<8x128xf32, #tpu.memory_space<vmem>>)
            %dma_wait3A_1121 = arith.constant 32 : i32
            %dma_wait3A_1122 = arith.constant 0 : i32
            %dma_wait3A_1123 = tpu.memref_slice %arg24[%dma_wait3A_1121, %dma_wait3A_1122] : memref<64x128xf32, #tpu.memory_space<vmem>> -> memref<8x128xf32, #tpu.memory_space<vmem>>
            %dma_wait3A_1124 = arith.constant 512 : i32
            %dma_wait3A_1125 = tpu.memref_slice %arg8[%multiple_of3A_920, %dma_wait3A_1124] : memref<20000x1000xf32, #tpu.memory_space<hbm>> -> memref<8x128xf32, #tpu.memory_space<hbm>>
            %dma_wait3A_1126 = arith.constant 32 : i32
            %dma_wait3A_1127 = arith.constant 0 : i32
            %dma_wait3A_1128 = tpu.memref_slice %arg24[%dma_wait3A_1126, %dma_wait3A_1127] : memref<64x128xf32, #tpu.memory_space<vmem>> -> memref<8x128xf32, #tpu.memory_space<vmem>>
            %dma_wait3A_1129 = arith.constant 512 : i32
            %dma_wait3A_1130 = tpu.memref_slice %arg8[%multiple_of3A_920, %dma_wait3A_1129] : memref<20000x1000xf32, #tpu.memory_space<hbm>> -> memref<8x128xf32, #tpu.memory_space<hbm>>
            tpu.wait_dma2 semaphore(%arg33 : memref<!tpu.dma_semaphore, #tpu.memory_space<semaphore_mem>>) src(%dma_wait3A_1130 : memref<8x128xf32, #tpu.memory_space<hbm>>) dst(%dma_wait3A_1128 : memref<8x128xf32, #tpu.memory_space<vmem>>)
            %dma_wait3A_1131 = arith.constant 40 : i32
            %dma_wait3A_1132 = arith.constant 0 : i32
            %dma_wait3A_1133 = tpu.memref_slice %arg24[%dma_wait3A_1131, %dma_wait3A_1132] : memref<64x128xf32, #tpu.memory_space<vmem>> -> memref<8x128xf32, #tpu.memory_space<vmem>>
            %dma_wait3A_1134 = arith.constant 640 : i32
            %dma_wait3A_1135 = tpu.memref_slice %arg8[%multiple_of3A_920, %dma_wait3A_1134] : memref<20000x1000xf32, #tpu.memory_space<hbm>> -> memref<8x128xf32, #tpu.memory_space<hbm>>
            %dma_wait3A_1136 = arith.constant 40 : i32
            %dma_wait3A_1137 = arith.constant 0 : i32
            %dma_wait3A_1138 = tpu.memref_slice %arg24[%dma_wait3A_1136, %dma_wait3A_1137] : memref<64x128xf32, #tpu.memory_space<vmem>> -> memref<8x128xf32, #tpu.memory_space<vmem>>
            %dma_wait3A_1139 = arith.constant 640 : i32
            %dma_wait3A_1140 = tpu.memref_slice %arg8[%multiple_of3A_920, %dma_wait3A_1139] : memref<20000x1000xf32, #tpu.memory_space<hbm>> -> memref<8x128xf32, #tpu.memory_space<hbm>>
            tpu.wait_dma2 semaphore(%arg33 : memref<!tpu.dma_semaphore, #tpu.memory_space<semaphore_mem>>) src(%dma_wait3A_1140 : memref<8x128xf32, #tpu.memory_space<hbm>>) dst(%dma_wait3A_1138 : memref<8x128xf32, #tpu.memory_space<vmem>>)
            %dma_wait3A_1141 = arith.constant 48 : i32
            %dma_wait3A_1142 = arith.constant 0 : i32
            %dma_wait3A_1143 = tpu.memref_slice %arg24[%dma_wait3A_1141, %dma_wait3A_1142] : memref<64x128xf32, #tpu.memory_space<vmem>> -> memref<8x128xf32, #tpu.memory_space<vmem>>
            %dma_wait3A_1144 = arith.constant 768 : i32
            %dma_wait3A_1145 = tpu.memref_slice %arg8[%multiple_of3A_920, %dma_wait3A_1144] : memref<20000x1000xf32, #tpu.memory_space<hbm>> -> memref<8x128xf32, #tpu.memory_space<hbm>>
            %dma_wait3A_1146 = arith.constant 48 : i32
            %dma_wait3A_1147 = arith.constant 0 : i32
            %dma_wait3A_1148 = tpu.memref_slice %arg24[%dma_wait3A_1146, %dma_wait3A_1147] : memref<64x128xf32, #tpu.memory_space<vmem>> -> memref<8x128xf32, #tpu.memory_space<vmem>>
            %dma_wait3A_1149 = arith.constant 768 : i32
            %dma_wait3A_1150 = tpu.memref_slice %arg8[%multiple_of3A_920, %dma_wait3A_1149] : memref<20000x1000xf32, #tpu.memory_space<hbm>> -> memref<8x128xf32, #tpu.memory_space<hbm>>
            tpu.wait_dma2 semaphore(%arg33 : memref<!tpu.dma_semaphore, #tpu.memory_space<semaphore_mem>>) src(%dma_wait3A_1150 : memref<8x128xf32, #tpu.memory_space<hbm>>) dst(%dma_wait3A_1148 : memref<8x128xf32, #tpu.memory_space<vmem>>)
            %dma_wait3A_1151 = arith.constant 56 : i32
            %dma_wait3A_1152 = arith.constant 0 : i32
            %dma_wait3A_1153 = tpu.memref_slice %arg24[%dma_wait3A_1151, %dma_wait3A_1152] : memref<64x128xf32, #tpu.memory_space<vmem>> -> memref<8x128xf32, #tpu.memory_space<vmem>>
            %dma_wait3A_1154 = arith.constant 0 : i32
            %dma_wait3A_1155 = tpu.memref_slice %arg10[%multiple_of3A_920, %dma_wait3A_1154] : memref<20000x128xf32, #tpu.memory_space<hbm>> -> memref<8x128xf32, #tpu.memory_space<hbm>>
            %dma_wait3A_1156 = arith.constant 56 : i32
            %dma_wait3A_1157 = arith.constant 0 : i32
            %dma_wait3A_1158 = tpu.memref_slice %arg24[%dma_wait3A_1156, %dma_wait3A_1157] : memref<64x128xf32, #tpu.memory_space<vmem>> -> memref<8x128xf32, #tpu.memory_space<vmem>>
            %dma_wait3A_1159 = arith.constant 0 : i32
            %dma_wait3A_1160 = tpu.memref_slice %arg10[%multiple_of3A_920, %dma_wait3A_1159] : memref<20000x128xf32, #tpu.memory_space<hbm>> -> memref<8x128xf32, #tpu.memory_space<hbm>>
            tpu.wait_dma2 semaphore(%arg33 : memref<!tpu.dma_semaphore, #tpu.memory_space<semaphore_mem>>) src(%dma_wait3A_1160 : memref<8x128xf32, #tpu.memory_space<hbm>>) dst(%dma_wait3A_1158 : memref<8x128xf32, #tpu.memory_space<vmem>>)
            %gt3A_1161 = arith.constant 0 : i32
            %gt3A_1162 = arith.cmpi sgt, %and3A_829, %gt3A_1161 : i32
            %select_n3A_1163 = arith.select %gt3A_1162, %reduce_max3A_767, %scan3A_781 : f32
            %sub3A_1164 = arith.subf %reduce_max3A_767, %select_n3A_1163 : f32
            %mul3A_1165 = arith.mulf %sub3A_1164, %scan3A_782 : f32
            %scan3A_1166 = arith.constant 0 : i32
            %scan3A_1167 = arith.constant 0 : i32
            %scan3A_1168 = arith.constant 64 : i32
            %scan3A_1169 = arith.addi %scan3A_1167, %scan3A_1168 : i32
            %scan3A_1170 = arith.constant 1 : i32
            scf.for %scan3A_1179 = %scan3A_1167 to %scan3A_1169 step %scan3A_1170  : i32 {
              %shift_right_logical3A_1180 = arith.constant 3 : i32
              %shift_right_logical3A_1181 = arith.shrui %scan3A_1179, %shift_right_logical3A_1180 : i32
              %and3A_1182 = arith.constant 7 : i32
              %and3A_1183 = arith.andi %scan3A_1179, %and3A_1182 : i32
              %mul3A_1184 = arith.constant 16 : i32
              %mul3A_1185 = arith.muli %and3A_1183, %mul3A_1184 : i32
              %mul3A_1186 = arith.constant 8 : i32
              %mul3A_1187 = arith.muli %shift_right_logical3A_1181, %mul3A_1186 : i32
              %add3A_1188 = arith.addi %mul3A_1187, %rem3A_834 : i32
              %get3A_1189 = arith.index_cast %add3A_1188 : i32 to index
              %get3A_1190 = arith.index_cast %mul3A_1185 : i32 to index
              %get3A_1191 = tpu.vector_load %arg23[%get3A_1189, %get3A_1190] {strides = array<i32>} : memref<64x128xf32, #tpu.memory_space<vmem>>, vector<16xf32>,
              %mul3A_1192 = arith.constant 8 : i32
              %mul3A_1193 = arith.muli %shift_right_logical3A_1181, %mul3A_1192 : i32
              %add3A_1194 = arith.addi %mul3A_1193, %rem3A_836 : i32
              %get3A_1195 = arith.index_cast %add3A_1194 : i32 to index
              %get3A_1196 = arith.index_cast %mul3A_1185 : i32 to index
              %get3A_1197 = tpu.vector_load %arg24[%get3A_1195, %get3A_1196] {strides = array<i32>} : memref<64x128xf32, #tpu.memory_space<vmem>>, vector<16xf32>,
              %mul3A_1198 = arith.constant 16 : i32
              %mul3A_1199 = arith.muli %scan3A_1179, %mul3A_1198 : i32
              %get3A_1200 = arith.index_cast %mul3A_1199 : i32 to index
              %get3A_1201 = tpu.vector_load %arg22[%get3A_1200] {strides = array<i32>} : memref<1024xf32, #tpu.memory_space<vmem>>, vector<16xf32>,
              %mul3A_1202 = vector.broadcast %reduce_max3A_757 : f32 to vector<16xf32>
              %mul3A_1203 = arith.mulf %mul3A_1202, %get3A_1201 : vector<16xf32>
              %add3A_1204 = vector.broadcast %mul3A_1165 : f32 to vector<16xf32>
              %add3A_1205 = arith.addf %mul3A_1203, %add3A_1204 : vector<16xf32>
              %mul3A_1206 = vector.broadcast %select_n3A_1163 : f32 to vector<16xf32>
              %mul3A_1207 = arith.mulf %mul3A_1206, %get3A_1191 : vector<16xf32>
              %add3A_1208 = arith.addf %add3A_1205, %mul3A_1207 : vector<16xf32>
              %mul3A_1209 = vector.broadcast %reduce_max3A_777 : f32 to vector<16xf32>
              %mul3A_1210 = arith.mulf %mul3A_1209, %get3A_1197 : vector<16xf32>
              %add3A_1211 = arith.addf %add3A_1208, %mul3A_1210 : vector<16xf32>
              %bitcast3A = vector.bitcast %add3A_1211 : vector<16xf32> to vector<16xi32>
              %shift_right_logical3A_1212 = arith.constant 23 : i32
              %shift_right_logical3A_1213 = vector.broadcast %shift_right_logical3A_1212 : i32 to vector<16xi32>
              %shift_right_logical3A_1214 = arith.shrui %bitcast3A, %shift_right_logical3A_1213 : vector<16xi32>
              %and3A_1215 = arith.constant 255 : i32
              %and3A_1216 = vector.broadcast %and3A_1215 : i32 to vector<16xi32>
              %and3A_1217 = arith.andi %shift_right_logical3A_1214, %and3A_1216 : vector<16xi32>
              %sub3A_1218 = arith.constant 127 : i32
              %sub3A_1219 = vector.broadcast %sub3A_1218 : i32 to vector<16xi32>
              %sub3A_1220 = arith.subi %and3A_1217, %sub3A_1219 : vector<16xi32>
              %and3A_1221 = arith.constant 8388607 : i32
              %and3A_1222 = vector.broadcast %and3A_1221 : i32 to vector<16xi32>
              %and3A_1223 = arith.andi %bitcast3A, %and3A_1222 : vector<16xi32>
              %or3A = arith.constant 1065353216 : i32
              %or3A_1224 = vector.broadcast %or3A : i32 to vector<16xi32>
              %or3A_1225 = arith.ori %and3A_1223, %or3A_1224 : vector<16xi32>
              %bitcast3A_1226 = vector.bitcast %or3A_1225 : vector<16xi32> to vector<16xf32>
              %gt3A_1227 = arith.constant 1.33333337 : f32
              %gt3A_1228 = vector.broadcast %gt3A_1227 : f32 to vector<16xf32>
              %gt3A_1229 = arith.cmpf ogt, %bitcast3A_1226, %gt3A_1228 : vector<16xf32>
              %mul3A_1230 = arith.constant 5.000000e-01 : f32
              %mul3A_1231 = vector.broadcast %mul3A_1230 : f32 to vector<16xf32>
              %mul3A_1232 = arith.mulf %bitcast3A_1226, %mul3A_1231 : vector<16xf32>
              %select_n3A_1233 = arith.select %gt3A_1229, %mul3A_1232, %bitcast3A_1226 : vector<16xi1>, vector<16xf32>
              %add3A_1234 = arith.constant 1 : i32
              %add3A_1235 = vector.broadcast %add3A_1234 : i32 to vector<16xi32>
              %add3A_1236 = arith.addi %sub3A_1220, %add3A_1235 : vector<16xi32>
              %select_n3A_1237 = arith.select %gt3A_1229, %add3A_1236, %sub3A_1220 : vector<16xi1>, vector<16xi32>
              %sub3A_1238 = arith.constant 1.000000e+00 : f32
              %sub3A_1239 = vector.broadcast %sub3A_1238 : f32 to vector<16xf32>
              %sub3A_1240 = arith.subf %select_n3A_1233, %sub3A_1239 : vector<16xf32>
              %mul3A_1241 = arith.constant -0.0714285746 : f32
              %mul3A_1242 = vector.broadcast %mul3A_1241 : f32 to vector<16xf32>
              %mul3A_1243 = arith.mulf %mul3A_1242, %sub3A_1240 : vector<16xf32>
              %add3A_1244 = arith.constant 0.0769230798 : f32
              %add3A_1245 = vector.broadcast %add3A_1244 : f32 to vector<16xf32>
              %add3A_1246 = arith.addf %mul3A_1243, %add3A_1245 : vector<16xf32>
              %mul3A_1247 = arith.mulf %add3A_1246, %sub3A_1240 : vector<16xf32>
              %add3A_1248 = arith.constant -0.0833333358 : f32
              %add3A_1249 = vector.broadcast %add3A_1248 : f32 to vector<16xf32>
              %add3A_1250 = arith.addf %mul3A_1247, %add3A_1249 : vector<16xf32>
              %mul3A_1251 = arith.mulf %add3A_1250, %sub3A_1240 : vector<16xf32>
              %add3A_1252 = arith.constant 0.0909090936 : f32
              %add3A_1253 = vector.broadcast %add3A_1252 : f32 to vector<16xf32>
              %add3A_1254 = arith.addf %mul3A_1251, %add3A_1253 : vector<16xf32>
              %mul3A_1255 = arith.mulf %add3A_1254, %sub3A_1240 : vector<16xf32>
              %add3A_1256 = arith.constant -1.000000e-01 : f32
              %add3A_1257 = vector.broadcast %add3A_1256 : f32 to vector<16xf32>
              %add3A_1258 = arith.addf %mul3A_1255, %add3A_1257 : vector<16xf32>
              %mul3A_1259 = arith.mulf %add3A_1258, %sub3A_1240 : vector<16xf32>
              %add3A_1260 = arith.constant 0.111111112 : f32
              %add3A_1261 = vector.broadcast %add3A_1260 : f32 to vector<16xf32>
              %add3A_1262 = arith.addf %mul3A_1259, %add3A_1261 : vector<16xf32>
              %mul3A_1263 = arith.mulf %add3A_1262, %sub3A_1240 : vector<16xf32>
              %add3A_1264 = arith.constant -1.250000e-01 : f32
              %add3A_1265 = vector.broadcast %add3A_1264 : f32 to vector<16xf32>
              %add3A_1266 = arith.addf %mul3A_1263, %add3A_1265 : vector<16xf32>
              %mul3A_1267 = arith.mulf %add3A_1266, %sub3A_1240 : vector<16xf32>
              %add3A_1268 = arith.constant 0.142857149 : f32
              %add3A_1269 = vector.broadcast %add3A_1268 : f32 to vector<16xf32>
              %add3A_1270 = arith.addf %mul3A_1267, %add3A_1269 : vector<16xf32>
              %mul3A_1271 = arith.mulf %add3A_1270, %sub3A_1240 : vector<16xf32>
              %add3A_1272 = arith.constant -0.166666672 : f32
              %add3A_1273 = vector.broadcast %add3A_1272 : f32 to vector<16xf32>
              %add3A_1274 = arith.addf %mul3A_1271, %add3A_1273 : vector<16xf32>
              %mul3A_1275 = arith.mulf %add3A_1274, %sub3A_1240 : vector<16xf32>
              %add3A_1276 = arith.constant 2.000000e-01 : f32
              %add3A_1277 = vector.broadcast %add3A_1276 : f32 to vector<16xf32>
              %add3A_1278 = arith.addf %mul3A_1275, %add3A_1277 : vector<16xf32>
              %mul3A_1279 = arith.mulf %add3A_1278, %sub3A_1240 : vector<16xf32>
              %add3A_1280 = arith.constant -2.500000e-01 : f32
              %add3A_1281 = vector.broadcast %add3A_1280 : f32 to vector<16xf32>
              %add3A_1282 = arith.addf %mul3A_1279, %add3A_1281 : vector<16xf32>
              %mul3A_1283 = arith.mulf %add3A_1282, %sub3A_1240 : vector<16xf32>
              %add3A_1284 = arith.constant 0.333333343 : f32
              %add3A_1285 = vector.broadcast %add3A_1284 : f32 to vector<16xf32>
              %add3A_1286 = arith.addf %mul3A_1283, %add3A_1285 : vector<16xf32>
              %mul3A_1287 = arith.mulf %add3A_1286, %sub3A_1240 : vector<16xf32>
              %add3A_1288 = arith.constant -5.000000e-01 : f32
              %add3A_1289 = vector.broadcast %add3A_1288 : f32 to vector<16xf32>
              %add3A_1290 = arith.addf %mul3A_1287, %add3A_1289 : vector<16xf32>
              %mul3A_1291 = arith.mulf %add3A_1290, %sub3A_1240 : vector<16xf32>
              %add3A_1292 = arith.constant 1.000000e+00 : f32
              %add3A_1293 = vector.broadcast %add3A_1292 : f32 to vector<16xf32>
              %add3A_1294 = arith.addf %mul3A_1291, %add3A_1293 : vector<16xf32>
              %mul3A_1295 = arith.mulf %add3A_1294, %sub3A_1240 : vector<16xf32>
              %convert_element_type3A_1296 = arith.sitofp %select_n3A_1237 : vector<16xi32> to vector<16xf32>
              %mul3A_1297 = arith.constant 0.693147182 : f32
              %mul3A_1298 = vector.broadcast %mul3A_1297 : f32 to vector<16xf32>
              %mul3A_1299 = arith.mulf %convert_element_type3A_1296, %mul3A_1298 : vector<16xf32>
              %add3A_1300 = arith.addf %mul3A_1299, %mul3A_1295 : vector<16xf32>
              %swap3A_1301 = arith.index_cast %shift_right_logical3A_1181 : i32 to index
              %swap3A_1302 = arith.index_cast %mul3A_1185 : i32 to index
              %swap3A_1303 = tpu.vector_load %arg25[%swap3A_1301, %swap3A_1302] {strides = array<i32>} : memref<8x128xf32, #tpu.memory_space<vmem>>, vector<16xf32>,
              tpu.vector_store %arg25[%swap3A_1301, %swap3A_1302], %add3A_1300 {strides = array<i32>} : memref<8x128xf32, #tpu.memory_space<vmem>>, vector<16xf32>,
            }
            %scan3A_1171 = arith.constant 64 : i32
            %mul3A_1172 = arith.constant 16 : i32
            %mul3A_1173 = arith.muli %scan3A_788, %mul3A_1172 : i32
            %add3A_1174 = arith.addi %mul3A_2, %mul3A_1173 : i32
            %add3A_1175 = arith.addi %add3A_1174, %scan3A_811 : i32
            %mul3A_1176 = arith.constant 8 : i32
            %mul3A_1177 = arith.muli %add3A_1175, %mul3A_1176 : i32
            %multiple_of3A_1178 = tpu.assume_multiple %mul3A_1177, 8 : i32
            "tpu.region"() ({
              %run_scoped3A = tpu.sem_alloc : memref<!tpu.dma_semaphore, #tpu.memory_space<semaphore_mem>>
              %dma_start3A_1179 = arith.constant 0 : i32
              %dma_start3A_1180 = tpu.memref_slice %arg12[%multiple_of3A_1178, %dma_start3A_1179] : memref<131072x128xf32, #tpu.memory_space<hbm>> -> memref<8x128xf32, #tpu.memory_space<hbm>>
              %dma_start3A_1181 = arith.constant 0 : i32
              %dma_start3A_1182 = tpu.memref_slice %arg12[%multiple_of3A_1178, %dma_start3A_1181] : memref<131072x128xf32, #tpu.memory_space<hbm>> -> memref<8x128xf32, #tpu.memory_space<hbm>>
              tpu.enqueue_dma source(%arg25 : memref<8x128xf32, #tpu.memory_space<vmem>>) target(%dma_start3A_1182 : memref<8x128xf32, #tpu.memory_space<hbm>>) target_semaphore(%run_scoped3A : memref<!tpu.dma_semaphore, #tpu.memory_space<semaphore_mem>>)
              %dma_wait3A_1183 = arith.constant 0 : i32
              %dma_wait3A_1184 = tpu.memref_slice %arg12[%multiple_of3A_1178, %dma_wait3A_1183] : memref<131072x128xf32, #tpu.memory_space<hbm>> -> memref<8x128xf32, #tpu.memory_space<hbm>>
              %dma_wait3A_1185 = arith.constant 0 : i32
              %dma_wait3A_1186 = tpu.memref_slice %arg12[%multiple_of3A_1178, %dma_wait3A_1185] : memref<131072x128xf32, #tpu.memory_space<hbm>> -> memref<8x128xf32, #tpu.memory_space<hbm>>
              tpu.wait_dma2 semaphore(%run_scoped3A : memref<!tpu.dma_semaphore, #tpu.memory_space<semaphore_mem>>) src(%arg25 : memref<8x128xf32, #tpu.memory_space<vmem>>) dst(%dma_wait3A_1186 : memref<8x128xf32, #tpu.memory_space<hbm>>)
              tpu.yield
            }) : () -> ()
          } else {
          }
        }
        %scan3A_810 = arith.constant 16 : i32
      } else {
      }
    }
    %scan3A_787 = arith.constant 32 : i32
    return
  }
}

module attributes {stable_mosaic.version = 14 : i64} {
  func.func @_tail_body(%arg0: i32, %arg1: memref<800x128xf32, #tpu.memory_space<vmem>>, %arg2: memref<800x128xf32, #tpu.memory_space<vmem>>) attributes {dimension_semantics = [#tpu.dimension_semantics<arbitrary>], iteration_bounds = array<i64: 1>, scalar_prefetch = 0 : i64, scratch_operands = 0 : i64, tpu.core_type = #tpu.core_type<tc>, window_params = [{transform_indices = @transform_0, window_bounds = array<i64: 800, 128>}, {transform_indices = @transform_1, window_bounds = array<i64: 800, 128>}]} {
    %get3A = arith.constant 0 : index
    %get3A_0 = arith.constant 0 : index
    %get3A_1 = vector.load %arg1[%get3A, %get3A_0] : memref<800x128xf32, #tpu.memory_space<vmem>>, vector<800x128xf32>
    %swap3A = arith.constant 0 : index
    %swap3A_2 = arith.constant 0 : index
    %swap3A_3 = vector.load %arg2[%swap3A, %swap3A_2] : memref<800x128xf32, #tpu.memory_space<vmem>>, vector<800x128xf32>
    tpu.vector_store %arg2[%swap3A, %swap3A_2], %get3A_1 {strides = array<i32>} : memref<800x128xf32, #tpu.memory_space<vmem>>, vector<800x128xf32>,
    return
  }
  func.func @transform_0(%arg0: i32) -> (i32, i32) {
    %c7_i32 = arith.constant 7 : i32
    %c0_i32 = arith.constant 0 : i32
    return %arg0, %c7_i32 : i32, i32
  }
  func.func @transform_1(%arg0: i32) -> (i32, i32) {
    %c0_i32 = arith.constant 0 : i32
    %c0_i32_0 = arith.constant 0 : i32
    return %arg0, %c0_i32 : i32, i32
  }
}

module attributes {stable_mosaic.version = 14 : i64} {
  func.func @_tail_body(%arg0: i32, %arg1: memref<2000x128xf32, #tpu.memory_space<vmem>>, %arg2: memref<2000x128xf32, #tpu.memory_space<vmem>>) attributes {dimension_semantics = [#tpu.dimension_semantics<arbitrary>], iteration_bounds = array<i64: 10>, scalar_prefetch = 0 : i64, scratch_operands = 0 : i64, tpu.core_type = #tpu.core_type<tc>, window_params = [{transform_indices = @transform_0, window_bounds = array<i64: 2000, 128>}, {transform_indices = @transform_1, window_bounds = array<i64: 2000, 128>}]} {
    %get3A = arith.constant 0 : index
    %get3A_0 = arith.constant 0 : index
    %get3A_1 = vector.load %arg1[%get3A, %get3A_0] : memref<2000x128xf32, #tpu.memory_space<vmem>>, vector<2000x128xf32>
    %swap3A = arith.constant 0 : index
    %swap3A_2 = arith.constant 0 : index
    %swap3A_3 = vector.load %arg2[%swap3A, %swap3A_2] : memref<2000x128xf32, #tpu.memory_space<vmem>>, vector<2000x128xf32>
    tpu.vector_store %arg2[%swap3A, %swap3A_2], %get3A_1 {strides = array<i32>} : memref<2000x128xf32, #tpu.memory_space<vmem>>, vector<2000x128xf32>,
    return
  }
  func.func @transform_0(%arg0: i32) -> (i32, i32) {
    %c7_i32 = arith.constant 7 : i32
    %c0_i32 = arith.constant 0 : i32
    return %arg0, %c7_i32 : i32, i32
  }
  func.func @transform_1(%arg0: i32) -> (i32, i32) {
    %c0_i32 = arith.constant 0 : i32
    %c0_i32_0 = arith.constant 0 : i32
    return %arg0, %c0_i32 : i32, i32
  }
}

module attributes {stable_mosaic.version = 14 : i64} {
  func.func @_table_body(%arg0: i32, %arg1: memref<1x1024xf32, #tpu.memory_space<vmem>>, %arg2: memref<3xf32, #tpu.memory_space<smem>>, %arg3: memref<8x1024xf32, #tpu.memory_space<vmem>>, %arg4: memref<64x128xf32, #tpu.memory_space<vmem>>) attributes {dimension_semantics = [#tpu.dimension_semantics<arbitrary>], iteration_bounds = array<i64: 101>, scalar_prefetch = 0 : i64, scratch_operands = 0 : i64, tpu.core_type = #tpu.core_type<tc>, window_params = [{pipeline_mode = #tpu.pipeline_mode<synchronous>, transform_indices = @transform_0, window_bounds = array<i64: 1, 1024>}, {transform_indices = @transform_1, window_bounds = array<i64: 3>}, {transform_indices = @transform_2, window_bounds = array<i64: 8, 1024>}, {transform_indices = @transform_3, window_bounds = array<i64: 64, 128>}]} {
    %get3A = arith.constant 0 : index
    %get3A_0 = memref.load %arg2[%get3A] : memref<3xf32, #tpu.memory_space<smem>>
    %get3A_1 = arith.constant 1 : index
    %get3A_2 = memref.load %arg2[%get3A_1] : memref<3xf32, #tpu.memory_space<smem>>
    %get3A_3 = arith.constant 2 : index
    %get3A_4 = memref.load %arg2[%get3A_3] : memref<3xf32, #tpu.memory_space<smem>>
    %get3A_5 = arith.constant 0 : index
    %get3A_6 = arith.constant 0 : index
    %get3A_7 = vector.load %arg1[%get3A_5, %get3A_6] : memref<1x1024xf32, #tpu.memory_space<vmem>>, vector<1x1024xf32>
    %get3A_8 = vector.shape_cast %get3A_7 : vector<1x1024xf32> to vector<1024xf32>
    %mul3A = vector.broadcast %get3A_0 : f32 to vector<1024xf32>
    %mul3A_9 = arith.mulf %mul3A, %get3A_8 : vector<1024xf32>
    %mul3A_10 = arith.constant 1.000000e-03 : f32
    %mul3A_11 = arith.mulf %get3A_4, %mul3A_10 : f32
    %add3A = vector.broadcast %mul3A_11 : f32 to vector<1024xf32>
    %add3A_12 = arith.addf %mul3A_9, %add3A : vector<1024xf32>
    %lt3A = arith.constant 100 : i32
    %lt3A_13 = arith.cmpi slt, %arg0, %lt3A : i32
    %convert_element_type3A = arith.extui %lt3A_13 : i1 to i32
    %cond3A = arith.constant 0 : i32
    %cond3A_14 = arith.cmpi ne, %convert_element_type3A, %cond3A : i32
    scf.if %cond3A_14 {
      %broadcast_in_dim3A = vector.shape_cast %add3A_12 : vector<1024xf32> to vector<1x1024xf32>
      %get3A_19 = arith.constant 0 : index
      %get3A_20 = arith.constant 0 : index
      %get3A_21 = vector.load %arg3[%get3A_19, %get3A_20] : memref<8x1024xf32, #tpu.memory_space<vmem>>, vector<8x1024xf32>
      %mul3A_22 = vector.broadcast %get3A_2 : f32 to vector<8x1024xf32>
      %mul3A_23 = arith.mulf %mul3A_22, %get3A_21 : vector<8x1024xf32>
      %add3A_24 = vector.broadcast %broadcast_in_dim3A : vector<1x1024xf32> to vector<8x1024xf32>
      %add3A_25 = arith.addf %add3A_24, %mul3A_23 : vector<8x1024xf32>
      %log3A = math.log %add3A_25 : vector<8x1024xf32>
      %reshape3A = vector.shape_cast %log3A : vector<8x1024xf32> to vector<8x8x128xf32>
      %reshape3A_26 = vector.shape_cast %reshape3A : vector<8x8x128xf32> to vector<64x128xf32>
      %swap3A = arith.constant 0 : index
      %swap3A_27 = arith.constant 0 : index
      %swap3A_28 = vector.load %arg4[%swap3A, %swap3A_27] : memref<64x128xf32, #tpu.memory_space<vmem>>, vector<64x128xf32>
      tpu.vector_store %arg4[%swap3A, %swap3A_27], %reshape3A_26 {strides = array<i32>} : memref<64x128xf32, #tpu.memory_space<vmem>>, vector<64x128xf32>,
    } else {
    }
    %eq3A = arith.constant 100 : i32
    %eq3A_15 = arith.cmpi eq, %arg0, %eq3A : i32
    %convert_element_type3A_16 = arith.extui %eq3A_15 : i1 to i32
    %cond3A_17 = arith.constant 0 : i32
    %cond3A_18 = arith.cmpi ne, %convert_element_type3A_16, %cond3A_17 : i32
    scf.if %cond3A_18 {
      %mul3A_19 = arith.constant 1.000000e-03 : f32
      %mul3A_20 = arith.mulf %get3A_2, %mul3A_19 : f32
      %add3A_21 = vector.broadcast %mul3A_20 : f32 to vector<1024xf32>
      %add3A_22 = arith.addf %add3A_12, %add3A_21 : vector<1024xf32>
      %log3A = math.log %add3A_22 : vector<1024xf32>
      %broadcast_in_dim3A = vector.shape_cast %log3A : vector<1024xf32> to vector<1x1024xf32>
      %broadcast_in_dim3A_23 = vector.shape_cast %broadcast_in_dim3A : vector<1x1024xf32> to vector<1x1024xf32>
      %broadcast_in_dim3A_24 = vector.broadcast %broadcast_in_dim3A_23 : vector<1x1024xf32> to vector<8x1024xf32>
      %reshape3A = vector.shape_cast %broadcast_in_dim3A_24 : vector<8x1024xf32> to vector<8x8x128xf32>
      %reshape3A_25 = vector.shape_cast %reshape3A : vector<8x8x128xf32> to vector<64x128xf32>
      %swap3A = arith.constant 0 : index
      %swap3A_26 = arith.constant 0 : index
      %swap3A_27 = vector.load %arg4[%swap3A, %swap3A_26] : memref<64x128xf32, #tpu.memory_space<vmem>>, vector<64x128xf32>
      tpu.vector_store %arg4[%swap3A, %swap3A_26], %reshape3A_25 {strides = array<i32>} : memref<64x128xf32, #tpu.memory_space<vmem>>, vector<64x128xf32>,
    } else {
    }
    return
  }
  func.func @transform_0(%arg0: i32) -> (i32, i32) {
    %c0_i32 = arith.constant 0 : i32
    %c0_i32_0 = arith.constant 0 : i32
    %c0_i32_1 = arith.constant 0 : i32
    return %c0_i32, %c0_i32_0 : i32, i32
  }
  func.func @transform_1(%arg0: i32) -> i32 {
    %c0_i32 = arith.constant 0 : i32
    %c0_i32_0 = arith.constant 0 : i32
    return %c0_i32 : i32
  }
  func.func @transform_2(%arg0: i32) -> (i32, i32) {
    %min3A = arith.constant 99 : i32
    %min3A_0 = arith.minsi %arg0, %min3A : i32
    %c0_i32 = arith.constant 0 : i32
    %c0_i32_1 = arith.constant 0 : i32
    return %min3A_0, %c0_i32 : i32, i32
  }
  func.func @transform_3(%arg0: i32) -> (i32, i32) {
    %c0_i32 = arith.constant 0 : i32
    %c0_i32_0 = arith.constant 0 : i32
    return %arg0, %c0_i32 : i32, i32
  }
}

</mosaic_0001>

<sc_bundles>
// kernel: kernel.6.cloned.1.call-start
scs
__scs_entry_jumppad:
0x0: {  	(pc) =	sbr.rel $0x88, $3  }
0x1: {  	(tag) =	ssettag $0x0;
	lr =	simm.s32 $0x1  }
0x2: {  	[smem:$0x3F9A] =	sst lr;
	_ =	strace $0xD0000000  }
0x3: {  	_ = 	snop  }
0x4: {  	_ = 	snop  }
0x5: {  	_ = 	snop  }
0x6: {  	_ = 	snop  }
0x7: {  	_ = 	snop  }
__scs_overlays_trampoline_lowered:
0x8: {  	[smem:$0x3FA9] =	sst s0  }
0x9: {  	[smem:$0x3FAA] =	sst s1  }
0xa: {  	[smem:$0x3FAB] =	sst s2  }
0xb: {  	[smem:$0x3FAC] =	sst s3  }
0xc: {  	[smem:$0x3FAD] =	sst s4  }
0xd: {  	[smem:$0x3FAE] =	sst s5  }
0xe: {  	[smem:$0x3FAF] =	sst s6  }
0xf: {  	[smem:$0x3FB0] =	sst s7  }
0x10: {  	[smem:$0x3FB1] =	sst s8  }
0x11: {  	[smem:$0x3FB2] =	sst s9;
	s0 =	simm.s32 @!p0 $0x0  }
0x12: {  	s1 =	sld [smem:$0x3F98];
	s0 =	simm.s32 @p0 $0x1  }
0x13: {  	[smem:$0x3FB3] =	sst s0;
	s0 =	simm.s32 @!p1 $0x0  }
0x14: {  	s2 =	sld [smem:$0x3F97];
	s0 =	simm.s32 @p1 $0x1  }
0x15: {  	[smem:$0x3FB4] =	sst s0;
	s0 =	simm.s32 @!p2 $0x0  }
0x16: {  	s3 =	sld [smem:$0x3FDB];
	s0 =	simm.s32 @p2 $0x1  }
0x17: {  	s4 =	simm.s32 $0x1BF5;
	[smem:$0x3FB6] =	sst s0  }
0x18: {  	s0 =	sld [smem:$0x3F99];
	_ =	swait.ge [sflag:s4], $0x0  }
0x19: {  	s7 =	sld [smem:$0x3F9A]  }
0x1a: {  	s8 =	sadd.s32 $0xFFFFE003, lr  }
0x1b: {  	s9 =	sadd.s32 $0xFFFFFEF7, lr;
	s5 =	simm.s32 $0xFFFFFFFF;
	p2 =	slt.u32 s8, $0xFFFFF086  }
0x1c: {  	p1 =	slt.u32 s9, $0xF7A;
	s5 =	simm.s32 @!p2 $0x0  }
0x1d: {  	s5 =	simm.s32 @p1 $0x1;
	p0 =	seq.s32 s7, s2  }
0x1e: {  	s7 =	smul.u32 @!p0 $0xF7A, s2;
	p2 =	seq.s32 @!p0 s5, $0x0  }
0x1f: {  	s9 =	smul.u32 $0xF7A, s1;
	s8 =	simm.s32 @!p0 $0x1BF5;
	p2 =	por !p2, p0  }
0x20: {  	[sflag:s8] =	ssyncset.s32 @!p0 $0xFFFFF086;
	s6 =	sadd.s32 @!p0 s3, s7;
	s7 =	simm.s32 @!p0 $0x108  }
0x21: {  	s3 =	sadd.s32 s3, s9;
	s6 =	sadd.s32 @!p0 $0x88, s6;
	s7 =	simm.s32 @p2 $0x1082  }
0x22: {  	[simem:s7], [sflag:s8] =	dma.local @!p0 [hbm:s6], $0xF7A  }
0x23: {  	s9 =	sor.u32 $0xD0000000, s2;
	s6 =	simm.s32 $0x108;
	_ =	swait.ge @!p0 [sflag:s8], $0x0  }
0x24: {  	s3 =	sadd.s32 $0x88, s3;
	s6 =	simm.s32 @!p1 $0x1082;
	[sflag:s4] =	ssyncset.s32 $0xFFFFF086  }
0x25: {  	[simem:s6], [sflag:s4] =	dma.local [hbm:s3], $0xF7A  }
0x26: {  	[smem:$0x3F9A] =	sst s1;
	(tag) =	ssettag s2;
	_ =	strace s9  }
0x27: {  	s1 =	sld [smem:$0x3FAA]  }
0x28: {  	s2 =	sld [smem:$0x3FAB]  }
0x29: {  	s4 =	sld [smem:$0x3FAD]  }
0x2a: {  	p0 =	seq.s32 s5, $0x0;
	s5 =	sld [smem:$0x3FAE]  }
0x2b: {  	s6 =	sld [smem:$0x3FAF]  }
0x2c: {  	s7 =	sld [smem:$0x3FB0]  }
0x2d: {  	s3 =	simm.s32 $0x108;
	s8 =	sld [smem:$0x3FB1]  }
0x2e: {  	s3 =	simm.s32 @!p0 $0x1082;
	s9 =	sld [smem:$0x3FB2]  }
0x2f: {  	lr =	sadd.s32 s0, s3;
	s0 =	sld [smem:$0x3FA9]  }
0x30: {  	s3 =	sld [smem:$0x3FAC]  }
0x31: {  	[smem:$0x3FB5] =	sst s10  }
0x32: {  	s10 =	sld [smem:$0x3FB3];
	_ =	sdelay $0x3  }
0x33: {  	p0 =	seq.s32 s10, $0x1;
	s10 =	sld [smem:$0x3FB5];
	_ =	sdelay $0x3  }
0x34: {  	[smem:$0x3FB5] =	sst s10  }
0x35: {  	s10 =	sld [smem:$0x3FB4];
	_ =	sdelay $0x3  }
0x36: {  	p1 =	seq.s32 s10, $0x1;
	s10 =	sld [smem:$0x3FB5];
	_ =	sdelay $0x3  }
0x37: {  	[smem:$0x3FB5] =	sst s10  }
0x38: {  	s10 =	sld [smem:$0x3FB6]  }
0x39: {  	_ = 	snop;
	(pc) =	sbr.ind lr, $3  }
0x3a: {  	_ = 	snop  }
0x3b: {  	_ = 	snop  }
0x3c: {  	p2 =	seq.s32 s10, $0x1;
	s10 =	sld [smem:$0x3FB5]  }
0x3d: {  	_ =	shalt  }
0x3e: {  	_ =	shalt  }
0x3f: {  	_ =	shalt  }
0x40: {  	_ =	shalt  }
0x41: {  	_ =	shalt  }
0x42: {  	_ =	shalt  }
0x43: {  	_ =	shalt  }
0x44: {  	_ =	shalt  }
0x45: {  	_ =	shalt  }
0x46: {  	_ =	shalt  }
0x47: {  	_ =	shalt  }
0x48: {  	_ =	shalt  }
0x49: {  	_ =	shalt  }
0x4a: {  	_ =	shalt  }
0x4b: {  	_ =	shalt  }
0x4c: {  	_ =	shalt  }
0x4d: {  	_ =	shalt  }
0x4e: {  	_ =	shalt  }
0x4f: {  	_ =	shalt  }
0x50: {  	_ =	shalt  }
0x51: {  	_ =	shalt  }
0x52: {  	_ =	shalt  }
0x53: {  	_ =	shalt  }
0x54: {  	_ =	shalt  }
0x55: {  	_ =	shalt  }
0x56: {  	_ =	shalt  }
0x57: {  	_ =	shalt  }
0x58: {  	_ =	shalt  }
0x59: {  	_ =	shalt  }
0x5a: {  	_ =	shalt  }
0x5b: {  	_ =	shalt  }
0x5c: {  	_ =	shalt  }
0x5d: {  	_ =	shalt  }
0x5e: {  	_ =	shalt  }
0x5f: {  	_ =	shalt  }
0x60: {  	_ =	shalt  }
0x61: {  	_ =	shalt  }
0x62: {  	_ =	shalt  }
0x63: {  	_ =	shalt  }
0x64: {  	_ =	shalt  }
0x65: {  	_ =	shalt  }
0x66: {  	_ =	shalt  }
0x67: {  	_ =	shalt  }
0x68: {  	_ =	shalt  }
0x69: {  	_ =	shalt  }
0x6a: {  	_ =	shalt  }
0x6b: {  	_ =	shalt  }
0x6c: {  	_ =	shalt  }
0x6d: {  	_ =	shalt  }
0x6e: {  	_ =	shalt  }
0x6f: {  	_ =	shalt  }
0x70: {  	_ =	shalt  }
0x71: {  	_ =	shalt  }
0x72: {  	_ =	shalt  }
0x73: {  	_ =	shalt  }
0x74: {  	_ =	shalt  }
0x75: {  	_ =	shalt  }
0x76: {  	_ =	shalt  }
0x77: {  	_ =	shalt  }
0x78: {  	_ =	shalt  }
0x79: {  	_ =	shalt  }
0x7a: {  	_ =	shalt  }
0x7b: {  	_ =	shalt  }
0x7c: {  	_ =	shalt  }
0x7d: {  	_ =	shalt  }
0x7e: {  	_ =	shalt  }
0x7f: {  	_ =	shalt  }
0x80: {  	_ =	shalt  }
0x81: {  	_ =	shalt  }
0x82: {  	_ =	shalt  }
0x83: {  	_ =	shalt  }
0x84: {  	_ =	shalt  }
0x85: {  	_ =	shalt  }
0x86: {  	_ =	shalt  }
0x87: {  	_ =	shalt  }
.Lfunc_end0:
.L_simem_size_0:
called_computation.1_lowered:
.L_overlay_start_0:
0x88: {  	s2 =	sld [smem:$0x3FD9]  }
0x89: {  	s3 =	sld [smem:$0x3FFE];
	_ =	sdelay $0x1  }
0x8a: {  	s1 =	srdreg.scid  }
0x8b: {  	s0 =	sand.u32 $0x1, s1  }
0x8c: {  	s17 =	sshll.u32 s0, $0xA;
	s2 =	sadd.s32 s3, s2  }
0x8d: {  	s2 =	sadd.s32 s2, s17  }
0x8e: {  	[smem:$0x3FC1] =	sst s2  }
0x8f: {  	_ = 	snop  }
0x90: {  	s2 =	sld [smem:$0x3FC7]  }
0x91: {  	s18 =	sld [smem:$0x3FC6]  }
0x92: {  	s4 =	sld [smem:$0x3FC5]  }
0x93: {  	s5 =	sld [smem:$0x3FC4]  }
0x94: {  	s6 =	sld [smem:$0x3FD0];
	(tm) =	ssettm $0x1  }
0x95: {  	s7 =	sld [smem:$0x3FFB];
	_ =	sdelay $0x3  }
0x96: {  	_ =	strace s7  }
0x97: {  	s7 =	sld [smem:$0x3FFC];
	_ =	sdelay $0x3  }
0x98: {  	_ =	strace s7  }
0x99: {  	s7 =	sld [smem:$0x3FFD];
	_ =	sdelay $0x3  }
0x9a: {  	_ =	strace s7  }
0x9b: {  	_ =	strace $0x8FFFFFFF  }
0x9c: {  	s19 =	sld [smem:$0x3FDB];
	_ =	sdelay $0x1  }
0x9d: {  	s8 =	simm.s32 $_scs_section_size  }
0x9e: {  	s9 =	simm.s32 $_size__tile_overlayer_lowered;
	s10 =	simm.s32 $_tile_overlayer_lowered  }
0x9f: {  	s22 =	simm.s32 $0x1BFF;
	s21 =	sshll.u32 s10, $0x1;
	s7 =	sadd.s32 s8, s19  }
0xa0: {  	s11 =	simm.s32 $0x0;
	s20 =	sshll.u32 s9, $0x1;
	s9 =	sadd.s32 s21, s7  }
0xa1: {  	[timem:s11], [sflag:s22] =	dma.local [hbm:s9], s20  }
0xa2: {  	_ =	swait.ge [sflag:s22], s20  }
0xa3: {  	s8 =	ssub.s32 $0x0, s20;
	[sflag:s22] =	ssyncset.done $0x0  }
0xa4: {  	[sflag:s22] =	ssyncadd.s32 s8;
	_ =	sdelay $0x1  }
0xa5: {  	s23 =	simm.s32 $0x1B8B  }
0xa6: {  	_ =	swait.ge [sflag:s23], $0x1  }
0xa7: {  	[sflag:s23] =	ssyncset.done $0x0  }
0xa8: {  	s25 =	simm.s32 $0x1B8E;
	s24 =	sld [smem:$0x3FFE];
	[sflag:s23] =	ssyncadd.s32 $0xFFFFFFFF  }
0xa9: {  	s26 =	simm.s32 $execute0_lowered;
	[smem:$0x3FD2] =	sst s25  }
0xaa: {  	s9 =	sshll.u32 s26, $0x1;
	_ =	strace $0x80000046;
	[dreg:$0x1] =	wrdreg $0xFFFFFFFF  }
0xab: {  	s28 =	simm.s32 $_size_execute0_lowered;
	s7 =	sadd.s32 s7, s9;
	[dreg:$0x0] =	wrdreg $0x0  }
0xac: {  	s9 =	sshll.u32 s28, $0x1;
	[dreg:$0x2] =	wrdreg s7  }
0xad: {  	[dreg:$0x3] =	wrdreg s9  }
0xae: {  	[dreg:$0x4] =	wrdreg $0xC0  }
0xaf: {  	_ =	task [dreg:s11], $0x5FFFF  }
0xb0: {  	[dreg:$0x1] =	wrdreg $0xFFFFFFFF  }
0xb1: {  	[dreg:$0x0] =	wrdreg $0x60  }
0xb2: {  	[dreg:$0x2] =	wrdreg s24  }
0xb3: {  	[dreg:$0x3] =	wrdreg s18  }
0xb4: {  	[dreg:$0x4] =	wrdreg s5  }
0xb5: {  	[dreg:$0x5] =	wrdreg s2  }
0xb6: {  	[dreg:$0x6] =	wrdreg s4  }
0xb7: {  	[dreg:$0x7] =	wrdreg s6  }
0xb8: {  	[dreg:$0x8] =	wrdreg $0x9  }
0xb9: {  	_ =	task.clear_ibuf [dreg:s11], $0x9FFFF;
	_ =	strace $0x90000046  }
0xba: {  	s29 =	simm.s32 $0x9;
	_ =	strace $0x80000048  }
0xbb: {  	_ =	swait.ge [sflag:s29], $0x1  }
0xbc: {  	[sflag:s29] =	ssyncadd.s32 $0xFFFFFFFF  }
0xbd: {  	_ =	strace $0x90000048  }
0xbe: {  	_ =	sfence  }
0xbf: {  	s30 =	sld [smem:$0x0];
	_ =	sdelay $0x2  }
0xc0: {  	s31 =	sshll.u32 s1, $0xD;
	s1 =	sshrl.u32 s1, $0x2  }
0xc1: {  	s3 =	sand.u32 $0x4000, s31;
	s1 =	sadd.s32 s1, s30  }
0xc2: {  	s0 =	sor.u32 s3, s0;
	s1 =	sshll.u32 s1, $0x11  }
0xc3: {  	s0 =	sor.u32 s1, s0  }
0xc4: {  	s0 =	sadd.s32 $0x8F2B, s0  }
0xc5: {  	[sflag:s0] =	ssyncadd.remote.s32 $0x1  }
0xc6: {  	_ =	sfence.sel $0xFFFF  }
0xc7: {  	[dreg:$0x0] =	wrdreg $0xFFFFFFFF;
	(pc) =	sbr.abs _section_cstart, $3  }
0xc8: {  	[dreg:$0x1] =	wrdreg $0xFFFFFFFF  }
0xc9: {  	_ =	task.clear_ibuf [dreg:s11], $0x2FFFF;
	_ =	strace $0x9FFFFFFF  }
0xca: {  	(tm) =	ssettm $0x7FFFFFFF  }
0xcb: {  	_ =	shalt  }
tec
execute0_lowered:
.L_overlay_start_1:
0x0: {  	(tag) =	ssettag $0x1  }
0x1: {  	s0 =	rddreg [dreg:$0x0]  }
0x2: {  	s6 =	rddreg [dreg:$0x4];
	s13 =	simm.s32 $0x0;
	s18 =	srdreg.scid  }
0x3: {  	s3 =	stileid.u32;
	[smem:$0x7FF] =	sst s13;
	s1 =	sadd.s32 $0x4400, s0  }
0x4: {  	s2 =	sadd.s32 $0x275E00, s0;
	s3 =	sshll.u32 s3, $0x1;
	s4 =	sadd.s32 $0x275C00, s0  }
0x5: {  	_ =	strace $0x80000047;
	[dreg:$0x7] =	wrdreg s2;
	s2 =	sand.u32 $0x1, s18  }
0x6: {  	s12 =	sadd.s32 $0x28F200, s0;
	s19 =	ssub.s32 $0x2, s2;
	s2 =	sor.u32 s2, s3  }
0x7: {  	[dreg:$0x8] =	wrdreg s4;
	s5 =	sshll.u32 s2, $0x9;
	s7 =	sshll.u32 s2, $0x6  }
0x8: {  	s22 =	sshll.u32 s2, $0x10;
	[dreg:$0x9] =	wrdreg s5;
	s7 =	sadd.s32 s1, s7  }
0x9: {  	s21 =	sadd.s32 $0xFFFFFFF8, s5;
	s5 =	sadd.s32 s12, s22;
	[dreg:$0xb] =	wrdreg s7  }
0xa: {  	s20 =	sshrl.u32 s19, $0x1;
	s23 =	sadd.s32 $0x800, s5;
	[dreg:$0xa] =	wrdreg s5  }
0xb: {  	s3 =	ssub.s32 s19, s20;
	s24 =	sadd.s32 $0x1000, s5;
	[dreg:$0xd] =	wrdreg s23  }
0xc: {  	s25 =	smax.u32 s3, $0x1;
	[dreg:$0xe] =	wrdreg s24  }
0xd: {  	s26 =	sadd.s32 $0x1800, s5;
	[dreg:$0xf] =	wrdreg s25  }
0xe: {  	p0 =	seq.s32 s2, $0x0;
	s2 =	sadd.s32 $0x2800, s5;
	[dreg:$0x10] =	wrdreg s26  }
0xf: {  	s3 =	sadd.s32 $0x3000, s5;
	[dreg:$0x12] =	wrdreg s2  }
0x10: {  	s7 =	sadd.s32 $0x4000, s5;
	[dreg:$0x13] =	wrdreg s3  }
0x11: {  	s8 =	sadd.s32 $0x4800, s5;
	[dreg:$0x15] =	wrdreg s7  }
0x12: {  	s11 =	sadd.s32 $0x5000, s5;
	[dreg:$0x16] =	wrdreg s8  }
0x13: {  	s14 =	sadd.s32 $0x5800, s5;
	[dreg:$0x17] =	wrdreg s11  }
0x14: {  	s15 =	sadd.s32 $0x6000, s5;
	[dreg:$0x18] =	wrdreg s14  }
0x15: {  	s16 =	sadd.s32 $0x6800, s5;
	[dreg:$0x19] =	wrdreg s15  }
0x16: {  	s17 =	sadd.s32 $0x7000, s5;
	[dreg:$0x1a] =	wrdreg s16  }
0x17: {  	s4 =	sshrl.u32 s21, $0x3;
	s18 =	sadd.s32 $0x7800, s5;
	[dreg:$0x1b] =	wrdreg s17  }
0x18: {  	s30 =	simm.s32 $0x280;
	s1 =	sadd.s32 s1, s4;
	[dreg:$0x1c] =	wrdreg s18  }
0x19: {  	s31 =	simm.s32 $0x8;
	s4 =	sadd.s32 $0x3800, s5;
	[dreg:$0xc] =	wrdreg s1  }
0x1a: {  	s9 =	sadd.s32 $0x4C00, s0;
	s25 =	sadd.s32 $0x8000, s5;
	[dreg:$0x14] =	wrdreg s4  }
0x1b: {  	s10 =	sadd.s32 $0x1200, s0;
	s26 =	sadd.s32 $0x8800, s5;
	[dreg:$0x1d] =	wrdreg s25  }
0x1c: {  	s28 =	sadd.s32 $0x280, s6;
	s2 =	sadd.s32 $0x9800, s5;
	[dreg:$0x1e] =	wrdreg s26  }
0x1d: {  	s29 =	sadd.s32 $0x300, s6;
	s3 =	sadd.s32 $0xA000, s5;
	[smem:$0x7F1] =	sst s2  }
0x1e: {  	s19 =	sadd.s32 $0x4C80, s0;
	s7 =	sadd.s32 $0xB000, s5;
	[smem:$0x7F2] =	sst s3  }
0x1f: {  	s20 =	sadd.s32 $0x4D00, s0;
	s8 =	sadd.s32 $0xB800, s5;
	[smem:$0x7F4] =	sst s7  }
0x20: {  	s22 =	sadd.s32 $0x4E00, s0;
	s11 =	sadd.s32 $0xC000, s5;
	[smem:$0x7F5] =	sst s8  }
0x21: {  	s21 =	sadd.s32 $0x4D80, s0;
	s14 =	sadd.s32 $0xC800, s5;
	[smem:$0x7F6] =	sst s11  }
0x22: {  	s23 =	sadd.s32 $0x4E80, s0;
	s15 =	sadd.s32 $0xD000, s5;
	[smem:$0x7F7] =	sst s14  }
0x23: {  	s24 =	sadd.s32 $0x4F00, s0;
	s16 =	sadd.s32 $0xD800, s5;
	[smem:$0x7F8] =	sst s15  }
0x24: {  	s17 =	sadd.s32 $0xE000, s5;
	s18 =	sadd.s32 $0xE800, s5;
	[smem:$0x7F9] =	sst s16  }
0x25: {  	s0 =	simm.s32 $0x600;
	s1 =	sadd.s32 $0x2000, s5;
	[smem:$0x7FA] =	sst s17  }
0x26: {  	s4 =	sadd.s32 $0xA800, s5;
	[smem:$0x7FB] =	sst s18;
	s25 =	sadd.s32 $0xF000, s5  }
.Ltmp0:
0x27: {  	v0 =	vimm.s32 $0x7FFFFFFF;
	v1 =	vlaneseq.u32;
	s26 =	sadd.s32 $0xF800, s5;
	[dreg:$0x11] =	wrdreg s1;
	(pc) =	sbr.rel .LBB2_1-.Ltmp0, $4  }
0x28: {  	v4 =	vimm.s32 $0x190;
	v5 =	vimm.s32 $0x0;
	v6 =	vimm.s32 $0xC8;
	s17 =	sadd.s32 $0x80, s6;
	s18 =	sadd.s32 $0x100, s6;
	[smem:$0x7F3] =	sst s4  }
0x29: {  	v7 =	vimm.s32 $0x2710;
	v8 =	vimm.s32 $0x1388;
	vm0 =	vcmask $0x308;
	s3 =	simm.s32 $0x5480;
	s11 =	simm.s32 $0x7;
	[smem:$0x7FC] =	sst s25  }
0x2a: {  	vm1 =	vcmask $0x70C;
	v11 =	vimm.s32 $0xFFFFFF81;
	v2 =	vadd.s32 $0xFFFFFFFF, v1;
	s2 =	simm.s32 $0x0;
	s1 =	sadd.s32 $0x9000, s5;
	[smem:$0x7FD] =	sst s26  }
0x2b: {  	v3 =	vadd.s32 $0xFFFFFFFE, v1;
	v9 =	vshrl.u32 v1, $0x3;
	v10 =	vand.u32 $0x7, v1;
	s25 =	sadd.s32 $0x180, s6;
	s26 =	sadd.s32 $0x200, s6;
	[dreg:$0x1f] =	wrdreg s1  }
.LBB2_12:
0x2c: {  	s2 =	sld [smem:$0x7F0];
	_ =	sdelay $0x2  }
0x2d: {  	s1 =	rddreg [dreg:$0xf];
	s2 =	sadd.s32 $0x1, s2  }
0x2e: {  	p1 =	sne.s32 s2, s1  }
.Ltmp1:
0x2f: {  	_ = 	snop;
	(pc) =	sbr.rel @!p1 .LBB2_13-.Ltmp1, $2  }
0x30: {  	_ =	sdelay $0x2  }
0x31: {  	s3 =	simm.s32 $0x5480  }
.LBB2_1:
0x32: {  	[smem:$0x7F0] =	sst s2  }
0x33: {  	s1 =	rddreg [dreg:$0x1]  }
0x34: {  	[tilespmem:s30], [sflag:$0x8] =	stream.linear.gather [hbm4b:s1+s13], $0x320, $0x38;
	[tilespmem:$0x17100] =	vst v63  }
0x35: {  	_ =	swait.ge [sflag:s31], $0x320  }
0x36: {  	[sflag:s31] =	ssyncset.done $0x0  }
0x37: {  	[sflag:s31] =	ssyncadd.s32 $0xFFFFFCE0  }
0x38: {  	s6 =	rddreg [dreg:$0x2]  }
0x39: {  	[tilespmem:s0], [sflag:$0x8] =	stream.linear.gather [hbm4b:s6+s13], $0x4E20, $0x38;
	[tilespmem:$0x17100] =	vst v63  }
0x3a: {  	_ =	swait.ge [sflag:s31], $0x4E20  }
0x3b: {  	[sflag:s31] =	ssyncset.done $0x0  }
0x3c: {  	[sflag:s31] =	ssyncadd.s32 $0xFFFFB1E0  }
0x3d: {  	[tilespmem:$0x5A0] =	vst v0  }
0x3e: {  	s8 =	simm.s32 $0x17080;
	s7 =	rddreg [dreg:$0x8];
	[tilespmem:$0x5420] =	vst v0  }
0x3f: {  	[tilespmem:s8], [sflag:$0x8] =	stream.linear.gather [hbm4b:s7+s13], $0x80, $0x38;
	[tilespmem:$0x17100] =	vst v63  }
0x40: {  	_ =	swait.ge [sflag:s31], $0x80  }
0x41: {  	[sflag:s31] =	ssyncset.done $0x0  }
0x42: {  	[sflag:s31] =	ssyncadd.s32 $0xFFFFFF80  }
0x43: {  	s15 =	simm.s32 $0x12880;
	s14 =	rddreg [dreg:$0x3]  }
0x44: {  	[tilespmem:s15], [sflag:$0x8] =	stream.linear.gather [hbm4b:s14+s13], $0x3E8, $0x38;
	[tilespmem:$0x17100] =	vst v63  }
0x45: {  	_ =	swait.ge [sflag:s31], $0x3E8  }
0x46: {  	[sflag:s31] =	ssyncset.done $0x0  }
0x47: {  	s16 =	rddreg [dreg:$0xb];
	[sflag:s31] =	ssyncadd.s32 $0xFFFFFC18  }
0x48: {  	[tilespmem:s31], [sflag:$0x8] =	stream.linear.gather [hbm4b:s16+s13], $0x200, $0x38;
	[tilespmem:$0x17100] =	vst v63  }
0x49: {  	_ =	swait.ge [sflag:s31], $0x200  }
0x4a: {  	[sflag:s31] =	ssyncset.done $0x0  }
0x4b: {  	s1 =	simm.s32 @!p0 $0x0;
	s2 =	rddreg [dreg:$0xc];
	[sflag:s31] =	ssyncadd.s32 $0xFFFFFE00  }
0x4c: {  	[tilespmem:s1], [sflag:$0x8] =	stream.linear.gather @!p0 [hbm4b:s2+s1], $0x8, $0x38;
	[tilespmem:$0x17100] =	vst v63  }
0x4d: {  	s1 =	simm.s32 @!p0 $0x8  }
0x4e: {  	_ =	swait.ge @!p0 [sflag:s1], $0x8  }
0x4f: {  	s4 =	simm.s32 $0x58C0;
	s5 =	simm.s32 $0x5480;
	[sflag:s1] =	ssyncset.done @!p0 $0x0  }
0x50: {  	s7 =	simm.s32 $0x0;
	s2 =	simm.s32 $0x5680;
	[sflag:s1] =	ssyncadd.s32 @!p0 $0xFFFFFFF8  }
.LBB2_2:
0x51: {  	s8 =	sadd.s32 $0x8, s7  }
0x52: {  	v12 =	vadd.s32 s8, v3;
	_ =	sdelay $0x1  }
0x53: {  	v13 =	vadd.s32 s8, v2;
	_ =	sdelay $0x2  }
0x54: {  	v14 =	vld.idx.msk [tilespmem:v12+s13+$0x0], $0xffff;
	_ =	sdelay $0x1  }
0x55: {  	v12 =	vld.idx.msk [tilespmem:v13+s13+$0x0], $0xffff  }
0x56: {  	v15 =	vld.idx.msk [tilespmem:v7+s0+$0x0], $0xffff;
	_ =	sdelay $0x1  }
0x57: {  	v42 =	vmul.u32 $0x3E8, v14;
	_ =	sdelay $0x1  }
0x58: {  	v13 =	vadd.s32 v12, v42  }
0x59: {  	vm2 =	vlt.s32 v15, v13  }
0x5a: {  	v43 =	vsel vm2, $0x3A98, v8;
	_ =	sdelay $0x4  }
0x5b: {  	v44 =	vld.idx.msk [tilespmem:v43+s0+$0x0], $0xffff;
	_ =	sdelay $0x4  }
0x5c: {  	v16 =	vsel vm2, $0x4E20, v7;
	vm3 =	vlt.s32 v44, v13  }
0x5d: {  	v45 =	vsel vm2, $0x2711, v5;
	v17 =	vor.u32 $0x1, v43;
	v14 =	vsel vm3, v16, v43  }
0x5e: {  	v15 =	vsel vm3, v17, v45;
	v16 =	vadd.s32 $0xFFFFFFFF, v14  }
0x5f: {  	v16 =	vadd.s32 v16, v15  }
0x60: {  	v16 =	vadd.s32 $0x1, v16  }
0x61: {  	v16 =	vshrl.u32 v16, $0x1;
	_ =	sdelay $0x4  }
0x62: {  	v46 =	vld.idx.msk [tilespmem:v16+s0+$0x0], $0xffff;
	_ =	sdelay $0x4  }
0x63: {  	v47 =	vor.u32 $0x1, v16;
	vm2 =	vlt.s32 v46, v13  }
0x64: {  	v15 =	vsel vm2, v47, v15;
	v14 =	vsel vm2, v14, v16  }
0x65: {  	v16 =	vadd.s32 v14, v15  }
0x66: {  	v16 =	vshrl.u32 v16, $0x1;
	_ =	sdelay $0x4  }
0x67: {  	v48 =	vld.idx.msk [tilespmem:v16+s0+$0x0], $0xffff;
	_ =	sdelay $0x4  }
0x68: {  	v49 =	vadd.s32 $0x1, v16;
	vm2 =	vlt.s32 v48, v13  }
0x69: {  	v15 =	vsel vm2, v49, v15;
	v14 =	vsel vm2, v14, v16  }
0x6a: {  	v16 =	vadd.s32 v14, v15  }
0x6b: {  	v16 =	vshrl.u32 v16, $0x1;
	_ =	sdelay $0x4  }
0x6c: {  	v50 =	vld.idx.msk [tilespmem:v16+s0+$0x0], $0xffff;
	_ =	sdelay $0x4  }
0x6d: {  	v51 =	vadd.s32 $0x1, v16;
	vm2 =	vlt.s32 v50, v13  }
0x6e: {  	v15 =	vsel vm2, v51, v15;
	v14 =	vsel vm2, v14, v16  }
0x6f: {  	v16 =	vadd.s32 v14, v15  }
0x70: {  	v16 =	vshrl.u32 v16, $0x1;
	_ =	sdelay $0x2  }
0x71: {  	v52 =	vld.idx.msk [tilespmem:v4+s30+$0x0], $0xffff;
	_ =	sdelay $0x1  }
0x72: {  	v18 =	vld.idx.msk [tilespmem:v16+s0+$0x0], $0xffff;
	_ =	sdelay $0x2  }
0x73: {  	vm2 =	vlt.s32 v52, v12  }
0x74: {  	v17 =	vsel vm2, $0x258, v6  }
0x75: {  	v53 =	vadd.s32 $0x1, v16;
	vm3 =	vlt.s32 v18, v13  }
0x76: {  	v15 =	vsel vm3, v53, v15;
	v14 =	vsel vm3, v14, v16  }
0x77: {  	v16 =	vadd.s32 v14, v15  }
0x78: {  	v16 =	vshrl.u32 v16, $0x1  }
0x79: {  	v54 =	vld.idx.msk [tilespmem:v17+s30+$0x0], $0xffff;
	_ =	sdelay $0x3  }
0x7a: {  	v55 =	vld.idx.msk [tilespmem:v16+s0+$0x0], $0xffff  }
0x7b: {  	v19 =	vsel vm2, $0x320, v4;
	vm3 =	vlt.s32 v54, v12  }
0x7c: {  	v20 =	vsel vm2, $0x191, v5;
	v21 =	vor.u32 $0x1, v17;
	v17 =	vsel vm3, v19, v17  }
0x7d: {  	v56 =	vsel vm3, v21, v20;
	v57 =	vadd.s32 $0xFFFFFFFF, v17  }
0x7e: {  	v21 =	vxor.u32 v57, v56;
	v20 =	vor.u32 v57, v56  }
0x7f: {  	v58 =	vadd.s32 $0x1, v16;
	v21 =	vshrl.u32 v21, $0x1;
	vm2 =	vlt.s32 v55, v13  }
0x80: {  	v20 =	vsub.s32 v20, v21;
	v15 =	vsel vm2, v58, v15;
	v14 =	vsel vm2, v14, v16  }
0x81: {  	v16 =	vadd.s32 v14, v15  }
0x82: {  	v16 =	vshrl.u32 v16, $0x1;
	_ =	sdelay $0x2  }
0x83: {  	v59 =	vld.idx.msk [tilespmem:v20+s30+$0x0], $0xffff;
	_ =	sdelay $0x1  }
0x84: {  	v60 =	vld.idx.msk [tilespmem:v16+s0+$0x0], $0xffff;
	_ =	sdelay $0x2  }
0x85: {  	v61 =	vor.u32 $0x1, v20;
	vm2 =	vlt.s32 v59, v12  }
0x86: {  	v18 =	vsel vm2, v61, v56;
	v17 =	vsel vm2, v17, v20;
	v62 =	vadd.s32 $0x1, v16  }
0x87: {  	v19 =	vand.u32 v17, v18;
	v20 =	vxor.u32 v17, v18;
	vm2 =	vlt.s32 v60, v13  }
0x88: {  	v20 =	vshrl.u32 v20, $0x1;
	v15 =	vsel vm2, v62, v15;
	v14 =	vsel vm2, v14, v16  }
0x89: {  	v19 =	vadd.s32 v20, v19;
	v16 =	vadd.s32 v14, v15  }
0x8a: {  	v16 =	vshrl.u32 v16, $0x1;
	_ =	sdelay $0x3  }
0x8b: {  	v20 =	vld.idx.msk [tilespmem:v19+s30+$0x0], $0xffff  }
0x8c: {  	v63 =	vld.idx.msk [tilespmem:v16+s0+$0x0], $0xffff;
	_ =	sdelay $0x3  }
0x8d: {  	v24 =	vadd.s32 $0x1, v19;
	vm2 =	vlt.s32 v20, v12;
	v25 =	vadd.s32 $0x1, v16  }
0x8e: {  	v18 =	vsel vm2, v24, v18;
	v17 =	vsel vm2, v17, v19;
	vm2 =	vlt.s32 v63, v13  }
0x8f: {  	v19 =	vadd.s32 v17, v18;
	v15 =	vsel vm2, v25, v15;
	v14 =	vsel vm2, v14, v16  }
0x90: {  	v19 =	vshrl.u32 v19, $0x1;
	v16 =	vadd.s32 v14, v15  }
0x91: {  	v16 =	vshrl.u32 v16, $0x1;
	_ =	sdelay $0x3  }
0x92: {  	v26 =	vld.idx.msk [tilespmem:v19+s30+$0x0], $0xffff  }
0x93: {  	v27 =	vld.idx.msk [tilespmem:v16+s0+$0x0], $0xffff;
	_ =	sdelay $0x3  }
0x94: {  	v28 =	vadd.s32 $0x1, v19;
	vm2 =	vlt.s32 v26, v12;
	v29 =	vadd.s32 $0x1, v16  }
0x95: {  	v18 =	vsel vm2, v28, v18;
	v17 =	vsel vm2, v17, v19;
	vm2 =	vlt.s32 v27, v13  }
0x96: {  	v19 =	vadd.s32 v17, v18;
	v15 =	vsel vm2, v29, v15;
	v14 =	vsel vm2, v14, v16  }
0x97: {  	v19 =	vshrl.u32 v19, $0x1;
	v16 =	vadd.s32 v14, v15  }
0x98: {  	v16 =	vshrl.u32 v16, $0x1;
	_ =	sdelay $0x3  }
0x99: {  	v30 =	vld.idx.msk [tilespmem:v19+s30+$0x0], $0xffff  }
0x9a: {  	v31 =	vld.idx.msk [tilespmem:v16+s0+$0x0], $0xffff;
	_ =	sdelay $0x3  }
0x9b: {  	v32 =	vadd.s32 $0x1, v19;
	vm2 =	vlt.s32 v30, v12;
	v33 =	vadd.s32 $0x1, v16  }
0x9c: {  	v18 =	vsel vm2, v32, v18;
	v17 =	vsel vm2, v17, v19;
	vm2 =	vlt.s32 v31, v13  }
0x9d: {  	v19 =	vadd.s32 v17, v18;
	v15 =	vsel vm2, v33, v15;
	v14 =	vsel vm2, v14, v16  }
0x9e: {  	v19 =	vshrl.u32 v19, $0x1;
	v16 =	vadd.s32 v14, v15  }
0x9f: {  	v16 =	vshrl.u32 v16, $0x1;
	_ =	sdelay $0x3  }
0xa0: {  	v34 =	vld.idx.msk [tilespmem:v19+s30+$0x0], $0xffff  }
0xa1: {  	v35 =	vld.idx.msk [tilespmem:v16+s0+$0x0], $0xffff;
	_ =	sdelay $0x3  }
0xa2: {  	v36 =	vadd.s32 $0x1, v19;
	vm2 =	vlt.s32 v34, v12;
	v37 =	vadd.s32 $0x1, v16  }
0xa3: {  	v18 =	vsel vm2, v36, v18;
	v17 =	vsel vm2, v17, v19;
	vm2 =	vlt.s32 v35, v13  }
0xa4: {  	v19 =	vadd.s32 v17, v18;
	v15 =	vsel vm2, v37, v15;
	v14 =	vsel vm2, v14, v16  }
0xa5: {  	v19 =	vshrl.u32 v19, $0x1;
	v16 =	vadd.s32 v14, v15  }
0xa6: {  	v16 =	vshrl.u32 v16, $0x1;
	_ =	sdelay $0x3  }
0xa7: {  	v38 =	vld.idx.msk [tilespmem:v19+s30+$0x0], $0xffff  }
0xa8: {  	v39 =	vld.idx.msk [tilespmem:v16+s0+$0x0], $0xffff;
	_ =	sdelay $0x3  }
0xa9: {  	v40 =	vadd.s32 $0x1, v19;
	vm2 =	vlt.s32 v38, v12;
	v41 =	vadd.s32 $0x1, v16  }
0xaa: {  	v18 =	vsel vm2, v40, v18;
	v17 =	vsel vm2, v17, v19;
	vm2 =	vlt.s32 v39, v13  }
0xab: {  	v19 =	vadd.s32 v17, v18;
	v15 =	vsel vm2, v41, v15;
	v14 =	vsel vm2, v14, v16  }
0xac: {  	v19 =	vshrl.u32 v19, $0x1;
	v16 =	vadd.s32 v14, v15  }
0xad: {  	v16 =	vshrl.u32 v16, $0x1;
	_ =	sdelay $0x3  }
0xae: {  	v42 =	vld.idx.msk [tilespmem:v19+s30+$0x0], $0xffff  }
0xaf: {  	v43 =	vld.idx.msk [tilespmem:v16+s0+$0x0], $0xffff;
	_ =	sdelay $0x3  }
0xb0: {  	v44 =	vadd.s32 $0x1, v19;
	vm2 =	vlt.s32 v42, v12;
	v45 =	vadd.s32 $0x1, v16  }
0xb1: {  	v18 =	vsel vm2, v44, v18;
	v17 =	vsel vm2, v17, v19;
	vm2 =	vlt.s32 v43, v13  }
0xb2: {  	v17 =	vadd.s32 v17, v18;
	v15 =	vsel vm2, v45, v15;
	v14 =	vsel vm2, v14, v16  }
0xb3: {  	v46 =	vshrl.u32 v17, $0x1;
	v14 =	vadd.s32 v14, v15  }
0xb4: {  	v14 =	vshrl.u32 v14, $0x1;
	_ =	sdelay $0x3  }
0xb5: {  	v17 =	vld.idx.msk [tilespmem:v46+s30+$0x0], $0xffff  }
0xb6: {  	v47 =	vld.idx.msk [tilespmem:v14+s0+$0x0], $0xffff;
	_ =	sdelay $0x3  }
0xb7: {  	v16 =	vadd.s32 $0x1, v46;
	vm2 =	vlt.s32 v17, v12  }
0xb8: {  	v16 =	vsel vm2, v16, v18;
	v14 =	vadd.s32 $0x1, v14;
	vm2 =	vlt.s32 v47, v13  }
0xb9: {  	v16 =	vmin.u32 v16, $0x31F;
	v14 =	vsel vm2, v14, v15  }
0xba: {  	v14 =	vmin.u32 v14, $0x4E1F;
	_ =	sdelay $0x3  }
0xbb: {  	v48 =	vld.idx.msk [tilespmem:v16+s30+$0x0], $0xffff  }
0xbc: {  	v49 =	vld.idx.msk [tilespmem:v14+s0+$0x0], $0xffff;
	_ =	sdelay $0x1  }
0xbd: {  	s1 =	sand.u32 $0xF0, s7  }
0xbe: {  	v50 =	vmov s1;
	v51 =	vor.u32 s1, v1  }
0xbf: {  	vm4 =	vne.s32 v50, v1;
	vm15 =	vlt.u32 v51, $0x2;
	v54 =	vor.u32 s7, v9  }
0xc0: {  	v52 =	vshll.u32 v16, $0x1;
	vm2 =	veq.s32 v48, v12;
	vm3 =	vne.s32 v49, v13  }
0xc1: {  	v12 =	vadd.s32 $0x2, v52;
	vm2 =	vmand vm4, vm2;
	vm3 =	vmor vm15, vm3  }
0xc2: {  	v53 =	vshll.u32 v14, $0xC;
	v12 =	vnsel vm2, $0x0, v12;
	vm4 =	vmneg vm3  }
0xc3: {  	v12 =	vor.u32 v12, v53;
	vm2 =	vmand vm2, vm3;
	v55 =	vsel vm4, $0x1, v5  }
0xc4: {  	v56 =	vnsel vm2, $0x320, v16;
	v12 =	vor.u32 v55, v12  }
0xc5: {  	[tilespmem:s5+$0x0] =	vst v56;
	v12 =	vsel vm3, $0x0, v12  }
0xc6: {  	[tilespmem:s2+$0x0] =	vst v12  }
0xc7: {  	v12 =	vld.idx.msk [tilespmem:v54+s3+$0x0], $0xffff;
	_ =	sdelay $0x1  }
0xc8: {  	s15 =	sadd.s32 $0x2, s7  }
0xc9: {  	v57 =	vor.u32 s15, v9;
	_ =	sdelay $0x1  }
0xca: {  	v12 =	vshll.u32 v12, $0x3  }
0xcb: {  	v12 =	vor.u32 v10, v12  }
0xcc: {  	[tilespmem:s4+$0xFFFFFFC0] =	vst v12  }
0xcd: {  	v12 =	vld.idx.msk [tilespmem:v57+s3+$0x0], $0xffff;
	_ =	sdelay $0x1  }
0xce: {  	s16 =	sadd.s32 $0x4, s7  }
0xcf: {  	v58 =	vor.u32 s16, v9;
	_ =	sdelay $0x1  }
0xd0: {  	v12 =	vshll.u32 v12, $0x3  }
0xd1: {  	v12 =	vor.u32 v10, v12  }
0xd2: {  	[tilespmem:s4+$0xFFFFFFD0] =	vst v12  }
0xd3: {  	v12 =	vld.idx.msk [tilespmem:v58+s3+$0x0], $0xffff;
	_ =	sdelay $0x1  }
0xd4: {  	s6 =	sadd.s32 $0x6, s7  }
0xd5: {  	v59 =	vor.u32 s6, v9;
	_ =	sdelay $0x1  }
0xd6: {  	v12 =	vshll.u32 v12, $0x3  }
0xd7: {  	v12 =	vor.u32 v10, v12  }
0xd8: {  	[tilespmem:s4+$0xFFFFFFE0] =	vst v12  }
0xd9: {  	v12 =	vld.idx.msk [tilespmem:v59+s3+$0x0], $0xffff;
	_ =	sdelay $0x2  }
0xda: {  	v60 =	vor.u32 s8, v9;
	_ =	sdelay $0x1  }
0xdb: {  	v12 =	vshll.u32 v12, $0x3  }
0xdc: {  	v12 =	vor.u32 v10, v12  }
0xdd: {  	[tilespmem:s4+$0xFFFFFFF0] =	vst v12  }
0xde: {  	v12 =	vld.idx.msk [tilespmem:v60+s3+$0x0], $0xffff;
	_ =	sdelay $0x1  }
0xdf: {  	s14 =	sadd.s32 $0xA, s7  }
0xe0: {  	v61 =	vor.u32 s14, v9;
	_ =	sdelay $0x1  }
0xe1: {  	v12 =	vshll.u32 v12, $0x3  }
0xe2: {  	v12 =	vor.u32 v10, v12  }
0xe3: {  	[tilespmem:s4+$0x0] =	vst v12  }
0xe4: {  	v12 =	vld.idx.msk [tilespmem:v61+s3+$0x0], $0xffff;
	_ =	sdelay $0x1  }
0xe5: {  	s15 =	sadd.s32 $0xC, s7  }
0xe6: {  	v62 =	vor.u32 s15, v9;
	_ =	sdelay $0x1  }
0xe7: {  	v12 =	vshll.u32 v12, $0x3  }
0xe8: {  	v12 =	vor.u32 v10, v12  }
0xe9: {  	[tilespmem:s4+$0x10] =	vst v12  }
0xea: {  	v12 =	vld.idx.msk [tilespmem:v62+s3+$0x0], $0xffff;
	_ =	sdelay $0x1  }
0xeb: {  	s16 =	sadd.s32 $0xE, s7  }
0xec: {  	v63 =	vor.u32 s16, v9;
	_ =	sdelay $0x1  }
0xed: {  	v12 =	vshll.u32 v12, $0x3  }
0xee: {  	v12 =	vor.u32 v10, v12  }
0xef: {  	[tilespmem:s4+$0x20] =	vst v12  }
0xf0: {  	v12 =	vld.idx.msk [tilespmem:v63+s3+$0x0], $0xffff;
	_ =	sdelay $0x1  }
0xf1: {  	p1 =	sne.s32 s7, $0x1F0  }
.Ltmp2:
0xf2: {  	_ = 	snop;
	(pc) =	sbr.rel @p1 .LBB2_2-.Ltmp2, $4  }
0xf3: {  	_ = 	snop  }
0xf4: {  	v12 =	vshll.u32 v12, $0x3  }
0xf5: {  	s7 =	sadd.s32 $0x10, s7;
	v12 =	vor.u32 v10, v12  }
0xf6: {  	s5 =	sadd.s32 $0x10, s5;
	s2 =	sadd.s32 $0x10, s2;
	[tilespmem:s4+$0x30] =	vst v12;
	s4 =	sadd.s32 $0x80, s4  }
0xf7: {  	s1 =	rddreg [dreg:$0x7]  }
0xf8: {  	s4 =	simm.s32 $0x80;
	s2 =	simm.s32 $0x5880;
	s7 =	simm.s32 $0x6880  }
0xf9: {  	[tilespmem:s7], [sflag:$0x1] =	stream.indirect.gather [hbm4b:s1+s4], $0x80, s2, s4, $0xb8;
	[tilespmem:$0x17100] =	vst v63  }
0xfa: {  	s6 =	simm.s32 $0x5900;
	s3 =	simm.s32 $0xA880  }
0xfb: {  	[tilespmem:s3], [sflag:$0x2] =	stream.indirect.gather [hbm4b:s1+s4], $0x80, s6, s4, $0xb8;
	[tilespmem:$0x17100] =	vst v63  }
0xfc: {  	s6 =	simm.s32 $0x1  }
0xfd: {  	_ =	swait.ge [sflag:s6], $0x4000  }
0xfe: {  	[sflag:s6] =	ssyncset.done $0x0  }
0xff: {  	s8 =	simm.s32 $0x5980;
	s14 =	simm.s32 $0xE880;
	[sflag:s6] =	ssyncadd.s32 $0xFFFFC000  }
0x100: {  	[tilespmem:s14], [sflag:$0x3] =	stream.indirect.gather [hbm4b:s1+s4], $0x80, s8, s4, $0xb8;
	[tilespmem:$0x17100] =	vst v63  }
0x101: {  	s15 =	rddreg [dreg:$0xa];
	s14 =	simm.s32 $0x0;
	s8 =	simm.s32 $0x2  }
0x102: {  	[hbm4b:s15+s14] =	stream.linear.scatter [tilespmem:s7], [sflag:$0x4], $0x4000, $0x38;
	[tilespmem:$0x17100] =	vst v63  }
0x103: {  	_ =	swait.ge [sflag:s8], $0x4000  }
0x104: {  	[sflag:s8] =	ssyncset.done $0x0  }
0x105: {  	s15 =	simm.s32 $0x4;
	[sflag:s8] =	ssyncadd.s32 $0xFFFFC000  }
0x106: {  	_ =	swait.ge [sflag:s15], $0x4000  }
0x107: {  	[sflag:s15] =	ssyncset.done $0x0  }
0x108: {  	s16 =	simm.s32 $0x5A00;
	[sflag:s15] =	ssyncadd.s32 $0xFFFFC000  }
0x109: {  	[tilespmem:s7], [sflag:$0x1] =	stream.indirect.gather [hbm4b:s1+s4], $0x80, s16, s4, $0xb8;
	[tilespmem:$0x17100] =	vst v63  }
0x10a: {  	s5 =	simm.s32 $0xA880;
	s3 =	rddreg [dreg:$0xd];
	s16 =	simm.s32 $0x3  }
0x10b: {  	[hbm4b:s3+s14] =	stream.linear.scatter [tilespmem:s5], [sflag:$0x5], $0x4000, $0x38;
	[tilespmem:$0x17100] =	vst v63  }
0x10c: {  	_ =	swait.ge [sflag:s16], $0x4000  }
0x10d: {  	[sflag:s16] =	ssyncset.done $0x0  }
0x10e: {  	s3 =	simm.s32 $0x5;
	[sflag:s16] =	ssyncadd.s32 $0xFFFFC000  }
0x10f: {  	_ =	swait.ge [sflag:s3], $0x4000  }
0x110: {  	[sflag:s3] =	ssyncset.done $0x0  }
0x111: {  	s7 =	simm.s32 $0x5A80;
	[sflag:s3] =	ssyncadd.s32 $0xFFFFC000  }
0x112: {  	[tilespmem:s5], [sflag:$0x2] =	stream.indirect.gather [hbm4b:s1+s4], $0x80, s7, s4, $0xb8;
	[tilespmem:$0x17100] =	vst v63  }
0x113: {  	s5 =	rddreg [dreg:$0xe];
	s7 =	simm.s32 $0xE880  }
0x114: {  	[hbm4b:s5+s14] =	stream.linear.scatter [tilespmem:s7], [sflag:$0x6], $0x4000, $0x38;
	[tilespmem:$0x17100] =	vst v63  }
0x115: {  	_ =	swait.ge [sflag:s6], $0x4000  }
0x116: {  	[sflag:s6] =	ssyncset.done $0x0  }
0x117: {  	s5 =	simm.s32 $0x6;
	[sflag:s6] =	ssyncadd.s32 $0xFFFFC000  }
0x118: {  	_ =	swait.ge [sflag:s5], $0x4000  }
0x119: {  	[sflag:s5] =	ssyncset.done $0x0  }
0x11a: {  	s2 =	simm.s32 $0x5B00;
	s7 =	simm.s32 $0xE880;
	[sflag:s5] =	ssyncadd.s32 $0xFFFFC000  }
0x11b: {  	[tilespmem:s7], [sflag:$0x3] =	stream.indirect.gather [hbm4b:s1+s4], $0x80, s2, s4, $0xb8;
	[tilespmem:$0x17100] =	vst v63  }
0x11c: {  	s2 =	rddreg [dreg:$0x10];
	s7 =	simm.s32 $0x6880  }
0x11d: {  	[hbm4b:s2+s14] =	stream.linear.scatter [tilespmem:s7], [sflag:$0x4], $0x4000, $0x38;
	[tilespmem:$0x17100] =	vst v63  }
0x11e: {  	_ =	swait.ge [sflag:s8], $0x4000  }
0x11f: {  	[sflag:s8] =	ssyncset.done $0x0  }
0x120: {  	[sflag:s8] =	ssyncadd.s32 $0xFFFFC000  }
0x121: {  	_ =	swait.ge [sflag:s15], $0x4000  }
0x122: {  	[sflag:s15] =	ssyncset.done $0x0  }
0x123: {  	s2 =	simm.s32 $0x5B80;
	[sflag:s15] =	ssyncadd.s32 $0xFFFFC000  }
0x124: {  	[tilespmem:s7], [sflag:$0x1] =	stream.indirect.gather [hbm4b:s1+s4], $0x80, s2, s4, $0xb8;
	[tilespmem:$0x17100] =	vst v63  }
0x125: {  	s2 =	rddreg [dreg:$0x11];
	s7 =	simm.s32 $0xA880  }
0x126: {  	[hbm4b:s2+s14] =	stream.linear.scatter [tilespmem:s7], [sflag:$0x5], $0x4000, $0x38;
	[tilespmem:$0x17100] =	vst v63  }
0x127: {  	_ =	swait.ge [sflag:s16], $0x4000  }
0x128: {  	[sflag:s16] =	ssyncset.done $0x0  }
0x129: {  	[sflag:s16] =	ssyncadd.s32 $0xFFFFC000  }
0x12a: {  	_ =	swait.ge [sflag:s3], $0x4000  }
0x12b: {  	[sflag:s3] =	ssyncset.done $0x0  }
0x12c: {  	s2 =	simm.s32 $0x5C00;
	s7 =	simm.s32 $0xA880;
	[sflag:s3] =	ssyncadd.s32 $0xFFFFC000  }
0x12d: {  	[tilespmem:s7], [sflag:$0x2] =	stream.indirect.gather [hbm4b:s1+s4], $0x80, s2, s4, $0xb8;
	[tilespmem:$0x17100] =	vst v63  }
0x12e: {  	s2 =	rddreg [dreg:$0x12];
	s7 =	simm.s32 $0xE880  }
0x12f: {  	[hbm4b:s2+s14] =	stream.linear.scatter [tilespmem:s7], [sflag:$0x6], $0x4000, $0x38;
	[tilespmem:$0x17100] =	vst v63  }
0x130: {  	_ =	swait.ge [sflag:s6], $0x4000  }
0x131: {  	[sflag:s6] =	ssyncset.done $0x0  }
0x132: {  	[sflag:s6] =	ssyncadd.s32 $0xFFFFC000  }
0x133: {  	_ =	swait.ge [sflag:s5], $0x4000  }
0x134: {  	[sflag:s5] =	ssyncset.done $0x0  }
0x135: {  	s2 =	simm.s32 $0x5C80;
	[sflag:s5] =	ssyncadd.s32 $0xFFFFC000  }
0x136: {  	[tilespmem:s7], [sflag:$0x3] =	stream.indirect.gather [hbm4b:s1+s4], $0x80, s2, s4, $0xb8;
	[tilespmem:$0x17100] =	vst v63  }
0x137: {  	s2 =	rddreg [dreg:$0x13];
	s7 =	simm.s32 $0x6880  }
0x138: {  	[hbm4b:s2+s14] =	stream.linear.scatter [tilespmem:s7], [sflag:$0x4], $0x4000, $0x38;
	[tilespmem:$0x17100] =	vst v63  }
0x139: {  	_ =	swait.ge [sflag:s8], $0x4000  }
0x13a: {  	[sflag:s8] =	ssyncset.done $0x0  }
0x13b: {  	[sflag:s8] =	ssyncadd.s32 $0xFFFFC000  }
0x13c: {  	_ =	swait.ge [sflag:s15], $0x4000  }
0x13d: {  	[sflag:s15] =	ssyncset.done $0x0  }
0x13e: {  	s2 =	simm.s32 $0x5D00;
	[sflag:s15] =	ssyncadd.s32 $0xFFFFC000  }
0x13f: {  	[tilespmem:s7], [sflag:$0x1] =	stream.indirect.gather [hbm4b:s1+s4], $0x80, s2, s4, $0xb8;
	[tilespmem:$0x17100] =	vst v63  }
0x140: {  	s2 =	rddreg [dreg:$0x14];
	s7 =	simm.s32 $0xA880  }
0x141: {  	[hbm4b:s2+s14] =	stream.linear.scatter [tilespmem:s7], [sflag:$0x5], $0x4000, $0x38;
	[tilespmem:$0x17100] =	vst v63  }
0x142: {  	_ =	swait.ge [sflag:s16], $0x4000  }
0x143: {  	[sflag:s16] =	ssyncset.done $0x0  }
0x144: {  	[sflag:s16] =	ssyncadd.s32 $0xFFFFC000  }
0x145: {  	_ =	swait.ge [sflag:s3], $0x4000  }
0x146: {  	[sflag:s3] =	ssyncset.done $0x0  }
0x147: {  	s2 =	simm.s32 $0x5D80;
	s7 =	simm.s32 $0xA880;
	[sflag:s3] =	ssyncadd.s32 $0xFFFFC000  }
0x148: {  	[tilespmem:s7], [sflag:$0x2] =	stream.indirect.gather [hbm4b:s1+s4], $0x80, s2, s4, $0xb8;
	[tilespmem:$0x17100] =	vst v63  }
0x149: {  	s2 =	rddreg [dreg:$0x15];
	s7 =	simm.s32 $0xE880  }
0x14a: {  	[hbm4b:s2+s14] =	stream.linear.scatter [tilespmem:s7], [sflag:$0x6], $0x4000, $0x38;
	[tilespmem:$0x17100] =	vst v63  }
0x14b: {  	_ =	swait.ge [sflag:s6], $0x4000  }
0x14c: {  	[sflag:s6] =	ssyncset.done $0x0  }
0x14d: {  	[sflag:s6] =	ssyncadd.s32 $0xFFFFC000  }
0x14e: {  	_ =	swait.ge [sflag:s5], $0x4000  }
0x14f: {  	[sflag:s5] =	ssyncset.done $0x0  }
0x150: {  	s2 =	simm.s32 $0x5E00;
	s7 =	simm.s32 $0xE880;
	[sflag:s5] =	ssyncadd.s32 $0xFFFFC000  }
0x151: {  	[tilespmem:s7], [sflag:$0x3] =	stream.indirect.gather [hbm4b:s1+s4], $0x80, s2, s4, $0xb8;
	[tilespmem:$0x17100] =	vst v63  }
0x152: {  	s2 =	rddreg [dreg:$0x16];
	s7 =	simm.s32 $0x6880  }
0x153: {  	[hbm4b:s2+s14] =	stream.linear.scatter [tilespmem:s7], [sflag:$0x4], $0x4000, $0x38;
	[tilespmem:$0x17100] =	vst v63  }
0x154: {  	_ =	swait.ge [sflag:s8], $0x4000  }
0x155: {  	[sflag:s8] =	ssyncset.done $0x0  }
0x156: {  	[sflag:s8] =	ssyncadd.s32 $0xFFFFC000  }
0x157: {  	_ =	swait.ge [sflag:s15], $0x4000  }
0x158: {  	[sflag:s15] =	ssyncset.done $0x0  }
0x159: {  	s2 =	simm.s32 $0x5E80;
	s7 =	simm.s32 $0x6880;
	[sflag:s15] =	ssyncadd.s32 $0xFFFFC000  }
0x15a: {  	[tilespmem:s7], [sflag:$0x1] =	stream.indirect.gather [hbm4b:s1+s4], $0x80, s2, s4, $0xb8;
	[tilespmem:$0x17100] =	vst v63  }
0x15b: {  	s2 =	rddreg [dreg:$0x17];
	s7 =	simm.s32 $0xA880  }
0x15c: {  	[hbm4b:s2+s14] =	stream.linear.scatter [tilespmem:s7], [sflag:$0x5], $0x4000, $0x38;
	[tilespmem:$0x17100] =	vst v63  }
0x15d: {  	_ =	swait.ge [sflag:s16], $0x4000  }
0x15e: {  	[sflag:s16] =	ssyncset.done $0x0  }
0x15f: {  	[sflag:s16] =	ssyncadd.s32 $0xFFFFC000  }
0x160: {  	_ =	swait.ge [sflag:s3], $0x4000  }
0x161: {  	[sflag:s3] =	ssyncset.done $0x0  }
0x162: {  	s2 =	simm.s32 $0x5F00;
	[sflag:s3] =	ssyncadd.s32 $0xFFFFC000  }
0x163: {  	[tilespmem:s7], [sflag:$0x2] =	stream.indirect.gather [hbm4b:s1+s4], $0x80, s2, s4, $0xb8;
	[tilespmem:$0x17100] =	vst v63  }
0x164: {  	s2 =	rddreg [dreg:$0x18];
	s7 =	simm.s32 $0xE880  }
0x165: {  	[hbm4b:s2+s14] =	stream.linear.scatter [tilespmem:s7], [sflag:$0x6], $0x4000, $0x38;
	[tilespmem:$0x17100] =	vst v63  }
0x166: {  	_ =	swait.ge [sflag:s6], $0x4000  }
0x167: {  	[sflag:s6] =	ssyncset.done $0x0  }
0x168: {  	[sflag:s6] =	ssyncadd.s32 $0xFFFFC000  }
0x169: {  	_ =	swait.ge [sflag:s5], $0x4000  }
0x16a: {  	[sflag:s5] =	ssyncset.done $0x0  }
0x16b: {  	s2 =	simm.s32 $0x5F80;
	[sflag:s5] =	ssyncadd.s32 $0xFFFFC000  }
0x16c: {  	[tilespmem:s7], [sflag:$0x3] =	stream.indirect.gather [hbm4b:s1+s4], $0x80, s2, s4, $0xb8;
	[tilespmem:$0x17100] =	vst v63  }
0x16d: {  	s2 =	rddreg [dreg:$0x19];
	s7 =	simm.s32 $0x6880  }
0x16e: {  	[hbm4b:s2+s14] =	stream.linear.scatter [tilespmem:s7], [sflag:$0x4], $0x4000, $0x38;
	[tilespmem:$0x17100] =	vst v63  }
0x16f: {  	_ =	swait.ge [sflag:s8], $0x4000  }
0x170: {  	[sflag:s8] =	ssyncset.done $0x0  }
0x171: {  	[sflag:s8] =	ssyncadd.s32 $0xFFFFC000  }
0x172: {  	_ =	swait.ge [sflag:s15], $0x4000  }
0x173: {  	[sflag:s15] =	ssyncset.done $0x0  }
0x174: {  	s2 =	simm.s32 $0x6000;
	s7 =	simm.s32 $0x6880;
	[sflag:s15] =	ssyncadd.s32 $0xFFFFC000  }
0x175: {  	[tilespmem:s7], [sflag:$0x1] =	stream.indirect.gather [hbm4b:s1+s4], $0x80, s2, s4, $0xb8;
	[tilespmem:$0x17100] =	vst v63  }
0x176: {  	s2 =	rddreg [dreg:$0x1a];
	s7 =	simm.s32 $0xA880  }
0x177: {  	[hbm4b:s2+s14] =	stream.linear.scatter [tilespmem:s7], [sflag:$0x5], $0x4000, $0x38;
	[tilespmem:$0x17100] =	vst v63  }
0x178: {  	_ =	swait.ge [sflag:s16], $0x4000  }
0x179: {  	[sflag:s16] =	ssyncset.done $0x0  }
0x17a: {  	[sflag:s16] =	ssyncadd.s32 $0xFFFFC000  }
0x17b: {  	_ =	swait.ge [sflag:s3], $0x4000  }
0x17c: {  	[sflag:s3] =	ssyncset.done $0x0  }
0x17d: {  	s2 =	simm.s32 $0x6080;
	s7 =	simm.s32 $0xA880;
	[sflag:s3] =	ssyncadd.s32 $0xFFFFC000  }
0x17e: {  	[tilespmem:s7], [sflag:$0x2] =	stream.indirect.gather [hbm4b:s1+s4], $0x80, s2, s4, $0xb8;
	[tilespmem:$0x17100] =	vst v63  }
0x17f: {  	s2 =	rddreg [dreg:$0x1b];
	s7 =	simm.s32 $0xE880  }
0x180: {  	[hbm4b:s2+s14] =	stream.linear.scatter [tilespmem:s7], [sflag:$0x6], $0x4000, $0x38;
	[tilespmem:$0x17100] =	vst v63  }
0x181: {  	_ =	swait.ge [sflag:s6], $0x4000  }
0x182: {  	[sflag:s6] =	ssyncset.done $0x0  }
0x183: {  	[sflag:s6] =	ssyncadd.s32 $0xFFFFC000  }
0x184: {  	_ =	swait.ge [sflag:s5], $0x4000  }
0x185: {  	[sflag:s5] =	ssyncset.done $0x0  }
0x186: {  	s2 =	simm.s32 $0x6100;
	s7 =	simm.s32 $0xE880;
	[sflag:s5] =	ssyncadd.s32 $0xFFFFC000  }
0x187: {  	[tilespmem:s7], [sflag:$0x3] =	stream.indirect.gather [hbm4b:s1+s4], $0x80, s2, s4, $0xb8;
	[tilespmem:$0x17100] =	vst v63  }
0x188: {  	s2 =	rddreg [dreg:$0x1c];
	s7 =	simm.s32 $0x6880  }
0x189: {  	[hbm4b:s2+s14] =	stream.linear.scatter [tilespmem:s7], [sflag:$0x4], $0x4000, $0x38;
	[tilespmem:$0x17100] =	vst v63  }
0x18a: {  	_ =	swait.ge [sflag:s8], $0x4000  }
0x18b: {  	[sflag:s8] =	ssyncset.done $0x0  }
0x18c: {  	[sflag:s8] =	ssyncadd.s32 $0xFFFFC000  }
0x18d: {  	_ =	swait.ge [sflag:s15], $0x4000  }
0x18e: {  	[sflag:s15] =	ssyncset.done $0x0  }
0x18f: {  	s2 =	simm.s32 $0x6180;
	[sflag:s15] =	ssyncadd.s32 $0xFFFFC000  }
0x190: {  	[tilespmem:s7], [sflag:$0x1] =	stream.indirect.gather [hbm4b:s1+s4], $0x80, s2, s4, $0xb8;
	[tilespmem:$0x17100] =	vst v63  }
0x191: {  	s2 =	rddreg [dreg:$0x1d];
	s7 =	simm.s32 $0xA880  }
0x192: {  	[hbm4b:s2+s14] =	stream.linear.scatter [tilespmem:s7], [sflag:$0x5], $0x4000, $0x38;
	[tilespmem:$0x17100] =	vst v63  }
0x193: {  	_ =	swait.ge [sflag:s16], $0x4000  }
0x194: {  	[sflag:s16] =	ssyncset.done $0x0  }
0x195: {  	[sflag:s16] =	ssyncadd.s32 $0xFFFFC000  }
0x196: {  	_ =	swait.ge [sflag:s3], $0x4000  }
0x197: {  	[sflag:s3] =	ssyncset.done $0x0  }
0x198: {  	s2 =	simm.s32 $0x6200;
	s7 =	simm.s32 $0xA880;
	[sflag:s3] =	ssyncadd.s32 $0xFFFFC000  }
0x199: {  	[tilespmem:s7], [sflag:$0x2] =	stream.indirect.gather [hbm4b:s1+s4], $0x80, s2, s4, $0xb8;
	[tilespmem:$0x17100] =	vst v63  }
0x19a: {  	s2 =	rddreg [dreg:$0x1e];
	s7 =	simm.s32 $0xE880  }
0x19b: {  	[hbm4b:s2+s14] =	stream.linear.scatter [tilespmem:s7], [sflag:$0x6], $0x4000, $0x38;
	[tilespmem:$0x17100] =	vst v63  }
0x19c: {  	_ =	swait.ge [sflag:s6], $0x4000  }
0x19d: {  	[sflag:s6] =	ssyncset.done $0x0  }
0x19e: {  	[sflag:s6] =	ssyncadd.s32 $0xFFFFC000  }
0x19f: {  	_ =	swait.ge [sflag:s5], $0x4000  }
0x1a0: {  	[sflag:s5] =	ssyncset.done $0x0  }
0x1a1: {  	s2 =	simm.s32 $0x6280;
	s7 =	simm.s32 $0xE880;
	[sflag:s5] =	ssyncadd.s32 $0xFFFFC000  }
0x1a2: {  	[tilespmem:s7], [sflag:$0x3] =	stream.indirect.gather [hbm4b:s1+s4], $0x80, s2, s4, $0xb8;
	[tilespmem:$0x17100] =	vst v63  }
0x1a3: {  	s2 =	rddreg [dreg:$0x1f];
	s7 =	simm.s32 $0x6880  }
0x1a4: {  	[hbm4b:s2+s14] =	stream.linear.scatter [tilespmem:s7], [sflag:$0x4], $0x4000, $0x38;
	[tilespmem:$0x17100] =	vst v63  }
0x1a5: {  	_ =	swait.ge [sflag:s8], $0x4000  }
0x1a6: {  	[sflag:s8] =	ssyncset.done $0x0  }
0x1a7: {  	[sflag:s8] =	ssyncadd.s32 $0xFFFFC000  }
0x1a8: {  	_ =	swait.ge [sflag:s15], $0x4000  }
0x1a9: {  	[sflag:s15] =	ssyncset.done $0x0  }
0x1aa: {  	s2 =	simm.s32 $0x6300;
	s7 =	simm.s32 $0x6880;
	[sflag:s15] =	ssyncadd.s32 $0xFFFFC000  }
0x1ab: {  	[tilespmem:s7], [sflag:$0x1] =	stream.indirect.gather [hbm4b:s1+s4], $0x80, s2, s4, $0xb8;
	[tilespmem:$0x17100] =	vst v63  }
0x1ac: {  	s2 =	sld [smem:$0x7F1];
	_ =	sdelay $0x1  }
0x1ad: {  	s7 =	simm.s32 $0xA880  }
0x1ae: {  	[hbm4b:s2+s14] =	stream.linear.scatter [tilespmem:s7], [sflag:$0x5], $0x4000, $0x38;
	[tilespmem:$0x17100] =	vst v63  }
0x1af: {  	_ =	swait.ge [sflag:s16], $0x4000  }
0x1b0: {  	[sflag:s16] =	ssyncset.done $0x0  }
0x1b1: {  	[sflag:s16] =	ssyncadd.s32 $0xFFFFC000  }
0x1b2: {  	_ =	swait.ge [sflag:s3], $0x4000  }
0x1b3: {  	[sflag:s3] =	ssyncset.done $0x0  }
0x1b4: {  	s7 =	simm.s32 $0xA880;
	s2 =	simm.s32 $0x6380;
	[sflag:s3] =	ssyncadd.s32 $0xFFFFC000  }
0x1b5: {  	[tilespmem:s7], [sflag:$0x2] =	stream.indirect.gather [hbm4b:s1+s4], $0x80, s2, s4, $0xb8;
	[tilespmem:$0x17100] =	vst v63  }
0x1b6: {  	s2 =	sld [smem:$0x7F2];
	_ =	sdelay $0x1  }
0x1b7: {  	s7 =	simm.s32 $0xE880  }
0x1b8: {  	[hbm4b:s2+s14] =	stream.linear.scatter [tilespmem:s7], [sflag:$0x6], $0x4000, $0x38;
	[tilespmem:$0x17100] =	vst v63  }
0x1b9: {  	_ =	swait.ge [sflag:s6], $0x4000  }
0x1ba: {  	[sflag:s6] =	ssyncset.done $0x0  }
0x1bb: {  	[sflag:s6] =	ssyncadd.s32 $0xFFFFC000  }
0x1bc: {  	_ =	swait.ge [sflag:s5], $0x4000  }
0x1bd: {  	[sflag:s5] =	ssyncset.done $0x0  }
0x1be: {  	s7 =	simm.s32 $0xE880;
	s2 =	simm.s32 $0x6400;
	[sflag:s5] =	ssyncadd.s32 $0xFFFFC000  }
0x1bf: {  	[tilespmem:s7], [sflag:$0x3] =	stream.indirect.gather [hbm4b:s1+s4], $0x80, s2, s4, $0xb8;
	[tilespmem:$0x17100] =	vst v63  }
0x1c0: {  	s2 =	sld [smem:$0x7F3];
	_ =	sdelay $0x1  }
0x1c1: {  	s7 =	simm.s32 $0x6880  }
0x1c2: {  	[hbm4b:s2+s14] =	stream.linear.scatter [tilespmem:s7], [sflag:$0x4], $0x4000, $0x38;
	[tilespmem:$0x17100] =	vst v63  }
0x1c3: {  	_ =	swait.ge [sflag:s8], $0x4000  }
0x1c4: {  	[sflag:s8] =	ssyncset.done $0x0  }
0x1c5: {  	[sflag:s8] =	ssyncadd.s32 $0xFFFFC000  }
0x1c6: {  	_ =	swait.ge [sflag:s15], $0x4000  }
0x1c7: {  	[sflag:s15] =	ssyncset.done $0x0  }
0x1c8: {  	s7 =	simm.s32 $0x6880;
	s2 =	simm.s32 $0x6480;
	[sflag:s15] =	ssyncadd.s32 $0xFFFFC000  }
0x1c9: {  	[tilespmem:s7], [sflag:$0x1] =	stream.indirect.gather [hbm4b:s1+s4], $0x80, s2, s4, $0xb8;
	[tilespmem:$0x17100] =	vst v63  }
0x1ca: {  	s2 =	sld [smem:$0x7F4];
	_ =	sdelay $0x1  }
0x1cb: {  	s7 =	simm.s32 $0xA880  }
0x1cc: {  	[hbm4b:s2+s14] =	stream.linear.scatter [tilespmem:s7], [sflag:$0x5], $0x4000, $0x38;
	[tilespmem:$0x17100] =	vst v63  }
0x1cd: {  	_ =	swait.ge [sflag:s16], $0x4000  }
0x1ce: {  	[sflag:s16] =	ssyncset.done $0x0  }
0x1cf: {  	[sflag:s16] =	ssyncadd.s32 $0xFFFFC000  }
0x1d0: {  	_ =	swait.ge [sflag:s3], $0x4000  }
0x1d1: {  	[sflag:s3] =	ssyncset.done $0x0  }
0x1d2: {  	s7 =	simm.s32 $0xA880;
	s2 =	simm.s32 $0x6500;
	[sflag:s3] =	ssyncadd.s32 $0xFFFFC000  }
0x1d3: {  	[tilespmem:s7], [sflag:$0x2] =	stream.indirect.gather [hbm4b:s1+s4], $0x80, s2, s4, $0xb8;
	[tilespmem:$0x17100] =	vst v63  }
0x1d4: {  	s2 =	sld [smem:$0x7F5];
	_ =	sdelay $0x1  }
0x1d5: {  	s7 =	simm.s32 $0xE880  }
0x1d6: {  	[hbm4b:s2+s14] =	stream.linear.scatter [tilespmem:s7], [sflag:$0x6], $0x4000, $0x38;
	[tilespmem:$0x17100] =	vst v63  }
0x1d7: {  	_ =	swait.ge [sflag:s6], $0x4000  }
0x1d8: {  	[sflag:s6] =	ssyncset.done $0x0  }
0x1d9: {  	[sflag:s6] =	ssyncadd.s32 $0xFFFFC000  }
0x1da: {  	_ =	swait.ge [sflag:s5], $0x4000  }
0x1db: {  	[sflag:s5] =	ssyncset.done $0x0  }
0x1dc: {  	s7 =	simm.s32 $0xE880;
	s2 =	simm.s32 $0x6580;
	[sflag:s5] =	ssyncadd.s32 $0xFFFFC000  }
0x1dd: {  	[tilespmem:s7], [sflag:$0x3] =	stream.indirect.gather [hbm4b:s1+s4], $0x80, s2, s4, $0xb8;
	[tilespmem:$0x17100] =	vst v63  }
0x1de: {  	s2 =	sld [smem:$0x7F6];
	_ =	sdelay $0x1  }
0x1df: {  	s7 =	simm.s32 $0x6880  }
0x1e0: {  	[hbm4b:s2+s14] =	stream.linear.scatter [tilespmem:s7], [sflag:$0x4], $0x4000, $0x38;
	[tilespmem:$0x17100] =	vst v63  }
0x1e1: {  	_ =	swait.ge [sflag:s8], $0x4000  }
0x1e2: {  	[sflag:s8] =	ssyncset.done $0x0  }
0x1e3: {  	[sflag:s8] =	ssyncadd.s32 $0xFFFFC000  }
0x1e4: {  	_ =	swait.ge [sflag:s15], $0x4000  }
0x1e5: {  	[sflag:s15] =	ssyncset.done $0x0  }
0x1e6: {  	s7 =	simm.s32 $0x6880;
	s2 =	simm.s32 $0x6600;
	[sflag:s15] =	ssyncadd.s32 $0xFFFFC000  }
0x1e7: {  	[tilespmem:s7], [sflag:$0x1] =	stream.indirect.gather [hbm4b:s1+s4], $0x80, s2, s4, $0xb8;
	[tilespmem:$0x17100] =	vst v63  }
0x1e8: {  	s2 =	sld [smem:$0x7F7];
	_ =	sdelay $0x1  }
0x1e9: {  	s7 =	simm.s32 $0xA880  }
0x1ea: {  	[hbm4b:s2+s14] =	stream.linear.scatter [tilespmem:s7], [sflag:$0x5], $0x4000, $0x38;
	[tilespmem:$0x17100] =	vst v63  }
0x1eb: {  	_ =	swait.ge [sflag:s16], $0x4000  }
0x1ec: {  	[sflag:s16] =	ssyncset.done $0x0  }
0x1ed: {  	[sflag:s16] =	ssyncadd.s32 $0xFFFFC000  }
0x1ee: {  	_ =	swait.ge [sflag:s3], $0x4000  }
0x1ef: {  	[sflag:s3] =	ssyncset.done $0x0  }
0x1f0: {  	s7 =	simm.s32 $0xA880;
	s2 =	simm.s32 $0x6680;
	[sflag:s3] =	ssyncadd.s32 $0xFFFFC000  }
0x1f1: {  	[tilespmem:s7], [sflag:$0x2] =	stream.indirect.gather [hbm4b:s1+s4], $0x80, s2, s4, $0xb8;
	[tilespmem:$0x17100] =	vst v63  }
0x1f2: {  	s2 =	sld [smem:$0x7F8];
	_ =	sdelay $0x1  }
0x1f3: {  	s7 =	simm.s32 $0xE880  }
0x1f4: {  	[hbm4b:s2+s14] =	stream.linear.scatter [tilespmem:s7], [sflag:$0x6], $0x4000, $0x38;
	[tilespmem:$0x17100] =	vst v63  }
0x1f5: {  	_ =	swait.ge [sflag:s6], $0x4000  }
0x1f6: {  	[sflag:s6] =	ssyncset.done $0x0  }
0x1f7: {  	[sflag:s6] =	ssyncadd.s32 $0xFFFFC000  }
0x1f8: {  	_ =	swait.ge [sflag:s5], $0x4000  }
0x1f9: {  	[sflag:s5] =	ssyncset.done $0x0  }
0x1fa: {  	s7 =	simm.s32 $0xE880;
	s2 =	simm.s32 $0x6700;
	[sflag:s5] =	ssyncadd.s32 $0xFFFFC000  }
0x1fb: {  	[tilespmem:s7], [sflag:$0x3] =	stream.indirect.gather [hbm4b:s1+s4], $0x80, s2, s4, $0xb8;
	[tilespmem:$0x17100] =	vst v63  }
0x1fc: {  	s2 =	sld [smem:$0x7F9];
	_ =	sdelay $0x1  }
0x1fd: {  	s7 =	simm.s32 $0x6880  }
0x1fe: {  	[hbm4b:s2+s14] =	stream.linear.scatter [tilespmem:s7], [sflag:$0x4], $0x4000, $0x38;
	[tilespmem:$0x17100] =	vst v63  }
0x1ff: {  	_ =	swait.ge [sflag:s8], $0x4000  }
0x200: {  	[sflag:s8] =	ssyncset.done $0x0  }
0x201: {  	[sflag:s8] =	ssyncadd.s32 $0xFFFFC000  }
0x202: {  	_ =	swait.ge [sflag:s15], $0x4000  }
0x203: {  	[sflag:s15] =	ssyncset.done $0x0  }
0x204: {  	s7 =	simm.s32 $0x6880;
	s2 =	simm.s32 $0x6780;
	[sflag:s15] =	ssyncadd.s32 $0xFFFFC000  }
0x205: {  	[tilespmem:s7], [sflag:$0x1] =	stream.indirect.gather [hbm4b:s1+s4], $0x80, s2, s4, $0xb8;
	[tilespmem:$0x17100] =	vst v63  }
0x206: {  	s2 =	sld [smem:$0x7FA];
	_ =	sdelay $0x1  }
0x207: {  	s7 =	simm.s32 $0xA880  }
0x208: {  	[hbm4b:s2+s14] =	stream.linear.scatter [tilespmem:s7], [sflag:$0x5], $0x4000, $0x38;
	[tilespmem:$0x17100] =	vst v63  }
0x209: {  	_ =	swait.ge [sflag:s16], $0x4000  }
0x20a: {  	[sflag:s16] =	ssyncset.done $0x0  }
0x20b: {  	[sflag:s16] =	ssyncadd.s32 $0xFFFFC000  }
0x20c: {  	_ =	swait.ge [sflag:s3], $0x4000  }
0x20d: {  	s2 =	simm.s32 $0xA880;
	[sflag:s3] =	ssyncset.done $0x0  }
0x20e: {  	s16 =	simm.s32 $0x6800;
	s7 =	sld [smem:$0x7FB];
	[sflag:s3] =	ssyncadd.s32 $0xFFFFC000  }
0x20f: {  	[tilespmem:s2], [sflag:$0x2] =	stream.indirect.gather [hbm4b:s1+s4], $0x80, s16, s4, $0xb8;
	[tilespmem:$0x17100] =	vst v63  }
0x210: {  	s16 =	simm.s32 $0xE880  }
0x211: {  	[hbm4b:s7+s14] =	stream.linear.scatter [tilespmem:s16], [sflag:$0x6], $0x4000, $0x38;
	[tilespmem:$0x17100] =	vst v63  }
0x212: {  	_ =	swait.ge [sflag:s6], $0x4000  }
0x213: {  	[sflag:s6] =	ssyncset.done $0x0  }
0x214: {  	[sflag:s6] =	ssyncadd.s32 $0xFFFFC000;
	s6 =	sld [smem:$0x7FC];
	_ =	sdelay $0x1  }
0x215: {  	s7 =	simm.s32 $0x6880  }
0x216: {  	[hbm4b:s6+s14] =	stream.linear.scatter [tilespmem:s7], [sflag:$0x4], $0x4000, $0x38;
	[tilespmem:$0x17100] =	vst v63  }
0x217: {  	_ =	swait.ge [sflag:s8], $0x4000  }
0x218: {  	s16 =	sld [smem:$0x7FD]  }
0x219: {  	[sflag:s8] =	ssyncset.done $0x0  }
0x21a: {  	s2 =	simm.s32 $0xA880;
	[sflag:s8] =	ssyncadd.s32 $0xFFFFC000  }
0x21b: {  	[hbm4b:s16+s14] =	stream.linear.scatter [tilespmem:s2], [sflag:$0x5], $0x4000, $0x38;
	[tilespmem:$0x17100] =	vst v63  }
0x21c: {  	_ =	swait.ge [sflag:s5], $0x4000  }
0x21d: {  	[sflag:s5] =	ssyncset.done $0x0  }
0x21e: {  	[sflag:s5] =	ssyncadd.s32 $0xFFFFC000  }
0x21f: {  	_ =	swait.ge [sflag:s15], $0x4000  }
0x220: {  	[sflag:s15] =	ssyncset.done $0x0  }
0x221: {  	[sflag:s15] =	ssyncadd.s32 $0xFFFFC000  }
0x222: {  	_ =	swait.ge [sflag:s3], $0x4000  }
0x223: {  	[sflag:s3] =	ssyncset.done $0x0  }
0x224: {  	[sflag:s3] =	ssyncadd.s32 $0xFFFFC000  }
0x225: {  	v12 =	vld [tilespmem:$0x17080];
	_ =	sdelay $0x3  }
0x226: {  	vm2 =	vmmov $0x1  }
0x227: {  	v13 =	vnsel vm2, $0x0, v12  }
0x228: {  	(xrf0) =	vmax.scan.msk.f32 $0xffff, v13;
	v13 =	vsel vm0, $0x0, v12  }
0x229: {  	(xrf0) =	vmax.scan.msk.f32 $0xffff, v13;
	_ =	sdelay $0x4  }
0x22a: {  	v13, _, _ =	vpop (xrf0)  }
0x22b: {  	v14, _, _ =	vpop (xrf0)  }
0x22c: {  	(v2sf) =	vpush v14, $0xF;
	_ =	sdelay $0x6  }
0x22d: {  	v12 =	vsel vm1, $0x0, v12  }
0x22e: {  	(xrf0) =	vmax.scan.msk.f32 $0xffff, v12;
	_ =	sdelay $0x2  }
.Ltmp3:
0x22f: {  	_ = 	snop;
	(pc) =	sbr.rel .LBB2_4-.Ltmp3, $3  }
0x230: {  	_ =	sdelay $0x1  }
0x231: {  	v14, _, _ =	vpop (xrf0)  }
0x232: {  	v12 =	vbroadcast v13, $0xF;
	v13 =	vbroadcast v14, $0xF;
	s2 =	spop (v2sf)  }
.LBB2_11:
0x233: {  	s14 =	sadd.s32 $0x1, s14  }
0x234: {  	p1 =	sne.s32 s14, $0x20  }
.Ltmp4:
0x235: {  	_ = 	snop;
	(pc) =	sbr.rel @!p1 .LBB2_12-.Ltmp4, $1  }
0x236: {  	_ =	sdelay $0x3  }
.LBB2_4:
0x237: {  	s1 =	sshll.u32 s14, $0x4  }
0x238: {  	v14 =	vld [tilespmem:s1+$0x5680];
	_ =	sdelay $0x4  }
0x239: {  	v14 =	vxor.u32 $0x80000000, v14  }
0x23a: {  	(xrf0) =	vmax.scan.msk.u32 $0xffff, v14;
	_ =	sdelay $0x5  }
0x23b: {  	v15, _, _ =	vpop (xrf0)  }
0x23c: {  	(v2sf) =	vpush v15, $0xF;
	_ =	sdelay $0xe  }
0x23d: {  	s3 =	spop (v2sf)  }
0x23e: {  	p1 =	seq.s32 s3, $0x80000000  }
.Ltmp5:
0x23f: {  	_ = 	snop;
	(pc) =	sbr.rel @p1 .LBB2_11-.Ltmp5, $1  }
0x240: {  	_ =	sdelay $0x3  }
.Ltmp6:
0x241: {  	(pc) =	sbr.rel .LBB2_6-.Ltmp6, $3  }
0x242: {  	_ =	sdelay $0x1  }
0x243: {  	s3 =	rddreg [dreg:$0x9]  }
0x244: {  	s4 =	simm.s32 $0x0;
	s8 =	sor.u32 s1, s3  }
.LBB2_9:
0x245: {  	s6 =	sor.u32 s15, s1;
	[tilespmem:s16+$0x16C80] =	vst v17;
	s5 =	sadd.s32 $0x10, s5  }
0x246: {  	s13 =	sand.u32 $0x70, s5;
	s6 =	sshll.u32 s6, $0x7;
	v17 =	vld [tilespmem:s3+$0x0]  }
0x247: {  	s7 =	sor.u32 s7, s1;
	s6 =	sor.u32 s13, s6  }
0x248: {  	s1 =	sshll.u32 s7, $0x7;
	v18 =	vld [tilespmem:s6+$0x12C80]  }
0x249: {  	s1 =	sor.u32 s13, s1  }
0x24a: {  	v19 =	vld [tilespmem:s1+$0x14C80]  }
0x24b: {  	v17 =	vmul.f32 v17, v12;
	_ =	sdelay $0x1  }
0x24c: {  	v15 =	vadd.f32 v17, v15;
	v16 =	vmul.f32 v18, v16;
	_ =	sdelay $0x1  }
0x24d: {  	v60 =	vmul.f32 v19, v13;
	v15 =	vadd.f32 v15, v16;
	_ =	sdelay $0x1  }
0x24e: {  	v15 =	vadd.f32 v15, v60;
	_ =	sdelay $0x1  }
0x24f: {  	v16 =	vand.u32 $0x7FFFFF, v15  }
0x250: {  	v16 =	vor.u32 $0x3F800000, v16  }
0x251: {  	v61 =	vmul.f32 $5.000000000e-01, v16  }
0x252: {  	vm2 =	vgt.f32 v16, $1.333333370e+00  }
0x253: {  	v16 =	vsel vm2, v61, v16  }
0x254: {  	v16 =	vadd.f32 $-1.000000000e+00, v16;
	_ =	sdelay $0x1  }
0x255: {  	v62 =	vmul.f32 $-7.142857460e-02, v16;
	_ =	sdelay $0x1  }
0x256: {  	v17 =	vadd.f32 $7.692307980e-02, v62;
	_ =	sdelay $0x1  }
0x257: {  	v17 =	vmul.f32 v17, v16;
	_ =	sdelay $0x1  }
0x258: {  	v17 =	vadd.f32 $-8.333333580e-02, v17;
	_ =	sdelay $0x1  }
0x259: {  	v17 =	vmul.f32 v17, v16;
	_ =	sdelay $0x1  }
0x25a: {  	v17 =	vadd.f32 $9.090909360e-02, v17;
	_ =	sdelay $0x1  }
0x25b: {  	v17 =	vmul.f32 v17, v16;
	_ =	sdelay $0x1  }
0x25c: {  	v17 =	vadd.f32 $-1.000000010e-01, v17;
	_ =	sdelay $0x1  }
0x25d: {  	v17 =	vmul.f32 v17, v16;
	_ =	sdelay $0x1  }
0x25e: {  	v17 =	vadd.f32 $1.111111120e-01, v17;
	_ =	sdelay $0x1  }
0x25f: {  	v17 =	vmul.f32 v17, v16;
	_ =	sdelay $0x1  }
0x260: {  	v17 =	vadd.f32 $-1.250000000e-01, v17;
	_ =	sdelay $0x1  }
0x261: {  	v17 =	vmul.f32 v17, v16;
	_ =	sdelay $0x1  }
0x262: {  	v17 =	vadd.f32 $1.428571490e-01, v17;
	_ =	sdelay $0x1  }
0x263: {  	v17 =	vmul.f32 v17, v16;
	_ =	sdelay $0x1  }
0x264: {  	v17 =	vadd.f32 $-1.666666720e-01, v17;
	_ =	sdelay $0x1  }
0x265: {  	v17 =	vmul.f32 v17, v16;
	_ =	sdelay $0x1  }
0x266: {  	v17 =	vadd.f32 $2.000000030e-01, v17;
	_ =	sdelay $0x1  }
0x267: {  	v17 =	vmul.f32 v17, v16;
	_ =	sdelay $0x1  }
0x268: {  	v17 =	vadd.f32 $-2.500000000e-01, v17;
	_ =	sdelay $0x1  }
0x269: {  	v17 =	vmul.f32 v17, v16;
	_ =	sdelay $0x1  }
0x26a: {  	v17 =	vadd.f32 $3.333333430e-01, v17;
	_ =	sdelay $0x1  }
0x26b: {  	v17 =	vmul.f32 v17, v16;
	_ =	sdelay $0x1  }
0x26c: {  	v17 =	vadd.f32 $-5.000000000e-01, v17  }
0x26d: {  	v15 =	vshrl.u32 v15, $0x17  }
0x26e: {  	v15 =	vand.u32 $0xFF, v15;
	v63 =	vsel vm2, $0xFFFFFF82, v11;
	v17 =	vmul.f32 v17, v16  }
0x26f: {  	v15 =	vadd.s32 v15, v63  }
0x270: {  	v15 =	vcvt.s32.f32 v15;
	v17 =	vadd.f32 $1.000000000e+00, v17;
	_ =	sdelay $0x1  }
0x271: {  	v15 =	vmul.f32 $6.931471820e-01, v15;
	v16 =	vmul.f32 v17, v16;
	_ =	sdelay $0x1  }
0x272: {  	s13 =	sadd.s32 s8, s4;
	v15 =	vadd.f32 v16, v15  }
0x273: {  	s15 =	sand.u32 $0x3F0, s5;
	s1 =	sshll.u32 s13, $0x7  }
0x274: {  	s16 =	simm.s32 $0x16C80;
	s13 =	simm.s32 $0x0;
	s1 =	sadd.s32 s12, s1;
	[tilespmem:s15+$0x16C80] =	vst v15  }
0x275: {  	[hbm4b:s1+s13] =	stream.linear.scatter [tilespmem:s16], [sflag:$0x8], $0x400, $0x38;
	[tilespmem:$0x17100] =	vst v63  }
0x276: {  	_ =	swait.ge [sflag:s31], $0x400  }
0x277: {  	[sflag:s31] =	ssyncset.done $0x0  }
0x278: {  	[sflag:s31] =	ssyncadd.s32 $0xFFFFFC00  }
.LBB2_10:
0x279: {  	s4 =	sadd.s32 $0x1, s4  }
0x27a: {  	p1 =	sne.s32 s4, $0x10  }
.Ltmp7:
0x27b: {  	_ = 	snop;
	(pc) =	sbr.rel @!p1 .LBB2_11-.Ltmp7, $1  }
0x27c: {  	_ =	sdelay $0x3  }
.LBB2_6:
0x27d: {  	v15 =	vmov s4  }
0x27e: {  	vm2 =	veq.s32 v15, v1  }
0x27f: {  	v15 =	vnsel vm2, $0x80000000, v14  }
0x280: {  	(xrf0) =	vmax.scan.msk.u32 $0xffff, v15;
	_ =	sdelay $0x5  }
0x281: {  	v15, _, _ =	vpop (xrf0)  }
0x282: {  	(v2sf) =	vpush v15, $0xF;
	_ =	sdelay $0xe  }
0x283: {  	s1 =	spop (v2sf)  }
0x284: {  	p1 =	seq.s32 s1, $0x80000000  }
.Ltmp8:
0x285: {  	_ = 	snop;
	(pc) =	sbr.rel @p1 .LBB2_10-.Ltmp8, $1  }
0x286: {  	_ =	sdelay $0x3  }
0x287: {  	s3 =	sshrl.u32 s1, $0x1  }
0x288: {  	s3 =	sand.u32 $0x7FF, s3  }
0x289: {  	s5 =	smax.u32 s3, $0x1  }
0x28a: {  	s13 =	sadd.s32 $0xFFFFFFFF, s5  }
0x28b: {  	s7 =	sshrl.u32 s13, $0x3  }
0x28c: {  	s6 =	rddreg [dreg:$0x4];
	s15 =	sshll.u32 s7, $0xA  }
0x28d: {  	s5 =	simm.s32 $0x0;
	s16 =	sadd.s32 s6, s15;
	s6 =	simm.s32 $0x12C80  }
0x28e: {  	[tilespmem:s6], [sflag:$0x7] =	stream.linear.gather [hbm4b:s16+s5], $0x400, $0x38;
	[tilespmem:$0x17100] =	vst v63  }
0x28f: {  	s16 =	sadd.s32 s15, s17;
	s6 =	simm.s32 $0x13080  }
0x290: {  	[tilespmem:s6], [sflag:$0x7] =	stream.linear.gather [hbm4b:s16+s5], $0x400, $0x38;
	[tilespmem:$0x17100] =	vst v63  }
0x291: {  	s16 =	sadd.s32 s15, s18;
	s6 =	simm.s32 $0x13480  }
0x292: {  	[tilespmem:s6], [sflag:$0x7] =	stream.linear.gather [hbm4b:s16+s5], $0x400, $0x38;
	[tilespmem:$0x17100] =	vst v63  }
0x293: {  	s16 =	sadd.s32 s15, s25;
	s6 =	simm.s32 $0x13880  }
0x294: {  	[tilespmem:s6], [sflag:$0x7] =	stream.linear.gather [hbm4b:s16+s5], $0x400, $0x38;
	[tilespmem:$0x17100] =	vst v63  }
0x295: {  	s16 =	sadd.s32 s15, s26;
	s6 =	simm.s32 $0x13C80  }
0x296: {  	[tilespmem:s6], [sflag:$0x7] =	stream.linear.gather [hbm4b:s16+s5], $0x400, $0x38;
	[tilespmem:$0x17100] =	vst v63  }
0x297: {  	s16 =	sadd.s32 s15, s28;
	s6 =	simm.s32 $0x14080  }
0x298: {  	[tilespmem:s6], [sflag:$0x7] =	stream.linear.gather [hbm4b:s16+s5], $0x400, $0x38;
	[tilespmem:$0x17100] =	vst v63  }
0x299: {  	s15 =	sadd.s32 s15, s29;
	s16 =	simm.s32 $0x14480;
	s6 =	sshll.u32 s7, $0x7  }
0x29a: {  	[tilespmem:s16], [sflag:$0x7] =	stream.linear.gather [hbm4b:s15+s5], $0x400, $0x38;
	[tilespmem:$0x17100] =	vst v63  }
0x29b: {  	s6 =	sadd.s32 s10, s6;
	s15 =	sshrl.u32 s1, $0xC  }
0x29c: {  	s16 =	sxor.u32 $0x80000, s15;
	s7 =	sand.u32 $0x7, s15;
	s15 =	simm.s32 $0x14880  }
0x29d: {  	[tilespmem:s15], [sflag:$0x7] =	stream.linear.gather [hbm4b:s6+s5], $0x400, $0x38;
	[tilespmem:$0x17100] =	vst v63  }
0x29e: {  	s1 =	ssub.s32 s16, s7  }
0x29f: {  	s6 =	sshll.u32 s1, $0x7  }
0x2a0: {  	s15 =	sand.u32 $0x1FFFFC00, s6  }
0x2a1: {  	s6 =	simm.s32 $0x14C80;
	s16 =	sadd.s32 s9, s15  }
0x2a2: {  	[tilespmem:s6], [sflag:$0x7] =	stream.linear.gather [hbm4b:s16+s5], $0x400, $0x38;
	[tilespmem:$0x17100] =	vst v63  }
0x2a3: {  	s16 =	sadd.s32 s15, s19;
	s6 =	simm.s32 $0x15080  }
0x2a4: {  	[tilespmem:s6], [sflag:$0x7] =	stream.linear.gather [hbm4b:s16+s5], $0x400, $0x38;
	[tilespmem:$0x17100] =	vst v63  }
0x2a5: {  	s16 =	sadd.s32 s15, s20;
	s6 =	simm.s32 $0x15480  }
0x2a6: {  	[tilespmem:s6], [sflag:$0x7] =	stream.linear.gather [hbm4b:s16+s5], $0x400, $0x38;
	[tilespmem:$0x17100] =	vst v63  }
0x2a7: {  	s16 =	sadd.s32 s15, s21;
	s6 =	simm.s32 $0x15880  }
0x2a8: {  	[tilespmem:s6], [sflag:$0x7] =	stream.linear.gather [hbm4b:s16+s5], $0x400, $0x38;
	[tilespmem:$0x17100] =	vst v63  }
0x2a9: {  	s16 =	sadd.s32 s15, s22;
	s6 =	simm.s32 $0x15C80  }
0x2aa: {  	[tilespmem:s6], [sflag:$0x7] =	stream.linear.gather [hbm4b:s16+s5], $0x400, $0x38;
	[tilespmem:$0x17100] =	vst v63  }
0x2ab: {  	s16 =	sadd.s32 s15, s23;
	s6 =	simm.s32 $0x16080  }
0x2ac: {  	[tilespmem:s6], [sflag:$0x7] =	stream.linear.gather [hbm4b:s16+s5], $0x400, $0x38;
	[tilespmem:$0x17100] =	vst v63  }
0x2ad: {  	s1 =	sshll.u32 s1, $0x4;
	s15 =	sadd.s32 s15, s24;
	s16 =	simm.s32 $0x16480  }
0x2ae: {  	[tilespmem:s16], [sflag:$0x7] =	stream.linear.gather [hbm4b:s15+s5], $0x400, $0x38;
	[tilespmem:$0x17100] =	vst v63  }
0x2af: {  	s1 =	sand.u32 $0x1FFFFF80, s1;
	s16 =	rddreg [dreg:$0x5]  }
0x2b0: {  	s15 =	simm.s32 $0x16880;
	s1 =	sadd.s32 s16, s1  }
0x2b1: {  	[tilespmem:s15], [sflag:$0x7] =	stream.linear.gather [hbm4b:s1+s5], $0x400, $0x38;
	[tilespmem:$0x17100] =	vst v63  }
0x2b2: {  	_ =	swait.ge [sflag:s11], $0x400  }
0x2b3: {  	[sflag:s11] =	ssyncset.done $0x0  }
0x2b4: {  	[sflag:s11] =	ssyncadd.s32 $0xFFFFFC00  }
0x2b5: {  	_ =	swait.ge [sflag:s11], $0x400  }
0x2b6: {  	[sflag:s11] =	ssyncset.done $0x0  }
0x2b7: {  	[sflag:s11] =	ssyncadd.s32 $0xFFFFFC00  }
0x2b8: {  	_ =	swait.ge [sflag:s11], $0x400  }
0x2b9: {  	[sflag:s11] =	ssyncset.done $0x0  }
0x2ba: {  	[sflag:s11] =	ssyncadd.s32 $0xFFFFFC00  }
0x2bb: {  	_ =	swait.ge [sflag:s11], $0x400  }
0x2bc: {  	[sflag:s11] =	ssyncset.done $0x0  }
0x2bd: {  	[sflag:s11] =	ssyncadd.s32 $0xFFFFFC00  }
0x2be: {  	_ =	swait.ge [sflag:s11], $0x400  }
0x2bf: {  	[sflag:s11] =	ssyncset.done $0x0  }
0x2c0: {  	[sflag:s11] =	ssyncadd.s32 $0xFFFFFC00  }
0x2c1: {  	_ =	swait.ge [sflag:s11], $0x400  }
0x2c2: {  	[sflag:s11] =	ssyncset.done $0x0  }
0x2c3: {  	[sflag:s11] =	ssyncadd.s32 $0xFFFFFC00  }
0x2c4: {  	_ =	swait.ge [sflag:s11], $0x400  }
0x2c5: {  	[sflag:s11] =	ssyncset.done $0x0  }
0x2c6: {  	[sflag:s11] =	ssyncadd.s32 $0xFFFFFC00  }
0x2c7: {  	_ =	swait.ge [sflag:s11], $0x400  }
0x2c8: {  	[sflag:s11] =	ssyncset.done $0x0  }
0x2c9: {  	[sflag:s11] =	ssyncadd.s32 $0xFFFFFC00  }
0x2ca: {  	_ =	swait.ge [sflag:s11], $0x400  }
0x2cb: {  	[sflag:s11] =	ssyncset.done $0x0  }
0x2cc: {  	[sflag:s11] =	ssyncadd.s32 $0xFFFFFC00  }
0x2cd: {  	_ =	swait.ge [sflag:s11], $0x400  }
0x2ce: {  	[sflag:s11] =	ssyncset.done $0x0  }
0x2cf: {  	[sflag:s11] =	ssyncadd.s32 $0xFFFFFC00  }
0x2d0: {  	_ =	swait.ge [sflag:s11], $0x400  }
0x2d1: {  	[sflag:s11] =	ssyncset.done $0x0  }
0x2d2: {  	[sflag:s11] =	ssyncadd.s32 $0xFFFFFC00  }
0x2d3: {  	_ =	swait.ge [sflag:s11], $0x400  }
0x2d4: {  	[sflag:s11] =	ssyncset.done $0x0  }
0x2d5: {  	[sflag:s11] =	ssyncadd.s32 $0xFFFFFC00  }
0x2d6: {  	_ =	swait.ge [sflag:s11], $0x400  }
0x2d7: {  	[sflag:s11] =	ssyncset.done $0x0  }
0x2d8: {  	[sflag:s11] =	ssyncadd.s32 $0xFFFFFC00  }
0x2d9: {  	_ =	swait.ge [sflag:s11], $0x400  }
0x2da: {  	[sflag:s11] =	ssyncset.done $0x0  }
0x2db: {  	[sflag:s11] =	ssyncadd.s32 $0xFFFFFC00  }
0x2dc: {  	_ =	swait.ge [sflag:s11], $0x400  }
0x2dd: {  	[sflag:s11] =	ssyncset.done $0x0  }
0x2de: {  	[sflag:s11] =	ssyncadd.s32 $0xFFFFFC00  }
0x2df: {  	p1 =	seq.s32 s3, $0x0;
	_ =	swait.ge [sflag:s11], $0x400  }
0x2e0: {  	s15 =	sand.u32 $0x7, s13;
	s1 =	sand.u32 $0x38, s5;
	[sflag:s11] =	ssyncset.done $0x0  }
0x2e1: {  	s16 =	simm.s32 $0x12880;
	s6 =	sor.u32 s15, s1;
	[sflag:s11] =	ssyncadd.s32 $0xFFFFFC00  }
0x2e2: {  	s3 =	smov.u32 s2;
	s13 =	sand.u32 $0x70, s5;
	v15 =	vld [tilespmem:s16+$0x0];
	s16 =	sshll.u32 s6, $0x7  }
0x2e3: {  	s3 =	simm.s32 @p1 $0x0;
	s1 =	sor.u32 s7, s1;
	s16 =	sor.u32 s13, s16  }
0x2e4: {  	s1 =	sshll.u32 s1, $0x7;
	s6 =	ssub.f32 s2, s3;
	v17 =	vld [tilespmem:s16+$0x12C80]  }
0x2e5: {  	s1 =	sor.u32 s13, s1  }
0x2e6: {  	v18 =	vld [tilespmem:s1+$0x14C80];
	s6 =	smul.f32 $1.000000050e-03, s6  }
0x2e7: {  	v19 =	vmul.f32 v15, v12  }
0x2e8: {  	v16 =	vmov s3;
	v15 =	vmov s6  }
0x2e9: {  	v19 =	vadd.f32 v19, v15;
	v17 =	vmul.f32 v17, v16;
	_ =	sdelay $0x1  }
0x2ea: {  	v18 =	vmul.f32 v18, v13;
	v17 =	vadd.f32 v19, v17;
	_ =	sdelay $0x1  }
0x2eb: {  	v17 =	vadd.f32 v17, v18;
	_ =	sdelay $0x1  }
0x2ec: {  	v18 =	vand.u32 $0x7FFFFF, v17  }
0x2ed: {  	v18 =	vor.u32 $0x3F800000, v18  }
0x2ee: {  	v19 =	vmul.f32 $5.000000000e-01, v18  }
0x2ef: {  	vm2 =	vgt.f32 v18, $1.333333370e+00  }
0x2f0: {  	v18 =	vsel vm2, v19, v18  }
0x2f1: {  	v18 =	vadd.f32 $-1.000000000e+00, v18;
	_ =	sdelay $0x1  }
0x2f2: {  	v19 =	vmul.f32 $-7.142857460e-02, v18;
	_ =	sdelay $0x1  }
0x2f3: {  	v19 =	vadd.f32 $7.692307980e-02, v19;
	_ =	sdelay $0x1  }
0x2f4: {  	v19 =	vmul.f32 v19, v18;
	_ =	sdelay $0x1  }
0x2f5: {  	v19 =	vadd.f32 $-8.333333580e-02, v19;
	_ =	sdelay $0x1  }
0x2f6: {  	v19 =	vmul.f32 v19, v18;
	_ =	sdelay $0x1  }
0x2f7: {  	v19 =	vadd.f32 $9.090909360e-02, v19;
	_ =	sdelay $0x1  }
0x2f8: {  	v19 =	vmul.f32 v19, v18;
	_ =	sdelay $0x1  }
0x2f9: {  	v19 =	vadd.f32 $-1.000000010e-01, v19;
	_ =	sdelay $0x1  }
0x2fa: {  	v19 =	vmul.f32 v19, v18;
	_ =	sdelay $0x1  }
0x2fb: {  	v19 =	vadd.f32 $1.111111120e-01, v19;
	_ =	sdelay $0x1  }
0x2fc: {  	v19 =	vmul.f32 v19, v18;
	_ =	sdelay $0x1  }
0x2fd: {  	v19 =	vadd.f32 $-1.250000000e-01, v19;
	_ =	sdelay $0x1  }
0x2fe: {  	v19 =	vmul.f32 v19, v18;
	_ =	sdelay $0x1  }
0x2ff: {  	v19 =	vadd.f32 $1.428571490e-01, v19;
	_ =	sdelay $0x1  }
0x300: {  	v19 =	vmul.f32 v19, v18;
	_ =	sdelay $0x1  }
0x301: {  	v19 =	vadd.f32 $-1.666666720e-01, v19;
	_ =	sdelay $0x1  }
0x302: {  	v19 =	vmul.f32 v19, v18;
	_ =	sdelay $0x1  }
0x303: {  	v19 =	vadd.f32 $2.000000030e-01, v19;
	_ =	sdelay $0x1  }
0x304: {  	v19 =	vmul.f32 v19, v18;
	_ =	sdelay $0x1  }
0x305: {  	v19 =	vadd.f32 $-2.500000000e-01, v19;
	_ =	sdelay $0x1  }
0x306: {  	v19 =	vmul.f32 v19, v18;
	_ =	sdelay $0x1  }
0x307: {  	v19 =	vadd.f32 $3.333333430e-01, v19;
	_ =	sdelay $0x1  }
0x308: {  	v19 =	vmul.f32 v19, v18;
	_ =	sdelay $0x1  }
0x309: {  	v19 =	vadd.f32 $-5.000000000e-01, v19  }
0x30a: {  	v17 =	vshrl.u32 v17, $0x17  }
0x30b: {  	v17 =	vand.u32 $0xFF, v17;
	v20 =	vsel vm2, $0xFFFFFF82, v11;
	v19 =	vmul.f32 v19, v18  }
0x30c: {  	v17 =	vadd.s32 v17, v20  }
0x30d: {  	v17 =	vcvt.s32.f32 v17;
	v19 =	vadd.f32 $1.000000000e+00, v19;
	_ =	sdelay $0x1  }
0x30e: {  	v17 =	vmul.f32 $6.931471820e-01, v17;
	v18 =	vmul.f32 v19, v18;
	_ =	sdelay $0x1  }
0x30f: {  	s3 =	simm.s32 $0x12890;
	s16 =	simm.s32 $0x1;
	v17 =	vadd.f32 v18, v17  }
0x310: {  	s13 =	simm.s32 $0x2;
	s1 =	sand.u32 $0x38, s16;
	s16 =	sand.u32 $0x3F0, s5  }
.LBB2_8:
0x311: {  	p1 =	sne.s32 s13, $0x3F;
	s6 =	sor.u32 s15, s1;
	[tilespmem:s16+$0x16C80] =	vst v17;
	s5 =	sadd.s32 $0x10, s5  }
0x312: {  	s16 =	sand.u32 $0x70, s5;
	s6 =	sshll.u32 s6, $0x7;
	v17 =	vld [tilespmem:s3+$0x0]  }
0x313: {  	s1 =	sor.u32 s7, s1;
	s6 =	sor.u32 s16, s6  }
0x314: {  	s1 =	sshll.u32 s1, $0x7;
	v18 =	vld [tilespmem:s6+$0x12C80]  }
0x315: {  	s1 =	sor.u32 s16, s1  }
0x316: {  	v19 =	vld [tilespmem:s1+$0x14C80]  }
0x317: {  	v17 =	vmul.f32 v17, v12;
	_ =	sdelay $0x1  }
0x318: {  	v17 =	vadd.f32 v17, v15;
	v18 =	vmul.f32 v18, v16;
	_ =	sdelay $0x1  }
0x319: {  	v17 =	vadd.f32 v17, v18;
	v18 =	vmul.f32 v19, v13;
	_ =	sdelay $0x1  }
0x31a: {  	v17 =	vadd.f32 v17, v18;
	_ =	sdelay $0x1  }
0x31b: {  	v18 =	vand.u32 $0x7FFFFF, v17  }
0x31c: {  	v18 =	vor.u32 $0x3F800000, v18  }
0x31d: {  	v19 =	vmul.f32 $5.000000000e-01, v18  }
0x31e: {  	vm2 =	vgt.f32 v18, $1.333333370e+00  }
0x31f: {  	v18 =	vsel vm2, v19, v18  }
0x320: {  	v18 =	vadd.f32 $-1.000000000e+00, v18;
	_ =	sdelay $0x1  }
0x321: {  	v19 =	vmul.f32 $-7.142857460e-02, v18;
	_ =	sdelay $0x1  }
0x322: {  	v19 =	vadd.f32 $7.692307980e-02, v19;
	_ =	sdelay $0x1  }
0x323: {  	v19 =	vmul.f32 v19, v18;
	_ =	sdelay $0x1  }
0x324: {  	v19 =	vadd.f32 $-8.333333580e-02, v19;
	_ =	sdelay $0x1  }
0x325: {  	v19 =	vmul.f32 v19, v18;
	_ =	sdelay $0x1  }
0x326: {  	v19 =	vadd.f32 $9.090909360e-02, v19;
	_ =	sdelay $0x1  }
0x327: {  	v19 =	vmul.f32 v19, v18;
	_ =	sdelay $0x1  }
0x328: {  	v19 =	vadd.f32 $-1.000000010e-01, v19;
	_ =	sdelay $0x1  }
0x329: {  	v19 =	vmul.f32 v19, v18;
	_ =	sdelay $0x1  }
0x32a: {  	v19 =	vadd.f32 $1.111111120e-01, v19;
	_ =	sdelay $0x1  }
0x32b: {  	v19 =	vmul.f32 v19, v18;
	_ =	sdelay $0x1  }
0x32c: {  	v19 =	vadd.f32 $-1.250000000e-01, v19;
	_ =	sdelay $0x1  }
0x32d: {  	v19 =	vmul.f32 v19, v18;
	_ =	sdelay $0x1  }
0x32e: {  	v19 =	vadd.f32 $1.428571490e-01, v19;
	_ =	sdelay $0x1  }
0x32f: {  	v19 =	vmul.f32 v19, v18;
	_ =	sdelay $0x1  }
0x330: {  	v19 =	vadd.f32 $-1.666666720e-01, v19;
	_ =	sdelay $0x1  }
0x331: {  	v19 =	vmul.f32 v19, v18;
	_ =	sdelay $0x1  }
0x332: {  	v19 =	vadd.f32 $2.000000030e-01, v19;
	_ =	sdelay $0x1  }
0x333: {  	v19 =	vmul.f32 v19, v18;
	_ =	sdelay $0x1  }
0x334: {  	v19 =	vadd.f32 $-2.500000000e-01, v19;
	_ =	sdelay $0x1  }
0x335: {  	v19 =	vmul.f32 v19, v18;
	_ =	sdelay $0x1  }
0x336: {  	v19 =	vadd.f32 $3.333333430e-01, v19;
	_ =	sdelay $0x1  }
0x337: {  	v19 =	vmul.f32 v19, v18;
	_ =	sdelay $0x1  }
0x338: {  	v19 =	vadd.f32 $-5.000000000e-01, v19  }
0x339: {  	v17 =	vshrl.u32 v17, $0x17  }
0x33a: {  	v17 =	vand.u32 $0xFF, v17;
	v20 =	vsel vm2, $0xFFFFFF82, v11;
	v19 =	vmul.f32 v19, v18  }
0x33b: {  	v17 =	vadd.s32 v17, v20  }
0x33c: {  	v17 =	vcvt.s32.f32 v17;
	v19 =	vadd.f32 $1.000000000e+00, v19  }
.Ltmp9:
0x33d: {  	(pc) =	sbr.rel @p1 .LBB2_8-.Ltmp9, $3  }
0x33e: {  	v17 =	vmul.f32 $6.931471820e-01, v17;
	v18 =	vmul.f32 v19, v18;
	_ =	sdelay $0x1  }
0x33f: {  	s3 =	sadd.s32 $0x10, s3;
	v17 =	vadd.f32 v18, v17  }
0x340: {  	s16 =	sand.u32 $0x3F0, s5;
	s1 =	sand.u32 $0x38, s13;
	s13 =	sadd.s32 $0x1, s13  }
.Ltmp10:
0x341: {  	_ = 	snop;
	(pc) =	sbr.rel .LBB2_9-.Ltmp10, $1  }
0x342: {  	_ =	sdelay $0x3  }
.LBB2_13:
0x343: {  	_ =	sfence.sel $0x180000  }
0x344: {  	[bflag:$0x0] =	sbarrier.arrive $0xFFFF  }
0x345: {  	_ =	strace $0x90000047  }
0x346: {  	s0 =	stileid.u32;
	[bflag:$0x2] =	sbarrier.arrive $0xFFFF  }
0x347: {  	p0 =	sne.s32 s0, $0x0;
	s0 =	rddreg [dreg:$0x6]  }
0x348: {  	s0 =	sadd.s32 @!p0 $0x100000, s0  }
0x349: {  	[sflag:s0] =	ssyncadd.tile.s32 @!p0 $0x1;
	_ =	shalt  }
.Lfunc_end2:
_tile_overlayer_lowered:
.L_overlay_start_2:
0x34a: {  	(tag) =	ssettag $0x2  }
0x34b: {  	s0 =	rddreg [dreg:$0x0];
	s2 =	stileid.u32  }
0x34c: {  	s1 =	rddreg [dreg:$0x1];
	p0 =	sne.s32 s2, $0x0  }
0x34d: {  	s3 =	rddreg [dreg:$0x2];
	[bflag:$0x3] =	sbarrier.arrive $0xFFFF;
	s2 =	simm.s32 @!p0 $0x1C08  }
0x34e: {  	[timem:s3], [sflag:s2] =	dma.local @!p0 [hbm:s0], s1  }
0x34f: {  	s0 =	simm.s32 @!p0 $0x8  }
0x350: {  	_ =	swait.ge @!p0 [sflag:s0], s1  }
0x351: {  	s1 =	ssub.s32 @!p0 $0x0, s1;
	[sflag:s0] =	ssyncset.done @!p0 $0x0  }
0x352: {  	[sflag:s0] =	ssyncadd.s32 @!p0 s1  }
0x353: {  	[bflag:$0x3] =	sbarrier.arrive $0xFFFF  }
0x354: {  	_ =	shalt  }

// kernel: sparse-core-data-format-call.cloned.1.call-start
scs
called_computation_lowered:
.L_overlay_start_0:
0x0: {  	s2 =	sld [smem:$0x3FD9]  }
0x1: {  	s3 =	sld [smem:$0x3FFE];
	_ =	sdelay $0x1  }
0x2: {  	s1 =	srdreg.scid  }
0x3: {  	s0 =	sand.u32 $0x1, s1  }
0x4: {  	s18 =	sshll.u32 s0, $0xA;
	s2 =	sadd.s32 s3, s2  }
0x5: {  	s2 =	sadd.s32 s2, s18  }
0x6: {  	[smem:$0x3FC1] =	sst s2  }
0x7: {  	_ = 	snop  }
0x8: {  	s2 =	sld [smem:$0x3FD0];
	(tm) =	ssettm $0x1  }
0x9: {  	s19 =	sld [smem:$0x3FFB];
	_ =	sdelay $0x3  }
0xa: {  	_ =	strace s19  }
0xb: {  	s3 =	sld [smem:$0x3FFC];
	_ =	sdelay $0x3  }
0xc: {  	_ =	strace s3  }
0xd: {  	s3 =	sld [smem:$0x3FFD];
	_ =	sdelay $0x3  }
0xe: {  	_ =	strace s3  }
0xf: {  	_ =	strace $0x8FFFFFFF  }
0x10: {  	s20 =	sld [smem:$0x3FDB];
	_ =	sdelay $0x1  }
0x11: {  	s4 =	simm.s32 $_scs_section_size  }
0x12: {  	s5 =	simm.s32 $_size__tile_overlayer_lowered;
	s6 =	simm.s32 $_tile_overlayer_lowered  }
0x13: {  	s23 =	simm.s32 $0x1BFF;
	s22 =	sshll.u32 s6, $0x1;
	s3 =	sadd.s32 s4, s20  }
0x14: {  	s7 =	simm.s32 $0x0;
	s21 =	sshll.u32 s5, $0x1;
	s5 =	sadd.s32 s22, s3  }
0x15: {  	[timem:s7], [sflag:s23] =	dma.local [hbm:s5], s21  }
0x16: {  	_ =	swait.ge [sflag:s23], s21  }
0x17: {  	s4 =	ssub.s32 $0x0, s21;
	[sflag:s23] =	ssyncset.done $0x0  }
0x18: {  	[sflag:s23] =	ssyncadd.s32 s4;
	_ =	sdelay $0x1  }
0x19: {  	s24 =	simm.s32 $0x1B8B  }
0x1a: {  	_ =	swait.ge [sflag:s24], $0x1  }
0x1b: {  	[sflag:s24] =	ssyncset.done $0x0  }
0x1c: {  	s26 =	simm.s32 $0x1B8E;
	s25 =	sld [smem:$0x3FFE];
	[sflag:s24] =	ssyncadd.s32 $0xFFFFFFFF  }
0x1d: {  	s27 =	simm.s32 $execute0_lowered;
	[smem:$0x3FD2] =	sst s26  }
0x1e: {  	s5 =	sshll.u32 s27, $0x1;
	_ =	strace $0x80000049;
	[dreg:$0x1] =	wrdreg $0xFFFFFFFF  }
0x1f: {  	s28 =	simm.s32 $_size_execute0_lowered;
	s3 =	sadd.s32 s3, s5;
	[dreg:$0x0] =	wrdreg $0x0  }
0x20: {  	s5 =	sshll.u32 s28, $0x1;
	[dreg:$0x2] =	wrdreg s3  }
0x21: {  	[dreg:$0x3] =	wrdreg s5  }
0x22: {  	[dreg:$0x4] =	wrdreg $0xC0  }
0x23: {  	_ =	task [dreg:s7], $0x5FFFF  }
0x24: {  	[dreg:$0x1] =	wrdreg $0xFFFFFFFF  }
0x25: {  	[dreg:$0x0] =	wrdreg $0x60  }
0x26: {  	[dreg:$0x2] =	wrdreg s25  }
0x27: {  	[dreg:$0x3] =	wrdreg s2  }
0x28: {  	[dreg:$0x4] =	wrdreg $0x9  }
0x29: {  	_ =	task.clear_ibuf [dreg:s7], $0x5FFFF;
	_ =	strace $0x90000049  }
0x2a: {  	s29 =	simm.s32 $0x9;
	_ =	strace $0x8000004B  }
0x2b: {  	_ =	swait.ge [sflag:s29], $0x1  }
0x2c: {  	[sflag:s29] =	ssyncadd.s32 $0xFFFFFFFF  }
0x2d: {  	_ =	strace $0x9000004B  }
0x2e: {  	_ =	sfence  }
0x2f: {  	s30 =	sld [smem:$0x0];
	_ =	sdelay $0x2  }
0x30: {  	s31 =	sshll.u32 s1, $0xD;
	s1 =	sshrl.u32 s1, $0x2  }
0x31: {  	s3 =	sand.u32 $0x4000, s31;
	s1 =	sadd.s32 s1, s30  }
0x32: {  	s0 =	sor.u32 s3, s0;
	s1 =	sshll.u32 s1, $0x11  }
0x33: {  	s0 =	sor.u32 s1, s0  }
0x34: {  	s0 =	sadd.s32 $0x8F2B, s0  }
0x35: {  	[sflag:s0] =	ssyncadd.remote.s32 $0x1  }
0x36: {  	_ =	sfence.sel $0xFFFF  }
0x37: {  	[dreg:$0x0] =	wrdreg $0xFFFFFFFF;
	(pc) =	sbr.abs _section_cstart, $3  }
0x38: {  	[dreg:$0x1] =	wrdreg $0xFFFFFFFF  }
0x39: {  	_ =	task.clear_ibuf [dreg:s7], $0x2FFFF;
	_ =	strace $0x9FFFFFFF  }
0x3a: {  	(tm) =	ssettm $0x7FFFFFFF  }
0x3b: {  	_ =	shalt  }
tec
execute0_lowered:
.L_overlay_start_1:
0x0: {  	(tag) =	ssettag $0x1  }
0x1: {  	s1 =	rddreg [dreg:$0x0]  }
0x2: {  	s2 =	rddreg [dreg:$0x1]  }
0x3: {  	s0 =	rddreg [dreg:$0x2]  }
0x4: {  	s4 =	srdreg.scid;
	_ =	strace $0x8000004A;
	s6 =	simm.s32 $0x2  }
0x5: {  	s14 =	simm.s32 $0x0;
	p0 =	por $0x0, $0x0;
	s15 =	simm.s32 $0x0  }
0x6: {  	s16 =	simm.s32 $0x0;
	s7 =	simm.s32 $0x0;
	s9 =	simm.s32 $0x0  }
.Ltmp0:
0x7: {  	s10 =	simm.s32 $0x0;
	s11 =	simm.s32 $0x0;
	(pc) =	sbr.rel .LBB1_1-.Ltmp0, $4  }
0x8: {  	s12 =	simm.s32 $0x0;
	s3 =	sadd.s32 $0x1200, s1;
	s4 =	sshll.u32 s4, $0x4  }
0x9: {  	s1 =	stileid.u32;
	s5 =	sand.u32 $0x10, s4;
	s4 =	simm.s32 $0x1  }
0xa: {  	s8 =	simm.s32 $0x0;
	s5 =	sor.u32 s1, s5;
	[sflag:s4] =	ssyncpa.u1 $0x0  }
0xb: {  	[sflag:s6] =	ssyncpa.u1 $0x0;
	s6 =	simm.s32 $0x800;
	s13 =	smov.u32 s5  }
.LBB1_5:
0xc: {  	p1 =	slt.u32 s8, $0x2  }
0xd: {  	p2 =	sgt.s32 @!p1 s16, $0x3F  }
0xe: {  	s17 =	smov.u32 s16;
	s18 =	sshra.s32 @!p1 s16, $0x1F;
	p2 =	por !p2, p1  }
0xf: {  	s16 =	sand.u32 @!p1 s18, s16;
	s17 =	simm.s32 @p2 $0x3F  }
0x10: {  	p3 =	sgt.s32 @!p1 s15, $0x80;
	s16 =	ssub.s32 @!p1 s17, s16  }
0x11: {  	p3 =	por !p3, p1;
	s18 =	sshra.s32 @!p1 s15, $0x1F;
	s17 =	sadd.s32 @!p1 $0xFFFFFFC1, s16  }
0x12: {  	s16 =	ssub.s32 @!p1 $0x40, s16;
	p2 =	sgt.s32 @!p1 s17, $0x0;
	s17 =	smov.u32 s15  }
0x13: {  	s15 =	sand.u32 @!p1 s18, s15;
	s17 =	simm.s32 @p3 $0x80;
	p3 =	sgt.s32 @!p1 s14, $0x368  }
0x14: {  	s18 =	smov.u32 s14;
	p2 =	por !p2, p1;
	p3 =	por !p3, p1  }
0x15: {  	s15 =	ssub.s32 @!p1 s17, s15;
	s17 =	sshra.s32 @!p1 s14, $0x1F;
	s16 =	simm.s32 @!p2 $0x0  }
0x16: {  	s18 =	simm.s32 @p3 $0x368;
	s14 =	sand.u32 @!p1 s17, s14;
	s17 =	sadd.s32 @!p1 $0xFFFFFF80, s15  }
0x17: {  	s15 =	ssub.s32 @!p1 $0x100, s15;
	s14 =	ssub.s32 @!p1 s18, s14;
	p2 =	sgt.s32 @!p1 s17, $0x7F  }
0x18: {  	s18 =	smov.u32 s12;
	s17 =	sadd.s32 @!p1 $0xFFFFFC98, s14;
	p2 =	por !p2, p1  }
0x19: {  	s14 =	ssub.s32 @!p1 $0x3E8, s14;
	p3 =	sgt.s32 @!p1 s17, $0x7F;
	s15 =	simm.s32 @!p2 $0x0  }
0x1a: {  	s17 =	sadd.s32 $0x80, s11;
	p2 =	por !p3, p1;
	s15 =	smul.u32 @!p1 s16, s15  }
0x1b: {  	s16 =	sadd.s32 $0x80, s12;
	s14 =	simm.s32 @!p2 $0x0;
	p2 =	sgt.s32 s17, $0x3E7  }
0x1c: {  	s19 =	smov.u32 s13;
	s18 =	smov.u32 @p2 s16  }
0x1d: {  	s14 =	smul.u32 @!p1 s14, s15;
	s15 =	sadd.s32 $0x20, s13;
	p3 =	sgt.s32 s18, $0xFF  }
0x1e: {  	s8 =	sadd.s32 $0x1, s8;
	p0 =	por !p0, !p0;
	s19 =	smov.u32 @p3 s15  }
0x1f: {  	s20 =	simm.s32 @!p1 $0x2;
	s17 =	simm.s32 @p2 $0x0;
	p2 =	sgt.s32 s19, $0x3F  }
0x20: {  	s16 =	smov.u32 s10;
	s19 =	smov.u32 @p2 s5;
	p2 =	sne.s32 s8, $0x22  }
.Ltmp1:
0x21: {  	s10 =	smov.u32 s13;
	s14 =	sand.u32 @!p1 $0x3FFFFFFF, s14;
	(pc) =	sbr.rel @!p2 .LBB1_6-.Ltmp1, $4  }
0x22: {  	s18 =	simm.s32 @p3 $0x0;
	s15 =	smov.u32 s9;
	s9 =	smov.u32 s12  }
0x23: {  	_ =	swait.ge @!p1 [sflag:s20], s14;
	s21 =	ssub.s32 @!p1 $0x0, s14;
	s14 =	smov.u32 s7  }
0x24: {  	s7 =	smov.u32 s11;
	s11 =	smov.u32 s17;
	[sflag:s20] =	ssyncset.done @!p1 $0x0  }
0x25: {  	s12 =	smov.u32 s18;
	[sflag:s20] =	ssyncadd.s32 @!p1 s21;
	s13 =	smov.u32 s19  }
.LBB1_1:
0x26: {  	p1 =	sgt.u32 s8, $0x1F  }
0x27: {  	s17 =	sshll.u32 @!p1 s12, $0x7  }
0x28: {  	s18 =	sxor.u32 @!p1 $0xFFFFFFFF, s8;
	s19 =	sand.u32 @!p1 $0x78, s11;
	s20 =	sand.u32 @!p1 $0x380, s17  }
0x29: {  	s18 =	sshll.u32 @!p1 s18, $0xE;
	s19 =	sor.u32 @!p1 s19, s20;
	s20 =	sshll.u32 @!p1 s13, $0xF  }
0x2a: {  	s17 =	sand.u32 @!p1 $0x7C00, s17;
	s19 =	sshrl.u32 @!p1 s19, $0x3;
	s20 =	sadd.s32 @!p1 s3, s20  }
0x2b: {  	s17 =	sadd.s32 @!p1 s11, s17;
	s19 =	sadd.s32 @!p1 s19, s20;
	s20 =	sand.u32 @!p1 $0x7, s11  }
0x2c: {  	s18 =	sand.u32 @!p1 $0x4000, s18;
	s17 =	sand.u32 @!p1 $0x7F80, s17;
	s20 =	sshll.u32 @!p1 s20, $0x12  }
0x2d: {  	s17 =	sadd.s32 @!p1 s17, s19;
	s19 =	sor.u32 @!p1 $0x400, s20;
	s20 =	simm.s32 @!p1 $0x2000  }
0x2e: {  	[tilespmem:s18], [sflag:$0x1] =	stream.strided.gather @!p1 [hbm4b:s17+s19], $0x4000, s20, s19, $0x38;
	[tilespmem:$0x10100] =	vst v63  }
0x2f: {  	p1 =	seq.s32 s8, $0x0  }
0x30: {  	p2 =	seq.s32 @!p1 s8, $0x21  }
0x31: {  	p1 =	por p1, p2  }
.Ltmp2:
0x32: {  	_ = 	snop;
	(pc) =	sbr.rel @p1 .LBB1_5-.Ltmp2, $1  }
0x33: {  	_ =	sdelay $0x3  }
0x34: {  	s17 =	simm.s32 $0x1  }
0x35: {  	_ =	swait.ge [sflag:s4], $0x4000;
	s17 =	simm.s32 @!p0 $0x0  }
0x36: {  	[sflag:s4] =	ssyncset.done $0x0;
	s18 =	sshll.u32 s17, $0xE  }
0x37: {  	[sflag:s4] =	ssyncadd.s32 $0xFFFFC000;
	s18 =	sor.u32 $0x40, s18  }
0x38: {  	s17 =	smul.u32 $0x10200, s17;
	v0 =	vld [tilespmem:s18+$0x30]  }
0x39: {  	v1 =	vld [tilespmem:s18+$0xFFFFFFD0]  }
0x3a: {  	s17 =	sshrl.u32 s17, $0x2;
	v5 =	vld [tilespmem:s18+$0xFFFFFFE0]  }
0x3b: {  	v6 =	vld [tilespmem:s18+$0xFFFFFFF0];
	s20 =	sor.u32 $0x8000, s17  }
0x3c: {  	s31 =	sand.u32 $0x1, s8;
	v4 =	vld [tilespmem:s18+$0x0];
	s19 =	sadd.s32 $0x0, s20  }
0x3d: {  	v3 =	vld [tilespmem:s18+$0x10];
	s17 =	smul.u32 $0x10200, s31;
	[tilespmem:s19+$0x3870 ss:$0x81] =	vst.msk $0xffff, v0  }
0x3e: {  	v2 =	vld [tilespmem:s18+$0x20];
	[tilespmem:s19+$0x810 ss:$0x81] =	vst.msk $0xffff, v1  }
0x3f: {  	s17 =	sshrl.u32 s17, $0x2;
	v1 =	vld [tilespmem:s18+$0xFFFFFFC0];
	[tilespmem:s19+$0x1020 ss:$0x81] =	vst.msk $0xffff, v5;
	s18 =	sadd.s32 $0x80, s18  }
0x40: {  	s21 =	simm.s32 $0x4;
	s22 =	simm.s32 $0x8;
	s17 =	sor.u32 $0x8000, s17;
	[tilespmem:s19+$0x1830 ss:$0x81] =	vst.msk $0xffff, v6;
	v0 =	vld [tilespmem:s18+$0x30]  }
.LBB1_3:
0x41: {  	p1 =	sne.s32 s22, $0x1FC;
	v5 =	vld [tilespmem:s18+$0xFFFFFFD0];
	[tilespmem:s19+$0x2040 ss:$0x81] =	vst.msk $0xffff, v4  }
0x42: {  	v6 =	vld [tilespmem:s18+$0xFFFFFFE0];
	[tilespmem:s19+$0x2850 ss:$0x81] =	vst.msk $0xffff, v3  }
0x43: {  	s23 =	sshra.s32 s21, $0x2;
	s21 =	smov.u32 s22;
	v7 =	vld [tilespmem:s18+$0xFFFFFFF0];
	[tilespmem:s19+$0x3060 ss:$0x81] =	vst.msk $0xffff, v2  }
.Ltmp3:
0x44: {  	v4 =	vld [tilespmem:s18+$0x0];
	[tilespmem:s19+$0x0 ss:$0x81] =	vst.msk $0xffff, v1;
	s19 =	sadd.s32 s23, s20;
	(pc) =	sbr.rel @p1 .LBB1_3-.Ltmp3, $4  }
0x45: {  	v3 =	vld [tilespmem:s18+$0x10];
	[tilespmem:s19+$0x3870 ss:$0x81] =	vst.msk $0xffff, v0  }
0x46: {  	[tilespmem:s19+$0x810 ss:$0x81] =	vst.msk $0xffff, v5;
	v2 =	vld [tilespmem:s18+$0x20]  }
0x47: {  	v1 =	vld [tilespmem:s18+$0xFFFFFFC0];
	[tilespmem:s19+$0x1020 ss:$0x81] =	vst.msk $0xffff, v6;
	s18 =	sadd.s32 $0x80, s18  }
0x48: {  	s22 =	sadd.s32 $0x4, s22;
	v0 =	vld [tilespmem:s18+$0x30];
	[tilespmem:s19+$0x1830 ss:$0x81] =	vst.msk $0xffff, v7  }
0x49: {  	s22 =	sshll.u32 s7, $0x8  }
0x4a: {  	s23 =	sshll.u32 s9, $0x3;
	s24 =	sshll.u32 s7, $0x7;
	p1 =	sgt.s32 s10, $0x3F  }
0x4b: {  	s25 =	smov.u32 s10;
	s26 =	sshra.s32 s10, $0x1F;
	s21 =	sshra.s32 s21, $0x2  }
0x4c: {  	p2 =	sgt.s32 s9, $0x80;
	s27 =	sshra.s32 s9, $0x1F;
	s22 =	sand.u32 $0xFFFFF800, s22  }
0x4d: {  	s23 =	sand.u32 $0xFFFFFC00, s23;
	s28 =	sand.u32 $0x300, s24;
	s25 =	simm.s32 @!p1 $0x3F  }
0x4e: {  	s26 =	sand.u32 s26, s10;
	s20 =	sadd.s32 s21, s20;
	s31 =	sand.u32 s27, s9  }
0x4f: {  	s27 =	smov.u32 s7;
	s24 =	sand.u32 $0x80, s24;
	s22 =	sadd.s32 s23, s22  }
0x50: {  	s30 =	ssub.s32 s25, s26;
	s26 =	smov.u32 s9;
	s22 =	sor.u32 s28, s22  }
0x51: {  	s25 =	sadd.s32 $0xFFFFFFC1, s30;
	s26 =	simm.s32 @!p2 $0x80;
	p2 =	sgt.s32 s7, $0x368  }
0x52: {  	v5 =	vld [tilespmem:s18+$0xFFFFFFD0];
	[tilespmem:s19+$0x2040 ss:$0x81] =	vst.msk $0xffff, v4;
	s28 =	sshra.s32 s7, $0x1F;
	s23 =	ssub.s32 $0x40, s30;
	s22 =	sshrl.u32 s22, $0x8  }
0x53: {  	v58 =	vld [tilespmem:s18+$0xFFFFFFE0];
	[tilespmem:s19+$0x2850 ss:$0x81] =	vst.msk $0xffff, v3;
	p1 =	sgt.s32 s25, $0x0;
	s25 =	ssub.s32 s26, s31;
	s27 =	simm.s32 @!p2 $0x368  }
0x54: {  	v59 =	vld [tilespmem:s18+$0xFFFFFFF0];
	[tilespmem:s19+$0x3060 ss:$0x81] =	vst.msk $0xffff, v2;
	s26 =	sand.u32 s28, s7;
	s29 =	smulhi.u32 $0x83126F, s22;
	s30 =	sadd.s32 $0xFFFFFF80, s25  }
0x55: {  	v60 =	vld [tilespmem:s18+$0x0];
	[tilespmem:s19+$0x0 ss:$0x81] =	vst.msk $0xffff, v1;
	s23 =	simm.s32 @p1 $0x0;
	s25 =	ssub.s32 $0x100, s25;
	p1 =	sgt.s32 s30, $0x7F  }
0x56: {  	v61 =	vld [tilespmem:s18+$0x10];
	[tilespmem:s20+$0x3870 ss:$0x81] =	vst.msk $0xffff, v0;
	s21 =	sshrl.u32 s29, $0x1;
	s29 =	ssub.s32 s27, s26;
	s27 =	smul.u32 $0x7D00, s10  }
0x57: {  	v62 =	vld [tilespmem:s18+$0x20];
	[tilespmem:s20+$0x810 ss:$0x81] =	vst.msk $0xffff, v5;
	s25 =	simm.s32 @p1 $0x0;
	s26 =	sand.u32 $0x78, s9;
	s21 =	smul.u32 $0x3E8, s21  }
0x58: {  	v63 =	vld [tilespmem:s18+$0xFFFFFFC0];
	[tilespmem:s20+$0x1020 ss:$0x81] =	vst.msk $0xffff, v58;
	s31 =	sadd.s32 $0xFFFFFC98, s29;
	s19 =	ssub.s32 $0x3E8, s29;
	s23 =	smul.u32 s23, s25  }
0x59: {  	[tilespmem:s20+$0x1830 ss:$0x81] =	vst.msk $0xffff, v59;
	s18 =	sor.u32 s26, s24;
	s29 =	sand.u32 $0x7, s9;
	p2 =	sgt.s32 s31, $0x7F  }
.Ltmp4:
0x5a: {  	[tilespmem:s20+$0x2040 ss:$0x81] =	vst.msk $0xffff, v60;
	s18 =	sshrl.u32 s18, $0x3;
	s19 =	simm.s32 @p2 $0x0;
	(pc) =	sbr.rel .LBB1_5-.Ltmp4, $4  }
0x5b: {  	[tilespmem:s20+$0x2850 ss:$0x81] =	vst.msk $0xffff, v61;
	s28 =	sadd.s32 s2, s27;
	s21 =	ssub.s32 s22, s21;
	s19 =	smul.u32 s19, s23  }
0x5c: {  	[tilespmem:s20+$0x3060 ss:$0x81] =	vst.msk $0xffff, v62;
	s30 =	sshll.u32 s29, $0x12;
	s18 =	sadd.s32 s18, s28;
	s21 =	sshll.u32 s21, $0x5  }
0x5d: {  	[tilespmem:s20+$0x0 ss:$0x81] =	vst.msk $0xffff, v63;
	s31 =	sor.u32 $0x400, s30;
	s18 =	sadd.s32 s21, s18;
	s19 =	sand.u32 $0x3FFFFFFF, s19  }
0x5e: {  	[hbm4b:s18+s31] =	stream.strided.scatter [tilespmem:s17], [sflag:$0x2], s19, s6, s31, $0x20;
	[tilespmem:$0x10100] =	vst v63  }
.LBB1_6:
0x5f: {  	_ =	sfence.sel $0x180000  }
0x60: {  	s2 =	simm.s32 $0x1;
	[bflag:$0x0] =	sbarrier.arrive $0xFFFF  }
0x61: {  	s31 =	simm.s32 $0x2;
	[sflag:s2] =	ssyncpa.u1 $0x1  }
0x62: {  	[sflag:s31] =	ssyncpa.u1 $0x1  }
0x63: {  	p0 =	sne.s32 s1, $0x0;
	_ =	strace $0x9000004A  }
0x64: {  	s0 =	sadd.s32 @!p0 $0x100000, s0;
	[bflag:$0x2] =	sbarrier.arrive $0xFFFF  }
0x65: {  	[sflag:s0] =	ssyncadd.tile.s32 @!p0 $0x1;
	_ =	shalt  }
.Lfunc_end1:
_tile_overlayer_lowered:
.L_overlay_start_2:
0x66: {  	(tag) =	ssettag $0x2  }
0x67: {  	s0 =	rddreg [dreg:$0x0];
	s2 =	stileid.u32  }
0x68: {  	s1 =	rddreg [dreg:$0x1];
	p0 =	sne.s32 s2, $0x0  }
0x69: {  	s3 =	rddreg [dreg:$0x2];
	[bflag:$0x3] =	sbarrier.arrive $0xFFFF;
	s2 =	simm.s32 @!p0 $0x1C01  }
0x6a: {  	[timem:s3], [sflag:s2] =	dma.local @!p0 [hbm:s0], s1  }
0x6b: {  	s0 =	simm.s32 @!p0 $0x1  }
0x6c: {  	_ =	swait.ge @!p0 [sflag:s0], s1  }
0x6d: {  	s1 =	ssub.s32 @!p0 $0x0, s1;
	[sflag:s0] =	ssyncset.done @!p0 $0x0  }
0x6e: {  	[sflag:s0] =	ssyncadd.s32 @!p0 s1  }
0x6f: {  	[bflag:$0x3] =	sbarrier.arrive $0xFFFF  }
0x70: {  	_ =	shalt  }

</sc_bundles>
